<compile_context>
chip_gen: v7x
topology: tpu7x:2x2x1
jax: 0.10.2.dev20260603
libtpu: 0.0.44.dev20260713+nightly
codegen_flags: <defaults>
</compile_context>

<pallas_src>
import functools

import jax
import jax.numpy as jnp
from jax import lax
from jax.experimental import pallas as pl
from jax.experimental.pallas import tpu as pltpu
from jax.experimental.pallas import tpu_sc as plsc

N = 10000
E = 320000
D = 128
H = 16
C = 7
CP = 16

NC, NS = 2, 16
NW = NC * NS
CH = 125
EPW = E // NW
NCH = 16
NP = 10240
RPT = NP // NS


NBUF = 8
HALF = NBUF // 2


def _seg_body(src_hbm, dst_hbm, feats_hbm, zeros_hbm, out_hbm,
              src_v, dst_v, rows_v, acc_sh, gsem, ssem):
    cid = lax.axis_index("c")
    sid = lax.axis_index("s")
    wid = sid * NC + cid
    pltpu.sync_copy(zeros_hbm, acc_sh.at[pl.ds(sid * RPT, RPT)])
    base = wid * NCH
    pltpu.sync_copy(src_hbm.at[pl.ds(base, NCH)], src_v)
    pltpu.sync_copy(dst_hbm.at[pl.ds(base, NCH)], dst_v)
    plsc.subcore_barrier()

    for b in range(NBUF):
        pltpu.async_copy(feats_hbm.at[src_v.at[b]], rows_v.at[b], gsem.at[b])

    def rnd(r, carry):
        jo = r * NBUF
        for b in range(NBUF):
            j = jo + b
            pltpu.make_async_copy(feats_hbm.at[pl.ds(0, CH)],
                                  rows_v.at[b], gsem.at[b]).wait()
            pltpu.async_copy(rows_v.at[b], acc_sh.at[dst_v.at[j]],
                             ssem.at[b], add=True)
            bq = (b + HALF) % NBUF
            jq = j + HALF

            @pl.when(jnp.logical_and(jq >= NBUF, jq < NCH))
            def _():
                pltpu.make_async_copy(feats_hbm.at[pl.ds(0, CH)],
                                      rows_v.at[bq], ssem.at[bq]).wait()
                pltpu.async_copy(feats_hbm.at[src_v.at[jq]],
                                 rows_v.at[bq], gsem.at[bq])

        return carry

    lax.fori_loop(0, NCH // NBUF, rnd, 0)
    for b in range(NBUF):
        pltpu.make_async_copy(feats_hbm.at[pl.ds(0, CH)],
                              rows_v.at[b], ssem.at[b]).wait()
    plsc.subcore_barrier()
    pltpu.sync_copy(acc_sh.at[pl.ds(sid * RPT, RPT)],
                    out_hbm.at[cid, pl.ds(sid * RPT, RPT)])


def _make_seg(feat):
    mesh = plsc.VectorSubcoreMesh(core_axis_name="c", subcore_axis_name="s",
                                  num_cores=NC, num_subcores=NS)
    return pl.kernel(
        _seg_body,
        out_type=jax.ShapeDtypeStruct((NC, NP, feat), jnp.float32),
        mesh=mesh,
        compiler_params=pltpu.CompilerParams(use_tc_tiling_on_sc=False),
        scratch_types=[
            pltpu.VMEM((NCH, CH), jnp.int32),
            pltpu.VMEM((NCH, CH), jnp.int32),
            pltpu.VMEM((NBUF, CH, feat), jnp.float32),
            pltpu.VMEM_SHARED((NP, feat), jnp.float32),
            pltpu.SemaphoreType.DMA((NBUF,)),
            pltpu.SemaphoreType.DMA((NBUF,)),
        ],
    )


_seg16 = _make_seg(H)
_segcp = _make_seg(CP)


def _mm1_body(x_ref, w_ref, o_ref):
    o_ref[...] = jnp.dot(x_ref[...], w_ref[...],
                         preferred_element_type=jnp.float32)


_mm1 = pl.pallas_call(
    _mm1_body,
    grid=(10,),
    in_specs=[pl.BlockSpec((N // 10, D), lambda i: (i, 0)),
              pl.BlockSpec((D, H), lambda i: (0, 0))],
    out_specs=pl.BlockSpec((N // 10, H), lambda i: (i, 0)),
    out_shape=jax.ShapeDtypeStruct((N, H), jnp.float32),
)


def _mid_body(p_ref, b_ref, w_ref, o_ref):
    h = jnp.maximum(p_ref[0] + p_ref[1] + b_ref[...], 0.0)
    o_ref[...] = jnp.dot(h, w_ref[...], preferred_element_type=jnp.float32)


_mid = pl.pallas_call(
    _mid_body,
    grid=(10,),
    in_specs=[pl.BlockSpec((NC, NP // 10, H), lambda i: (0, i, 0)),
              pl.BlockSpec((1, H), lambda i: (0, 0)),
              pl.BlockSpec((H, CP), lambda i: (0, 0))],
    out_specs=pl.BlockSpec((NP // 10, CP), lambda i: (i, 0)),
    out_shape=jax.ShapeDtypeStruct((NP, CP), jnp.float32),
)


def _post_body(q_ref, b_ref, o_ref):
    o_ref[...] = (q_ref[0] + q_ref[1] + b_ref[...])[:, :C]


_post = pl.pallas_call(
    _post_body,
    grid=(10,),
    in_specs=[pl.BlockSpec((NC, N // 10, CP), lambda i: (0, i, 0)),
              pl.BlockSpec((1, CP), lambda i: (0, 0))],
    out_specs=pl.BlockSpec((N // 10, C), lambda i: (i, 0)),
    out_shape=jax.ShapeDtypeStruct((N, C), jnp.float32),
)


def kernel(x, edge_index, W1, b1, W2, b2):
    src2d = edge_index[0].reshape(E // CH, CH)
    dst2d = edge_index[1].reshape(E // CH, CH)
    z16 = jnp.zeros((RPT, H), jnp.float32)
    zcp = jnp.zeros((RPT, CP), jnp.float32)
    w2p = jnp.pad(W2, ((0, 0), (0, CP - C)))
    b2p = jnp.pad(b2, (0, CP - C)).reshape(1, CP)

    h1 = _mm1(x, W1)
    p1 = _seg16(src2d, dst2d, h1, z16)
    h2 = _mid(p1, b1.reshape(1, H), w2p)
    p2 = _segcp(src2d, dst2d, h2, zcp)
    return _post(p2, b2p)

# --- scband reference (transcript-rebuilt; emitter-appended) ---
"""Pipeline reference for scband-net-29935922053209 (READ-ONLY COPY).

The authoritative reference and input builder live on the scoring server;
editing this copy changes nothing except your own understanding.
"""

import jax, jax.numpy as jnp
import numpy as np

N = 10000
E = 320000
D = 128
H = 16
C = 7


def setup_inputs(seed: int = 0) -> dict:
    key = jax.random.key(seed)
    k1, k2, k3, k4, k5, k6 = jax.random.split(key, 6)
    x = jax.random.normal(k1, (N, D), dtype=jnp.float32)
    edge_index = jax.random.randint(k2, (2, E), 0, N, dtype=jnp.int32)
    W1 = jax.random.normal(k3, (D, H), dtype=jnp.float32) * (1.0 / np.sqrt(D))
    b1 = jax.random.normal(k4, (H,), dtype=jnp.float32) * 0.01
    W2 = jax.random.normal(k5, (H, C), dtype=jnp.float32) * (1.0 / np.sqrt(H))
    b2 = jax.random.normal(k6, (C,), dtype=jnp.float32) * 0.01
    return {"x": x, "edge_index": edge_index, "W1": W1, "b1": b1, "W2": W2, "b2": b2}


def _gcn_conv(h, edge_index, W, b, num_nodes):
    # GCNConv(normalize=False): linear transform, then sum-aggregate messages x_j over edges, add bias.
    h = h @ W
    src = edge_index[0]
    dst = edge_index[1]
    msgs = jnp.take(h, src, axis=0)
    agg = jax.ops.segment_sum(msgs, dst, num_segments=num_nodes)
    return agg + b


def reference(x, edge_index, W1, b1, W2, b2):
    n = x.shape[0]
    h = _gcn_conv(x, edge_index, W1, b1, n)
    h = jax.nn.relu(h)
    # F.dropout(training=self.training): identity in eval mode
    out = _gcn_conv(h, edge_index, W2, b2, n)
    return out

if __name__ == "__main__":
    import jax
    _d = setup_inputs()
    print(jax.jit(kernel)(*tuple(_d.values())))

</pallas_src>

<mosaic_0001>
#map = affine_map<(d0, d1) -> (0, 0)>
#map1 = affine_map<(d0, d1) -> (0, 0, 0)>
module attributes {stable_mosaic.version = 14 : i64} {
  func.func @_seg_body(%arg0: i32, %arg1: i32, %arg2: memref<2560x125xi32, #tpu.memory_space<hbm>>, %arg3: memref<2560x125xi32, #tpu.memory_space<hbm>>, %arg4: memref<10000x16xf32, #tpu.memory_space<hbm>>, %arg5: memref<640x16xf32, #tpu.memory_space<hbm>>, %arg6: memref<2x10240x16xf32, #tpu.memory_space<hbm>>, %arg7: memref<16x125xi32, #tpu.memory_space<vmem>>, %arg8: memref<16x125xi32, #tpu.memory_space<vmem>>, %arg9: memref<8x125x16xf32, #tpu.memory_space<vmem>>, %arg10: memref<10240x16xf32, #tpu.memory_space<vmem_shared>>, %arg11: memref<8x!tpu.dma_semaphore, #tpu.memory_space<semaphore_mem>>, %arg12: memref<8x!tpu.dma_semaphore, #tpu.memory_space<semaphore_mem>>) attributes {dimension_semantics = [#tpu.dimension_semantics<core_parallel>, #tpu.dimension_semantics<subcore_parallel>], iteration_bounds = array<i64: 2, 16>, scalar_prefetch = 0 : i64, scratch_operands = 6 : i64, tpu.core_type = #tpu.core_type<sc_vector_subcore>, window_params = [{transform_indices = #map}, {transform_indices = #map}, {transform_indices = #map}, {transform_indices = #map}, {transform_indices = #map1}]} {
    %mul3A = arith.constant 2 : i32
    %mul3A_0 = arith.muli %arg1, %mul3A : i32
    %add3A = arith.addi %mul3A_0, %arg0 : i32
    %mul3A_1 = arith.constant 640 : i32
    %mul3A_2 = arith.muli %arg1, %mul3A_1 : i32
    "tpu.region"() ({
      %run_scoped3A = tpu.sem_alloc : memref<!tpu.dma_semaphore, #tpu.memory_space<semaphore_mem>>
      %dma_start3A_277 = arith.constant 0 : i32
      %dma_start3A_278 = tpu.memref_slice %arg10[%mul3A_2, %dma_start3A_277] : memref<10240x16xf32, #tpu.memory_space<vmem_shared>> -> memref<640x16xf32, #tpu.memory_space<vmem_shared>>
      tpu.enqueue_dma source(%arg5 : memref<640x16xf32, #tpu.memory_space<hbm>>) target(%dma_start3A_278 : memref<640x16xf32, #tpu.memory_space<vmem_shared>>) target_semaphore(%run_scoped3A : memref<!tpu.dma_semaphore, #tpu.memory_space<semaphore_mem>>)
      %dma_wait3A_279 = arith.constant 0 : i32
      %dma_wait3A_280 = tpu.memref_slice %arg10[%mul3A_2, %dma_wait3A_279] : memref<10240x16xf32, #tpu.memory_space<vmem_shared>> -> memref<640x16xf32, #tpu.memory_space<vmem_shared>>
      tpu.wait_dma2 semaphore(%run_scoped3A : memref<!tpu.dma_semaphore, #tpu.memory_space<semaphore_mem>>) src(%arg5 : memref<640x16xf32, #tpu.memory_space<hbm>>) dst(%dma_wait3A_280 : memref<640x16xf32, #tpu.memory_space<vmem_shared>>)
      tpu.yield
    }) : () -> ()
    %mul3A_3 = arith.constant 16 : i32
    %mul3A_4 = arith.muli %add3A, %mul3A_3 : i32
    "tpu.region"() ({
      %run_scoped3A = tpu.sem_alloc : memref<!tpu.dma_semaphore, #tpu.memory_space<semaphore_mem>>
      %dma_start3A_277 = arith.constant 0 : i32
      %dma_start3A_278 = tpu.memref_slice %arg2[%mul3A_4, %dma_start3A_277] : memref<2560x125xi32, #tpu.memory_space<hbm>> -> memref<16x125xi32, #tpu.memory_space<hbm>>
      %dma_start3A_279 = arith.constant 0 : i32
      %dma_start3A_280 = tpu.memref_slice %arg2[%mul3A_4, %dma_start3A_279] : memref<2560x125xi32, #tpu.memory_space<hbm>> -> memref<16x125xi32, #tpu.memory_space<hbm>>
      tpu.enqueue_dma source(%dma_start3A_280 : memref<16x125xi32, #tpu.memory_space<hbm>>) target(%arg7 : memref<16x125xi32, #tpu.memory_space<vmem>>) target_semaphore(%run_scoped3A : memref<!tpu.dma_semaphore, #tpu.memory_space<semaphore_mem>>)
      %dma_wait3A_281 = arith.constant 0 : i32
      %dma_wait3A_282 = tpu.memref_slice %arg2[%mul3A_4, %dma_wait3A_281] : memref<2560x125xi32, #tpu.memory_space<hbm>> -> memref<16x125xi32, #tpu.memory_space<hbm>>
      %dma_wait3A_283 = arith.constant 0 : i32
      %dma_wait3A_284 = tpu.memref_slice %arg2[%mul3A_4, %dma_wait3A_283] : memref<2560x125xi32, #tpu.memory_space<hbm>> -> memref<16x125xi32, #tpu.memory_space<hbm>>
      tpu.wait_dma2 semaphore(%run_scoped3A : memref<!tpu.dma_semaphore, #tpu.memory_space<semaphore_mem>>) src(%dma_wait3A_284 : memref<16x125xi32, #tpu.memory_space<hbm>>) dst(%arg7 : memref<16x125xi32, #tpu.memory_space<vmem>>)
      tpu.yield
    }) : () -> ()
    "tpu.region"() ({
      %run_scoped3A = tpu.sem_alloc : memref<!tpu.dma_semaphore, #tpu.memory_space<semaphore_mem>>
      %dma_start3A_277 = arith.constant 0 : i32
      %dma_start3A_278 = tpu.memref_slice %arg3[%mul3A_4, %dma_start3A_277] : memref<2560x125xi32, #tpu.memory_space<hbm>> -> memref<16x125xi32, #tpu.memory_space<hbm>>
      %dma_start3A_279 = arith.constant 0 : i32
      %dma_start3A_280 = tpu.memref_slice %arg3[%mul3A_4, %dma_start3A_279] : memref<2560x125xi32, #tpu.memory_space<hbm>> -> memref<16x125xi32, #tpu.memory_space<hbm>>
      tpu.enqueue_dma source(%dma_start3A_280 : memref<16x125xi32, #tpu.memory_space<hbm>>) target(%arg8 : memref<16x125xi32, #tpu.memory_space<vmem>>) target_semaphore(%run_scoped3A : memref<!tpu.dma_semaphore, #tpu.memory_space<semaphore_mem>>)
      %dma_wait3A_281 = arith.constant 0 : i32
      %dma_wait3A_282 = tpu.memref_slice %arg3[%mul3A_4, %dma_wait3A_281] : memref<2560x125xi32, #tpu.memory_space<hbm>> -> memref<16x125xi32, #tpu.memory_space<hbm>>
      %dma_wait3A_283 = arith.constant 0 : i32
      %dma_wait3A_284 = tpu.memref_slice %arg3[%mul3A_4, %dma_wait3A_283] : memref<2560x125xi32, #tpu.memory_space<hbm>> -> memref<16x125xi32, #tpu.memory_space<hbm>>
      tpu.wait_dma2 semaphore(%run_scoped3A : memref<!tpu.dma_semaphore, #tpu.memory_space<semaphore_mem>>) src(%dma_wait3A_284 : memref<16x125xi32, #tpu.memory_space<hbm>>) dst(%arg8 : memref<16x125xi32, #tpu.memory_space<vmem>>)
      tpu.yield
    }) : () -> ()
    %barrier3A = arith.constant 0 : index
    tpu.barrier barrier_id(%barrier3A)
    %dma_start3A = arith.constant 0 : i32
    %dma_start3A_5 = arith.constant 0 : i32
    %dma_start3A_6 = arith.constant 0 : i32
    %dma_start3A_7 = arith.constant 0 : i32
    %dma_start3A_8 = arith.constant 0 : i32
    %dma_start3A_9 = tpu.memref_slice %arg9[%dma_start3A_5, %dma_start3A_7, %dma_start3A_8] : memref<8x125x16xf32, #tpu.memory_space<vmem>> -> memref<1x125x16xf32, #tpu.memory_space<vmem>>
    %dma_start3A_10 = tpu.memref_squeeze %dma_start3A_9 : memref<1x125x16xf32, #tpu.memory_space<vmem>> -> memref<125x16xf32, #tpu.memory_space<vmem>>
    %dma_start3A_11 = arith.constant 0 : i32
    %dma_start3A_12 = tpu.memref_slice %arg7[%dma_start3A, %dma_start3A_11] : memref<16x125xi32, #tpu.memory_space<vmem>> -> memref<1x125xi32, #tpu.memory_space<vmem>>
    %dma_start3A_13 = tpu.memref_squeeze %dma_start3A_12 : memref<1x125xi32, #tpu.memory_space<vmem>> -> memref<125xi32, #tpu.memory_space<vmem>>
    %dma_start3A_14 = arith.constant 0 : i32
    %dma_start3A_15 = arith.constant 0 : i32
    %dma_start3A_16 = tpu.memref_slice %arg4[%dma_start3A_14, %dma_start3A_15] : memref<10000x16xf32, #tpu.memory_space<hbm>> -> memref<10000x16xf32, #tpu.memory_space<hbm>>
    %dma_start3A_17 = tpu.memref_slice %arg11[%dma_start3A_6] : memref<8x!tpu.dma_semaphore, #tpu.memory_space<semaphore_mem>> -> memref<1x!tpu.dma_semaphore, #tpu.memory_space<semaphore_mem>>
    %dma_start3A_18 = tpu.memref_squeeze %dma_start3A_17 : memref<1x!tpu.dma_semaphore, #tpu.memory_space<semaphore_mem>> -> memref<!tpu.dma_semaphore, #tpu.memory_space<semaphore_mem>>
    tpu.enqueue_indirect_dma source(%dma_start3A_16 : memref<10000x16xf32, #tpu.memory_space<hbm>>) target(%dma_start3A_10 : memref<125x16xf32, #tpu.memory_space<vmem>>) offsets(%dma_start3A_13 : memref<125xi32, #tpu.memory_space<vmem>>) semaphore(%dma_start3A_18 : memref<!tpu.dma_semaphore, #tpu.memory_space<semaphore_mem>>)
    %dma_start3A_19 = arith.constant 1 : i32
    %dma_start3A_20 = arith.constant 1 : i32
    %dma_start3A_21 = arith.constant 1 : i32
    %dma_start3A_22 = arith.constant 0 : i32
    %dma_start3A_23 = arith.constant 0 : i32
    %dma_start3A_24 = tpu.memref_slice %arg9[%dma_start3A_20, %dma_start3A_22, %dma_start3A_23] : memref<8x125x16xf32, #tpu.memory_space<vmem>> -> memref<1x125x16xf32, #tpu.memory_space<vmem>>
    %dma_start3A_25 = tpu.memref_squeeze %dma_start3A_24 : memref<1x125x16xf32, #tpu.memory_space<vmem>> -> memref<125x16xf32, #tpu.memory_space<vmem>>
    %dma_start3A_26 = arith.constant 0 : i32
    %dma_start3A_27 = tpu.memref_slice %arg7[%dma_start3A_19, %dma_start3A_26] : memref<16x125xi32, #tpu.memory_space<vmem>> -> memref<1x125xi32, #tpu.memory_space<vmem>>
    %dma_start3A_28 = tpu.memref_squeeze %dma_start3A_27 : memref<1x125xi32, #tpu.memory_space<vmem>> -> memref<125xi32, #tpu.memory_space<vmem>>
    %dma_start3A_29 = arith.constant 0 : i32
    %dma_start3A_30 = arith.constant 0 : i32
    %dma_start3A_31 = tpu.memref_slice %arg4[%dma_start3A_29, %dma_start3A_30] : memref<10000x16xf32, #tpu.memory_space<hbm>> -> memref<10000x16xf32, #tpu.memory_space<hbm>>
    %dma_start3A_32 = tpu.memref_slice %arg11[%dma_start3A_21] : memref<8x!tpu.dma_semaphore, #tpu.memory_space<semaphore_mem>> -> memref<1x!tpu.dma_semaphore, #tpu.memory_space<semaphore_mem>>
    %dma_start3A_33 = tpu.memref_squeeze %dma_start3A_32 : memref<1x!tpu.dma_semaphore, #tpu.memory_space<semaphore_mem>> -> memref<!tpu.dma_semaphore, #tpu.memory_space<semaphore_mem>>
    tpu.enqueue_indirect_dma source(%dma_start3A_31 : memref<10000x16xf32, #tpu.memory_space<hbm>>) target(%dma_start3A_25 : memref<125x16xf32, #tpu.memory_space<vmem>>) offsets(%dma_start3A_28 : memref<125xi32, #tpu.memory_space<vmem>>) semaphore(%dma_start3A_33 : memref<!tpu.dma_semaphore, #tpu.memory_space<semaphore_mem>>)
    %dma_start3A_34 = arith.constant 2 : i32
    %dma_start3A_35 = arith.constant 2 : i32
    %dma_start3A_36 = arith.constant 2 : i32
    %dma_start3A_37 = arith.constant 0 : i32
    %dma_start3A_38 = arith.constant 0 : i32
    %dma_start3A_39 = tpu.memref_slice %arg9[%dma_start3A_35, %dma_start3A_37, %dma_start3A_38] : memref<8x125x16xf32, #tpu.memory_space<vmem>> -> memref<1x125x16xf32, #tpu.memory_space<vmem>>
    %dma_start3A_40 = tpu.memref_squeeze %dma_start3A_39 : memref<1x125x16xf32, #tpu.memory_space<vmem>> -> memref<125x16xf32, #tpu.memory_space<vmem>>
    %dma_start3A_41 = arith.constant 0 : i32
    %dma_start3A_42 = tpu.memref_slice %arg7[%dma_start3A_34, %dma_start3A_41] : memref<16x125xi32, #tpu.memory_space<vmem>> -> memref<1x125xi32, #tpu.memory_space<vmem>>
    %dma_start3A_43 = tpu.memref_squeeze %dma_start3A_42 : memref<1x125xi32, #tpu.memory_space<vmem>> -> memref<125xi32, #tpu.memory_space<vmem>>
    %dma_start3A_44 = arith.constant 0 : i32
    %dma_start3A_45 = arith.constant 0 : i32
    %dma_start3A_46 = tpu.memref_slice %arg4[%dma_start3A_44, %dma_start3A_45] : memref<10000x16xf32, #tpu.memory_space<hbm>> -> memref<10000x16xf32, #tpu.memory_space<hbm>>
    %dma_start3A_47 = tpu.memref_slice %arg11[%dma_start3A_36] : memref<8x!tpu.dma_semaphore, #tpu.memory_space<semaphore_mem>> -> memref<1x!tpu.dma_semaphore, #tpu.memory_space<semaphore_mem>>
    %dma_start3A_48 = tpu.memref_squeeze %dma_start3A_47 : memref<1x!tpu.dma_semaphore, #tpu.memory_space<semaphore_mem>> -> memref<!tpu.dma_semaphore, #tpu.memory_space<semaphore_mem>>
    tpu.enqueue_indirect_dma source(%dma_start3A_46 : memref<10000x16xf32, #tpu.memory_space<hbm>>) target(%dma_start3A_40 : memref<125x16xf32, #tpu.memory_space<vmem>>) offsets(%dma_start3A_43 : memref<125xi32, #tpu.memory_space<vmem>>) semaphore(%dma_start3A_48 : memref<!tpu.dma_semaphore, #tpu.memory_space<semaphore_mem>>)
    %dma_start3A_49 = arith.constant 3 : i32
    %dma_start3A_50 = arith.constant 3 : i32
    %dma_start3A_51 = arith.constant 3 : i32
    %dma_start3A_52 = arith.constant 0 : i32
    %dma_start3A_53 = arith.constant 0 : i32
    %dma_start3A_54 = tpu.memref_slice %arg9[%dma_start3A_50, %dma_start3A_52, %dma_start3A_53] : memref<8x125x16xf32, #tpu.memory_space<vmem>> -> memref<1x125x16xf32, #tpu.memory_space<vmem>>
    %dma_start3A_55 = tpu.memref_squeeze %dma_start3A_54 : memref<1x125x16xf32, #tpu.memory_space<vmem>> -> memref<125x16xf32, #tpu.memory_space<vmem>>
    %dma_start3A_56 = arith.constant 0 : i32
    %dma_start3A_57 = tpu.memref_slice %arg7[%dma_start3A_49, %dma_start3A_56] : memref<16x125xi32, #tpu.memory_space<vmem>> -> memref<1x125xi32, #tpu.memory_space<vmem>>
    %dma_start3A_58 = tpu.memref_squeeze %dma_start3A_57 : memref<1x125xi32, #tpu.memory_space<vmem>> -> memref<125xi32, #tpu.memory_space<vmem>>
    %dma_start3A_59 = arith.constant 0 : i32
    %dma_start3A_60 = arith.constant 0 : i32
    %dma_start3A_61 = tpu.memref_slice %arg4[%dma_start3A_59, %dma_start3A_60] : memref<10000x16xf32, #tpu.memory_space<hbm>> -> memref<10000x16xf32, #tpu.memory_space<hbm>>
    %dma_start3A_62 = tpu.memref_slice %arg11[%dma_start3A_51] : memref<8x!tpu.dma_semaphore, #tpu.memory_space<semaphore_mem>> -> memref<1x!tpu.dma_semaphore, #tpu.memory_space<semaphore_mem>>
    %dma_start3A_63 = tpu.memref_squeeze %dma_start3A_62 : memref<1x!tpu.dma_semaphore, #tpu.memory_space<semaphore_mem>> -> memref<!tpu.dma_semaphore, #tpu.memory_space<semaphore_mem>>
    tpu.enqueue_indirect_dma source(%dma_start3A_61 : memref<10000x16xf32, #tpu.memory_space<hbm>>) target(%dma_start3A_55 : memref<125x16xf32, #tpu.memory_space<vmem>>) offsets(%dma_start3A_58 : memref<125xi32, #tpu.memory_space<vmem>>) semaphore(%dma_start3A_63 : memref<!tpu.dma_semaphore, #tpu.memory_space<semaphore_mem>>)
    %dma_start3A_64 = arith.constant 4 : i32
    %dma_start3A_65 = arith.constant 4 : i32
    %dma_start3A_66 = arith.constant 4 : i32
    %dma_start3A_67 = arith.constant 0 : i32
    %dma_start3A_68 = arith.constant 0 : i32
    %dma_start3A_69 = tpu.memref_slice %arg9[%dma_start3A_65, %dma_start3A_67, %dma_start3A_68] : memref<8x125x16xf32, #tpu.memory_space<vmem>> -> memref<1x125x16xf32, #tpu.memory_space<vmem>>
    %dma_start3A_70 = tpu.memref_squeeze %dma_start3A_69 : memref<1x125x16xf32, #tpu.memory_space<vmem>> -> memref<125x16xf32, #tpu.memory_space<vmem>>
    %dma_start3A_71 = arith.constant 0 : i32
    %dma_start3A_72 = tpu.memref_slice %arg7[%dma_start3A_64, %dma_start3A_71] : memref<16x125xi32, #tpu.memory_space<vmem>> -> memref<1x125xi32, #tpu.memory_space<vmem>>
    %dma_start3A_73 = tpu.memref_squeeze %dma_start3A_72 : memref<1x125xi32, #tpu.memory_space<vmem>> -> memref<125xi32, #tpu.memory_space<vmem>>
    %dma_start3A_74 = arith.constant 0 : i32
    %dma_start3A_75 = arith.constant 0 : i32
    %dma_start3A_76 = tpu.memref_slice %arg4[%dma_start3A_74, %dma_start3A_75] : memref<10000x16xf32, #tpu.memory_space<hbm>> -> memref<10000x16xf32, #tpu.memory_space<hbm>>
    %dma_start3A_77 = tpu.memref_slice %arg11[%dma_start3A_66] : memref<8x!tpu.dma_semaphore, #tpu.memory_space<semaphore_mem>> -> memref<1x!tpu.dma_semaphore, #tpu.memory_space<semaphore_mem>>
    %dma_start3A_78 = tpu.memref_squeeze %dma_start3A_77 : memref<1x!tpu.dma_semaphore, #tpu.memory_space<semaphore_mem>> -> memref<!tpu.dma_semaphore, #tpu.memory_space<semaphore_mem>>
    tpu.enqueue_indirect_dma source(%dma_start3A_76 : memref<10000x16xf32, #tpu.memory_space<hbm>>) target(%dma_start3A_70 : memref<125x16xf32, #tpu.memory_space<vmem>>) offsets(%dma_start3A_73 : memref<125xi32, #tpu.memory_space<vmem>>) semaphore(%dma_start3A_78 : memref<!tpu.dma_semaphore, #tpu.memory_space<semaphore_mem>>)
    %dma_start3A_79 = arith.constant 5 : i32
    %dma_start3A_80 = arith.constant 5 : i32
    %dma_start3A_81 = arith.constant 5 : i32
    %dma_start3A_82 = arith.constant 0 : i32
    %dma_start3A_83 = arith.constant 0 : i32
    %dma_start3A_84 = tpu.memref_slice %arg9[%dma_start3A_80, %dma_start3A_82, %dma_start3A_83] : memref<8x125x16xf32, #tpu.memory_space<vmem>> -> memref<1x125x16xf32, #tpu.memory_space<vmem>>
    %dma_start3A_85 = tpu.memref_squeeze %dma_start3A_84 : memref<1x125x16xf32, #tpu.memory_space<vmem>> -> memref<125x16xf32, #tpu.memory_space<vmem>>
    %dma_start3A_86 = arith.constant 0 : i32
    %dma_start3A_87 = tpu.memref_slice %arg7[%dma_start3A_79, %dma_start3A_86] : memref<16x125xi32, #tpu.memory_space<vmem>> -> memref<1x125xi32, #tpu.memory_space<vmem>>
    %dma_start3A_88 = tpu.memref_squeeze %dma_start3A_87 : memref<1x125xi32, #tpu.memory_space<vmem>> -> memref<125xi32, #tpu.memory_space<vmem>>
    %dma_start3A_89 = arith.constant 0 : i32
    %dma_start3A_90 = arith.constant 0 : i32
    %dma_start3A_91 = tpu.memref_slice %arg4[%dma_start3A_89, %dma_start3A_90] : memref<10000x16xf32, #tpu.memory_space<hbm>> -> memref<10000x16xf32, #tpu.memory_space<hbm>>
    %dma_start3A_92 = tpu.memref_slice %arg11[%dma_start3A_81] : memref<8x!tpu.dma_semaphore, #tpu.memory_space<semaphore_mem>> -> memref<1x!tpu.dma_semaphore, #tpu.memory_space<semaphore_mem>>
    %dma_start3A_93 = tpu.memref_squeeze %dma_start3A_92 : memref<1x!tpu.dma_semaphore, #tpu.memory_space<semaphore_mem>> -> memref<!tpu.dma_semaphore, #tpu.memory_space<semaphore_mem>>
    tpu.enqueue_indirect_dma source(%dma_start3A_91 : memref<10000x16xf32, #tpu.memory_space<hbm>>) target(%dma_start3A_85 : memref<125x16xf32, #tpu.memory_space<vmem>>) offsets(%dma_start3A_88 : memref<125xi32, #tpu.memory_space<vmem>>) semaphore(%dma_start3A_93 : memref<!tpu.dma_semaphore, #tpu.memory_space<semaphore_mem>>)
    %dma_start3A_94 = arith.constant 6 : i32
    %dma_start3A_95 = arith.constant 6 : i32
    %dma_start3A_96 = arith.constant 6 : i32
    %dma_start3A_97 = arith.constant 0 : i32
    %dma_start3A_98 = arith.constant 0 : i32
    %dma_start3A_99 = tpu.memref_slice %arg9[%dma_start3A_95, %dma_start3A_97, %dma_start3A_98] : memref<8x125x16xf32, #tpu.memory_space<vmem>> -> memref<1x125x16xf32, #tpu.memory_space<vmem>>
    %dma_start3A_100 = tpu.memref_squeeze %dma_start3A_99 : memref<1x125x16xf32, #tpu.memory_space<vmem>> -> memref<125x16xf32, #tpu.memory_space<vmem>>
    %dma_start3A_101 = arith.constant 0 : i32
    %dma_start3A_102 = tpu.memref_slice %arg7[%dma_start3A_94, %dma_start3A_101] : memref<16x125xi32, #tpu.memory_space<vmem>> -> memref<1x125xi32, #tpu.memory_space<vmem>>
    %dma_start3A_103 = tpu.memref_squeeze %dma_start3A_102 : memref<1x125xi32, #tpu.memory_space<vmem>> -> memref<125xi32, #tpu.memory_space<vmem>>
    %dma_start3A_104 = arith.constant 0 : i32
    %dma_start3A_105 = arith.constant 0 : i32
    %dma_start3A_106 = tpu.memref_slice %arg4[%dma_start3A_104, %dma_start3A_105] : memref<10000x16xf32, #tpu.memory_space<hbm>> -> memref<10000x16xf32, #tpu.memory_space<hbm>>
    %dma_start3A_107 = tpu.memref_slice %arg11[%dma_start3A_96] : memref<8x!tpu.dma_semaphore, #tpu.memory_space<semaphore_mem>> -> memref<1x!tpu.dma_semaphore, #tpu.memory_space<semaphore_mem>>
    %dma_start3A_108 = tpu.memref_squeeze %dma_start3A_107 : memref<1x!tpu.dma_semaphore, #tpu.memory_space<semaphore_mem>> -> memref<!tpu.dma_semaphore, #tpu.memory_space<semaphore_mem>>
    tpu.enqueue_indirect_dma source(%dma_start3A_106 : memref<10000x16xf32, #tpu.memory_space<hbm>>) target(%dma_start3A_100 : memref<125x16xf32, #tpu.memory_space<vmem>>) offsets(%dma_start3A_103 : memref<125xi32, #tpu.memory_space<vmem>>) semaphore(%dma_start3A_108 : memref<!tpu.dma_semaphore, #tpu.memory_space<semaphore_mem>>)
    %dma_start3A_109 = arith.constant 7 : i32
    %dma_start3A_110 = arith.constant 7 : i32
    %dma_start3A_111 = arith.constant 7 : i32
    %dma_start3A_112 = arith.constant 0 : i32
    %dma_start3A_113 = arith.constant 0 : i32
    %dma_start3A_114 = tpu.memref_slice %arg9[%dma_start3A_110, %dma_start3A_112, %dma_start3A_113] : memref<8x125x16xf32, #tpu.memory_space<vmem>> -> memref<1x125x16xf32, #tpu.memory_space<vmem>>
    %dma_start3A_115 = tpu.memref_squeeze %dma_start3A_114 : memref<1x125x16xf32, #tpu.memory_space<vmem>> -> memref<125x16xf32, #tpu.memory_space<vmem>>
    %dma_start3A_116 = arith.constant 0 : i32
    %dma_start3A_117 = tpu.memref_slice %arg7[%dma_start3A_109, %dma_start3A_116] : memref<16x125xi32, #tpu.memory_space<vmem>> -> memref<1x125xi32, #tpu.memory_space<vmem>>
    %dma_start3A_118 = tpu.memref_squeeze %dma_start3A_117 : memref<1x125xi32, #tpu.memory_space<vmem>> -> memref<125xi32, #tpu.memory_space<vmem>>
    %dma_start3A_119 = arith.constant 0 : i32
    %dma_start3A_120 = arith.constant 0 : i32
    %dma_start3A_121 = tpu.memref_slice %arg4[%dma_start3A_119, %dma_start3A_120] : memref<10000x16xf32, #tpu.memory_space<hbm>> -> memref<10000x16xf32, #tpu.memory_space<hbm>>
    %dma_start3A_122 = tpu.memref_slice %arg11[%dma_start3A_111] : memref<8x!tpu.dma_semaphore, #tpu.memory_space<semaphore_mem>> -> memref<1x!tpu.dma_semaphore, #tpu.memory_space<semaphore_mem>>
    %dma_start3A_123 = tpu.memref_squeeze %dma_start3A_122 : memref<1x!tpu.dma_semaphore, #tpu.memory_space<semaphore_mem>> -> memref<!tpu.dma_semaphore, #tpu.memory_space<semaphore_mem>>
    tpu.enqueue_indirect_dma source(%dma_start3A_121 : memref<10000x16xf32, #tpu.memory_space<hbm>>) target(%dma_start3A_115 : memref<125x16xf32, #tpu.memory_space<vmem>>) offsets(%dma_start3A_118 : memref<125xi32, #tpu.memory_space<vmem>>) semaphore(%dma_start3A_123 : memref<!tpu.dma_semaphore, #tpu.memory_space<semaphore_mem>>)
    %scan3A = arith.constant 0 : i32
    %scan3A_124 = arith.constant 0 : i32
    %scan3A_125 = arith.constant 2 : i32
    %scan3A_126 = arith.addi %scan3A_124, %scan3A_125 : i32
    %scan3A_127 = arith.constant 1 : i32
    scf.for %scan3A_277 = %scan3A_124 to %scan3A_126 step %scan3A_127  : i32 {
      %mul3A_278 = arith.constant 8 : i32
      %mul3A_279 = arith.muli %scan3A_277, %mul3A_278 : i32
      %add3A_280 = arith.constant 0 : i32
      %add3A_281 = arith.addi %mul3A_279, %add3A_280 : i32
      %dma_wait3A_282 = arith.constant 0 : i32
      %dma_wait3A_283 = arith.constant 0 : i32
      %dma_wait3A_284 = arith.constant 0 : i32
      %dma_wait3A_285 = arith.constant 0 : i32
      %dma_wait3A_286 = tpu.memref_slice %arg9[%dma_wait3A_282, %dma_wait3A_284, %dma_wait3A_285] : memref<8x125x16xf32, #tpu.memory_space<vmem>> -> memref<1x125x16xf32, #tpu.memory_space<vmem>>
      %dma_wait3A_287 = tpu.memref_squeeze %dma_wait3A_286 : memref<1x125x16xf32, #tpu.memory_space<vmem>> -> memref<125x16xf32, #tpu.memory_space<vmem>>
      %dma_wait3A_288 = arith.constant 0 : i32
      %dma_wait3A_289 = arith.constant 0 : i32
      %dma_wait3A_290 = tpu.memref_slice %arg4[%dma_wait3A_288, %dma_wait3A_289] : memref<10000x16xf32, #tpu.memory_space<hbm>> -> memref<125x16xf32, #tpu.memory_space<hbm>>
      %dma_wait3A_291 = tpu.memref_slice %arg11[%dma_wait3A_283] : memref<8x!tpu.dma_semaphore, #tpu.memory_space<semaphore_mem>> -> memref<1x!tpu.dma_semaphore, #tpu.memory_space<semaphore_mem>>
      %dma_wait3A_292 = tpu.memref_squeeze %dma_wait3A_291 : memref<1x!tpu.dma_semaphore, #tpu.memory_space<semaphore_mem>> -> memref<!tpu.dma_semaphore, #tpu.memory_space<semaphore_mem>>
      %dma_wait3A_293 = arith.constant 0 : i32
      %dma_wait3A_294 = arith.constant 0 : i32
      %dma_wait3A_295 = tpu.memref_slice %arg9[%dma_wait3A_282, %dma_wait3A_293, %dma_wait3A_294] : memref<8x125x16xf32, #tpu.memory_space<vmem>> -> memref<1x125x16xf32, #tpu.memory_space<vmem>>
      %dma_wait3A_296 = tpu.memref_squeeze %dma_wait3A_295 : memref<1x125x16xf32, #tpu.memory_space<vmem>> -> memref<125x16xf32, #tpu.memory_space<vmem>>
      %dma_wait3A_297 = arith.constant 0 : i32
      %dma_wait3A_298 = arith.constant 0 : i32
      %dma_wait3A_299 = tpu.memref_slice %arg4[%dma_wait3A_297, %dma_wait3A_298] : memref<10000x16xf32, #tpu.memory_space<hbm>> -> memref<125x16xf32, #tpu.memory_space<hbm>>
      tpu.wait_dma2 semaphore(%dma_wait3A_292 : memref<!tpu.dma_semaphore, #tpu.memory_space<semaphore_mem>>) src(%dma_wait3A_299 : memref<125x16xf32, #tpu.memory_space<hbm>>) dst(%dma_wait3A_296 : memref<125x16xf32, #tpu.memory_space<vmem>>)
      %dma_start3A_300 = arith.constant 0 : i32
      %dma_start3A_301 = arith.constant 0 : i32
      %dma_start3A_302 = arith.constant 0 : i32
      %dma_start3A_303 = arith.constant 0 : i32
      %dma_start3A_304 = tpu.memref_slice %arg9[%dma_start3A_300, %dma_start3A_302, %dma_start3A_303] : memref<8x125x16xf32, #tpu.memory_space<vmem>> -> memref<1x125x16xf32, #tpu.memory_space<vmem>>
      %dma_start3A_305 = tpu.memref_squeeze %dma_start3A_304 : memref<1x125x16xf32, #tpu.memory_space<vmem>> -> memref<125x16xf32, #tpu.memory_space<vmem>>
      %dma_start3A_306 = arith.constant 0 : i32
      %dma_start3A_307 = tpu.memref_slice %arg8[%add3A_281, %dma_start3A_306] : memref<16x125xi32, #tpu.memory_space<vmem>> -> memref<1x125xi32, #tpu.memory_space<vmem>>
      %dma_start3A_308 = tpu.memref_squeeze %dma_start3A_307 : memref<1x125xi32, #tpu.memory_space<vmem>> -> memref<125xi32, #tpu.memory_space<vmem>>
      %dma_start3A_309 = arith.constant 0 : i32
      %dma_start3A_310 = arith.constant 0 : i32
      %dma_start3A_311 = tpu.memref_slice %arg10[%dma_start3A_309, %dma_start3A_310] : memref<10240x16xf32, #tpu.memory_space<vmem_shared>> -> memref<10240x16xf32, #tpu.memory_space<vmem_shared>>
      %dma_start3A_312 = tpu.memref_slice %arg12[%dma_start3A_301] : memref<8x!tpu.dma_semaphore, #tpu.memory_space<semaphore_mem>> -> memref<1x!tpu.dma_semaphore, #tpu.memory_space<semaphore_mem>>
      %dma_start3A_313 = tpu.memref_squeeze %dma_start3A_312 : memref<1x!tpu.dma_semaphore, #tpu.memory_space<semaphore_mem>> -> memref<!tpu.dma_semaphore, #tpu.memory_space<semaphore_mem>>
      tpu.enqueue_indirect_dma source(%dma_start3A_305 : memref<125x16xf32, #tpu.memory_space<vmem>>) target(%dma_start3A_311 : memref<10240x16xf32, #tpu.memory_space<vmem_shared>>) offsets(%dma_start3A_308 : memref<125xi32, #tpu.memory_space<vmem>>) semaphore(%dma_start3A_313 : memref<!tpu.dma_semaphore, #tpu.memory_space<semaphore_mem>>) {add = true}
      %add3A_314 = arith.constant 4 : i32
      %add3A_315 = arith.addi %add3A_281, %add3A_314 : i32
      %ge3A = arith.constant 8 : i32
      %ge3A_316 = arith.cmpi sge, %add3A_315, %ge3A : i32
      %lt3A = arith.constant 16 : i32
      %lt3A_317 = arith.cmpi slt, %add3A_315, %lt3A : i32
      %and3A = arith.andi %ge3A_316, %lt3A_317 : i1
      %convert_element_type3A = arith.extui %and3A : i1 to i32
      %cond3A = arith.constant 0 : i32
      %cond3A_318 = arith.cmpi ne, %convert_element_type3A, %cond3A : i32
      scf.if %cond3A_318 {
        %dma_wait3A_627 = arith.constant 4 : i32
        %dma_wait3A_628 = arith.constant 4 : i32
        %dma_wait3A_629 = arith.constant 0 : i32
        %dma_wait3A_630 = arith.constant 0 : i32
        %dma_wait3A_631 = tpu.memref_slice %arg9[%dma_wait3A_627, %dma_wait3A_629, %dma_wait3A_630] : memref<8x125x16xf32, #tpu.memory_space<vmem>> -> memref<1x125x16xf32, #tpu.memory_space<vmem>>
        %dma_wait3A_632 = tpu.memref_squeeze %dma_wait3A_631 : memref<1x125x16xf32, #tpu.memory_space<vmem>> -> memref<125x16xf32, #tpu.memory_space<vmem>>
        %dma_wait3A_633 = arith.constant 0 : i32
        %dma_wait3A_634 = arith.constant 0 : i32
        %dma_wait3A_635 = tpu.memref_slice %arg4[%dma_wait3A_633, %dma_wait3A_634] : memref<10000x16xf32, #tpu.memory_space<hbm>> -> memref<125x16xf32, #tpu.memory_space<hbm>>
        %dma_wait3A_636 = tpu.memref_slice %arg12[%dma_wait3A_628] : memref<8x!tpu.dma_semaphore, #tpu.memory_space<semaphore_mem>> -> memref<1x!tpu.dma_semaphore, #tpu.memory_space<semaphore_mem>>
        %dma_wait3A_637 = tpu.memref_squeeze %dma_wait3A_636 : memref<1x!tpu.dma_semaphore, #tpu.memory_space<semaphore_mem>> -> memref<!tpu.dma_semaphore, #tpu.memory_space<semaphore_mem>>
        %dma_wait3A_638 = arith.constant 0 : i32
        %dma_wait3A_639 = arith.constant 0 : i32
        %dma_wait3A_640 = tpu.memref_slice %arg9[%dma_wait3A_627, %dma_wait3A_638, %dma_wait3A_639] : memref<8x125x16xf32, #tpu.memory_space<vmem>> -> memref<1x125x16xf32, #tpu.memory_space<vmem>>
        %dma_wait3A_641 = tpu.memref_squeeze %dma_wait3A_640 : memref<1x125x16xf32, #tpu.memory_space<vmem>> -> memref<125x16xf32, #tpu.memory_space<vmem>>
        %dma_wait3A_642 = arith.constant 0 : i32
        %dma_wait3A_643 = arith.constant 0 : i32
        %dma_wait3A_644 = tpu.memref_slice %arg4[%dma_wait3A_642, %dma_wait3A_643] : memref<10000x16xf32, #tpu.memory_space<hbm>> -> memref<125x16xf32, #tpu.memory_space<hbm>>
        tpu.wait_dma2 semaphore(%dma_wait3A_637 : memref<!tpu.dma_semaphore, #tpu.memory_space<semaphore_mem>>) src(%dma_wait3A_644 : memref<125x16xf32, #tpu.memory_space<hbm>>) dst(%dma_wait3A_641 : memref<125x16xf32, #tpu.memory_space<vmem>>)
        %dma_start3A_645 = arith.constant 4 : i32
        %dma_start3A_646 = arith.constant 4 : i32
        %dma_start3A_647 = arith.constant 0 : i32
        %dma_start3A_648 = arith.constant 0 : i32
        %dma_start3A_649 = tpu.memref_slice %arg9[%dma_start3A_645, %dma_start3A_647, %dma_start3A_648] : memref<8x125x16xf32, #tpu.memory_space<vmem>> -> memref<1x125x16xf32, #tpu.memory_space<vmem>>
        %dma_start3A_650 = tpu.memref_squeeze %dma_start3A_649 : memref<1x125x16xf32, #tpu.memory_space<vmem>> -> memref<125x16xf32, #tpu.memory_space<vmem>>
        %dma_start3A_651 = arith.constant 0 : i32
        %dma_start3A_652 = tpu.memref_slice %arg7[%add3A_315, %dma_start3A_651] : memref<16x125xi32, #tpu.memory_space<vmem>> -> memref<1x125xi32, #tpu.memory_space<vmem>>
        %dma_start3A_653 = tpu.memref_squeeze %dma_start3A_652 : memref<1x125xi32, #tpu.memory_space<vmem>> -> memref<125xi32, #tpu.memory_space<vmem>>
        %dma_start3A_654 = arith.constant 0 : i32
        %dma_start3A_655 = arith.constant 0 : i32
        %dma_start3A_656 = tpu.memref_slice %arg4[%dma_start3A_654, %dma_start3A_655] : memref<10000x16xf32, #tpu.memory_space<hbm>> -> memref<10000x16xf32, #tpu.memory_space<hbm>>
        %dma_start3A_657 = tpu.memref_slice %arg11[%dma_start3A_646] : memref<8x!tpu.dma_semaphore, #tpu.memory_space<semaphore_mem>> -> memref<1x!tpu.dma_semaphore, #tpu.memory_space<semaphore_mem>>
        %dma_start3A_658 = tpu.memref_squeeze %dma_start3A_657 : memref<1x!tpu.dma_semaphore, #tpu.memory_space<semaphore_mem>> -> memref<!tpu.dma_semaphore, #tpu.memory_space<semaphore_mem>>
        tpu.enqueue_indirect_dma source(%dma_start3A_656 : memref<10000x16xf32, #tpu.memory_space<hbm>>) target(%dma_start3A_650 : memref<125x16xf32, #tpu.memory_space<vmem>>) offsets(%dma_start3A_653 : memref<125xi32, #tpu.memory_space<vmem>>) semaphore(%dma_start3A_658 : memref<!tpu.dma_semaphore, #tpu.memory_space<semaphore_mem>>)
      } else {
      }
      %add3A_319 = arith.constant 1 : i32
      %add3A_320 = arith.addi %mul3A_279, %add3A_319 : i32
      %dma_wait3A_321 = arith.constant 1 : i32
      %dma_wait3A_322 = arith.constant 1 : i32
      %dma_wait3A_323 = arith.constant 0 : i32
      %dma_wait3A_324 = arith.constant 0 : i32
      %dma_wait3A_325 = tpu.memref_slice %arg9[%dma_wait3A_321, %dma_wait3A_323, %dma_wait3A_324] : memref<8x125x16xf32, #tpu.memory_space<vmem>> -> memref<1x125x16xf32, #tpu.memory_space<vmem>>
      %dma_wait3A_326 = tpu.memref_squeeze %dma_wait3A_325 : memref<1x125x16xf32, #tpu.memory_space<vmem>> -> memref<125x16xf32, #tpu.memory_space<vmem>>
      %dma_wait3A_327 = arith.constant 0 : i32
      %dma_wait3A_328 = arith.constant 0 : i32
      %dma_wait3A_329 = tpu.memref_slice %arg4[%dma_wait3A_327, %dma_wait3A_328] : memref<10000x16xf32, #tpu.memory_space<hbm>> -> memref<125x16xf32, #tpu.memory_space<hbm>>
      %dma_wait3A_330 = tpu.memref_slice %arg11[%dma_wait3A_322] : memref<8x!tpu.dma_semaphore, #tpu.memory_space<semaphore_mem>> -> memref<1x!tpu.dma_semaphore, #tpu.memory_space<semaphore_mem>>
      %dma_wait3A_331 = tpu.memref_squeeze %dma_wait3A_330 : memref<1x!tpu.dma_semaphore, #tpu.memory_space<semaphore_mem>> -> memref<!tpu.dma_semaphore, #tpu.memory_space<semaphore_mem>>
      %dma_wait3A_332 = arith.constant 0 : i32
      %dma_wait3A_333 = arith.constant 0 : i32
      %dma_wait3A_334 = tpu.memref_slice %arg9[%dma_wait3A_321, %dma_wait3A_332, %dma_wait3A_333] : memref<8x125x16xf32, #tpu.memory_space<vmem>> -> memref<1x125x16xf32, #tpu.memory_space<vmem>>
      %dma_wait3A_335 = tpu.memref_squeeze %dma_wait3A_334 : memref<1x125x16xf32, #tpu.memory_space<vmem>> -> memref<125x16xf32, #tpu.memory_space<vmem>>
      %dma_wait3A_336 = arith.constant 0 : i32
      %dma_wait3A_337 = arith.constant 0 : i32
      %dma_wait3A_338 = tpu.memref_slice %arg4[%dma_wait3A_336, %dma_wait3A_337] : memref<10000x16xf32, #tpu.memory_space<hbm>> -> memref<125x16xf32, #tpu.memory_space<hbm>>
      tpu.wait_dma2 semaphore(%dma_wait3A_331 : memref<!tpu.dma_semaphore, #tpu.memory_space<semaphore_mem>>) src(%dma_wait3A_338 : memref<125x16xf32, #tpu.memory_space<hbm>>) dst(%dma_wait3A_335 : memref<125x16xf32, #tpu.memory_space<vmem>>)
      %dma_start3A_339 = arith.constant 1 : i32
      %dma_start3A_340 = arith.constant 1 : i32
      %dma_start3A_341 = arith.constant 0 : i32
      %dma_start3A_342 = arith.constant 0 : i32
      %dma_start3A_343 = tpu.memref_slice %arg9[%dma_start3A_339, %dma_start3A_341, %dma_start3A_342] : memref<8x125x16xf32, #tpu.memory_space<vmem>> -> memref<1x125x16xf32, #tpu.memory_space<vmem>>
      %dma_start3A_344 = tpu.memref_squeeze %dma_start3A_343 : memref<1x125x16xf32, #tpu.memory_space<vmem>> -> memref<125x16xf32, #tpu.memory_space<vmem>>
      %dma_start3A_345 = arith.constant 0 : i32
      %dma_start3A_346 = tpu.memref_slice %arg8[%add3A_320, %dma_start3A_345] : memref<16x125xi32, #tpu.memory_space<vmem>> -> memref<1x125xi32, #tpu.memory_space<vmem>>
      %dma_start3A_347 = tpu.memref_squeeze %dma_start3A_346 : memref<1x125xi32, #tpu.memory_space<vmem>> -> memref<125xi32, #tpu.memory_space<vmem>>
      %dma_start3A_348 = arith.constant 0 : i32
      %dma_start3A_349 = arith.constant 0 : i32
      %dma_start3A_350 = tpu.memref_slice %arg10[%dma_start3A_348, %dma_start3A_349] : memref<10240x16xf32, #tpu.memory_space<vmem_shared>> -> memref<10240x16xf32, #tpu.memory_space<vmem_shared>>
      %dma_start3A_351 = tpu.memref_slice %arg12[%dma_start3A_340] : memref<8x!tpu.dma_semaphore, #tpu.memory_space<semaphore_mem>> -> memref<1x!tpu.dma_semaphore, #tpu.memory_space<semaphore_mem>>
      %dma_start3A_352 = tpu.memref_squeeze %dma_start3A_351 : memref<1x!tpu.dma_semaphore, #tpu.memory_space<semaphore_mem>> -> memref<!tpu.dma_semaphore, #tpu.memory_space<semaphore_mem>>
      tpu.enqueue_indirect_dma source(%dma_start3A_344 : memref<125x16xf32, #tpu.memory_space<vmem>>) target(%dma_start3A_350 : memref<10240x16xf32, #tpu.memory_space<vmem_shared>>) offsets(%dma_start3A_347 : memref<125xi32, #tpu.memory_space<vmem>>) semaphore(%dma_start3A_352 : memref<!tpu.dma_semaphore, #tpu.memory_space<semaphore_mem>>) {add = true}
      %add3A_353 = arith.constant 4 : i32
      %add3A_354 = arith.addi %add3A_320, %add3A_353 : i32
      %ge3A_355 = arith.constant 8 : i32
      %ge3A_356 = arith.cmpi sge, %add3A_354, %ge3A_355 : i32
      %lt3A_357 = arith.constant 16 : i32
      %lt3A_358 = arith.cmpi slt, %add3A_354, %lt3A_357 : i32
      %and3A_359 = arith.andi %ge3A_356, %lt3A_358 : i1
      %convert_element_type3A_360 = arith.extui %and3A_359 : i1 to i32
      %cond3A_361 = arith.constant 0 : i32
      %cond3A_362 = arith.cmpi ne, %convert_element_type3A_360, %cond3A_361 : i32
      scf.if %cond3A_362 {
        %dma_wait3A_627 = arith.constant 5 : i32
        %dma_wait3A_628 = arith.constant 5 : i32
        %dma_wait3A_629 = arith.constant 0 : i32
        %dma_wait3A_630 = arith.constant 0 : i32
        %dma_wait3A_631 = tpu.memref_slice %arg9[%dma_wait3A_627, %dma_wait3A_629, %dma_wait3A_630] : memref<8x125x16xf32, #tpu.memory_space<vmem>> -> memref<1x125x16xf32, #tpu.memory_space<vmem>>
        %dma_wait3A_632 = tpu.memref_squeeze %dma_wait3A_631 : memref<1x125x16xf32, #tpu.memory_space<vmem>> -> memref<125x16xf32, #tpu.memory_space<vmem>>
        %dma_wait3A_633 = arith.constant 0 : i32
        %dma_wait3A_634 = arith.constant 0 : i32
        %dma_wait3A_635 = tpu.memref_slice %arg4[%dma_wait3A_633, %dma_wait3A_634] : memref<10000x16xf32, #tpu.memory_space<hbm>> -> memref<125x16xf32, #tpu.memory_space<hbm>>
        %dma_wait3A_636 = tpu.memref_slice %arg12[%dma_wait3A_628] : memref<8x!tpu.dma_semaphore, #tpu.memory_space<semaphore_mem>> -> memref<1x!tpu.dma_semaphore, #tpu.memory_space<semaphore_mem>>
        %dma_wait3A_637 = tpu.memref_squeeze %dma_wait3A_636 : memref<1x!tpu.dma_semaphore, #tpu.memory_space<semaphore_mem>> -> memref<!tpu.dma_semaphore, #tpu.memory_space<semaphore_mem>>
        %dma_wait3A_638 = arith.constant 0 : i32
        %dma_wait3A_639 = arith.constant 0 : i32
        %dma_wait3A_640 = tpu.memref_slice %arg9[%dma_wait3A_627, %dma_wait3A_638, %dma_wait3A_639] : memref<8x125x16xf32, #tpu.memory_space<vmem>> -> memref<1x125x16xf32, #tpu.memory_space<vmem>>
        %dma_wait3A_641 = tpu.memref_squeeze %dma_wait3A_640 : memref<1x125x16xf32, #tpu.memory_space<vmem>> -> memref<125x16xf32, #tpu.memory_space<vmem>>
        %dma_wait3A_642 = arith.constant 0 : i32
        %dma_wait3A_643 = arith.constant 0 : i32
        %dma_wait3A_644 = tpu.memref_slice %arg4[%dma_wait3A_642, %dma_wait3A_643] : memref<10000x16xf32, #tpu.memory_space<hbm>> -> memref<125x16xf32, #tpu.memory_space<hbm>>
        tpu.wait_dma2 semaphore(%dma_wait3A_637 : memref<!tpu.dma_semaphore, #tpu.memory_space<semaphore_mem>>) src(%dma_wait3A_644 : memref<125x16xf32, #tpu.memory_space<hbm>>) dst(%dma_wait3A_641 : memref<125x16xf32, #tpu.memory_space<vmem>>)
        %dma_start3A_645 = arith.constant 5 : i32
        %dma_start3A_646 = arith.constant 5 : i32
        %dma_start3A_647 = arith.constant 0 : i32
        %dma_start3A_648 = arith.constant 0 : i32
        %dma_start3A_649 = tpu.memref_slice %arg9[%dma_start3A_645, %dma_start3A_647, %dma_start3A_648] : memref<8x125x16xf32, #tpu.memory_space<vmem>> -> memref<1x125x16xf32, #tpu.memory_space<vmem>>
        %dma_start3A_650 = tpu.memref_squeeze %dma_start3A_649 : memref<1x125x16xf32, #tpu.memory_space<vmem>> -> memref<125x16xf32, #tpu.memory_space<vmem>>
        %dma_start3A_651 = arith.constant 0 : i32
        %dma_start3A_652 = tpu.memref_slice %arg7[%add3A_354, %dma_start3A_651] : memref<16x125xi32, #tpu.memory_space<vmem>> -> memref<1x125xi32, #tpu.memory_space<vmem>>
        %dma_start3A_653 = tpu.memref_squeeze %dma_start3A_652 : memref<1x125xi32, #tpu.memory_space<vmem>> -> memref<125xi32, #tpu.memory_space<vmem>>
        %dma_start3A_654 = arith.constant 0 : i32
        %dma_start3A_655 = arith.constant 0 : i32
        %dma_start3A_656 = tpu.memref_slice %arg4[%dma_start3A_654, %dma_start3A_655] : memref<10000x16xf32, #tpu.memory_space<hbm>> -> memref<10000x16xf32, #tpu.memory_space<hbm>>
        %dma_start3A_657 = tpu.memref_slice %arg11[%dma_start3A_646] : memref<8x!tpu.dma_semaphore, #tpu.memory_space<semaphore_mem>> -> memref<1x!tpu.dma_semaphore, #tpu.memory_space<semaphore_mem>>
        %dma_start3A_658 = tpu.memref_squeeze %dma_start3A_657 : memref<1x!tpu.dma_semaphore, #tpu.memory_space<semaphore_mem>> -> memref<!tpu.dma_semaphore, #tpu.memory_space<semaphore_mem>>
        tpu.enqueue_indirect_dma source(%dma_start3A_656 : memref<10000x16xf32, #tpu.memory_space<hbm>>) target(%dma_start3A_650 : memref<125x16xf32, #tpu.memory_space<vmem>>) offsets(%dma_start3A_653 : memref<125xi32, #tpu.memory_space<vmem>>) semaphore(%dma_start3A_658 : memref<!tpu.dma_semaphore, #tpu.memory_space<semaphore_mem>>)
      } else {
      }
      %add3A_363 = arith.constant 2 : i32
      %add3A_364 = arith.addi %mul3A_279, %add3A_363 : i32
      %dma_wait3A_365 = arith.constant 2 : i32
      %dma_wait3A_366 = arith.constant 2 : i32
      %dma_wait3A_367 = arith.constant 0 : i32
      %dma_wait3A_368 = arith.constant 0 : i32
      %dma_wait3A_369 = tpu.memref_slice %arg9[%dma_wait3A_365, %dma_wait3A_367, %dma_wait3A_368] : memref<8x125x16xf32, #tpu.memory_space<vmem>> -> memref<1x125x16xf32, #tpu.memory_space<vmem>>
      %dma_wait3A_370 = tpu.memref_squeeze %dma_wait3A_369 : memref<1x125x16xf32, #tpu.memory_space<vmem>> -> memref<125x16xf32, #tpu.memory_space<vmem>>
      %dma_wait3A_371 = arith.constant 0 : i32
      %dma_wait3A_372 = arith.constant 0 : i32
      %dma_wait3A_373 = tpu.memref_slice %arg4[%dma_wait3A_371, %dma_wait3A_372] : memref<10000x16xf32, #tpu.memory_space<hbm>> -> memref<125x16xf32, #tpu.memory_space<hbm>>
      %dma_wait3A_374 = tpu.memref_slice %arg11[%dma_wait3A_366] : memref<8x!tpu.dma_semaphore, #tpu.memory_space<semaphore_mem>> -> memref<1x!tpu.dma_semaphore, #tpu.memory_space<semaphore_mem>>
      %dma_wait3A_375 = tpu.memref_squeeze %dma_wait3A_374 : memref<1x!tpu.dma_semaphore, #tpu.memory_space<semaphore_mem>> -> memref<!tpu.dma_semaphore, #tpu.memory_space<semaphore_mem>>
      %dma_wait3A_376 = arith.constant 0 : i32
      %dma_wait3A_377 = arith.constant 0 : i32
      %dma_wait3A_378 = tpu.memref_slice %arg9[%dma_wait3A_365, %dma_wait3A_376, %dma_wait3A_377] : memref<8x125x16xf32, #tpu.memory_space<vmem>> -> memref<1x125x16xf32, #tpu.memory_space<vmem>>
      %dma_wait3A_379 = tpu.memref_squeeze %dma_wait3A_378 : memref<1x125x16xf32, #tpu.memory_space<vmem>> -> memref<125x16xf32, #tpu.memory_space<vmem>>
      %dma_wait3A_380 = arith.constant 0 : i32
      %dma_wait3A_381 = arith.constant 0 : i32
      %dma_wait3A_382 = tpu.memref_slice %arg4[%dma_wait3A_380, %dma_wait3A_381] : memref<10000x16xf32, #tpu.memory_space<hbm>> -> memref<125x16xf32, #tpu.memory_space<hbm>>
      tpu.wait_dma2 semaphore(%dma_wait3A_375 : memref<!tpu.dma_semaphore, #tpu.memory_space<semaphore_mem>>) src(%dma_wait3A_382 : memref<125x16xf32, #tpu.memory_space<hbm>>) dst(%dma_wait3A_379 : memref<125x16xf32, #tpu.memory_space<vmem>>)
      %dma_start3A_383 = arith.constant 2 : i32
      %dma_start3A_384 = arith.constant 2 : i32
      %dma_start3A_385 = arith.constant 0 : i32
      %dma_start3A_386 = arith.constant 0 : i32
      %dma_start3A_387 = tpu.memref_slice %arg9[%dma_start3A_383, %dma_start3A_385, %dma_start3A_386] : memref<8x125x16xf32, #tpu.memory_space<vmem>> -> memref<1x125x16xf32, #tpu.memory_space<vmem>>
      %dma_start3A_388 = tpu.memref_squeeze %dma_start3A_387 : memref<1x125x16xf32, #tpu.memory_space<vmem>> -> memref<125x16xf32, #tpu.memory_space<vmem>>
      %dma_start3A_389 = arith.constant 0 : i32
      %dma_start3A_390 = tpu.memref_slice %arg8[%add3A_364, %dma_start3A_389] : memref<16x125xi32, #tpu.memory_space<vmem>> -> memref<1x125xi32, #tpu.memory_space<vmem>>
      %dma_start3A_391 = tpu.memref_squeeze %dma_start3A_390 : memref<1x125xi32, #tpu.memory_space<vmem>> -> memref<125xi32, #tpu.memory_space<vmem>>
      %dma_start3A_392 = arith.constant 0 : i32
      %dma_start3A_393 = arith.constant 0 : i32
      %dma_start3A_394 = tpu.memref_slice %arg10[%dma_start3A_392, %dma_start3A_393] : memref<10240x16xf32, #tpu.memory_space<vmem_shared>> -> memref<10240x16xf32, #tpu.memory_space<vmem_shared>>
      %dma_start3A_395 = tpu.memref_slice %arg12[%dma_start3A_384] : memref<8x!tpu.dma_semaphore, #tpu.memory_space<semaphore_mem>> -> memref<1x!tpu.dma_semaphore, #tpu.memory_space<semaphore_mem>>
      %dma_start3A_396 = tpu.memref_squeeze %dma_start3A_395 : memref<1x!tpu.dma_semaphore, #tpu.memory_space<semaphore_mem>> -> memref<!tpu.dma_semaphore, #tpu.memory_space<semaphore_mem>>
      tpu.enqueue_indirect_dma source(%dma_start3A_388 : memref<125x16xf32, #tpu.memory_space<vmem>>) target(%dma_start3A_394 : memref<10240x16xf32, #tpu.memory_space<vmem_shared>>) offsets(%dma_start3A_391 : memref<125xi32, #tpu.memory_space<vmem>>) semaphore(%dma_start3A_396 : memref<!tpu.dma_semaphore, #tpu.memory_space<semaphore_mem>>) {add = true}
      %add3A_397 = arith.constant 4 : i32
      %add3A_398 = arith.addi %add3A_364, %add3A_397 : i32
      %ge3A_399 = arith.constant 8 : i32
      %ge3A_400 = arith.cmpi sge, %add3A_398, %ge3A_399 : i32
      %lt3A_401 = arith.constant 16 : i32
      %lt3A_402 = arith.cmpi slt, %add3A_398, %lt3A_401 : i32
      %and3A_403 = arith.andi %ge3A_400, %lt3A_402 : i1
      %convert_element_type3A_404 = arith.extui %and3A_403 : i1 to i32
      %cond3A_405 = arith.constant 0 : i32
      %cond3A_406 = arith.cmpi ne, %convert_element_type3A_404, %cond3A_405 : i32
      scf.if %cond3A_406 {
        %dma_wait3A_627 = arith.constant 6 : i32
        %dma_wait3A_628 = arith.constant 6 : i32
        %dma_wait3A_629 = arith.constant 0 : i32
        %dma_wait3A_630 = arith.constant 0 : i32
        %dma_wait3A_631 = tpu.memref_slice %arg9[%dma_wait3A_627, %dma_wait3A_629, %dma_wait3A_630] : memref<8x125x16xf32, #tpu.memory_space<vmem>> -> memref<1x125x16xf32, #tpu.memory_space<vmem>>
        %dma_wait3A_632 = tpu.memref_squeeze %dma_wait3A_631 : memref<1x125x16xf32, #tpu.memory_space<vmem>> -> memref<125x16xf32, #tpu.memory_space<vmem>>
        %dma_wait3A_633 = arith.constant 0 : i32
        %dma_wait3A_634 = arith.constant 0 : i32
        %dma_wait3A_635 = tpu.memref_slice %arg4[%dma_wait3A_633, %dma_wait3A_634] : memref<10000x16xf32, #tpu.memory_space<hbm>> -> memref<125x16xf32, #tpu.memory_space<hbm>>
        %dma_wait3A_636 = tpu.memref_slice %arg12[%dma_wait3A_628] : memref<8x!tpu.dma_semaphore, #tpu.memory_space<semaphore_mem>> -> memref<1x!tpu.dma_semaphore, #tpu.memory_space<semaphore_mem>>
        %dma_wait3A_637 = tpu.memref_squeeze %dma_wait3A_636 : memref<1x!tpu.dma_semaphore, #tpu.memory_space<semaphore_mem>> -> memref<!tpu.dma_semaphore, #tpu.memory_space<semaphore_mem>>
        %dma_wait3A_638 = arith.constant 0 : i32
        %dma_wait3A_639 = arith.constant 0 : i32
        %dma_wait3A_640 = tpu.memref_slice %arg9[%dma_wait3A_627, %dma_wait3A_638, %dma_wait3A_639] : memref<8x125x16xf32, #tpu.memory_space<vmem>> -> memref<1x125x16xf32, #tpu.memory_space<vmem>>
        %dma_wait3A_641 = tpu.memref_squeeze %dma_wait3A_640 : memref<1x125x16xf32, #tpu.memory_space<vmem>> -> memref<125x16xf32, #tpu.memory_space<vmem>>
        %dma_wait3A_642 = arith.constant 0 : i32
        %dma_wait3A_643 = arith.constant 0 : i32
        %dma_wait3A_644 = tpu.memref_slice %arg4[%dma_wait3A_642, %dma_wait3A_643] : memref<10000x16xf32, #tpu.memory_space<hbm>> -> memref<125x16xf32, #tpu.memory_space<hbm>>
        tpu.wait_dma2 semaphore(%dma_wait3A_637 : memref<!tpu.dma_semaphore, #tpu.memory_space<semaphore_mem>>) src(%dma_wait3A_644 : memref<125x16xf32, #tpu.memory_space<hbm>>) dst(%dma_wait3A_641 : memref<125x16xf32, #tpu.memory_space<vmem>>)
        %dma_start3A_645 = arith.constant 6 : i32
        %dma_start3A_646 = arith.constant 6 : i32
        %dma_start3A_647 = arith.constant 0 : i32
        %dma_start3A_648 = arith.constant 0 : i32
        %dma_start3A_649 = tpu.memref_slice %arg9[%dma_start3A_645, %dma_start3A_647, %dma_start3A_648] : memref<8x125x16xf32, #tpu.memory_space<vmem>> -> memref<1x125x16xf32, #tpu.memory_space<vmem>>
        %dma_start3A_650 = tpu.memref_squeeze %dma_start3A_649 : memref<1x125x16xf32, #tpu.memory_space<vmem>> -> memref<125x16xf32, #tpu.memory_space<vmem>>
        %dma_start3A_651 = arith.constant 0 : i32
        %dma_start3A_652 = tpu.memref_slice %arg7[%add3A_398, %dma_start3A_651] : memref<16x125xi32, #tpu.memory_space<vmem>> -> memref<1x125xi32, #tpu.memory_space<vmem>>
        %dma_start3A_653 = tpu.memref_squeeze %dma_start3A_652 : memref<1x125xi32, #tpu.memory_space<vmem>> -> memref<125xi32, #tpu.memory_space<vmem>>
        %dma_start3A_654 = arith.constant 0 : i32
        %dma_start3A_655 = arith.constant 0 : i32
        %dma_start3A_656 = tpu.memref_slice %arg4[%dma_start3A_654, %dma_start3A_655] : memref<10000x16xf32, #tpu.memory_space<hbm>> -> memref<10000x16xf32, #tpu.memory_space<hbm>>
        %dma_start3A_657 = tpu.memref_slice %arg11[%dma_start3A_646] : memref<8x!tpu.dma_semaphore, #tpu.memory_space<semaphore_mem>> -> memref<1x!tpu.dma_semaphore, #tpu.memory_space<semaphore_mem>>
        %dma_start3A_658 = tpu.memref_squeeze %dma_start3A_657 : memref<1x!tpu.dma_semaphore, #tpu.memory_space<semaphore_mem>> -> memref<!tpu.dma_semaphore, #tpu.memory_space<semaphore_mem>>
        tpu.enqueue_indirect_dma source(%dma_start3A_656 : memref<10000x16xf32, #tpu.memory_space<hbm>>) target(%dma_start3A_650 : memref<125x16xf32, #tpu.memory_space<vmem>>) offsets(%dma_start3A_653 : memref<125xi32, #tpu.memory_space<vmem>>) semaphore(%dma_start3A_658 : memref<!tpu.dma_semaphore, #tpu.memory_space<semaphore_mem>>)
      } else {
      }
      %add3A_407 = arith.constant 3 : i32
      %add3A_408 = arith.addi %mul3A_279, %add3A_407 : i32
      %dma_wait3A_409 = arith.constant 3 : i32
      %dma_wait3A_410 = arith.constant 3 : i32
      %dma_wait3A_411 = arith.constant 0 : i32
      %dma_wait3A_412 = arith.constant 0 : i32
      %dma_wait3A_413 = tpu.memref_slice %arg9[%dma_wait3A_409, %dma_wait3A_411, %dma_wait3A_412] : memref<8x125x16xf32, #tpu.memory_space<vmem>> -> memref<1x125x16xf32, #tpu.memory_space<vmem>>
      %dma_wait3A_414 = tpu.memref_squeeze %dma_wait3A_413 : memref<1x125x16xf32, #tpu.memory_space<vmem>> -> memref<125x16xf32, #tpu.memory_space<vmem>>
      %dma_wait3A_415 = arith.constant 0 : i32
      %dma_wait3A_416 = arith.constant 0 : i32
      %dma_wait3A_417 = tpu.memref_slice %arg4[%dma_wait3A_415, %dma_wait3A_416] : memref<10000x16xf32, #tpu.memory_space<hbm>> -> memref<125x16xf32, #tpu.memory_space<hbm>>
      %dma_wait3A_418 = tpu.memref_slice %arg11[%dma_wait3A_410] : memref<8x!tpu.dma_semaphore, #tpu.memory_space<semaphore_mem>> -> memref<1x!tpu.dma_semaphore, #tpu.memory_space<semaphore_mem>>
      %dma_wait3A_419 = tpu.memref_squeeze %dma_wait3A_418 : memref<1x!tpu.dma_semaphore, #tpu.memory_space<semaphore_mem>> -> memref<!tpu.dma_semaphore, #tpu.memory_space<semaphore_mem>>
      %dma_wait3A_420 = arith.constant 0 : i32
      %dma_wait3A_421 = arith.constant 0 : i32
      %dma_wait3A_422 = tpu.memref_slice %arg9[%dma_wait3A_409, %dma_wait3A_420, %dma_wait3A_421] : memref<8x125x16xf32, #tpu.memory_space<vmem>> -> memref<1x125x16xf32, #tpu.memory_space<vmem>>
      %dma_wait3A_423 = tpu.memref_squeeze %dma_wait3A_422 : memref<1x125x16xf32, #tpu.memory_space<vmem>> -> memref<125x16xf32, #tpu.memory_space<vmem>>
      %dma_wait3A_424 = arith.constant 0 : i32
      %dma_wait3A_425 = arith.constant 0 : i32
      %dma_wait3A_426 = tpu.memref_slice %arg4[%dma_wait3A_424, %dma_wait3A_425] : memref<10000x16xf32, #tpu.memory_space<hbm>> -> memref<125x16xf32, #tpu.memory_space<hbm>>
      tpu.wait_dma2 semaphore(%dma_wait3A_419 : memref<!tpu.dma_semaphore, #tpu.memory_space<semaphore_mem>>) src(%dma_wait3A_426 : memref<125x16xf32, #tpu.memory_space<hbm>>) dst(%dma_wait3A_423 : memref<125x16xf32, #tpu.memory_space<vmem>>)
      %dma_start3A_427 = arith.constant 3 : i32
      %dma_start3A_428 = arith.constant 3 : i32
      %dma_start3A_429 = arith.constant 0 : i32
      %dma_start3A_430 = arith.constant 0 : i32
      %dma_start3A_431 = tpu.memref_slice %arg9[%dma_start3A_427, %dma_start3A_429, %dma_start3A_430] : memref<8x125x16xf32, #tpu.memory_space<vmem>> -> memref<1x125x16xf32, #tpu.memory_space<vmem>>
      %dma_start3A_432 = tpu.memref_squeeze %dma_start3A_431 : memref<1x125x16xf32, #tpu.memory_space<vmem>> -> memref<125x16xf32, #tpu.memory_space<vmem>>
      %dma_start3A_433 = arith.constant 0 : i32
      %dma_start3A_434 = tpu.memref_slice %arg8[%add3A_408, %dma_start3A_433] : memref<16x125xi32, #tpu.memory_space<vmem>> -> memref<1x125xi32, #tpu.memory_space<vmem>>
      %dma_start3A_435 = tpu.memref_squeeze %dma_start3A_434 : memref<1x125xi32, #tpu.memory_space<vmem>> -> memref<125xi32, #tpu.memory_space<vmem>>
      %dma_start3A_436 = arith.constant 0 : i32
      %dma_start3A_437 = arith.constant 0 : i32
      %dma_start3A_438 = tpu.memref_slice %arg10[%dma_start3A_436, %dma_start3A_437] : memref<10240x16xf32, #tpu.memory_space<vmem_shared>> -> memref<10240x16xf32, #tpu.memory_space<vmem_shared>>
      %dma_start3A_439 = tpu.memref_slice %arg12[%dma_start3A_428] : memref<8x!tpu.dma_semaphore, #tpu.memory_space<semaphore_mem>> -> memref<1x!tpu.dma_semaphore, #tpu.memory_space<semaphore_mem>>
      %dma_start3A_440 = tpu.memref_squeeze %dma_start3A_439 : memref<1x!tpu.dma_semaphore, #tpu.memory_space<semaphore_mem>> -> memref<!tpu.dma_semaphore, #tpu.memory_space<semaphore_mem>>
      tpu.enqueue_indirect_dma source(%dma_start3A_432 : memref<125x16xf32, #tpu.memory_space<vmem>>) target(%dma_start3A_438 : memref<10240x16xf32, #tpu.memory_space<vmem_shared>>) offsets(%dma_start3A_435 : memref<125xi32, #tpu.memory_space<vmem>>) semaphore(%dma_start3A_440 : memref<!tpu.dma_semaphore, #tpu.memory_space<semaphore_mem>>) {add = true}
      %add3A_441 = arith.constant 4 : i32
      %add3A_442 = arith.addi %add3A_408, %add3A_441 : i32
      %ge3A_443 = arith.constant 8 : i32
      %ge3A_444 = arith.cmpi sge, %add3A_442, %ge3A_443 : i32
      %lt3A_445 = arith.constant 16 : i32
      %lt3A_446 = arith.cmpi slt, %add3A_442, %lt3A_445 : i32
      %and3A_447 = arith.andi %ge3A_444, %lt3A_446 : i1
      %convert_element_type3A_448 = arith.extui %and3A_447 : i1 to i32
      %cond3A_449 = arith.constant 0 : i32
      %cond3A_450 = arith.cmpi ne, %convert_element_type3A_448, %cond3A_449 : i32
      scf.if %cond3A_450 {
        %dma_wait3A_627 = arith.constant 7 : i32
        %dma_wait3A_628 = arith.constant 7 : i32
        %dma_wait3A_629 = arith.constant 0 : i32
        %dma_wait3A_630 = arith.constant 0 : i32
        %dma_wait3A_631 = tpu.memref_slice %arg9[%dma_wait3A_627, %dma_wait3A_629, %dma_wait3A_630] : memref<8x125x16xf32, #tpu.memory_space<vmem>> -> memref<1x125x16xf32, #tpu.memory_space<vmem>>
        %dma_wait3A_632 = tpu.memref_squeeze %dma_wait3A_631 : memref<1x125x16xf32, #tpu.memory_space<vmem>> -> memref<125x16xf32, #tpu.memory_space<vmem>>
        %dma_wait3A_633 = arith.constant 0 : i32
        %dma_wait3A_634 = arith.constant 0 : i32
        %dma_wait3A_635 = tpu.memref_slice %arg4[%dma_wait3A_633, %dma_wait3A_634] : memref<10000x16xf32, #tpu.memory_space<hbm>> -> memref<125x16xf32, #tpu.memory_space<hbm>>
        %dma_wait3A_636 = tpu.memref_slice %arg12[%dma_wait3A_628] : memref<8x!tpu.dma_semaphore, #tpu.memory_space<semaphore_mem>> -> memref<1x!tpu.dma_semaphore, #tpu.memory_space<semaphore_mem>>
        %dma_wait3A_637 = tpu.memref_squeeze %dma_wait3A_636 : memref<1x!tpu.dma_semaphore, #tpu.memory_space<semaphore_mem>> -> memref<!tpu.dma_semaphore, #tpu.memory_space<semaphore_mem>>
        %dma_wait3A_638 = arith.constant 0 : i32
        %dma_wait3A_639 = arith.constant 0 : i32
        %dma_wait3A_640 = tpu.memref_slice %arg9[%dma_wait3A_627, %dma_wait3A_638, %dma_wait3A_639] : memref<8x125x16xf32, #tpu.memory_space<vmem>> -> memref<1x125x16xf32, #tpu.memory_space<vmem>>
        %dma_wait3A_641 = tpu.memref_squeeze %dma_wait3A_640 : memref<1x125x16xf32, #tpu.memory_space<vmem>> -> memref<125x16xf32, #tpu.memory_space<vmem>>
        %dma_wait3A_642 = arith.constant 0 : i32
        %dma_wait3A_643 = arith.constant 0 : i32
        %dma_wait3A_644 = tpu.memref_slice %arg4[%dma_wait3A_642, %dma_wait3A_643] : memref<10000x16xf32, #tpu.memory_space<hbm>> -> memref<125x16xf32, #tpu.memory_space<hbm>>
        tpu.wait_dma2 semaphore(%dma_wait3A_637 : memref<!tpu.dma_semaphore, #tpu.memory_space<semaphore_mem>>) src(%dma_wait3A_644 : memref<125x16xf32, #tpu.memory_space<hbm>>) dst(%dma_wait3A_641 : memref<125x16xf32, #tpu.memory_space<vmem>>)
        %dma_start3A_645 = arith.constant 7 : i32
        %dma_start3A_646 = arith.constant 7 : i32
        %dma_start3A_647 = arith.constant 0 : i32
        %dma_start3A_648 = arith.constant 0 : i32
        %dma_start3A_649 = tpu.memref_slice %arg9[%dma_start3A_645, %dma_start3A_647, %dma_start3A_648] : memref<8x125x16xf32, #tpu.memory_space<vmem>> -> memref<1x125x16xf32, #tpu.memory_space<vmem>>
        %dma_start3A_650 = tpu.memref_squeeze %dma_start3A_649 : memref<1x125x16xf32, #tpu.memory_space<vmem>> -> memref<125x16xf32, #tpu.memory_space<vmem>>
        %dma_start3A_651 = arith.constant 0 : i32
        %dma_start3A_652 = tpu.memref_slice %arg7[%add3A_442, %dma_start3A_651] : memref<16x125xi32, #tpu.memory_space<vmem>> -> memref<1x125xi32, #tpu.memory_space<vmem>>
        %dma_start3A_653 = tpu.memref_squeeze %dma_start3A_652 : memref<1x125xi32, #tpu.memory_space<vmem>> -> memref<125xi32, #tpu.memory_space<vmem>>
        %dma_start3A_654 = arith.constant 0 : i32
        %dma_start3A_655 = arith.constant 0 : i32
        %dma_start3A_656 = tpu.memref_slice %arg4[%dma_start3A_654, %dma_start3A_655] : memref<10000x16xf32, #tpu.memory_space<hbm>> -> memref<10000x16xf32, #tpu.memory_space<hbm>>
        %dma_start3A_657 = tpu.memref_slice %arg11[%dma_start3A_646] : memref<8x!tpu.dma_semaphore, #tpu.memory_space<semaphore_mem>> -> memref<1x!tpu.dma_semaphore, #tpu.memory_space<semaphore_mem>>
        %dma_start3A_658 = tpu.memref_squeeze %dma_start3A_657 : memref<1x!tpu.dma_semaphore, #tpu.memory_space<semaphore_mem>> -> memref<!tpu.dma_semaphore, #tpu.memory_space<semaphore_mem>>
        tpu.enqueue_indirect_dma source(%dma_start3A_656 : memref<10000x16xf32, #tpu.memory_space<hbm>>) target(%dma_start3A_650 : memref<125x16xf32, #tpu.memory_space<vmem>>) offsets(%dma_start3A_653 : memref<125xi32, #tpu.memory_space<vmem>>) semaphore(%dma_start3A_658 : memref<!tpu.dma_semaphore, #tpu.memory_space<semaphore_mem>>)
      } else {
      }
      %add3A_451 = arith.constant 4 : i32
      %add3A_452 = arith.addi %mul3A_279, %add3A_451 : i32
      %dma_wait3A_453 = arith.constant 4 : i32
      %dma_wait3A_454 = arith.constant 4 : i32
      %dma_wait3A_455 = arith.constant 0 : i32
      %dma_wait3A_456 = arith.constant 0 : i32
      %dma_wait3A_457 = tpu.memref_slice %arg9[%dma_wait3A_453, %dma_wait3A_455, %dma_wait3A_456] : memref<8x125x16xf32, #tpu.memory_space<vmem>> -> memref<1x125x16xf32, #tpu.memory_space<vmem>>
      %dma_wait3A_458 = tpu.memref_squeeze %dma_wait3A_457 : memref<1x125x16xf32, #tpu.memory_space<vmem>> -> memref<125x16xf32, #tpu.memory_space<vmem>>
      %dma_wait3A_459 = arith.constant 0 : i32
      %dma_wait3A_460 = arith.constant 0 : i32
      %dma_wait3A_461 = tpu.memref_slice %arg4[%dma_wait3A_459, %dma_wait3A_460] : memref<10000x16xf32, #tpu.memory_space<hbm>> -> memref<125x16xf32, #tpu.memory_space<hbm>>
      %dma_wait3A_462 = tpu.memref_slice %arg11[%dma_wait3A_454] : memref<8x!tpu.dma_semaphore, #tpu.memory_space<semaphore_mem>> -> memref<1x!tpu.dma_semaphore, #tpu.memory_space<semaphore_mem>>
      %dma_wait3A_463 = tpu.memref_squeeze %dma_wait3A_462 : memref<1x!tpu.dma_semaphore, #tpu.memory_space<semaphore_mem>> -> memref<!tpu.dma_semaphore, #tpu.memory_space<semaphore_mem>>
      %dma_wait3A_464 = arith.constant 0 : i32
      %dma_wait3A_465 = arith.constant 0 : i32
      %dma_wait3A_466 = tpu.memref_slice %arg9[%dma_wait3A_453, %dma_wait3A_464, %dma_wait3A_465] : memref<8x125x16xf32, #tpu.memory_space<vmem>> -> memref<1x125x16xf32, #tpu.memory_space<vmem>>
      %dma_wait3A_467 = tpu.memref_squeeze %dma_wait3A_466 : memref<1x125x16xf32, #tpu.memory_space<vmem>> -> memref<125x16xf32, #tpu.memory_space<vmem>>
      %dma_wait3A_468 = arith.constant 0 : i32
      %dma_wait3A_469 = arith.constant 0 : i32
      %dma_wait3A_470 = tpu.memref_slice %arg4[%dma_wait3A_468, %dma_wait3A_469] : memref<10000x16xf32, #tpu.memory_space<hbm>> -> memref<125x16xf32, #tpu.memory_space<hbm>>
      tpu.wait_dma2 semaphore(%dma_wait3A_463 : memref<!tpu.dma_semaphore, #tpu.memory_space<semaphore_mem>>) src(%dma_wait3A_470 : memref<125x16xf32, #tpu.memory_space<hbm>>) dst(%dma_wait3A_467 : memref<125x16xf32, #tpu.memory_space<vmem>>)
      %dma_start3A_471 = arith.constant 4 : i32
      %dma_start3A_472 = arith.constant 4 : i32
      %dma_start3A_473 = arith.constant 0 : i32
      %dma_start3A_474 = arith.constant 0 : i32
      %dma_start3A_475 = tpu.memref_slice %arg9[%dma_start3A_471, %dma_start3A_473, %dma_start3A_474] : memref<8x125x16xf32, #tpu.memory_space<vmem>> -> memref<1x125x16xf32, #tpu.memory_space<vmem>>
      %dma_start3A_476 = tpu.memref_squeeze %dma_start3A_475 : memref<1x125x16xf32, #tpu.memory_space<vmem>> -> memref<125x16xf32, #tpu.memory_space<vmem>>
      %dma_start3A_477 = arith.constant 0 : i32
      %dma_start3A_478 = tpu.memref_slice %arg8[%add3A_452, %dma_start3A_477] : memref<16x125xi32, #tpu.memory_space<vmem>> -> memref<1x125xi32, #tpu.memory_space<vmem>>
      %dma_start3A_479 = tpu.memref_squeeze %dma_start3A_478 : memref<1x125xi32, #tpu.memory_space<vmem>> -> memref<125xi32, #tpu.memory_space<vmem>>
      %dma_start3A_480 = arith.constant 0 : i32
      %dma_start3A_481 = arith.constant 0 : i32
      %dma_start3A_482 = tpu.memref_slice %arg10[%dma_start3A_480, %dma_start3A_481] : memref<10240x16xf32, #tpu.memory_space<vmem_shared>> -> memref<10240x16xf32, #tpu.memory_space<vmem_shared>>
      %dma_start3A_483 = tpu.memref_slice %arg12[%dma_start3A_472] : memref<8x!tpu.dma_semaphore, #tpu.memory_space<semaphore_mem>> -> memref<1x!tpu.dma_semaphore, #tpu.memory_space<semaphore_mem>>
      %dma_start3A_484 = tpu.memref_squeeze %dma_start3A_483 : memref<1x!tpu.dma_semaphore, #tpu.memory_space<semaphore_mem>> -> memref<!tpu.dma_semaphore, #tpu.memory_space<semaphore_mem>>
      tpu.enqueue_indirect_dma source(%dma_start3A_476 : memref<125x16xf32, #tpu.memory_space<vmem>>) target(%dma_start3A_482 : memref<10240x16xf32, #tpu.memory_space<vmem_shared>>) offsets(%dma_start3A_479 : memref<125xi32, #tpu.memory_space<vmem>>) semaphore(%dma_start3A_484 : memref<!tpu.dma_semaphore, #tpu.memory_space<semaphore_mem>>) {add = true}
      %add3A_485 = arith.constant 4 : i32
      %add3A_486 = arith.addi %add3A_452, %add3A_485 : i32
      %ge3A_487 = arith.constant 8 : i32
      %ge3A_488 = arith.cmpi sge, %add3A_486, %ge3A_487 : i32
      %lt3A_489 = arith.constant 16 : i32
      %lt3A_490 = arith.cmpi slt, %add3A_486, %lt3A_489 : i32
      %and3A_491 = arith.andi %ge3A_488, %lt3A_490 : i1
      %convert_element_type3A_492 = arith.extui %and3A_491 : i1 to i32
      %cond3A_493 = arith.constant 0 : i32
      %cond3A_494 = arith.cmpi ne, %convert_element_type3A_492, %cond3A_493 : i32
      scf.if %cond3A_494 {
        %dma_wait3A_627 = arith.constant 0 : i32
        %dma_wait3A_628 = arith.constant 0 : i32
        %dma_wait3A_629 = arith.constant 0 : i32
        %dma_wait3A_630 = arith.constant 0 : i32
        %dma_wait3A_631 = tpu.memref_slice %arg9[%dma_wait3A_627, %dma_wait3A_629, %dma_wait3A_630] : memref<8x125x16xf32, #tpu.memory_space<vmem>> -> memref<1x125x16xf32, #tpu.memory_space<vmem>>
        %dma_wait3A_632 = tpu.memref_squeeze %dma_wait3A_631 : memref<1x125x16xf32, #tpu.memory_space<vmem>> -> memref<125x16xf32, #tpu.memory_space<vmem>>
        %dma_wait3A_633 = arith.constant 0 : i32
        %dma_wait3A_634 = arith.constant 0 : i32
        %dma_wait3A_635 = tpu.memref_slice %arg4[%dma_wait3A_633, %dma_wait3A_634] : memref<10000x16xf32, #tpu.memory_space<hbm>> -> memref<125x16xf32, #tpu.memory_space<hbm>>
        %dma_wait3A_636 = tpu.memref_slice %arg12[%dma_wait3A_628] : memref<8x!tpu.dma_semaphore, #tpu.memory_space<semaphore_mem>> -> memref<1x!tpu.dma_semaphore, #tpu.memory_space<semaphore_mem>>
        %dma_wait3A_637 = tpu.memref_squeeze %dma_wait3A_636 : memref<1x!tpu.dma_semaphore, #tpu.memory_space<semaphore_mem>> -> memref<!tpu.dma_semaphore, #tpu.memory_space<semaphore_mem>>
        %dma_wait3A_638 = arith.constant 0 : i32
        %dma_wait3A_639 = arith.constant 0 : i32
        %dma_wait3A_640 = tpu.memref_slice %arg9[%dma_wait3A_627, %dma_wait3A_638, %dma_wait3A_639] : memref<8x125x16xf32, #tpu.memory_space<vmem>> -> memref<1x125x16xf32, #tpu.memory_space<vmem>>
        %dma_wait3A_641 = tpu.memref_squeeze %dma_wait3A_640 : memref<1x125x16xf32, #tpu.memory_space<vmem>> -> memref<125x16xf32, #tpu.memory_space<vmem>>
        %dma_wait3A_642 = arith.constant 0 : i32
        %dma_wait3A_643 = arith.constant 0 : i32
        %dma_wait3A_644 = tpu.memref_slice %arg4[%dma_wait3A_642, %dma_wait3A_643] : memref<10000x16xf32, #tpu.memory_space<hbm>> -> memref<125x16xf32, #tpu.memory_space<hbm>>
        tpu.wait_dma2 semaphore(%dma_wait3A_637 : memref<!tpu.dma_semaphore, #tpu.memory_space<semaphore_mem>>) src(%dma_wait3A_644 : memref<125x16xf32, #tpu.memory_space<hbm>>) dst(%dma_wait3A_641 : memref<125x16xf32, #tpu.memory_space<vmem>>)
        %dma_start3A_645 = arith.constant 0 : i32
        %dma_start3A_646 = arith.constant 0 : i32
        %dma_start3A_647 = arith.constant 0 : i32
        %dma_start3A_648 = arith.constant 0 : i32
        %dma_start3A_649 = tpu.memref_slice %arg9[%dma_start3A_645, %dma_start3A_647, %dma_start3A_648] : memref<8x125x16xf32, #tpu.memory_space<vmem>> -> memref<1x125x16xf32, #tpu.memory_space<vmem>>
        %dma_start3A_650 = tpu.memref_squeeze %dma_start3A_649 : memref<1x125x16xf32, #tpu.memory_space<vmem>> -> memref<125x16xf32, #tpu.memory_space<vmem>>
        %dma_start3A_651 = arith.constant 0 : i32
        %dma_start3A_652 = tpu.memref_slice %arg7[%add3A_486, %dma_start3A_651] : memref<16x125xi32, #tpu.memory_space<vmem>> -> memref<1x125xi32, #tpu.memory_space<vmem>>
        %dma_start3A_653 = tpu.memref_squeeze %dma_start3A_652 : memref<1x125xi32, #tpu.memory_space<vmem>> -> memref<125xi32, #tpu.memory_space<vmem>>
        %dma_start3A_654 = arith.constant 0 : i32
        %dma_start3A_655 = arith.constant 0 : i32
        %dma_start3A_656 = tpu.memref_slice %arg4[%dma_start3A_654, %dma_start3A_655] : memref<10000x16xf32, #tpu.memory_space<hbm>> -> memref<10000x16xf32, #tpu.memory_space<hbm>>
        %dma_start3A_657 = tpu.memref_slice %arg11[%dma_start3A_646] : memref<8x!tpu.dma_semaphore, #tpu.memory_space<semaphore_mem>> -> memref<1x!tpu.dma_semaphore, #tpu.memory_space<semaphore_mem>>
        %dma_start3A_658 = tpu.memref_squeeze %dma_start3A_657 : memref<1x!tpu.dma_semaphore, #tpu.memory_space<semaphore_mem>> -> memref<!tpu.dma_semaphore, #tpu.memory_space<semaphore_mem>>
        tpu.enqueue_indirect_dma source(%dma_start3A_656 : memref<10000x16xf32, #tpu.memory_space<hbm>>) target(%dma_start3A_650 : memref<125x16xf32, #tpu.memory_space<vmem>>) offsets(%dma_start3A_653 : memref<125xi32, #tpu.memory_space<vmem>>) semaphore(%dma_start3A_658 : memref<!tpu.dma_semaphore, #tpu.memory_space<semaphore_mem>>)
      } else {
      }
      %add3A_495 = arith.constant 5 : i32
      %add3A_496 = arith.addi %mul3A_279, %add3A_495 : i32
      %dma_wait3A_497 = arith.constant 5 : i32
      %dma_wait3A_498 = arith.constant 5 : i32
      %dma_wait3A_499 = arith.constant 0 : i32
      %dma_wait3A_500 = arith.constant 0 : i32
      %dma_wait3A_501 = tpu.memref_slice %arg9[%dma_wait3A_497, %dma_wait3A_499, %dma_wait3A_500] : memref<8x125x16xf32, #tpu.memory_space<vmem>> -> memref<1x125x16xf32, #tpu.memory_space<vmem>>
      %dma_wait3A_502 = tpu.memref_squeeze %dma_wait3A_501 : memref<1x125x16xf32, #tpu.memory_space<vmem>> -> memref<125x16xf32, #tpu.memory_space<vmem>>
      %dma_wait3A_503 = arith.constant 0 : i32
      %dma_wait3A_504 = arith.constant 0 : i32
      %dma_wait3A_505 = tpu.memref_slice %arg4[%dma_wait3A_503, %dma_wait3A_504] : memref<10000x16xf32, #tpu.memory_space<hbm>> -> memref<125x16xf32, #tpu.memory_space<hbm>>
      %dma_wait3A_506 = tpu.memref_slice %arg11[%dma_wait3A_498] : memref<8x!tpu.dma_semaphore, #tpu.memory_space<semaphore_mem>> -> memref<1x!tpu.dma_semaphore, #tpu.memory_space<semaphore_mem>>
      %dma_wait3A_507 = tpu.memref_squeeze %dma_wait3A_506 : memref<1x!tpu.dma_semaphore, #tpu.memory_space<semaphore_mem>> -> memref<!tpu.dma_semaphore, #tpu.memory_space<semaphore_mem>>
      %dma_wait3A_508 = arith.constant 0 : i32
      %dma_wait3A_509 = arith.constant 0 : i32
      %dma_wait3A_510 = tpu.memref_slice %arg9[%dma_wait3A_497, %dma_wait3A_508, %dma_wait3A_509] : memref<8x125x16xf32, #tpu.memory_space<vmem>> -> memref<1x125x16xf32, #tpu.memory_space<vmem>>
      %dma_wait3A_511 = tpu.memref_squeeze %dma_wait3A_510 : memref<1x125x16xf32, #tpu.memory_space<vmem>> -> memref<125x16xf32, #tpu.memory_space<vmem>>
      %dma_wait3A_512 = arith.constant 0 : i32
      %dma_wait3A_513 = arith.constant 0 : i32
      %dma_wait3A_514 = tpu.memref_slice %arg4[%dma_wait3A_512, %dma_wait3A_513] : memref<10000x16xf32, #tpu.memory_space<hbm>> -> memref<125x16xf32, #tpu.memory_space<hbm>>
      tpu.wait_dma2 semaphore(%dma_wait3A_507 : memref<!tpu.dma_semaphore, #tpu.memory_space<semaphore_mem>>) src(%dma_wait3A_514 : memref<125x16xf32, #tpu.memory_space<hbm>>) dst(%dma_wait3A_511 : memref<125x16xf32, #tpu.memory_space<vmem>>)
      %dma_start3A_515 = arith.constant 5 : i32
      %dma_start3A_516 = arith.constant 5 : i32
      %dma_start3A_517 = arith.constant 0 : i32
      %dma_start3A_518 = arith.constant 0 : i32
      %dma_start3A_519 = tpu.memref_slice %arg9[%dma_start3A_515, %dma_start3A_517, %dma_start3A_518] : memref<8x125x16xf32, #tpu.memory_space<vmem>> -> memref<1x125x16xf32, #tpu.memory_space<vmem>>
      %dma_start3A_520 = tpu.memref_squeeze %dma_start3A_519 : memref<1x125x16xf32, #tpu.memory_space<vmem>> -> memref<125x16xf32, #tpu.memory_space<vmem>>
      %dma_start3A_521 = arith.constant 0 : i32
      %dma_start3A_522 = tpu.memref_slice %arg8[%add3A_496, %dma_start3A_521] : memref<16x125xi32, #tpu.memory_space<vmem>> -> memref<1x125xi32, #tpu.memory_space<vmem>>
      %dma_start3A_523 = tpu.memref_squeeze %dma_start3A_522 : memref<1x125xi32, #tpu.memory_space<vmem>> -> memref<125xi32, #tpu.memory_space<vmem>>
      %dma_start3A_524 = arith.constant 0 : i32
      %dma_start3A_525 = arith.constant 0 : i32
      %dma_start3A_526 = tpu.memref_slice %arg10[%dma_start3A_524, %dma_start3A_525] : memref<10240x16xf32, #tpu.memory_space<vmem_shared>> -> memref<10240x16xf32, #tpu.memory_space<vmem_shared>>
      %dma_start3A_527 = tpu.memref_slice %arg12[%dma_start3A_516] : memref<8x!tpu.dma_semaphore, #tpu.memory_space<semaphore_mem>> -> memref<1x!tpu.dma_semaphore, #tpu.memory_space<semaphore_mem>>
      %dma_start3A_528 = tpu.memref_squeeze %dma_start3A_527 : memref<1x!tpu.dma_semaphore, #tpu.memory_space<semaphore_mem>> -> memref<!tpu.dma_semaphore, #tpu.memory_space<semaphore_mem>>
      tpu.enqueue_indirect_dma source(%dma_start3A_520 : memref<125x16xf32, #tpu.memory_space<vmem>>) target(%dma_start3A_526 : memref<10240x16xf32, #tpu.memory_space<vmem_shared>>) offsets(%dma_start3A_523 : memref<125xi32, #tpu.memory_space<vmem>>) semaphore(%dma_start3A_528 : memref<!tpu.dma_semaphore, #tpu.memory_space<semaphore_mem>>) {add = true}
      %add3A_529 = arith.constant 4 : i32
      %add3A_530 = arith.addi %add3A_496, %add3A_529 : i32
      %ge3A_531 = arith.constant 8 : i32
      %ge3A_532 = arith.cmpi sge, %add3A_530, %ge3A_531 : i32
      %lt3A_533 = arith.constant 16 : i32
      %lt3A_534 = arith.cmpi slt, %add3A_530, %lt3A_533 : i32
      %and3A_535 = arith.andi %ge3A_532, %lt3A_534 : i1
      %convert_element_type3A_536 = arith.extui %and3A_535 : i1 to i32
      %cond3A_537 = arith.constant 0 : i32
      %cond3A_538 = arith.cmpi ne, %convert_element_type3A_536, %cond3A_537 : i32
      scf.if %cond3A_538 {
        %dma_wait3A_627 = arith.constant 1 : i32
        %dma_wait3A_628 = arith.constant 1 : i32
        %dma_wait3A_629 = arith.constant 0 : i32
        %dma_wait3A_630 = arith.constant 0 : i32
        %dma_wait3A_631 = tpu.memref_slice %arg9[%dma_wait3A_627, %dma_wait3A_629, %dma_wait3A_630] : memref<8x125x16xf32, #tpu.memory_space<vmem>> -> memref<1x125x16xf32, #tpu.memory_space<vmem>>
        %dma_wait3A_632 = tpu.memref_squeeze %dma_wait3A_631 : memref<1x125x16xf32, #tpu.memory_space<vmem>> -> memref<125x16xf32, #tpu.memory_space<vmem>>
        %dma_wait3A_633 = arith.constant 0 : i32
        %dma_wait3A_634 = arith.constant 0 : i32
        %dma_wait3A_635 = tpu.memref_slice %arg4[%dma_wait3A_633, %dma_wait3A_634] : memref<10000x16xf32, #tpu.memory_space<hbm>> -> memref<125x16xf32, #tpu.memory_space<hbm>>
        %dma_wait3A_636 = tpu.memref_slice %arg12[%dma_wait3A_628] : memref<8x!tpu.dma_semaphore, #tpu.memory_space<semaphore_mem>> -> memref<1x!tpu.dma_semaphore, #tpu.memory_space<semaphore_mem>>
        %dma_wait3A_637 = tpu.memref_squeeze %dma_wait3A_636 : memref<1x!tpu.dma_semaphore, #tpu.memory_space<semaphore_mem>> -> memref<!tpu.dma_semaphore, #tpu.memory_space<semaphore_mem>>
        %dma_wait3A_638 = arith.constant 0 : i32
        %dma_wait3A_639 = arith.constant 0 : i32
        %dma_wait3A_640 = tpu.memref_slice %arg9[%dma_wait3A_627, %dma_wait3A_638, %dma_wait3A_639] : memref<8x125x16xf32, #tpu.memory_space<vmem>> -> memref<1x125x16xf32, #tpu.memory_space<vmem>>
        %dma_wait3A_641 = tpu.memref_squeeze %dma_wait3A_640 : memref<1x125x16xf32, #tpu.memory_space<vmem>> -> memref<125x16xf32, #tpu.memory_space<vmem>>
        %dma_wait3A_642 = arith.constant 0 : i32
        %dma_wait3A_643 = arith.constant 0 : i32
        %dma_wait3A_644 = tpu.memref_slice %arg4[%dma_wait3A_642, %dma_wait3A_643] : memref<10000x16xf32, #tpu.memory_space<hbm>> -> memref<125x16xf32, #tpu.memory_space<hbm>>
        tpu.wait_dma2 semaphore(%dma_wait3A_637 : memref<!tpu.dma_semaphore, #tpu.memory_space<semaphore_mem>>) src(%dma_wait3A_644 : memref<125x16xf32, #tpu.memory_space<hbm>>) dst(%dma_wait3A_641 : memref<125x16xf32, #tpu.memory_space<vmem>>)
        %dma_start3A_645 = arith.constant 1 : i32
        %dma_start3A_646 = arith.constant 1 : i32
        %dma_start3A_647 = arith.constant 0 : i32
        %dma_start3A_648 = arith.constant 0 : i32
        %dma_start3A_649 = tpu.memref_slice %arg9[%dma_start3A_645, %dma_start3A_647, %dma_start3A_648] : memref<8x125x16xf32, #tpu.memory_space<vmem>> -> memref<1x125x16xf32, #tpu.memory_space<vmem>>
        %dma_start3A_650 = tpu.memref_squeeze %dma_start3A_649 : memref<1x125x16xf32, #tpu.memory_space<vmem>> -> memref<125x16xf32, #tpu.memory_space<vmem>>
        %dma_start3A_651 = arith.constant 0 : i32
        %dma_start3A_652 = tpu.memref_slice %arg7[%add3A_530, %dma_start3A_651] : memref<16x125xi32, #tpu.memory_space<vmem>> -> memref<1x125xi32, #tpu.memory_space<vmem>>
        %dma_start3A_653 = tpu.memref_squeeze %dma_start3A_652 : memref<1x125xi32, #tpu.memory_space<vmem>> -> memref<125xi32, #tpu.memory_space<vmem>>
        %dma_start3A_654 = arith.constant 0 : i32
        %dma_start3A_655 = arith.constant 0 : i32
        %dma_start3A_656 = tpu.memref_slice %arg4[%dma_start3A_654, %dma_start3A_655] : memref<10000x16xf32, #tpu.memory_space<hbm>> -> memref<10000x16xf32, #tpu.memory_space<hbm>>
        %dma_start3A_657 = tpu.memref_slice %arg11[%dma_start3A_646] : memref<8x!tpu.dma_semaphore, #tpu.memory_space<semaphore_mem>> -> memref<1x!tpu.dma_semaphore, #tpu.memory_space<semaphore_mem>>
        %dma_start3A_658 = tpu.memref_squeeze %dma_start3A_657 : memref<1x!tpu.dma_semaphore, #tpu.memory_space<semaphore_mem>> -> memref<!tpu.dma_semaphore, #tpu.memory_space<semaphore_mem>>
        tpu.enqueue_indirect_dma source(%dma_start3A_656 : memref<10000x16xf32, #tpu.memory_space<hbm>>) target(%dma_start3A_650 : memref<125x16xf32, #tpu.memory_space<vmem>>) offsets(%dma_start3A_653 : memref<125xi32, #tpu.memory_space<vmem>>) semaphore(%dma_start3A_658 : memref<!tpu.dma_semaphore, #tpu.memory_space<semaphore_mem>>)
      } else {
      }
      %add3A_539 = arith.constant 6 : i32
      %add3A_540 = arith.addi %mul3A_279, %add3A_539 : i32
      %dma_wait3A_541 = arith.constant 6 : i32
      %dma_wait3A_542 = arith.constant 6 : i32
      %dma_wait3A_543 = arith.constant 0 : i32
      %dma_wait3A_544 = arith.constant 0 : i32
      %dma_wait3A_545 = tpu.memref_slice %arg9[%dma_wait3A_541, %dma_wait3A_543, %dma_wait3A_544] : memref<8x125x16xf32, #tpu.memory_space<vmem>> -> memref<1x125x16xf32, #tpu.memory_space<vmem>>
      %dma_wait3A_546 = tpu.memref_squeeze %dma_wait3A_545 : memref<1x125x16xf32, #tpu.memory_space<vmem>> -> memref<125x16xf32, #tpu.memory_space<vmem>>
      %dma_wait3A_547 = arith.constant 0 : i32
      %dma_wait3A_548 = arith.constant 0 : i32
      %dma_wait3A_549 = tpu.memref_slice %arg4[%dma_wait3A_547, %dma_wait3A_548] : memref<10000x16xf32, #tpu.memory_space<hbm>> -> memref<125x16xf32, #tpu.memory_space<hbm>>
      %dma_wait3A_550 = tpu.memref_slice %arg11[%dma_wait3A_542] : memref<8x!tpu.dma_semaphore, #tpu.memory_space<semaphore_mem>> -> memref<1x!tpu.dma_semaphore, #tpu.memory_space<semaphore_mem>>
      %dma_wait3A_551 = tpu.memref_squeeze %dma_wait3A_550 : memref<1x!tpu.dma_semaphore, #tpu.memory_space<semaphore_mem>> -> memref<!tpu.dma_semaphore, #tpu.memory_space<semaphore_mem>>
      %dma_wait3A_552 = arith.constant 0 : i32
      %dma_wait3A_553 = arith.constant 0 : i32
      %dma_wait3A_554 = tpu.memref_slice %arg9[%dma_wait3A_541, %dma_wait3A_552, %dma_wait3A_553] : memref<8x125x16xf32, #tpu.memory_space<vmem>> -> memref<1x125x16xf32, #tpu.memory_space<vmem>>
      %dma_wait3A_555 = tpu.memref_squeeze %dma_wait3A_554 : memref<1x125x16xf32, #tpu.memory_space<vmem>> -> memref<125x16xf32, #tpu.memory_space<vmem>>
      %dma_wait3A_556 = arith.constant 0 : i32
      %dma_wait3A_557 = arith.constant 0 : i32
      %dma_wait3A_558 = tpu.memref_slice %arg4[%dma_wait3A_556, %dma_wait3A_557] : memref<10000x16xf32, #tpu.memory_space<hbm>> -> memref<125x16xf32, #tpu.memory_space<hbm>>
      tpu.wait_dma2 semaphore(%dma_wait3A_551 : memref<!tpu.dma_semaphore, #tpu.memory_space<semaphore_mem>>) src(%dma_wait3A_558 : memref<125x16xf32, #tpu.memory_space<hbm>>) dst(%dma_wait3A_555 : memref<125x16xf32, #tpu.memory_space<vmem>>)
      %dma_start3A_559 = arith.constant 6 : i32
      %dma_start3A_560 = arith.constant 6 : i32
      %dma_start3A_561 = arith.constant 0 : i32
      %dma_start3A_562 = arith.constant 0 : i32
      %dma_start3A_563 = tpu.memref_slice %arg9[%dma_start3A_559, %dma_start3A_561, %dma_start3A_562] : memref<8x125x16xf32, #tpu.memory_space<vmem>> -> memref<1x125x16xf32, #tpu.memory_space<vmem>>
      %dma_start3A_564 = tpu.memref_squeeze %dma_start3A_563 : memref<1x125x16xf32, #tpu.memory_space<vmem>> -> memref<125x16xf32, #tpu.memory_space<vmem>>
      %dma_start3A_565 = arith.constant 0 : i32
      %dma_start3A_566 = tpu.memref_slice %arg8[%add3A_540, %dma_start3A_565] : memref<16x125xi32, #tpu.memory_space<vmem>> -> memref<1x125xi32, #tpu.memory_space<vmem>>
      %dma_start3A_567 = tpu.memref_squeeze %dma_start3A_566 : memref<1x125xi32, #tpu.memory_space<vmem>> -> memref<125xi32, #tpu.memory_space<vmem>>
      %dma_start3A_568 = arith.constant 0 : i32
      %dma_start3A_569 = arith.constant 0 : i32
      %dma_start3A_570 = tpu.memref_slice %arg10[%dma_start3A_568, %dma_start3A_569] : memref<10240x16xf32, #tpu.memory_space<vmem_shared>> -> memref<10240x16xf32, #tpu.memory_space<vmem_shared>>
      %dma_start3A_571 = tpu.memref_slice %arg12[%dma_start3A_560] : memref<8x!tpu.dma_semaphore, #tpu.memory_space<semaphore_mem>> -> memref<1x!tpu.dma_semaphore, #tpu.memory_space<semaphore_mem>>
      %dma_start3A_572 = tpu.memref_squeeze %dma_start3A_571 : memref<1x!tpu.dma_semaphore, #tpu.memory_space<semaphore_mem>> -> memref<!tpu.dma_semaphore, #tpu.memory_space<semaphore_mem>>
      tpu.enqueue_indirect_dma source(%dma_start3A_564 : memref<125x16xf32, #tpu.memory_space<vmem>>) target(%dma_start3A_570 : memref<10240x16xf32, #tpu.memory_space<vmem_shared>>) offsets(%dma_start3A_567 : memref<125xi32, #tpu.memory_space<vmem>>) semaphore(%dma_start3A_572 : memref<!tpu.dma_semaphore, #tpu.memory_space<semaphore_mem>>) {add = true}
      %add3A_573 = arith.constant 4 : i32
      %add3A_574 = arith.addi %add3A_540, %add3A_573 : i32
      %ge3A_575 = arith.constant 8 : i32
      %ge3A_576 = arith.cmpi sge, %add3A_574, %ge3A_575 : i32
      %lt3A_577 = arith.constant 16 : i32
      %lt3A_578 = arith.cmpi slt, %add3A_574, %lt3A_577 : i32
      %and3A_579 = arith.andi %ge3A_576, %lt3A_578 : i1
      %convert_element_type3A_580 = arith.extui %and3A_579 : i1 to i32
      %cond3A_581 = arith.constant 0 : i32
      %cond3A_582 = arith.cmpi ne, %convert_element_type3A_580, %cond3A_581 : i32
      scf.if %cond3A_582 {
        %dma_wait3A_627 = arith.constant 2 : i32
        %dma_wait3A_628 = arith.constant 2 : i32
        %dma_wait3A_629 = arith.constant 0 : i32
        %dma_wait3A_630 = arith.constant 0 : i32
        %dma_wait3A_631 = tpu.memref_slice %arg9[%dma_wait3A_627, %dma_wait3A_629, %dma_wait3A_630] : memref<8x125x16xf32, #tpu.memory_space<vmem>> -> memref<1x125x16xf32, #tpu.memory_space<vmem>>
        %dma_wait3A_632 = tpu.memref_squeeze %dma_wait3A_631 : memref<1x125x16xf32, #tpu.memory_space<vmem>> -> memref<125x16xf32, #tpu.memory_space<vmem>>
        %dma_wait3A_633 = arith.constant 0 : i32
        %dma_wait3A_634 = arith.constant 0 : i32
        %dma_wait3A_635 = tpu.memref_slice %arg4[%dma_wait3A_633, %dma_wait3A_634] : memref<10000x16xf32, #tpu.memory_space<hbm>> -> memref<125x16xf32, #tpu.memory_space<hbm>>
        %dma_wait3A_636 = tpu.memref_slice %arg12[%dma_wait3A_628] : memref<8x!tpu.dma_semaphore, #tpu.memory_space<semaphore_mem>> -> memref<1x!tpu.dma_semaphore, #tpu.memory_space<semaphore_mem>>
        %dma_wait3A_637 = tpu.memref_squeeze %dma_wait3A_636 : memref<1x!tpu.dma_semaphore, #tpu.memory_space<semaphore_mem>> -> memref<!tpu.dma_semaphore, #tpu.memory_space<semaphore_mem>>
        %dma_wait3A_638 = arith.constant 0 : i32
        %dma_wait3A_639 = arith.constant 0 : i32
        %dma_wait3A_640 = tpu.memref_slice %arg9[%dma_wait3A_627, %dma_wait3A_638, %dma_wait3A_639] : memref<8x125x16xf32, #tpu.memory_space<vmem>> -> memref<1x125x16xf32, #tpu.memory_space<vmem>>
        %dma_wait3A_641 = tpu.memref_squeeze %dma_wait3A_640 : memref<1x125x16xf32, #tpu.memory_space<vmem>> -> memref<125x16xf32, #tpu.memory_space<vmem>>
        %dma_wait3A_642 = arith.constant 0 : i32
        %dma_wait3A_643 = arith.constant 0 : i32
        %dma_wait3A_644 = tpu.memref_slice %arg4[%dma_wait3A_642, %dma_wait3A_643] : memref<10000x16xf32, #tpu.memory_space<hbm>> -> memref<125x16xf32, #tpu.memory_space<hbm>>
        tpu.wait_dma2 semaphore(%dma_wait3A_637 : memref<!tpu.dma_semaphore, #tpu.memory_space<semaphore_mem>>) src(%dma_wait3A_644 : memref<125x16xf32, #tpu.memory_space<hbm>>) dst(%dma_wait3A_641 : memref<125x16xf32, #tpu.memory_space<vmem>>)
        %dma_start3A_645 = arith.constant 2 : i32
        %dma_start3A_646 = arith.constant 2 : i32
        %dma_start3A_647 = arith.constant 0 : i32
        %dma_start3A_648 = arith.constant 0 : i32
        %dma_start3A_649 = tpu.memref_slice %arg9[%dma_start3A_645, %dma_start3A_647, %dma_start3A_648] : memref<8x125x16xf32, #tpu.memory_space<vmem>> -> memref<1x125x16xf32, #tpu.memory_space<vmem>>
        %dma_start3A_650 = tpu.memref_squeeze %dma_start3A_649 : memref<1x125x16xf32, #tpu.memory_space<vmem>> -> memref<125x16xf32, #tpu.memory_space<vmem>>
        %dma_start3A_651 = arith.constant 0 : i32
        %dma_start3A_652 = tpu.memref_slice %arg7[%add3A_574, %dma_start3A_651] : memref<16x125xi32, #tpu.memory_space<vmem>> -> memref<1x125xi32, #tpu.memory_space<vmem>>
        %dma_start3A_653 = tpu.memref_squeeze %dma_start3A_652 : memref<1x125xi32, #tpu.memory_space<vmem>> -> memref<125xi32, #tpu.memory_space<vmem>>
        %dma_start3A_654 = arith.constant 0 : i32
        %dma_start3A_655 = arith.constant 0 : i32
        %dma_start3A_656 = tpu.memref_slice %arg4[%dma_start3A_654, %dma_start3A_655] : memref<10000x16xf32, #tpu.memory_space<hbm>> -> memref<10000x16xf32, #tpu.memory_space<hbm>>
        %dma_start3A_657 = tpu.memref_slice %arg11[%dma_start3A_646] : memref<8x!tpu.dma_semaphore, #tpu.memory_space<semaphore_mem>> -> memref<1x!tpu.dma_semaphore, #tpu.memory_space<semaphore_mem>>
        %dma_start3A_658 = tpu.memref_squeeze %dma_start3A_657 : memref<1x!tpu.dma_semaphore, #tpu.memory_space<semaphore_mem>> -> memref<!tpu.dma_semaphore, #tpu.memory_space<semaphore_mem>>
        tpu.enqueue_indirect_dma source(%dma_start3A_656 : memref<10000x16xf32, #tpu.memory_space<hbm>>) target(%dma_start3A_650 : memref<125x16xf32, #tpu.memory_space<vmem>>) offsets(%dma_start3A_653 : memref<125xi32, #tpu.memory_space<vmem>>) semaphore(%dma_start3A_658 : memref<!tpu.dma_semaphore, #tpu.memory_space<semaphore_mem>>)
      } else {
      }
      %add3A_583 = arith.constant 7 : i32
      %add3A_584 = arith.addi %mul3A_279, %add3A_583 : i32
      %dma_wait3A_585 = arith.constant 7 : i32
      %dma_wait3A_586 = arith.constant 7 : i32
      %dma_wait3A_587 = arith.constant 0 : i32
      %dma_wait3A_588 = arith.constant 0 : i32
      %dma_wait3A_589 = tpu.memref_slice %arg9[%dma_wait3A_585, %dma_wait3A_587, %dma_wait3A_588] : memref<8x125x16xf32, #tpu.memory_space<vmem>> -> memref<1x125x16xf32, #tpu.memory_space<vmem>>
      %dma_wait3A_590 = tpu.memref_squeeze %dma_wait3A_589 : memref<1x125x16xf32, #tpu.memory_space<vmem>> -> memref<125x16xf32, #tpu.memory_space<vmem>>
      %dma_wait3A_591 = arith.constant 0 : i32
      %dma_wait3A_592 = arith.constant 0 : i32
      %dma_wait3A_593 = tpu.memref_slice %arg4[%dma_wait3A_591, %dma_wait3A_592] : memref<10000x16xf32, #tpu.memory_space<hbm>> -> memref<125x16xf32, #tpu.memory_space<hbm>>
      %dma_wait3A_594 = tpu.memref_slice %arg11[%dma_wait3A_586] : memref<8x!tpu.dma_semaphore, #tpu.memory_space<semaphore_mem>> -> memref<1x!tpu.dma_semaphore, #tpu.memory_space<semaphore_mem>>
      %dma_wait3A_595 = tpu.memref_squeeze %dma_wait3A_594 : memref<1x!tpu.dma_semaphore, #tpu.memory_space<semaphore_mem>> -> memref<!tpu.dma_semaphore, #tpu.memory_space<semaphore_mem>>
      %dma_wait3A_596 = arith.constant 0 : i32
      %dma_wait3A_597 = arith.constant 0 : i32
      %dma_wait3A_598 = tpu.memref_slice %arg9[%dma_wait3A_585, %dma_wait3A_596, %dma_wait3A_597] : memref<8x125x16xf32, #tpu.memory_space<vmem>> -> memref<1x125x16xf32, #tpu.memory_space<vmem>>
      %dma_wait3A_599 = tpu.memref_squeeze %dma_wait3A_598 : memref<1x125x16xf32, #tpu.memory_space<vmem>> -> memref<125x16xf32, #tpu.memory_space<vmem>>
      %dma_wait3A_600 = arith.constant 0 : i32
      %dma_wait3A_601 = arith.constant 0 : i32
      %dma_wait3A_602 = tpu.memref_slice %arg4[%dma_wait3A_600, %dma_wait3A_601] : memref<10000x16xf32, #tpu.memory_space<hbm>> -> memref<125x16xf32, #tpu.memory_space<hbm>>
      tpu.wait_dma2 semaphore(%dma_wait3A_595 : memref<!tpu.dma_semaphore, #tpu.memory_space<semaphore_mem>>) src(%dma_wait3A_602 : memref<125x16xf32, #tpu.memory_space<hbm>>) dst(%dma_wait3A_599 : memref<125x16xf32, #tpu.memory_space<vmem>>)
      %dma_start3A_603 = arith.constant 7 : i32
      %dma_start3A_604 = arith.constant 7 : i32
      %dma_start3A_605 = arith.constant 0 : i32
      %dma_start3A_606 = arith.constant 0 : i32
      %dma_start3A_607 = tpu.memref_slice %arg9[%dma_start3A_603, %dma_start3A_605, %dma_start3A_606] : memref<8x125x16xf32, #tpu.memory_space<vmem>> -> memref<1x125x16xf32, #tpu.memory_space<vmem>>
      %dma_start3A_608 = tpu.memref_squeeze %dma_start3A_607 : memref<1x125x16xf32, #tpu.memory_space<vmem>> -> memref<125x16xf32, #tpu.memory_space<vmem>>
      %dma_start3A_609 = arith.constant 0 : i32
      %dma_start3A_610 = tpu.memref_slice %arg8[%add3A_584, %dma_start3A_609] : memref<16x125xi32, #tpu.memory_space<vmem>> -> memref<1x125xi32, #tpu.memory_space<vmem>>
      %dma_start3A_611 = tpu.memref_squeeze %dma_start3A_610 : memref<1x125xi32, #tpu.memory_space<vmem>> -> memref<125xi32, #tpu.memory_space<vmem>>
      %dma_start3A_612 = arith.constant 0 : i32
      %dma_start3A_613 = arith.constant 0 : i32
      %dma_start3A_614 = tpu.memref_slice %arg10[%dma_start3A_612, %dma_start3A_613] : memref<10240x16xf32, #tpu.memory_space<vmem_shared>> -> memref<10240x16xf32, #tpu.memory_space<vmem_shared>>
      %dma_start3A_615 = tpu.memref_slice %arg12[%dma_start3A_604] : memref<8x!tpu.dma_semaphore, #tpu.memory_space<semaphore_mem>> -> memref<1x!tpu.dma_semaphore, #tpu.memory_space<semaphore_mem>>
      %dma_start3A_616 = tpu.memref_squeeze %dma_start3A_615 : memref<1x!tpu.dma_semaphore, #tpu.memory_space<semaphore_mem>> -> memref<!tpu.dma_semaphore, #tpu.memory_space<semaphore_mem>>
      tpu.enqueue_indirect_dma source(%dma_start3A_608 : memref<125x16xf32, #tpu.memory_space<vmem>>) target(%dma_start3A_614 : memref<10240x16xf32, #tpu.memory_space<vmem_shared>>) offsets(%dma_start3A_611 : memref<125xi32, #tpu.memory_space<vmem>>) semaphore(%dma_start3A_616 : memref<!tpu.dma_semaphore, #tpu.memory_space<semaphore_mem>>) {add = true}
      %add3A_617 = arith.constant 4 : i32
      %add3A_618 = arith.addi %add3A_584, %add3A_617 : i32
      %ge3A_619 = arith.constant 8 : i32
      %ge3A_620 = arith.cmpi sge, %add3A_618, %ge3A_619 : i32
      %lt3A_621 = arith.constant 16 : i32
      %lt3A_622 = arith.cmpi slt, %add3A_618, %lt3A_621 : i32
      %and3A_623 = arith.andi %ge3A_620, %lt3A_622 : i1
      %convert_element_type3A_624 = arith.extui %and3A_623 : i1 to i32
      %cond3A_625 = arith.constant 0 : i32
      %cond3A_626 = arith.cmpi ne, %convert_element_type3A_624, %cond3A_625 : i32
      scf.if %cond3A_626 {
        %dma_wait3A_627 = arith.constant 3 : i32
        %dma_wait3A_628 = arith.constant 3 : i32
        %dma_wait3A_629 = arith.constant 0 : i32
        %dma_wait3A_630 = arith.constant 0 : i32
        %dma_wait3A_631 = tpu.memref_slice %arg9[%dma_wait3A_627, %dma_wait3A_629, %dma_wait3A_630] : memref<8x125x16xf32, #tpu.memory_space<vmem>> -> memref<1x125x16xf32, #tpu.memory_space<vmem>>
        %dma_wait3A_632 = tpu.memref_squeeze %dma_wait3A_631 : memref<1x125x16xf32, #tpu.memory_space<vmem>> -> memref<125x16xf32, #tpu.memory_space<vmem>>
        %dma_wait3A_633 = arith.constant 0 : i32
        %dma_wait3A_634 = arith.constant 0 : i32
        %dma_wait3A_635 = tpu.memref_slice %arg4[%dma_wait3A_633, %dma_wait3A_634] : memref<10000x16xf32, #tpu.memory_space<hbm>> -> memref<125x16xf32, #tpu.memory_space<hbm>>
        %dma_wait3A_636 = tpu.memref_slice %arg12[%dma_wait3A_628] : memref<8x!tpu.dma_semaphore, #tpu.memory_space<semaphore_mem>> -> memref<1x!tpu.dma_semaphore, #tpu.memory_space<semaphore_mem>>
        %dma_wait3A_637 = tpu.memref_squeeze %dma_wait3A_636 : memref<1x!tpu.dma_semaphore, #tpu.memory_space<semaphore_mem>> -> memref<!tpu.dma_semaphore, #tpu.memory_space<semaphore_mem>>
        %dma_wait3A_638 = arith.constant 0 : i32
        %dma_wait3A_639 = arith.constant 0 : i32
        %dma_wait3A_640 = tpu.memref_slice %arg9[%dma_wait3A_627, %dma_wait3A_638, %dma_wait3A_639] : memref<8x125x16xf32, #tpu.memory_space<vmem>> -> memref<1x125x16xf32, #tpu.memory_space<vmem>>
        %dma_wait3A_641 = tpu.memref_squeeze %dma_wait3A_640 : memref<1x125x16xf32, #tpu.memory_space<vmem>> -> memref<125x16xf32, #tpu.memory_space<vmem>>
        %dma_wait3A_642 = arith.constant 0 : i32
        %dma_wait3A_643 = arith.constant 0 : i32
        %dma_wait3A_644 = tpu.memref_slice %arg4[%dma_wait3A_642, %dma_wait3A_643] : memref<10000x16xf32, #tpu.memory_space<hbm>> -> memref<125x16xf32, #tpu.memory_space<hbm>>
        tpu.wait_dma2 semaphore(%dma_wait3A_637 : memref<!tpu.dma_semaphore, #tpu.memory_space<semaphore_mem>>) src(%dma_wait3A_644 : memref<125x16xf32, #tpu.memory_space<hbm>>) dst(%dma_wait3A_641 : memref<125x16xf32, #tpu.memory_space<vmem>>)
        %dma_start3A_645 = arith.constant 3 : i32
        %dma_start3A_646 = arith.constant 3 : i32
        %dma_start3A_647 = arith.constant 0 : i32
        %dma_start3A_648 = arith.constant 0 : i32
        %dma_start3A_649 = tpu.memref_slice %arg9[%dma_start3A_645, %dma_start3A_647, %dma_start3A_648] : memref<8x125x16xf32, #tpu.memory_space<vmem>> -> memref<1x125x16xf32, #tpu.memory_space<vmem>>
        %dma_start3A_650 = tpu.memref_squeeze %dma_start3A_649 : memref<1x125x16xf32, #tpu.memory_space<vmem>> -> memref<125x16xf32, #tpu.memory_space<vmem>>
        %dma_start3A_651 = arith.constant 0 : i32
        %dma_start3A_652 = tpu.memref_slice %arg7[%add3A_618, %dma_start3A_651] : memref<16x125xi32, #tpu.memory_space<vmem>> -> memref<1x125xi32, #tpu.memory_space<vmem>>
        %dma_start3A_653 = tpu.memref_squeeze %dma_start3A_652 : memref<1x125xi32, #tpu.memory_space<vmem>> -> memref<125xi32, #tpu.memory_space<vmem>>
        %dma_start3A_654 = arith.constant 0 : i32
        %dma_start3A_655 = arith.constant 0 : i32
        %dma_start3A_656 = tpu.memref_slice %arg4[%dma_start3A_654, %dma_start3A_655] : memref<10000x16xf32, #tpu.memory_space<hbm>> -> memref<10000x16xf32, #tpu.memory_space<hbm>>
        %dma_start3A_657 = tpu.memref_slice %arg11[%dma_start3A_646] : memref<8x!tpu.dma_semaphore, #tpu.memory_space<semaphore_mem>> -> memref<1x!tpu.dma_semaphore, #tpu.memory_space<semaphore_mem>>
        %dma_start3A_658 = tpu.memref_squeeze %dma_start3A_657 : memref<1x!tpu.dma_semaphore, #tpu.memory_space<semaphore_mem>> -> memref<!tpu.dma_semaphore, #tpu.memory_space<semaphore_mem>>
        tpu.enqueue_indirect_dma source(%dma_start3A_656 : memref<10000x16xf32, #tpu.memory_space<hbm>>) target(%dma_start3A_650 : memref<125x16xf32, #tpu.memory_space<vmem>>) offsets(%dma_start3A_653 : memref<125xi32, #tpu.memory_space<vmem>>) semaphore(%dma_start3A_658 : memref<!tpu.dma_semaphore, #tpu.memory_space<semaphore_mem>>)
      } else {
      }
    }
    %scan3A_128 = arith.constant 2 : i32
    %dma_wait3A = arith.constant 0 : i32
    %dma_wait3A_129 = arith.constant 0 : i32
    %dma_wait3A_130 = arith.constant 0 : i32
    %dma_wait3A_131 = arith.constant 0 : i32
    %dma_wait3A_132 = tpu.memref_slice %arg9[%dma_wait3A, %dma_wait3A_130, %dma_wait3A_131] : memref<8x125x16xf32, #tpu.memory_space<vmem>> -> memref<1x125x16xf32, #tpu.memory_space<vmem>>
    %dma_wait3A_133 = tpu.memref_squeeze %dma_wait3A_132 : memref<1x125x16xf32, #tpu.memory_space<vmem>> -> memref<125x16xf32, #tpu.memory_space<vmem>>
    %dma_wait3A_134 = arith.constant 0 : i32
    %dma_wait3A_135 = arith.constant 0 : i32
    %dma_wait3A_136 = tpu.memref_slice %arg4[%dma_wait3A_134, %dma_wait3A_135] : memref<10000x16xf32, #tpu.memory_space<hbm>> -> memref<125x16xf32, #tpu.memory_space<hbm>>
    %dma_wait3A_137 = tpu.memref_slice %arg12[%dma_wait3A_129] : memref<8x!tpu.dma_semaphore, #tpu.memory_space<semaphore_mem>> -> memref<1x!tpu.dma_semaphore, #tpu.memory_space<semaphore_mem>>
    %dma_wait3A_138 = tpu.memref_squeeze %dma_wait3A_137 : memref<1x!tpu.dma_semaphore, #tpu.memory_space<semaphore_mem>> -> memref<!tpu.dma_semaphore, #tpu.memory_space<semaphore_mem>>
    %dma_wait3A_139 = arith.constant 0 : i32
    %dma_wait3A_140 = arith.constant 0 : i32
    %dma_wait3A_141 = tpu.memref_slice %arg9[%dma_wait3A, %dma_wait3A_139, %dma_wait3A_140] : memref<8x125x16xf32, #tpu.memory_space<vmem>> -> memref<1x125x16xf32, #tpu.memory_space<vmem>>
    %dma_wait3A_142 = tpu.memref_squeeze %dma_wait3A_141 : memref<1x125x16xf32, #tpu.memory_space<vmem>> -> memref<125x16xf32, #tpu.memory_space<vmem>>
    %dma_wait3A_143 = arith.constant 0 : i32
    %dma_wait3A_144 = arith.constant 0 : i32
    %dma_wait3A_145 = tpu.memref_slice %arg4[%dma_wait3A_143, %dma_wait3A_144] : memref<10000x16xf32, #tpu.memory_space<hbm>> -> memref<125x16xf32, #tpu.memory_space<hbm>>
    tpu.wait_dma2 semaphore(%dma_wait3A_138 : memref<!tpu.dma_semaphore, #tpu.memory_space<semaphore_mem>>) src(%dma_wait3A_145 : memref<125x16xf32, #tpu.memory_space<hbm>>) dst(%dma_wait3A_142 : memref<125x16xf32, #tpu.memory_space<vmem>>)
    %dma_wait3A_146 = arith.constant 1 : i32
    %dma_wait3A_147 = arith.constant 1 : i32
    %dma_wait3A_148 = arith.constant 0 : i32
    %dma_wait3A_149 = arith.constant 0 : i32
    %dma_wait3A_150 = tpu.memref_slice %arg9[%dma_wait3A_146, %dma_wait3A_148, %dma_wait3A_149] : memref<8x125x16xf32, #tpu.memory_space<vmem>> -> memref<1x125x16xf32, #tpu.memory_space<vmem>>
    %dma_wait3A_151 = tpu.memref_squeeze %dma_wait3A_150 : memref<1x125x16xf32, #tpu.memory_space<vmem>> -> memref<125x16xf32, #tpu.memory_space<vmem>>
    %dma_wait3A_152 = arith.constant 0 : i32
    %dma_wait3A_153 = arith.constant 0 : i32
    %dma_wait3A_154 = tpu.memref_slice %arg4[%dma_wait3A_152, %dma_wait3A_153] : memref<10000x16xf32, #tpu.memory_space<hbm>> -> memref<125x16xf32, #tpu.memory_space<hbm>>
    %dma_wait3A_155 = tpu.memref_slice %arg12[%dma_wait3A_147] : memref<8x!tpu.dma_semaphore, #tpu.memory_space<semaphore_mem>> -> memref<1x!tpu.dma_semaphore, #tpu.memory_space<semaphore_mem>>
    %dma_wait3A_156 = tpu.memref_squeeze %dma_wait3A_155 : memref<1x!tpu.dma_semaphore, #tpu.memory_space<semaphore_mem>> -> memref<!tpu.dma_semaphore, #tpu.memory_space<semaphore_mem>>
    %dma_wait3A_157 = arith.constant 0 : i32
    %dma_wait3A_158 = arith.constant 0 : i32
    %dma_wait3A_159 = tpu.memref_slice %arg9[%dma_wait3A_146, %dma_wait3A_157, %dma_wait3A_158] : memref<8x125x16xf32, #tpu.memory_space<vmem>> -> memref<1x125x16xf32, #tpu.memory_space<vmem>>
    %dma_wait3A_160 = tpu.memref_squeeze %dma_wait3A_159 : memref<1x125x16xf32, #tpu.memory_space<vmem>> -> memref<125x16xf32, #tpu.memory_space<vmem>>
    %dma_wait3A_161 = arith.constant 0 : i32
    %dma_wait3A_162 = arith.constant 0 : i32
    %dma_wait3A_163 = tpu.memref_slice %arg4[%dma_wait3A_161, %dma_wait3A_162] : memref<10000x16xf32, #tpu.memory_space<hbm>> -> memref<125x16xf32, #tpu.memory_space<hbm>>
    tpu.wait_dma2 semaphore(%dma_wait3A_156 : memref<!tpu.dma_semaphore, #tpu.memory_space<semaphore_mem>>) src(%dma_wait3A_163 : memref<125x16xf32, #tpu.memory_space<hbm>>) dst(%dma_wait3A_160 : memref<125x16xf32, #tpu.memory_space<vmem>>)
    %dma_wait3A_164 = arith.constant 2 : i32
    %dma_wait3A_165 = arith.constant 2 : i32
    %dma_wait3A_166 = arith.constant 0 : i32
    %dma_wait3A_167 = arith.constant 0 : i32
    %dma_wait3A_168 = tpu.memref_slice %arg9[%dma_wait3A_164, %dma_wait3A_166, %dma_wait3A_167] : memref<8x125x16xf32, #tpu.memory_space<vmem>> -> memref<1x125x16xf32, #tpu.memory_space<vmem>>
    %dma_wait3A_169 = tpu.memref_squeeze %dma_wait3A_168 : memref<1x125x16xf32, #tpu.memory_space<vmem>> -> memref<125x16xf32, #tpu.memory_space<vmem>>
    %dma_wait3A_170 = arith.constant 0 : i32
    %dma_wait3A_171 = arith.constant 0 : i32
    %dma_wait3A_172 = tpu.memref_slice %arg4[%dma_wait3A_170, %dma_wait3A_171] : memref<10000x16xf32, #tpu.memory_space<hbm>> -> memref<125x16xf32, #tpu.memory_space<hbm>>
    %dma_wait3A_173 = tpu.memref_slice %arg12[%dma_wait3A_165] : memref<8x!tpu.dma_semaphore, #tpu.memory_space<semaphore_mem>> -> memref<1x!tpu.dma_semaphore, #tpu.memory_space<semaphore_mem>>
    %dma_wait3A_174 = tpu.memref_squeeze %dma_wait3A_173 : memref<1x!tpu.dma_semaphore, #tpu.memory_space<semaphore_mem>> -> memref<!tpu.dma_semaphore, #tpu.memory_space<semaphore_mem>>
    %dma_wait3A_175 = arith.constant 0 : i32
    %dma_wait3A_176 = arith.constant 0 : i32
    %dma_wait3A_177 = tpu.memref_slice %arg9[%dma_wait3A_164, %dma_wait3A_175, %dma_wait3A_176] : memref<8x125x16xf32, #tpu.memory_space<vmem>> -> memref<1x125x16xf32, #tpu.memory_space<vmem>>
    %dma_wait3A_178 = tpu.memref_squeeze %dma_wait3A_177 : memref<1x125x16xf32, #tpu.memory_space<vmem>> -> memref<125x16xf32, #tpu.memory_space<vmem>>
    %dma_wait3A_179 = arith.constant 0 : i32
    %dma_wait3A_180 = arith.constant 0 : i32
    %dma_wait3A_181 = tpu.memref_slice %arg4[%dma_wait3A_179, %dma_wait3A_180] : memref<10000x16xf32, #tpu.memory_space<hbm>> -> memref<125x16xf32, #tpu.memory_space<hbm>>
    tpu.wait_dma2 semaphore(%dma_wait3A_174 : memref<!tpu.dma_semaphore, #tpu.memory_space<semaphore_mem>>) src(%dma_wait3A_181 : memref<125x16xf32, #tpu.memory_space<hbm>>) dst(%dma_wait3A_178 : memref<125x16xf32, #tpu.memory_space<vmem>>)
    %dma_wait3A_182 = arith.constant 3 : i32
    %dma_wait3A_183 = arith.constant 3 : i32
    %dma_wait3A_184 = arith.constant 0 : i32
    %dma_wait3A_185 = arith.constant 0 : i32
    %dma_wait3A_186 = tpu.memref_slice %arg9[%dma_wait3A_182, %dma_wait3A_184, %dma_wait3A_185] : memref<8x125x16xf32, #tpu.memory_space<vmem>> -> memref<1x125x16xf32, #tpu.memory_space<vmem>>
    %dma_wait3A_187 = tpu.memref_squeeze %dma_wait3A_186 : memref<1x125x16xf32, #tpu.memory_space<vmem>> -> memref<125x16xf32, #tpu.memory_space<vmem>>
    %dma_wait3A_188 = arith.constant 0 : i32
    %dma_wait3A_189 = arith.constant 0 : i32
    %dma_wait3A_190 = tpu.memref_slice %arg4[%dma_wait3A_188, %dma_wait3A_189] : memref<10000x16xf32, #tpu.memory_space<hbm>> -> memref<125x16xf32, #tpu.memory_space<hbm>>
    %dma_wait3A_191 = tpu.memref_slice %arg12[%dma_wait3A_183] : memref<8x!tpu.dma_semaphore, #tpu.memory_space<semaphore_mem>> -> memref<1x!tpu.dma_semaphore, #tpu.memory_space<semaphore_mem>>
    %dma_wait3A_192 = tpu.memref_squeeze %dma_wait3A_191 : memref<1x!tpu.dma_semaphore, #tpu.memory_space<semaphore_mem>> -> memref<!tpu.dma_semaphore, #tpu.memory_space<semaphore_mem>>
    %dma_wait3A_193 = arith.constant 0 : i32
    %dma_wait3A_194 = arith.constant 0 : i32
    %dma_wait3A_195 = tpu.memref_slice %arg9[%dma_wait3A_182, %dma_wait3A_193, %dma_wait3A_194] : memref<8x125x16xf32, #tpu.memory_space<vmem>> -> memref<1x125x16xf32, #tpu.memory_space<vmem>>
    %dma_wait3A_196 = tpu.memref_squeeze %dma_wait3A_195 : memref<1x125x16xf32, #tpu.memory_space<vmem>> -> memref<125x16xf32, #tpu.memory_space<vmem>>
    %dma_wait3A_197 = arith.constant 0 : i32
    %dma_wait3A_198 = arith.constant 0 : i32
    %dma_wait3A_199 = tpu.memref_slice %arg4[%dma_wait3A_197, %dma_wait3A_198] : memref<10000x16xf32, #tpu.memory_space<hbm>> -> memref<125x16xf32, #tpu.memory_space<hbm>>
    tpu.wait_dma2 semaphore(%dma_wait3A_192 : memref<!tpu.dma_semaphore, #tpu.memory_space<semaphore_mem>>) src(%dma_wait3A_199 : memref<125x16xf32, #tpu.memory_space<hbm>>) dst(%dma_wait3A_196 : memref<125x16xf32, #tpu.memory_space<vmem>>)
    %dma_wait3A_200 = arith.constant 4 : i32
    %dma_wait3A_201 = arith.constant 4 : i32
    %dma_wait3A_202 = arith.constant 0 : i32
    %dma_wait3A_203 = arith.constant 0 : i32
    %dma_wait3A_204 = tpu.memref_slice %arg9[%dma_wait3A_200, %dma_wait3A_202, %dma_wait3A_203] : memref<8x125x16xf32, #tpu.memory_space<vmem>> -> memref<1x125x16xf32, #tpu.memory_space<vmem>>
    %dma_wait3A_205 = tpu.memref_squeeze %dma_wait3A_204 : memref<1x125x16xf32, #tpu.memory_space<vmem>> -> memref<125x16xf32, #tpu.memory_space<vmem>>
    %dma_wait3A_206 = arith.constant 0 : i32
    %dma_wait3A_207 = arith.constant 0 : i32
    %dma_wait3A_208 = tpu.memref_slice %arg4[%dma_wait3A_206, %dma_wait3A_207] : memref<10000x16xf32, #tpu.memory_space<hbm>> -> memref<125x16xf32, #tpu.memory_space<hbm>>
    %dma_wait3A_209 = tpu.memref_slice %arg12[%dma_wait3A_201] : memref<8x!tpu.dma_semaphore, #tpu.memory_space<semaphore_mem>> -> memref<1x!tpu.dma_semaphore, #tpu.memory_space<semaphore_mem>>
    %dma_wait3A_210 = tpu.memref_squeeze %dma_wait3A_209 : memref<1x!tpu.dma_semaphore, #tpu.memory_space<semaphore_mem>> -> memref<!tpu.dma_semaphore, #tpu.memory_space<semaphore_mem>>
    %dma_wait3A_211 = arith.constant 0 : i32
    %dma_wait3A_212 = arith.constant 0 : i32
    %dma_wait3A_213 = tpu.memref_slice %arg9[%dma_wait3A_200, %dma_wait3A_211, %dma_wait3A_212] : memref<8x125x16xf32, #tpu.memory_space<vmem>> -> memref<1x125x16xf32, #tpu.memory_space<vmem>>
    %dma_wait3A_214 = tpu.memref_squeeze %dma_wait3A_213 : memref<1x125x16xf32, #tpu.memory_space<vmem>> -> memref<125x16xf32, #tpu.memory_space<vmem>>
    %dma_wait3A_215 = arith.constant 0 : i32
    %dma_wait3A_216 = arith.constant 0 : i32
    %dma_wait3A_217 = tpu.memref_slice %arg4[%dma_wait3A_215, %dma_wait3A_216] : memref<10000x16xf32, #tpu.memory_space<hbm>> -> memref<125x16xf32, #tpu.memory_space<hbm>>
    tpu.wait_dma2 semaphore(%dma_wait3A_210 : memref<!tpu.dma_semaphore, #tpu.memory_space<semaphore_mem>>) src(%dma_wait3A_217 : memref<125x16xf32, #tpu.memory_space<hbm>>) dst(%dma_wait3A_214 : memref<125x16xf32, #tpu.memory_space<vmem>>)
    %dma_wait3A_218 = arith.constant 5 : i32
    %dma_wait3A_219 = arith.constant 5 : i32
    %dma_wait3A_220 = arith.constant 0 : i32
    %dma_wait3A_221 = arith.constant 0 : i32
    %dma_wait3A_222 = tpu.memref_slice %arg9[%dma_wait3A_218, %dma_wait3A_220, %dma_wait3A_221] : memref<8x125x16xf32, #tpu.memory_space<vmem>> -> memref<1x125x16xf32, #tpu.memory_space<vmem>>
    %dma_wait3A_223 = tpu.memref_squeeze %dma_wait3A_222 : memref<1x125x16xf32, #tpu.memory_space<vmem>> -> memref<125x16xf32, #tpu.memory_space<vmem>>
    %dma_wait3A_224 = arith.constant 0 : i32
    %dma_wait3A_225 = arith.constant 0 : i32
    %dma_wait3A_226 = tpu.memref_slice %arg4[%dma_wait3A_224, %dma_wait3A_225] : memref<10000x16xf32, #tpu.memory_space<hbm>> -> memref<125x16xf32, #tpu.memory_space<hbm>>
    %dma_wait3A_227 = tpu.memref_slice %arg12[%dma_wait3A_219] : memref<8x!tpu.dma_semaphore, #tpu.memory_space<semaphore_mem>> -> memref<1x!tpu.dma_semaphore, #tpu.memory_space<semaphore_mem>>
    %dma_wait3A_228 = tpu.memref_squeeze %dma_wait3A_227 : memref<1x!tpu.dma_semaphore, #tpu.memory_space<semaphore_mem>> -> memref<!tpu.dma_semaphore, #tpu.memory_space<semaphore_mem>>
    %dma_wait3A_229 = arith.constant 0 : i32
    %dma_wait3A_230 = arith.constant 0 : i32
    %dma_wait3A_231 = tpu.memref_slice %arg9[%dma_wait3A_218, %dma_wait3A_229, %dma_wait3A_230] : memref<8x125x16xf32, #tpu.memory_space<vmem>> -> memref<1x125x16xf32, #tpu.memory_space<vmem>>
    %dma_wait3A_232 = tpu.memref_squeeze %dma_wait3A_231 : memref<1x125x16xf32, #tpu.memory_space<vmem>> -> memref<125x16xf32, #tpu.memory_space<vmem>>
    %dma_wait3A_233 = arith.constant 0 : i32
    %dma_wait3A_234 = arith.constant 0 : i32
    %dma_wait3A_235 = tpu.memref_slice %arg4[%dma_wait3A_233, %dma_wait3A_234] : memref<10000x16xf32, #tpu.memory_space<hbm>> -> memref<125x16xf32, #tpu.memory_space<hbm>>
    tpu.wait_dma2 semaphore(%dma_wait3A_228 : memref<!tpu.dma_semaphore, #tpu.memory_space<semaphore_mem>>) src(%dma_wait3A_235 : memref<125x16xf32, #tpu.memory_space<hbm>>) dst(%dma_wait3A_232 : memref<125x16xf32, #tpu.memory_space<vmem>>)
    %dma_wait3A_236 = arith.constant 6 : i32
    %dma_wait3A_237 = arith.constant 6 : i32
    %dma_wait3A_238 = arith.constant 0 : i32
    %dma_wait3A_239 = arith.constant 0 : i32
    %dma_wait3A_240 = tpu.memref_slice %arg9[%dma_wait3A_236, %dma_wait3A_238, %dma_wait3A_239] : memref<8x125x16xf32, #tpu.memory_space<vmem>> -> memref<1x125x16xf32, #tpu.memory_space<vmem>>
    %dma_wait3A_241 = tpu.memref_squeeze %dma_wait3A_240 : memref<1x125x16xf32, #tpu.memory_space<vmem>> -> memref<125x16xf32, #tpu.memory_space<vmem>>
    %dma_wait3A_242 = arith.constant 0 : i32
    %dma_wait3A_243 = arith.constant 0 : i32
    %dma_wait3A_244 = tpu.memref_slice %arg4[%dma_wait3A_242, %dma_wait3A_243] : memref<10000x16xf32, #tpu.memory_space<hbm>> -> memref<125x16xf32, #tpu.memory_space<hbm>>
    %dma_wait3A_245 = tpu.memref_slice %arg12[%dma_wait3A_237] : memref<8x!tpu.dma_semaphore, #tpu.memory_space<semaphore_mem>> -> memref<1x!tpu.dma_semaphore, #tpu.memory_space<semaphore_mem>>
    %dma_wait3A_246 = tpu.memref_squeeze %dma_wait3A_245 : memref<1x!tpu.dma_semaphore, #tpu.memory_space<semaphore_mem>> -> memref<!tpu.dma_semaphore, #tpu.memory_space<semaphore_mem>>
    %dma_wait3A_247 = arith.constant 0 : i32
    %dma_wait3A_248 = arith.constant 0 : i32
    %dma_wait3A_249 = tpu.memref_slice %arg9[%dma_wait3A_236, %dma_wait3A_247, %dma_wait3A_248] : memref<8x125x16xf32, #tpu.memory_space<vmem>> -> memref<1x125x16xf32, #tpu.memory_space<vmem>>
    %dma_wait3A_250 = tpu.memref_squeeze %dma_wait3A_249 : memref<1x125x16xf32, #tpu.memory_space<vmem>> -> memref<125x16xf32, #tpu.memory_space<vmem>>
    %dma_wait3A_251 = arith.constant 0 : i32
    %dma_wait3A_252 = arith.constant 0 : i32
    %dma_wait3A_253 = tpu.memref_slice %arg4[%dma_wait3A_251, %dma_wait3A_252] : memref<10000x16xf32, #tpu.memory_space<hbm>> -> memref<125x16xf32, #tpu.memory_space<hbm>>
    tpu.wait_dma2 semaphore(%dma_wait3A_246 : memref<!tpu.dma_semaphore, #tpu.memory_space<semaphore_mem>>) src(%dma_wait3A_253 : memref<125x16xf32, #tpu.memory_space<hbm>>) dst(%dma_wait3A_250 : memref<125x16xf32, #tpu.memory_space<vmem>>)
    %dma_wait3A_254 = arith.constant 7 : i32
    %dma_wait3A_255 = arith.constant 7 : i32
    %dma_wait3A_256 = arith.constant 0 : i32
    %dma_wait3A_257 = arith.constant 0 : i32
    %dma_wait3A_258 = tpu.memref_slice %arg9[%dma_wait3A_254, %dma_wait3A_256, %dma_wait3A_257] : memref<8x125x16xf32, #tpu.memory_space<vmem>> -> memref<1x125x16xf32, #tpu.memory_space<vmem>>
    %dma_wait3A_259 = tpu.memref_squeeze %dma_wait3A_258 : memref<1x125x16xf32, #tpu.memory_space<vmem>> -> memref<125x16xf32, #tpu.memory_space<vmem>>
    %dma_wait3A_260 = arith.constant 0 : i32
    %dma_wait3A_261 = arith.constant 0 : i32
    %dma_wait3A_262 = tpu.memref_slice %arg4[%dma_wait3A_260, %dma_wait3A_261] : memref<10000x16xf32, #tpu.memory_space<hbm>> -> memref<125x16xf32, #tpu.memory_space<hbm>>
    %dma_wait3A_263 = tpu.memref_slice %arg12[%dma_wait3A_255] : memref<8x!tpu.dma_semaphore, #tpu.memory_space<semaphore_mem>> -> memref<1x!tpu.dma_semaphore, #tpu.memory_space<semaphore_mem>>
    %dma_wait3A_264 = tpu.memref_squeeze %dma_wait3A_263 : memref<1x!tpu.dma_semaphore, #tpu.memory_space<semaphore_mem>> -> memref<!tpu.dma_semaphore, #tpu.memory_space<semaphore_mem>>
    %dma_wait3A_265 = arith.constant 0 : i32
    %dma_wait3A_266 = arith.constant 0 : i32
    %dma_wait3A_267 = tpu.memref_slice %arg9[%dma_wait3A_254, %dma_wait3A_265, %dma_wait3A_266] : memref<8x125x16xf32, #tpu.memory_space<vmem>> -> memref<1x125x16xf32, #tpu.memory_space<vmem>>
    %dma_wait3A_268 = tpu.memref_squeeze %dma_wait3A_267 : memref<1x125x16xf32, #tpu.memory_space<vmem>> -> memref<125x16xf32, #tpu.memory_space<vmem>>
    %dma_wait3A_269 = arith.constant 0 : i32
    %dma_wait3A_270 = arith.constant 0 : i32
    %dma_wait3A_271 = tpu.memref_slice %arg4[%dma_wait3A_269, %dma_wait3A_270] : memref<10000x16xf32, #tpu.memory_space<hbm>> -> memref<125x16xf32, #tpu.memory_space<hbm>>
    tpu.wait_dma2 semaphore(%dma_wait3A_264 : memref<!tpu.dma_semaphore, #tpu.memory_space<semaphore_mem>>) src(%dma_wait3A_271 : memref<125x16xf32, #tpu.memory_space<hbm>>) dst(%dma_wait3A_268 : memref<125x16xf32, #tpu.memory_space<vmem>>)
    %barrier3A_272 = arith.constant 0 : index
    tpu.barrier barrier_id(%barrier3A_272)
    %mul3A_273 = arith.constant 640 : i32
    %mul3A_274 = arith.muli %arg1, %mul3A_273 : i32
    %mul3A_275 = arith.constant 640 : i32
    %mul3A_276 = arith.muli %arg1, %mul3A_275 : i32
    "tpu.region"() ({
      %run_scoped3A = tpu.sem_alloc : memref<!tpu.dma_semaphore, #tpu.memory_space<semaphore_mem>>
      %dma_start3A_277 = arith.constant 0 : i32
      %dma_start3A_278 = tpu.memref_slice %arg6[%arg0, %mul3A_276, %dma_start3A_277] : memref<2x10240x16xf32, #tpu.memory_space<hbm>> -> memref<1x640x16xf32, #tpu.memory_space<hbm>>
      %dma_start3A_279 = tpu.memref_squeeze %dma_start3A_278 : memref<1x640x16xf32, #tpu.memory_space<hbm>> -> memref<640x16xf32, #tpu.memory_space<hbm>>
      %dma_start3A_280 = arith.constant 0 : i32
      %dma_start3A_281 = tpu.memref_slice %arg10[%mul3A_274, %dma_start3A_280] : memref<10240x16xf32, #tpu.memory_space<vmem_shared>> -> memref<640x16xf32, #tpu.memory_space<vmem_shared>>
      tpu.enqueue_dma source(%dma_start3A_281 : memref<640x16xf32, #tpu.memory_space<vmem_shared>>) target(%dma_start3A_279 : memref<640x16xf32, #tpu.memory_space<hbm>>) target_semaphore(%run_scoped3A : memref<!tpu.dma_semaphore, #tpu.memory_space<semaphore_mem>>)
      %dma_wait3A_282 = arith.constant 0 : i32
      %dma_wait3A_283 = tpu.memref_slice %arg6[%arg0, %mul3A_276, %dma_wait3A_282] : memref<2x10240x16xf32, #tpu.memory_space<hbm>> -> memref<1x640x16xf32, #tpu.memory_space<hbm>>
      %dma_wait3A_284 = tpu.memref_squeeze %dma_wait3A_283 : memref<1x640x16xf32, #tpu.memory_space<hbm>> -> memref<640x16xf32, #tpu.memory_space<hbm>>
      %dma_wait3A_285 = arith.constant 0 : i32
      %dma_wait3A_286 = tpu.memref_slice %arg10[%mul3A_274, %dma_wait3A_285] : memref<10240x16xf32, #tpu.memory_space<vmem_shared>> -> memref<640x16xf32, #tpu.memory_space<vmem_shared>>
      tpu.wait_dma2 semaphore(%run_scoped3A : memref<!tpu.dma_semaphore, #tpu.memory_space<semaphore_mem>>) src(%dma_wait3A_286 : memref<640x16xf32, #tpu.memory_space<vmem_shared>>) dst(%dma_wait3A_284 : memref<640x16xf32, #tpu.memory_space<hbm>>)
      tpu.yield
    }) : () -> ()
    return
  }
}

#map = affine_map<(d0, d1) -> (0, 0)>
#map1 = affine_map<(d0, d1) -> (0, 0, 0)>
module attributes {stable_mosaic.version = 14 : i64} {
  func.func @_seg_body(%arg0: i32, %arg1: i32, %arg2: memref<2560x125xi32, #tpu.memory_space<hbm>>, %arg3: memref<2560x125xi32, #tpu.memory_space<hbm>>, %arg4: memref<10240x16xf32, #tpu.memory_space<hbm>>, %arg5: memref<640x16xf32, #tpu.memory_space<hbm>>, %arg6: memref<2x10240x16xf32, #tpu.memory_space<hbm>>, %arg7: memref<16x125xi32, #tpu.memory_space<vmem>>, %arg8: memref<16x125xi32, #tpu.memory_space<vmem>>, %arg9: memref<8x125x16xf32, #tpu.memory_space<vmem>>, %arg10: memref<10240x16xf32, #tpu.memory_space<vmem_shared>>, %arg11: memref<8x!tpu.dma_semaphore, #tpu.memory_space<semaphore_mem>>, %arg12: memref<8x!tpu.dma_semaphore, #tpu.memory_space<semaphore_mem>>) attributes {dimension_semantics = [#tpu.dimension_semantics<core_parallel>, #tpu.dimension_semantics<subcore_parallel>], iteration_bounds = array<i64: 2, 16>, scalar_prefetch = 0 : i64, scratch_operands = 6 : i64, tpu.core_type = #tpu.core_type<sc_vector_subcore>, window_params = [{transform_indices = #map}, {transform_indices = #map}, {transform_indices = #map}, {transform_indices = #map}, {transform_indices = #map1}]} {
    %mul3A = arith.constant 2 : i32
    %mul3A_0 = arith.muli %arg1, %mul3A : i32
    %add3A = arith.addi %mul3A_0, %arg0 : i32
    %mul3A_1 = arith.constant 640 : i32
    %mul3A_2 = arith.muli %arg1, %mul3A_1 : i32
    "tpu.region"() ({
      %run_scoped3A = tpu.sem_alloc : memref<!tpu.dma_semaphore, #tpu.memory_space<semaphore_mem>>
      %dma_start3A_277 = arith.constant 0 : i32
      %dma_start3A_278 = tpu.memref_slice %arg10[%mul3A_2, %dma_start3A_277] : memref<10240x16xf32, #tpu.memory_space<vmem_shared>> -> memref<640x16xf32, #tpu.memory_space<vmem_shared>>
      tpu.enqueue_dma source(%arg5 : memref<640x16xf32, #tpu.memory_space<hbm>>) target(%dma_start3A_278 : memref<640x16xf32, #tpu.memory_space<vmem_shared>>) target_semaphore(%run_scoped3A : memref<!tpu.dma_semaphore, #tpu.memory_space<semaphore_mem>>)
      %dma_wait3A_279 = arith.constant 0 : i32
      %dma_wait3A_280 = tpu.memref_slice %arg10[%mul3A_2, %dma_wait3A_279] : memref<10240x16xf32, #tpu.memory_space<vmem_shared>> -> memref<640x16xf32, #tpu.memory_space<vmem_shared>>
      tpu.wait_dma2 semaphore(%run_scoped3A : memref<!tpu.dma_semaphore, #tpu.memory_space<semaphore_mem>>) src(%arg5 : memref<640x16xf32, #tpu.memory_space<hbm>>) dst(%dma_wait3A_280 : memref<640x16xf32, #tpu.memory_space<vmem_shared>>)
      tpu.yield
    }) : () -> ()
    %mul3A_3 = arith.constant 16 : i32
    %mul3A_4 = arith.muli %add3A, %mul3A_3 : i32
    "tpu.region"() ({
      %run_scoped3A = tpu.sem_alloc : memref<!tpu.dma_semaphore, #tpu.memory_space<semaphore_mem>>
      %dma_start3A_277 = arith.constant 0 : i32
      %dma_start3A_278 = tpu.memref_slice %arg2[%mul3A_4, %dma_start3A_277] : memref<2560x125xi32, #tpu.memory_space<hbm>> -> memref<16x125xi32, #tpu.memory_space<hbm>>
      %dma_start3A_279 = arith.constant 0 : i32
      %dma_start3A_280 = tpu.memref_slice %arg2[%mul3A_4, %dma_start3A_279] : memref<2560x125xi32, #tpu.memory_space<hbm>> -> memref<16x125xi32, #tpu.memory_space<hbm>>
      tpu.enqueue_dma source(%dma_start3A_280 : memref<16x125xi32, #tpu.memory_space<hbm>>) target(%arg7 : memref<16x125xi32, #tpu.memory_space<vmem>>) target_semaphore(%run_scoped3A : memref<!tpu.dma_semaphore, #tpu.memory_space<semaphore_mem>>)
      %dma_wait3A_281 = arith.constant 0 : i32
      %dma_wait3A_282 = tpu.memref_slice %arg2[%mul3A_4, %dma_wait3A_281] : memref<2560x125xi32, #tpu.memory_space<hbm>> -> memref<16x125xi32, #tpu.memory_space<hbm>>
      %dma_wait3A_283 = arith.constant 0 : i32
      %dma_wait3A_284 = tpu.memref_slice %arg2[%mul3A_4, %dma_wait3A_283] : memref<2560x125xi32, #tpu.memory_space<hbm>> -> memref<16x125xi32, #tpu.memory_space<hbm>>
      tpu.wait_dma2 semaphore(%run_scoped3A : memref<!tpu.dma_semaphore, #tpu.memory_space<semaphore_mem>>) src(%dma_wait3A_284 : memref<16x125xi32, #tpu.memory_space<hbm>>) dst(%arg7 : memref<16x125xi32, #tpu.memory_space<vmem>>)
      tpu.yield
    }) : () -> ()
    "tpu.region"() ({
      %run_scoped3A = tpu.sem_alloc : memref<!tpu.dma_semaphore, #tpu.memory_space<semaphore_mem>>
      %dma_start3A_277 = arith.constant 0 : i32
      %dma_start3A_278 = tpu.memref_slice %arg3[%mul3A_4, %dma_start3A_277] : memref<2560x125xi32, #tpu.memory_space<hbm>> -> memref<16x125xi32, #tpu.memory_space<hbm>>
      %dma_start3A_279 = arith.constant 0 : i32
      %dma_start3A_280 = tpu.memref_slice %arg3[%mul3A_4, %dma_start3A_279] : memref<2560x125xi32, #tpu.memory_space<hbm>> -> memref<16x125xi32, #tpu.memory_space<hbm>>
      tpu.enqueue_dma source(%dma_start3A_280 : memref<16x125xi32, #tpu.memory_space<hbm>>) target(%arg8 : memref<16x125xi32, #tpu.memory_space<vmem>>) target_semaphore(%run_scoped3A : memref<!tpu.dma_semaphore, #tpu.memory_space<semaphore_mem>>)
      %dma_wait3A_281 = arith.constant 0 : i32
      %dma_wait3A_282 = tpu.memref_slice %arg3[%mul3A_4, %dma_wait3A_281] : memref<2560x125xi32, #tpu.memory_space<hbm>> -> memref<16x125xi32, #tpu.memory_space<hbm>>
      %dma_wait3A_283 = arith.constant 0 : i32
      %dma_wait3A_284 = tpu.memref_slice %arg3[%mul3A_4, %dma_wait3A_283] : memref<2560x125xi32, #tpu.memory_space<hbm>> -> memref<16x125xi32, #tpu.memory_space<hbm>>
      tpu.wait_dma2 semaphore(%run_scoped3A : memref<!tpu.dma_semaphore, #tpu.memory_space<semaphore_mem>>) src(%dma_wait3A_284 : memref<16x125xi32, #tpu.memory_space<hbm>>) dst(%arg8 : memref<16x125xi32, #tpu.memory_space<vmem>>)
      tpu.yield
    }) : () -> ()
    %barrier3A = arith.constant 0 : index
    tpu.barrier barrier_id(%barrier3A)
    %dma_start3A = arith.constant 0 : i32
    %dma_start3A_5 = arith.constant 0 : i32
    %dma_start3A_6 = arith.constant 0 : i32
    %dma_start3A_7 = arith.constant 0 : i32
    %dma_start3A_8 = arith.constant 0 : i32
    %dma_start3A_9 = tpu.memref_slice %arg9[%dma_start3A_5, %dma_start3A_7, %dma_start3A_8] : memref<8x125x16xf32, #tpu.memory_space<vmem>> -> memref<1x125x16xf32, #tpu.memory_space<vmem>>
    %dma_start3A_10 = tpu.memref_squeeze %dma_start3A_9 : memref<1x125x16xf32, #tpu.memory_space<vmem>> -> memref<125x16xf32, #tpu.memory_space<vmem>>
    %dma_start3A_11 = arith.constant 0 : i32
    %dma_start3A_12 = tpu.memref_slice %arg7[%dma_start3A, %dma_start3A_11] : memref<16x125xi32, #tpu.memory_space<vmem>> -> memref<1x125xi32, #tpu.memory_space<vmem>>
    %dma_start3A_13 = tpu.memref_squeeze %dma_start3A_12 : memref<1x125xi32, #tpu.memory_space<vmem>> -> memref<125xi32, #tpu.memory_space<vmem>>
    %dma_start3A_14 = arith.constant 0 : i32
    %dma_start3A_15 = arith.constant 0 : i32
    %dma_start3A_16 = tpu.memref_slice %arg4[%dma_start3A_14, %dma_start3A_15] : memref<10240x16xf32, #tpu.memory_space<hbm>> -> memref<10240x16xf32, #tpu.memory_space<hbm>>
    %dma_start3A_17 = tpu.memref_slice %arg11[%dma_start3A_6] : memref<8x!tpu.dma_semaphore, #tpu.memory_space<semaphore_mem>> -> memref<1x!tpu.dma_semaphore, #tpu.memory_space<semaphore_mem>>
    %dma_start3A_18 = tpu.memref_squeeze %dma_start3A_17 : memref<1x!tpu.dma_semaphore, #tpu.memory_space<semaphore_mem>> -> memref<!tpu.dma_semaphore, #tpu.memory_space<semaphore_mem>>
    tpu.enqueue_indirect_dma source(%dma_start3A_16 : memref<10240x16xf32, #tpu.memory_space<hbm>>) target(%dma_start3A_10 : memref<125x16xf32, #tpu.memory_space<vmem>>) offsets(%dma_start3A_13 : memref<125xi32, #tpu.memory_space<vmem>>) semaphore(%dma_start3A_18 : memref<!tpu.dma_semaphore, #tpu.memory_space<semaphore_mem>>)
    %dma_start3A_19 = arith.constant 1 : i32
    %dma_start3A_20 = arith.constant 1 : i32
    %dma_start3A_21 = arith.constant 1 : i32
    %dma_start3A_22 = arith.constant 0 : i32
    %dma_start3A_23 = arith.constant 0 : i32
    %dma_start3A_24 = tpu.memref_slice %arg9[%dma_start3A_20, %dma_start3A_22, %dma_start3A_23] : memref<8x125x16xf32, #tpu.memory_space<vmem>> -> memref<1x125x16xf32, #tpu.memory_space<vmem>>
    %dma_start3A_25 = tpu.memref_squeeze %dma_start3A_24 : memref<1x125x16xf32, #tpu.memory_space<vmem>> -> memref<125x16xf32, #tpu.memory_space<vmem>>
    %dma_start3A_26 = arith.constant 0 : i32
    %dma_start3A_27 = tpu.memref_slice %arg7[%dma_start3A_19, %dma_start3A_26] : memref<16x125xi32, #tpu.memory_space<vmem>> -> memref<1x125xi32, #tpu.memory_space<vmem>>
    %dma_start3A_28 = tpu.memref_squeeze %dma_start3A_27 : memref<1x125xi32, #tpu.memory_space<vmem>> -> memref<125xi32, #tpu.memory_space<vmem>>
    %dma_start3A_29 = arith.constant 0 : i32
    %dma_start3A_30 = arith.constant 0 : i32
    %dma_start3A_31 = tpu.memref_slice %arg4[%dma_start3A_29, %dma_start3A_30] : memref<10240x16xf32, #tpu.memory_space<hbm>> -> memref<10240x16xf32, #tpu.memory_space<hbm>>
    %dma_start3A_32 = tpu.memref_slice %arg11[%dma_start3A_21] : memref<8x!tpu.dma_semaphore, #tpu.memory_space<semaphore_mem>> -> memref<1x!tpu.dma_semaphore, #tpu.memory_space<semaphore_mem>>
    %dma_start3A_33 = tpu.memref_squeeze %dma_start3A_32 : memref<1x!tpu.dma_semaphore, #tpu.memory_space<semaphore_mem>> -> memref<!tpu.dma_semaphore, #tpu.memory_space<semaphore_mem>>
    tpu.enqueue_indirect_dma source(%dma_start3A_31 : memref<10240x16xf32, #tpu.memory_space<hbm>>) target(%dma_start3A_25 : memref<125x16xf32, #tpu.memory_space<vmem>>) offsets(%dma_start3A_28 : memref<125xi32, #tpu.memory_space<vmem>>) semaphore(%dma_start3A_33 : memref<!tpu.dma_semaphore, #tpu.memory_space<semaphore_mem>>)
    %dma_start3A_34 = arith.constant 2 : i32
    %dma_start3A_35 = arith.constant 2 : i32
    %dma_start3A_36 = arith.constant 2 : i32
    %dma_start3A_37 = arith.constant 0 : i32
    %dma_start3A_38 = arith.constant 0 : i32
    %dma_start3A_39 = tpu.memref_slice %arg9[%dma_start3A_35, %dma_start3A_37, %dma_start3A_38] : memref<8x125x16xf32, #tpu.memory_space<vmem>> -> memref<1x125x16xf32, #tpu.memory_space<vmem>>
    %dma_start3A_40 = tpu.memref_squeeze %dma_start3A_39 : memref<1x125x16xf32, #tpu.memory_space<vmem>> -> memref<125x16xf32, #tpu.memory_space<vmem>>
    %dma_start3A_41 = arith.constant 0 : i32
    %dma_start3A_42 = tpu.memref_slice %arg7[%dma_start3A_34, %dma_start3A_41] : memref<16x125xi32, #tpu.memory_space<vmem>> -> memref<1x125xi32, #tpu.memory_space<vmem>>
    %dma_start3A_43 = tpu.memref_squeeze %dma_start3A_42 : memref<1x125xi32, #tpu.memory_space<vmem>> -> memref<125xi32, #tpu.memory_space<vmem>>
    %dma_start3A_44 = arith.constant 0 : i32
    %dma_start3A_45 = arith.constant 0 : i32
    %dma_start3A_46 = tpu.memref_slice %arg4[%dma_start3A_44, %dma_start3A_45] : memref<10240x16xf32, #tpu.memory_space<hbm>> -> memref<10240x16xf32, #tpu.memory_space<hbm>>
    %dma_start3A_47 = tpu.memref_slice %arg11[%dma_start3A_36] : memref<8x!tpu.dma_semaphore, #tpu.memory_space<semaphore_mem>> -> memref<1x!tpu.dma_semaphore, #tpu.memory_space<semaphore_mem>>
    %dma_start3A_48 = tpu.memref_squeeze %dma_start3A_47 : memref<1x!tpu.dma_semaphore, #tpu.memory_space<semaphore_mem>> -> memref<!tpu.dma_semaphore, #tpu.memory_space<semaphore_mem>>
    tpu.enqueue_indirect_dma source(%dma_start3A_46 : memref<10240x16xf32, #tpu.memory_space<hbm>>) target(%dma_start3A_40 : memref<125x16xf32, #tpu.memory_space<vmem>>) offsets(%dma_start3A_43 : memref<125xi32, #tpu.memory_space<vmem>>) semaphore(%dma_start3A_48 : memref<!tpu.dma_semaphore, #tpu.memory_space<semaphore_mem>>)
    %dma_start3A_49 = arith.constant 3 : i32
    %dma_start3A_50 = arith.constant 3 : i32
    %dma_start3A_51 = arith.constant 3 : i32
    %dma_start3A_52 = arith.constant 0 : i32
    %dma_start3A_53 = arith.constant 0 : i32
    %dma_start3A_54 = tpu.memref_slice %arg9[%dma_start3A_50, %dma_start3A_52, %dma_start3A_53] : memref<8x125x16xf32, #tpu.memory_space<vmem>> -> memref<1x125x16xf32, #tpu.memory_space<vmem>>
    %dma_start3A_55 = tpu.memref_squeeze %dma_start3A_54 : memref<1x125x16xf32, #tpu.memory_space<vmem>> -> memref<125x16xf32, #tpu.memory_space<vmem>>
    %dma_start3A_56 = arith.constant 0 : i32
    %dma_start3A_57 = tpu.memref_slice %arg7[%dma_start3A_49, %dma_start3A_56] : memref<16x125xi32, #tpu.memory_space<vmem>> -> memref<1x125xi32, #tpu.memory_space<vmem>>
    %dma_start3A_58 = tpu.memref_squeeze %dma_start3A_57 : memref<1x125xi32, #tpu.memory_space<vmem>> -> memref<125xi32, #tpu.memory_space<vmem>>
    %dma_start3A_59 = arith.constant 0 : i32
    %dma_start3A_60 = arith.constant 0 : i32
    %dma_start3A_61 = tpu.memref_slice %arg4[%dma_start3A_59, %dma_start3A_60] : memref<10240x16xf32, #tpu.memory_space<hbm>> -> memref<10240x16xf32, #tpu.memory_space<hbm>>
    %dma_start3A_62 = tpu.memref_slice %arg11[%dma_start3A_51] : memref<8x!tpu.dma_semaphore, #tpu.memory_space<semaphore_mem>> -> memref<1x!tpu.dma_semaphore, #tpu.memory_space<semaphore_mem>>
    %dma_start3A_63 = tpu.memref_squeeze %dma_start3A_62 : memref<1x!tpu.dma_semaphore, #tpu.memory_space<semaphore_mem>> -> memref<!tpu.dma_semaphore, #tpu.memory_space<semaphore_mem>>
    tpu.enqueue_indirect_dma source(%dma_start3A_61 : memref<10240x16xf32, #tpu.memory_space<hbm>>) target(%dma_start3A_55 : memref<125x16xf32, #tpu.memory_space<vmem>>) offsets(%dma_start3A_58 : memref<125xi32, #tpu.memory_space<vmem>>) semaphore(%dma_start3A_63 : memref<!tpu.dma_semaphore, #tpu.memory_space<semaphore_mem>>)
    %dma_start3A_64 = arith.constant 4 : i32
    %dma_start3A_65 = arith.constant 4 : i32
    %dma_start3A_66 = arith.constant 4 : i32
    %dma_start3A_67 = arith.constant 0 : i32
    %dma_start3A_68 = arith.constant 0 : i32
    %dma_start3A_69 = tpu.memref_slice %arg9[%dma_start3A_65, %dma_start3A_67, %dma_start3A_68] : memref<8x125x16xf32, #tpu.memory_space<vmem>> -> memref<1x125x16xf32, #tpu.memory_space<vmem>>
    %dma_start3A_70 = tpu.memref_squeeze %dma_start3A_69 : memref<1x125x16xf32, #tpu.memory_space<vmem>> -> memref<125x16xf32, #tpu.memory_space<vmem>>
    %dma_start3A_71 = arith.constant 0 : i32
    %dma_start3A_72 = tpu.memref_slice %arg7[%dma_start3A_64, %dma_start3A_71] : memref<16x125xi32, #tpu.memory_space<vmem>> -> memref<1x125xi32, #tpu.memory_space<vmem>>
    %dma_start3A_73 = tpu.memref_squeeze %dma_start3A_72 : memref<1x125xi32, #tpu.memory_space<vmem>> -> memref<125xi32, #tpu.memory_space<vmem>>
    %dma_start3A_74 = arith.constant 0 : i32
    %dma_start3A_75 = arith.constant 0 : i32
    %dma_start3A_76 = tpu.memref_slice %arg4[%dma_start3A_74, %dma_start3A_75] : memref<10240x16xf32, #tpu.memory_space<hbm>> -> memref<10240x16xf32, #tpu.memory_space<hbm>>
    %dma_start3A_77 = tpu.memref_slice %arg11[%dma_start3A_66] : memref<8x!tpu.dma_semaphore, #tpu.memory_space<semaphore_mem>> -> memref<1x!tpu.dma_semaphore, #tpu.memory_space<semaphore_mem>>
    %dma_start3A_78 = tpu.memref_squeeze %dma_start3A_77 : memref<1x!tpu.dma_semaphore, #tpu.memory_space<semaphore_mem>> -> memref<!tpu.dma_semaphore, #tpu.memory_space<semaphore_mem>>
    tpu.enqueue_indirect_dma source(%dma_start3A_76 : memref<10240x16xf32, #tpu.memory_space<hbm>>) target(%dma_start3A_70 : memref<125x16xf32, #tpu.memory_space<vmem>>) offsets(%dma_start3A_73 : memref<125xi32, #tpu.memory_space<vmem>>) semaphore(%dma_start3A_78 : memref<!tpu.dma_semaphore, #tpu.memory_space<semaphore_mem>>)
    %dma_start3A_79 = arith.constant 5 : i32
    %dma_start3A_80 = arith.constant 5 : i32
    %dma_start3A_81 = arith.constant 5 : i32
    %dma_start3A_82 = arith.constant 0 : i32
    %dma_start3A_83 = arith.constant 0 : i32
    %dma_start3A_84 = tpu.memref_slice %arg9[%dma_start3A_80, %dma_start3A_82, %dma_start3A_83] : memref<8x125x16xf32, #tpu.memory_space<vmem>> -> memref<1x125x16xf32, #tpu.memory_space<vmem>>
    %dma_start3A_85 = tpu.memref_squeeze %dma_start3A_84 : memref<1x125x16xf32, #tpu.memory_space<vmem>> -> memref<125x16xf32, #tpu.memory_space<vmem>>
    %dma_start3A_86 = arith.constant 0 : i32
    %dma_start3A_87 = tpu.memref_slice %arg7[%dma_start3A_79, %dma_start3A_86] : memref<16x125xi32, #tpu.memory_space<vmem>> -> memref<1x125xi32, #tpu.memory_space<vmem>>
    %dma_start3A_88 = tpu.memref_squeeze %dma_start3A_87 : memref<1x125xi32, #tpu.memory_space<vmem>> -> memref<125xi32, #tpu.memory_space<vmem>>
    %dma_start3A_89 = arith.constant 0 : i32
    %dma_start3A_90 = arith.constant 0 : i32
    %dma_start3A_91 = tpu.memref_slice %arg4[%dma_start3A_89, %dma_start3A_90] : memref<10240x16xf32, #tpu.memory_space<hbm>> -> memref<10240x16xf32, #tpu.memory_space<hbm>>
    %dma_start3A_92 = tpu.memref_slice %arg11[%dma_start3A_81] : memref<8x!tpu.dma_semaphore, #tpu.memory_space<semaphore_mem>> -> memref<1x!tpu.dma_semaphore, #tpu.memory_space<semaphore_mem>>
    %dma_start3A_93 = tpu.memref_squeeze %dma_start3A_92 : memref<1x!tpu.dma_semaphore, #tpu.memory_space<semaphore_mem>> -> memref<!tpu.dma_semaphore, #tpu.memory_space<semaphore_mem>>
    tpu.enqueue_indirect_dma source(%dma_start3A_91 : memref<10240x16xf32, #tpu.memory_space<hbm>>) target(%dma_start3A_85 : memref<125x16xf32, #tpu.memory_space<vmem>>) offsets(%dma_start3A_88 : memref<125xi32, #tpu.memory_space<vmem>>) semaphore(%dma_start3A_93 : memref<!tpu.dma_semaphore, #tpu.memory_space<semaphore_mem>>)
    %dma_start3A_94 = arith.constant 6 : i32
    %dma_start3A_95 = arith.constant 6 : i32
    %dma_start3A_96 = arith.constant 6 : i32
    %dma_start3A_97 = arith.constant 0 : i32
    %dma_start3A_98 = arith.constant 0 : i32
    %dma_start3A_99 = tpu.memref_slice %arg9[%dma_start3A_95, %dma_start3A_97, %dma_start3A_98] : memref<8x125x16xf32, #tpu.memory_space<vmem>> -> memref<1x125x16xf32, #tpu.memory_space<vmem>>
    %dma_start3A_100 = tpu.memref_squeeze %dma_start3A_99 : memref<1x125x16xf32, #tpu.memory_space<vmem>> -> memref<125x16xf32, #tpu.memory_space<vmem>>
    %dma_start3A_101 = arith.constant 0 : i32
    %dma_start3A_102 = tpu.memref_slice %arg7[%dma_start3A_94, %dma_start3A_101] : memref<16x125xi32, #tpu.memory_space<vmem>> -> memref<1x125xi32, #tpu.memory_space<vmem>>
    %dma_start3A_103 = tpu.memref_squeeze %dma_start3A_102 : memref<1x125xi32, #tpu.memory_space<vmem>> -> memref<125xi32, #tpu.memory_space<vmem>>
    %dma_start3A_104 = arith.constant 0 : i32
    %dma_start3A_105 = arith.constant 0 : i32
    %dma_start3A_106 = tpu.memref_slice %arg4[%dma_start3A_104, %dma_start3A_105] : memref<10240x16xf32, #tpu.memory_space<hbm>> -> memref<10240x16xf32, #tpu.memory_space<hbm>>
    %dma_start3A_107 = tpu.memref_slice %arg11[%dma_start3A_96] : memref<8x!tpu.dma_semaphore, #tpu.memory_space<semaphore_mem>> -> memref<1x!tpu.dma_semaphore, #tpu.memory_space<semaphore_mem>>
    %dma_start3A_108 = tpu.memref_squeeze %dma_start3A_107 : memref<1x!tpu.dma_semaphore, #tpu.memory_space<semaphore_mem>> -> memref<!tpu.dma_semaphore, #tpu.memory_space<semaphore_mem>>
    tpu.enqueue_indirect_dma source(%dma_start3A_106 : memref<10240x16xf32, #tpu.memory_space<hbm>>) target(%dma_start3A_100 : memref<125x16xf32, #tpu.memory_space<vmem>>) offsets(%dma_start3A_103 : memref<125xi32, #tpu.memory_space<vmem>>) semaphore(%dma_start3A_108 : memref<!tpu.dma_semaphore, #tpu.memory_space<semaphore_mem>>)
    %dma_start3A_109 = arith.constant 7 : i32
    %dma_start3A_110 = arith.constant 7 : i32
    %dma_start3A_111 = arith.constant 7 : i32
    %dma_start3A_112 = arith.constant 0 : i32
    %dma_start3A_113 = arith.constant 0 : i32
    %dma_start3A_114 = tpu.memref_slice %arg9[%dma_start3A_110, %dma_start3A_112, %dma_start3A_113] : memref<8x125x16xf32, #tpu.memory_space<vmem>> -> memref<1x125x16xf32, #tpu.memory_space<vmem>>
    %dma_start3A_115 = tpu.memref_squeeze %dma_start3A_114 : memref<1x125x16xf32, #tpu.memory_space<vmem>> -> memref<125x16xf32, #tpu.memory_space<vmem>>
    %dma_start3A_116 = arith.constant 0 : i32
    %dma_start3A_117 = tpu.memref_slice %arg7[%dma_start3A_109, %dma_start3A_116] : memref<16x125xi32, #tpu.memory_space<vmem>> -> memref<1x125xi32, #tpu.memory_space<vmem>>
    %dma_start3A_118 = tpu.memref_squeeze %dma_start3A_117 : memref<1x125xi32, #tpu.memory_space<vmem>> -> memref<125xi32, #tpu.memory_space<vmem>>
    %dma_start3A_119 = arith.constant 0 : i32
    %dma_start3A_120 = arith.constant 0 : i32
    %dma_start3A_121 = tpu.memref_slice %arg4[%dma_start3A_119, %dma_start3A_120] : memref<10240x16xf32, #tpu.memory_space<hbm>> -> memref<10240x16xf32, #tpu.memory_space<hbm>>
    %dma_start3A_122 = tpu.memref_slice %arg11[%dma_start3A_111] : memref<8x!tpu.dma_semaphore, #tpu.memory_space<semaphore_mem>> -> memref<1x!tpu.dma_semaphore, #tpu.memory_space<semaphore_mem>>
    %dma_start3A_123 = tpu.memref_squeeze %dma_start3A_122 : memref<1x!tpu.dma_semaphore, #tpu.memory_space<semaphore_mem>> -> memref<!tpu.dma_semaphore, #tpu.memory_space<semaphore_mem>>
    tpu.enqueue_indirect_dma source(%dma_start3A_121 : memref<10240x16xf32, #tpu.memory_space<hbm>>) target(%dma_start3A_115 : memref<125x16xf32, #tpu.memory_space<vmem>>) offsets(%dma_start3A_118 : memref<125xi32, #tpu.memory_space<vmem>>) semaphore(%dma_start3A_123 : memref<!tpu.dma_semaphore, #tpu.memory_space<semaphore_mem>>)
    %scan3A = arith.constant 0 : i32
    %scan3A_124 = arith.constant 0 : i32
    %scan3A_125 = arith.constant 2 : i32
    %scan3A_126 = arith.addi %scan3A_124, %scan3A_125 : i32
    %scan3A_127 = arith.constant 1 : i32
    scf.for %scan3A_277 = %scan3A_124 to %scan3A_126 step %scan3A_127  : i32 {
      %mul3A_278 = arith.constant 8 : i32
      %mul3A_279 = arith.muli %scan3A_277, %mul3A_278 : i32
      %add3A_280 = arith.constant 0 : i32
      %add3A_281 = arith.addi %mul3A_279, %add3A_280 : i32
      %dma_wait3A_282 = arith.constant 0 : i32
      %dma_wait3A_283 = arith.constant 0 : i32
      %dma_wait3A_284 = arith.constant 0 : i32
      %dma_wait3A_285 = arith.constant 0 : i32
      %dma_wait3A_286 = tpu.memref_slice %arg9[%dma_wait3A_282, %dma_wait3A_284, %dma_wait3A_285] : memref<8x125x16xf32, #tpu.memory_space<vmem>> -> memref<1x125x16xf32, #tpu.memory_space<vmem>>
      %dma_wait3A_287 = tpu.memref_squeeze %dma_wait3A_286 : memref<1x125x16xf32, #tpu.memory_space<vmem>> -> memref<125x16xf32, #tpu.memory_space<vmem>>
      %dma_wait3A_288 = arith.constant 0 : i32
      %dma_wait3A_289 = arith.constant 0 : i32
      %dma_wait3A_290 = tpu.memref_slice %arg4[%dma_wait3A_288, %dma_wait3A_289] : memref<10240x16xf32, #tpu.memory_space<hbm>> -> memref<125x16xf32, #tpu.memory_space<hbm>>
      %dma_wait3A_291 = tpu.memref_slice %arg11[%dma_wait3A_283] : memref<8x!tpu.dma_semaphore, #tpu.memory_space<semaphore_mem>> -> memref<1x!tpu.dma_semaphore, #tpu.memory_space<semaphore_mem>>
      %dma_wait3A_292 = tpu.memref_squeeze %dma_wait3A_291 : memref<1x!tpu.dma_semaphore, #tpu.memory_space<semaphore_mem>> -> memref<!tpu.dma_semaphore, #tpu.memory_space<semaphore_mem>>
      %dma_wait3A_293 = arith.constant 0 : i32
      %dma_wait3A_294 = arith.constant 0 : i32
      %dma_wait3A_295 = tpu.memref_slice %arg9[%dma_wait3A_282, %dma_wait3A_293, %dma_wait3A_294] : memref<8x125x16xf32, #tpu.memory_space<vmem>> -> memref<1x125x16xf32, #tpu.memory_space<vmem>>
      %dma_wait3A_296 = tpu.memref_squeeze %dma_wait3A_295 : memref<1x125x16xf32, #tpu.memory_space<vmem>> -> memref<125x16xf32, #tpu.memory_space<vmem>>
      %dma_wait3A_297 = arith.constant 0 : i32
      %dma_wait3A_298 = arith.constant 0 : i32
      %dma_wait3A_299 = tpu.memref_slice %arg4[%dma_wait3A_297, %dma_wait3A_298] : memref<10240x16xf32, #tpu.memory_space<hbm>> -> memref<125x16xf32, #tpu.memory_space<hbm>>
      tpu.wait_dma2 semaphore(%dma_wait3A_292 : memref<!tpu.dma_semaphore, #tpu.memory_space<semaphore_mem>>) src(%dma_wait3A_299 : memref<125x16xf32, #tpu.memory_space<hbm>>) dst(%dma_wait3A_296 : memref<125x16xf32, #tpu.memory_space<vmem>>)
      %dma_start3A_300 = arith.constant 0 : i32
      %dma_start3A_301 = arith.constant 0 : i32
      %dma_start3A_302 = arith.constant 0 : i32
      %dma_start3A_303 = arith.constant 0 : i32
      %dma_start3A_304 = tpu.memref_slice %arg9[%dma_start3A_300, %dma_start3A_302, %dma_start3A_303] : memref<8x125x16xf32, #tpu.memory_space<vmem>> -> memref<1x125x16xf32, #tpu.memory_space<vmem>>
      %dma_start3A_305 = tpu.memref_squeeze %dma_start3A_304 : memref<1x125x16xf32, #tpu.memory_space<vmem>> -> memref<125x16xf32, #tpu.memory_space<vmem>>
      %dma_start3A_306 = arith.constant 0 : i32
      %dma_start3A_307 = tpu.memref_slice %arg8[%add3A_281, %dma_start3A_306] : memref<16x125xi32, #tpu.memory_space<vmem>> -> memref<1x125xi32, #tpu.memory_space<vmem>>
      %dma_start3A_308 = tpu.memref_squeeze %dma_start3A_307 : memref<1x125xi32, #tpu.memory_space<vmem>> -> memref<125xi32, #tpu.memory_space<vmem>>
      %dma_start3A_309 = arith.constant 0 : i32
      %dma_start3A_310 = arith.constant 0 : i32
      %dma_start3A_311 = tpu.memref_slice %arg10[%dma_start3A_309, %dma_start3A_310] : memref<10240x16xf32, #tpu.memory_space<vmem_shared>> -> memref<10240x16xf32, #tpu.memory_space<vmem_shared>>
      %dma_start3A_312 = tpu.memref_slice %arg12[%dma_start3A_301] : memref<8x!tpu.dma_semaphore, #tpu.memory_space<semaphore_mem>> -> memref<1x!tpu.dma_semaphore, #tpu.memory_space<semaphore_mem>>
      %dma_start3A_313 = tpu.memref_squeeze %dma_start3A_312 : memref<1x!tpu.dma_semaphore, #tpu.memory_space<semaphore_mem>> -> memref<!tpu.dma_semaphore, #tpu.memory_space<semaphore_mem>>
      tpu.enqueue_indirect_dma source(%dma_start3A_305 : memref<125x16xf32, #tpu.memory_space<vmem>>) target(%dma_start3A_311 : memref<10240x16xf32, #tpu.memory_space<vmem_shared>>) offsets(%dma_start3A_308 : memref<125xi32, #tpu.memory_space<vmem>>) semaphore(%dma_start3A_313 : memref<!tpu.dma_semaphore, #tpu.memory_space<semaphore_mem>>) {add = true}
      %add3A_314 = arith.constant 4 : i32
      %add3A_315 = arith.addi %add3A_281, %add3A_314 : i32
      %ge3A = arith.constant 8 : i32
      %ge3A_316 = arith.cmpi sge, %add3A_315, %ge3A : i32
      %lt3A = arith.constant 16 : i32
      %lt3A_317 = arith.cmpi slt, %add3A_315, %lt3A : i32
      %and3A = arith.andi %ge3A_316, %lt3A_317 : i1
      %convert_element_type3A = arith.extui %and3A : i1 to i32
      %cond3A = arith.constant 0 : i32
      %cond3A_318 = arith.cmpi ne, %convert_element_type3A, %cond3A : i32
      scf.if %cond3A_318 {
        %dma_wait3A_627 = arith.constant 4 : i32
        %dma_wait3A_628 = arith.constant 4 : i32
        %dma_wait3A_629 = arith.constant 0 : i32
        %dma_wait3A_630 = arith.constant 0 : i32
        %dma_wait3A_631 = tpu.memref_slice %arg9[%dma_wait3A_627, %dma_wait3A_629, %dma_wait3A_630] : memref<8x125x16xf32, #tpu.memory_space<vmem>> -> memref<1x125x16xf32, #tpu.memory_space<vmem>>
        %dma_wait3A_632 = tpu.memref_squeeze %dma_wait3A_631 : memref<1x125x16xf32, #tpu.memory_space<vmem>> -> memref<125x16xf32, #tpu.memory_space<vmem>>
        %dma_wait3A_633 = arith.constant 0 : i32
        %dma_wait3A_634 = arith.constant 0 : i32
        %dma_wait3A_635 = tpu.memref_slice %arg4[%dma_wait3A_633, %dma_wait3A_634] : memref<10240x16xf32, #tpu.memory_space<hbm>> -> memref<125x16xf32, #tpu.memory_space<hbm>>
        %dma_wait3A_636 = tpu.memref_slice %arg12[%dma_wait3A_628] : memref<8x!tpu.dma_semaphore, #tpu.memory_space<semaphore_mem>> -> memref<1x!tpu.dma_semaphore, #tpu.memory_space<semaphore_mem>>
        %dma_wait3A_637 = tpu.memref_squeeze %dma_wait3A_636 : memref<1x!tpu.dma_semaphore, #tpu.memory_space<semaphore_mem>> -> memref<!tpu.dma_semaphore, #tpu.memory_space<semaphore_mem>>
        %dma_wait3A_638 = arith.constant 0 : i32
        %dma_wait3A_639 = arith.constant 0 : i32
        %dma_wait3A_640 = tpu.memref_slice %arg9[%dma_wait3A_627, %dma_wait3A_638, %dma_wait3A_639] : memref<8x125x16xf32, #tpu.memory_space<vmem>> -> memref<1x125x16xf32, #tpu.memory_space<vmem>>
        %dma_wait3A_641 = tpu.memref_squeeze %dma_wait3A_640 : memref<1x125x16xf32, #tpu.memory_space<vmem>> -> memref<125x16xf32, #tpu.memory_space<vmem>>
        %dma_wait3A_642 = arith.constant 0 : i32
        %dma_wait3A_643 = arith.constant 0 : i32
        %dma_wait3A_644 = tpu.memref_slice %arg4[%dma_wait3A_642, %dma_wait3A_643] : memref<10240x16xf32, #tpu.memory_space<hbm>> -> memref<125x16xf32, #tpu.memory_space<hbm>>
        tpu.wait_dma2 semaphore(%dma_wait3A_637 : memref<!tpu.dma_semaphore, #tpu.memory_space<semaphore_mem>>) src(%dma_wait3A_644 : memref<125x16xf32, #tpu.memory_space<hbm>>) dst(%dma_wait3A_641 : memref<125x16xf32, #tpu.memory_space<vmem>>)
        %dma_start3A_645 = arith.constant 4 : i32
        %dma_start3A_646 = arith.constant 4 : i32
        %dma_start3A_647 = arith.constant 0 : i32
        %dma_start3A_648 = arith.constant 0 : i32
        %dma_start3A_649 = tpu.memref_slice %arg9[%dma_start3A_645, %dma_start3A_647, %dma_start3A_648] : memref<8x125x16xf32, #tpu.memory_space<vmem>> -> memref<1x125x16xf32, #tpu.memory_space<vmem>>
        %dma_start3A_650 = tpu.memref_squeeze %dma_start3A_649 : memref<1x125x16xf32, #tpu.memory_space<vmem>> -> memref<125x16xf32, #tpu.memory_space<vmem>>
        %dma_start3A_651 = arith.constant 0 : i32
        %dma_start3A_652 = tpu.memref_slice %arg7[%add3A_315, %dma_start3A_651] : memref<16x125xi32, #tpu.memory_space<vmem>> -> memref<1x125xi32, #tpu.memory_space<vmem>>
        %dma_start3A_653 = tpu.memref_squeeze %dma_start3A_652 : memref<1x125xi32, #tpu.memory_space<vmem>> -> memref<125xi32, #tpu.memory_space<vmem>>
        %dma_start3A_654 = arith.constant 0 : i32
        %dma_start3A_655 = arith.constant 0 : i32
        %dma_start3A_656 = tpu.memref_slice %arg4[%dma_start3A_654, %dma_start3A_655] : memref<10240x16xf32, #tpu.memory_space<hbm>> -> memref<10240x16xf32, #tpu.memory_space<hbm>>
        %dma_start3A_657 = tpu.memref_slice %arg11[%dma_start3A_646] : memref<8x!tpu.dma_semaphore, #tpu.memory_space<semaphore_mem>> -> memref<1x!tpu.dma_semaphore, #tpu.memory_space<semaphore_mem>>
        %dma_start3A_658 = tpu.memref_squeeze %dma_start3A_657 : memref<1x!tpu.dma_semaphore, #tpu.memory_space<semaphore_mem>> -> memref<!tpu.dma_semaphore, #tpu.memory_space<semaphore_mem>>
        tpu.enqueue_indirect_dma source(%dma_start3A_656 : memref<10240x16xf32, #tpu.memory_space<hbm>>) target(%dma_start3A_650 : memref<125x16xf32, #tpu.memory_space<vmem>>) offsets(%dma_start3A_653 : memref<125xi32, #tpu.memory_space<vmem>>) semaphore(%dma_start3A_658 : memref<!tpu.dma_semaphore, #tpu.memory_space<semaphore_mem>>)
      } else {
      }
      %add3A_319 = arith.constant 1 : i32
      %add3A_320 = arith.addi %mul3A_279, %add3A_319 : i32
      %dma_wait3A_321 = arith.constant 1 : i32
      %dma_wait3A_322 = arith.constant 1 : i32
      %dma_wait3A_323 = arith.constant 0 : i32
      %dma_wait3A_324 = arith.constant 0 : i32
      %dma_wait3A_325 = tpu.memref_slice %arg9[%dma_wait3A_321, %dma_wait3A_323, %dma_wait3A_324] : memref<8x125x16xf32, #tpu.memory_space<vmem>> -> memref<1x125x16xf32, #tpu.memory_space<vmem>>
      %dma_wait3A_326 = tpu.memref_squeeze %dma_wait3A_325 : memref<1x125x16xf32, #tpu.memory_space<vmem>> -> memref<125x16xf32, #tpu.memory_space<vmem>>
      %dma_wait3A_327 = arith.constant 0 : i32
      %dma_wait3A_328 = arith.constant 0 : i32
      %dma_wait3A_329 = tpu.memref_slice %arg4[%dma_wait3A_327, %dma_wait3A_328] : memref<10240x16xf32, #tpu.memory_space<hbm>> -> memref<125x16xf32, #tpu.memory_space<hbm>>
      %dma_wait3A_330 = tpu.memref_slice %arg11[%dma_wait3A_322] : memref<8x!tpu.dma_semaphore, #tpu.memory_space<semaphore_mem>> -> memref<1x!tpu.dma_semaphore, #tpu.memory_space<semaphore_mem>>
      %dma_wait3A_331 = tpu.memref_squeeze %dma_wait3A_330 : memref<1x!tpu.dma_semaphore, #tpu.memory_space<semaphore_mem>> -> memref<!tpu.dma_semaphore, #tpu.memory_space<semaphore_mem>>
      %dma_wait3A_332 = arith.constant 0 : i32
      %dma_wait3A_333 = arith.constant 0 : i32
      %dma_wait3A_334 = tpu.memref_slice %arg9[%dma_wait3A_321, %dma_wait3A_332, %dma_wait3A_333] : memref<8x125x16xf32, #tpu.memory_space<vmem>> -> memref<1x125x16xf32, #tpu.memory_space<vmem>>
      %dma_wait3A_335 = tpu.memref_squeeze %dma_wait3A_334 : memref<1x125x16xf32, #tpu.memory_space<vmem>> -> memref<125x16xf32, #tpu.memory_space<vmem>>
      %dma_wait3A_336 = arith.constant 0 : i32
      %dma_wait3A_337 = arith.constant 0 : i32
      %dma_wait3A_338 = tpu.memref_slice %arg4[%dma_wait3A_336, %dma_wait3A_337] : memref<10240x16xf32, #tpu.memory_space<hbm>> -> memref<125x16xf32, #tpu.memory_space<hbm>>
      tpu.wait_dma2 semaphore(%dma_wait3A_331 : memref<!tpu.dma_semaphore, #tpu.memory_space<semaphore_mem>>) src(%dma_wait3A_338 : memref<125x16xf32, #tpu.memory_space<hbm>>) dst(%dma_wait3A_335 : memref<125x16xf32, #tpu.memory_space<vmem>>)
      %dma_start3A_339 = arith.constant 1 : i32
      %dma_start3A_340 = arith.constant 1 : i32
      %dma_start3A_341 = arith.constant 0 : i32
      %dma_start3A_342 = arith.constant 0 : i32
      %dma_start3A_343 = tpu.memref_slice %arg9[%dma_start3A_339, %dma_start3A_341, %dma_start3A_342] : memref<8x125x16xf32, #tpu.memory_space<vmem>> -> memref<1x125x16xf32, #tpu.memory_space<vmem>>
      %dma_start3A_344 = tpu.memref_squeeze %dma_start3A_343 : memref<1x125x16xf32, #tpu.memory_space<vmem>> -> memref<125x16xf32, #tpu.memory_space<vmem>>
      %dma_start3A_345 = arith.constant 0 : i32
      %dma_start3A_346 = tpu.memref_slice %arg8[%add3A_320, %dma_start3A_345] : memref<16x125xi32, #tpu.memory_space<vmem>> -> memref<1x125xi32, #tpu.memory_space<vmem>>
      %dma_start3A_347 = tpu.memref_squeeze %dma_start3A_346 : memref<1x125xi32, #tpu.memory_space<vmem>> -> memref<125xi32, #tpu.memory_space<vmem>>
      %dma_start3A_348 = arith.constant 0 : i32
      %dma_start3A_349 = arith.constant 0 : i32
      %dma_start3A_350 = tpu.memref_slice %arg10[%dma_start3A_348, %dma_start3A_349] : memref<10240x16xf32, #tpu.memory_space<vmem_shared>> -> memref<10240x16xf32, #tpu.memory_space<vmem_shared>>
      %dma_start3A_351 = tpu.memref_slice %arg12[%dma_start3A_340] : memref<8x!tpu.dma_semaphore, #tpu.memory_space<semaphore_mem>> -> memref<1x!tpu.dma_semaphore, #tpu.memory_space<semaphore_mem>>
      %dma_start3A_352 = tpu.memref_squeeze %dma_start3A_351 : memref<1x!tpu.dma_semaphore, #tpu.memory_space<semaphore_mem>> -> memref<!tpu.dma_semaphore, #tpu.memory_space<semaphore_mem>>
      tpu.enqueue_indirect_dma source(%dma_start3A_344 : memref<125x16xf32, #tpu.memory_space<vmem>>) target(%dma_start3A_350 : memref<10240x16xf32, #tpu.memory_space<vmem_shared>>) offsets(%dma_start3A_347 : memref<125xi32, #tpu.memory_space<vmem>>) semaphore(%dma_start3A_352 : memref<!tpu.dma_semaphore, #tpu.memory_space<semaphore_mem>>) {add = true}
      %add3A_353 = arith.constant 4 : i32
      %add3A_354 = arith.addi %add3A_320, %add3A_353 : i32
      %ge3A_355 = arith.constant 8 : i32
      %ge3A_356 = arith.cmpi sge, %add3A_354, %ge3A_355 : i32
      %lt3A_357 = arith.constant 16 : i32
      %lt3A_358 = arith.cmpi slt, %add3A_354, %lt3A_357 : i32
      %and3A_359 = arith.andi %ge3A_356, %lt3A_358 : i1
      %convert_element_type3A_360 = arith.extui %and3A_359 : i1 to i32
      %cond3A_361 = arith.constant 0 : i32
      %cond3A_362 = arith.cmpi ne, %convert_element_type3A_360, %cond3A_361 : i32
      scf.if %cond3A_362 {
        %dma_wait3A_627 = arith.constant 5 : i32
        %dma_wait3A_628 = arith.constant 5 : i32
        %dma_wait3A_629 = arith.constant 0 : i32
        %dma_wait3A_630 = arith.constant 0 : i32
        %dma_wait3A_631 = tpu.memref_slice %arg9[%dma_wait3A_627, %dma_wait3A_629, %dma_wait3A_630] : memref<8x125x16xf32, #tpu.memory_space<vmem>> -> memref<1x125x16xf32, #tpu.memory_space<vmem>>
        %dma_wait3A_632 = tpu.memref_squeeze %dma_wait3A_631 : memref<1x125x16xf32, #tpu.memory_space<vmem>> -> memref<125x16xf32, #tpu.memory_space<vmem>>
        %dma_wait3A_633 = arith.constant 0 : i32
        %dma_wait3A_634 = arith.constant 0 : i32
        %dma_wait3A_635 = tpu.memref_slice %arg4[%dma_wait3A_633, %dma_wait3A_634] : memref<10240x16xf32, #tpu.memory_space<hbm>> -> memref<125x16xf32, #tpu.memory_space<hbm>>
        %dma_wait3A_636 = tpu.memref_slice %arg12[%dma_wait3A_628] : memref<8x!tpu.dma_semaphore, #tpu.memory_space<semaphore_mem>> -> memref<1x!tpu.dma_semaphore, #tpu.memory_space<semaphore_mem>>
        %dma_wait3A_637 = tpu.memref_squeeze %dma_wait3A_636 : memref<1x!tpu.dma_semaphore, #tpu.memory_space<semaphore_mem>> -> memref<!tpu.dma_semaphore, #tpu.memory_space<semaphore_mem>>
        %dma_wait3A_638 = arith.constant 0 : i32
        %dma_wait3A_639 = arith.constant 0 : i32
        %dma_wait3A_640 = tpu.memref_slice %arg9[%dma_wait3A_627, %dma_wait3A_638, %dma_wait3A_639] : memref<8x125x16xf32, #tpu.memory_space<vmem>> -> memref<1x125x16xf32, #tpu.memory_space<vmem>>
        %dma_wait3A_641 = tpu.memref_squeeze %dma_wait3A_640 : memref<1x125x16xf32, #tpu.memory_space<vmem>> -> memref<125x16xf32, #tpu.memory_space<vmem>>
        %dma_wait3A_642 = arith.constant 0 : i32
        %dma_wait3A_643 = arith.constant 0 : i32
        %dma_wait3A_644 = tpu.memref_slice %arg4[%dma_wait3A_642, %dma_wait3A_643] : memref<10240x16xf32, #tpu.memory_space<hbm>> -> memref<125x16xf32, #tpu.memory_space<hbm>>
        tpu.wait_dma2 semaphore(%dma_wait3A_637 : memref<!tpu.dma_semaphore, #tpu.memory_space<semaphore_mem>>) src(%dma_wait3A_644 : memref<125x16xf32, #tpu.memory_space<hbm>>) dst(%dma_wait3A_641 : memref<125x16xf32, #tpu.memory_space<vmem>>)
        %dma_start3A_645 = arith.constant 5 : i32
        %dma_start3A_646 = arith.constant 5 : i32
        %dma_start3A_647 = arith.constant 0 : i32
        %dma_start3A_648 = arith.constant 0 : i32
        %dma_start3A_649 = tpu.memref_slice %arg9[%dma_start3A_645, %dma_start3A_647, %dma_start3A_648] : memref<8x125x16xf32, #tpu.memory_space<vmem>> -> memref<1x125x16xf32, #tpu.memory_space<vmem>>
        %dma_start3A_650 = tpu.memref_squeeze %dma_start3A_649 : memref<1x125x16xf32, #tpu.memory_space<vmem>> -> memref<125x16xf32, #tpu.memory_space<vmem>>
        %dma_start3A_651 = arith.constant 0 : i32
        %dma_start3A_652 = tpu.memref_slice %arg7[%add3A_354, %dma_start3A_651] : memref<16x125xi32, #tpu.memory_space<vmem>> -> memref<1x125xi32, #tpu.memory_space<vmem>>
        %dma_start3A_653 = tpu.memref_squeeze %dma_start3A_652 : memref<1x125xi32, #tpu.memory_space<vmem>> -> memref<125xi32, #tpu.memory_space<vmem>>
        %dma_start3A_654 = arith.constant 0 : i32
        %dma_start3A_655 = arith.constant 0 : i32
        %dma_start3A_656 = tpu.memref_slice %arg4[%dma_start3A_654, %dma_start3A_655] : memref<10240x16xf32, #tpu.memory_space<hbm>> -> memref<10240x16xf32, #tpu.memory_space<hbm>>
        %dma_start3A_657 = tpu.memref_slice %arg11[%dma_start3A_646] : memref<8x!tpu.dma_semaphore, #tpu.memory_space<semaphore_mem>> -> memref<1x!tpu.dma_semaphore, #tpu.memory_space<semaphore_mem>>
        %dma_start3A_658 = tpu.memref_squeeze %dma_start3A_657 : memref<1x!tpu.dma_semaphore, #tpu.memory_space<semaphore_mem>> -> memref<!tpu.dma_semaphore, #tpu.memory_space<semaphore_mem>>
        tpu.enqueue_indirect_dma source(%dma_start3A_656 : memref<10240x16xf32, #tpu.memory_space<hbm>>) target(%dma_start3A_650 : memref<125x16xf32, #tpu.memory_space<vmem>>) offsets(%dma_start3A_653 : memref<125xi32, #tpu.memory_space<vmem>>) semaphore(%dma_start3A_658 : memref<!tpu.dma_semaphore, #tpu.memory_space<semaphore_mem>>)
      } else {
      }
      %add3A_363 = arith.constant 2 : i32
      %add3A_364 = arith.addi %mul3A_279, %add3A_363 : i32
      %dma_wait3A_365 = arith.constant 2 : i32
      %dma_wait3A_366 = arith.constant 2 : i32
      %dma_wait3A_367 = arith.constant 0 : i32
      %dma_wait3A_368 = arith.constant 0 : i32
      %dma_wait3A_369 = tpu.memref_slice %arg9[%dma_wait3A_365, %dma_wait3A_367, %dma_wait3A_368] : memref<8x125x16xf32, #tpu.memory_space<vmem>> -> memref<1x125x16xf32, #tpu.memory_space<vmem>>
      %dma_wait3A_370 = tpu.memref_squeeze %dma_wait3A_369 : memref<1x125x16xf32, #tpu.memory_space<vmem>> -> memref<125x16xf32, #tpu.memory_space<vmem>>
      %dma_wait3A_371 = arith.constant 0 : i32
      %dma_wait3A_372 = arith.constant 0 : i32
      %dma_wait3A_373 = tpu.memref_slice %arg4[%dma_wait3A_371, %dma_wait3A_372] : memref<10240x16xf32, #tpu.memory_space<hbm>> -> memref<125x16xf32, #tpu.memory_space<hbm>>
      %dma_wait3A_374 = tpu.memref_slice %arg11[%dma_wait3A_366] : memref<8x!tpu.dma_semaphore, #tpu.memory_space<semaphore_mem>> -> memref<1x!tpu.dma_semaphore, #tpu.memory_space<semaphore_mem>>
      %dma_wait3A_375 = tpu.memref_squeeze %dma_wait3A_374 : memref<1x!tpu.dma_semaphore, #tpu.memory_space<semaphore_mem>> -> memref<!tpu.dma_semaphore, #tpu.memory_space<semaphore_mem>>
      %dma_wait3A_376 = arith.constant 0 : i32
      %dma_wait3A_377 = arith.constant 0 : i32
      %dma_wait3A_378 = tpu.memref_slice %arg9[%dma_wait3A_365, %dma_wait3A_376, %dma_wait3A_377] : memref<8x125x16xf32, #tpu.memory_space<vmem>> -> memref<1x125x16xf32, #tpu.memory_space<vmem>>
      %dma_wait3A_379 = tpu.memref_squeeze %dma_wait3A_378 : memref<1x125x16xf32, #tpu.memory_space<vmem>> -> memref<125x16xf32, #tpu.memory_space<vmem>>
      %dma_wait3A_380 = arith.constant 0 : i32
      %dma_wait3A_381 = arith.constant 0 : i32
      %dma_wait3A_382 = tpu.memref_slice %arg4[%dma_wait3A_380, %dma_wait3A_381] : memref<10240x16xf32, #tpu.memory_space<hbm>> -> memref<125x16xf32, #tpu.memory_space<hbm>>
      tpu.wait_dma2 semaphore(%dma_wait3A_375 : memref<!tpu.dma_semaphore, #tpu.memory_space<semaphore_mem>>) src(%dma_wait3A_382 : memref<125x16xf32, #tpu.memory_space<hbm>>) dst(%dma_wait3A_379 : memref<125x16xf32, #tpu.memory_space<vmem>>)
      %dma_start3A_383 = arith.constant 2 : i32
      %dma_start3A_384 = arith.constant 2 : i32
      %dma_start3A_385 = arith.constant 0 : i32
      %dma_start3A_386 = arith.constant 0 : i32
      %dma_start3A_387 = tpu.memref_slice %arg9[%dma_start3A_383, %dma_start3A_385, %dma_start3A_386] : memref<8x125x16xf32, #tpu.memory_space<vmem>> -> memref<1x125x16xf32, #tpu.memory_space<vmem>>
      %dma_start3A_388 = tpu.memref_squeeze %dma_start3A_387 : memref<1x125x16xf32, #tpu.memory_space<vmem>> -> memref<125x16xf32, #tpu.memory_space<vmem>>
      %dma_start3A_389 = arith.constant 0 : i32
      %dma_start3A_390 = tpu.memref_slice %arg8[%add3A_364, %dma_start3A_389] : memref<16x125xi32, #tpu.memory_space<vmem>> -> memref<1x125xi32, #tpu.memory_space<vmem>>
      %dma_start3A_391 = tpu.memref_squeeze %dma_start3A_390 : memref<1x125xi32, #tpu.memory_space<vmem>> -> memref<125xi32, #tpu.memory_space<vmem>>
      %dma_start3A_392 = arith.constant 0 : i32
      %dma_start3A_393 = arith.constant 0 : i32
      %dma_start3A_394 = tpu.memref_slice %arg10[%dma_start3A_392, %dma_start3A_393] : memref<10240x16xf32, #tpu.memory_space<vmem_shared>> -> memref<10240x16xf32, #tpu.memory_space<vmem_shared>>
      %dma_start3A_395 = tpu.memref_slice %arg12[%dma_start3A_384] : memref<8x!tpu.dma_semaphore, #tpu.memory_space<semaphore_mem>> -> memref<1x!tpu.dma_semaphore, #tpu.memory_space<semaphore_mem>>
      %dma_start3A_396 = tpu.memref_squeeze %dma_start3A_395 : memref<1x!tpu.dma_semaphore, #tpu.memory_space<semaphore_mem>> -> memref<!tpu.dma_semaphore, #tpu.memory_space<semaphore_mem>>
      tpu.enqueue_indirect_dma source(%dma_start3A_388 : memref<125x16xf32, #tpu.memory_space<vmem>>) target(%dma_start3A_394 : memref<10240x16xf32, #tpu.memory_space<vmem_shared>>) offsets(%dma_start3A_391 : memref<125xi32, #tpu.memory_space<vmem>>) semaphore(%dma_start3A_396 : memref<!tpu.dma_semaphore, #tpu.memory_space<semaphore_mem>>) {add = true}
      %add3A_397 = arith.constant 4 : i32
      %add3A_398 = arith.addi %add3A_364, %add3A_397 : i32
      %ge3A_399 = arith.constant 8 : i32
      %ge3A_400 = arith.cmpi sge, %add3A_398, %ge3A_399 : i32
      %lt3A_401 = arith.constant 16 : i32
      %lt3A_402 = arith.cmpi slt, %add3A_398, %lt3A_401 : i32
      %and3A_403 = arith.andi %ge3A_400, %lt3A_402 : i1
      %convert_element_type3A_404 = arith.extui %and3A_403 : i1 to i32
      %cond3A_405 = arith.constant 0 : i32
      %cond3A_406 = arith.cmpi ne, %convert_element_type3A_404, %cond3A_405 : i32
      scf.if %cond3A_406 {
        %dma_wait3A_627 = arith.constant 6 : i32
        %dma_wait3A_628 = arith.constant 6 : i32
        %dma_wait3A_629 = arith.constant 0 : i32
        %dma_wait3A_630 = arith.constant 0 : i32
        %dma_wait3A_631 = tpu.memref_slice %arg9[%dma_wait3A_627, %dma_wait3A_629, %dma_wait3A_630] : memref<8x125x16xf32, #tpu.memory_space<vmem>> -> memref<1x125x16xf32, #tpu.memory_space<vmem>>
        %dma_wait3A_632 = tpu.memref_squeeze %dma_wait3A_631 : memref<1x125x16xf32, #tpu.memory_space<vmem>> -> memref<125x16xf32, #tpu.memory_space<vmem>>
        %dma_wait3A_633 = arith.constant 0 : i32
        %dma_wait3A_634 = arith.constant 0 : i32
        %dma_wait3A_635 = tpu.memref_slice %arg4[%dma_wait3A_633, %dma_wait3A_634] : memref<10240x16xf32, #tpu.memory_space<hbm>> -> memref<125x16xf32, #tpu.memory_space<hbm>>
        %dma_wait3A_636 = tpu.memref_slice %arg12[%dma_wait3A_628] : memref<8x!tpu.dma_semaphore, #tpu.memory_space<semaphore_mem>> -> memref<1x!tpu.dma_semaphore, #tpu.memory_space<semaphore_mem>>
        %dma_wait3A_637 = tpu.memref_squeeze %dma_wait3A_636 : memref<1x!tpu.dma_semaphore, #tpu.memory_space<semaphore_mem>> -> memref<!tpu.dma_semaphore, #tpu.memory_space<semaphore_mem>>
        %dma_wait3A_638 = arith.constant 0 : i32
        %dma_wait3A_639 = arith.constant 0 : i32
        %dma_wait3A_640 = tpu.memref_slice %arg9[%dma_wait3A_627, %dma_wait3A_638, %dma_wait3A_639] : memref<8x125x16xf32, #tpu.memory_space<vmem>> -> memref<1x125x16xf32, #tpu.memory_space<vmem>>
        %dma_wait3A_641 = tpu.memref_squeeze %dma_wait3A_640 : memref<1x125x16xf32, #tpu.memory_space<vmem>> -> memref<125x16xf32, #tpu.memory_space<vmem>>
        %dma_wait3A_642 = arith.constant 0 : i32
        %dma_wait3A_643 = arith.constant 0 : i32
        %dma_wait3A_644 = tpu.memref_slice %arg4[%dma_wait3A_642, %dma_wait3A_643] : memref<10240x16xf32, #tpu.memory_space<hbm>> -> memref<125x16xf32, #tpu.memory_space<hbm>>
        tpu.wait_dma2 semaphore(%dma_wait3A_637 : memref<!tpu.dma_semaphore, #tpu.memory_space<semaphore_mem>>) src(%dma_wait3A_644 : memref<125x16xf32, #tpu.memory_space<hbm>>) dst(%dma_wait3A_641 : memref<125x16xf32, #tpu.memory_space<vmem>>)
        %dma_start3A_645 = arith.constant 6 : i32
        %dma_start3A_646 = arith.constant 6 : i32
        %dma_start3A_647 = arith.constant 0 : i32
        %dma_start3A_648 = arith.constant 0 : i32
        %dma_start3A_649 = tpu.memref_slice %arg9[%dma_start3A_645, %dma_start3A_647, %dma_start3A_648] : memref<8x125x16xf32, #tpu.memory_space<vmem>> -> memref<1x125x16xf32, #tpu.memory_space<vmem>>
        %dma_start3A_650 = tpu.memref_squeeze %dma_start3A_649 : memref<1x125x16xf32, #tpu.memory_space<vmem>> -> memref<125x16xf32, #tpu.memory_space<vmem>>
        %dma_start3A_651 = arith.constant 0 : i32
        %dma_start3A_652 = tpu.memref_slice %arg7[%add3A_398, %dma_start3A_651] : memref<16x125xi32, #tpu.memory_space<vmem>> -> memref<1x125xi32, #tpu.memory_space<vmem>>
        %dma_start3A_653 = tpu.memref_squeeze %dma_start3A_652 : memref<1x125xi32, #tpu.memory_space<vmem>> -> memref<125xi32, #tpu.memory_space<vmem>>
        %dma_start3A_654 = arith.constant 0 : i32
        %dma_start3A_655 = arith.constant 0 : i32
        %dma_start3A_656 = tpu.memref_slice %arg4[%dma_start3A_654, %dma_start3A_655] : memref<10240x16xf32, #tpu.memory_space<hbm>> -> memref<10240x16xf32, #tpu.memory_space<hbm>>
        %dma_start3A_657 = tpu.memref_slice %arg11[%dma_start3A_646] : memref<8x!tpu.dma_semaphore, #tpu.memory_space<semaphore_mem>> -> memref<1x!tpu.dma_semaphore, #tpu.memory_space<semaphore_mem>>
        %dma_start3A_658 = tpu.memref_squeeze %dma_start3A_657 : memref<1x!tpu.dma_semaphore, #tpu.memory_space<semaphore_mem>> -> memref<!tpu.dma_semaphore, #tpu.memory_space<semaphore_mem>>
        tpu.enqueue_indirect_dma source(%dma_start3A_656 : memref<10240x16xf32, #tpu.memory_space<hbm>>) target(%dma_start3A_650 : memref<125x16xf32, #tpu.memory_space<vmem>>) offsets(%dma_start3A_653 : memref<125xi32, #tpu.memory_space<vmem>>) semaphore(%dma_start3A_658 : memref<!tpu.dma_semaphore, #tpu.memory_space<semaphore_mem>>)
      } else {
      }
      %add3A_407 = arith.constant 3 : i32
      %add3A_408 = arith.addi %mul3A_279, %add3A_407 : i32
      %dma_wait3A_409 = arith.constant 3 : i32
      %dma_wait3A_410 = arith.constant 3 : i32
      %dma_wait3A_411 = arith.constant 0 : i32
      %dma_wait3A_412 = arith.constant 0 : i32
      %dma_wait3A_413 = tpu.memref_slice %arg9[%dma_wait3A_409, %dma_wait3A_411, %dma_wait3A_412] : memref<8x125x16xf32, #tpu.memory_space<vmem>> -> memref<1x125x16xf32, #tpu.memory_space<vmem>>
      %dma_wait3A_414 = tpu.memref_squeeze %dma_wait3A_413 : memref<1x125x16xf32, #tpu.memory_space<vmem>> -> memref<125x16xf32, #tpu.memory_space<vmem>>
      %dma_wait3A_415 = arith.constant 0 : i32
      %dma_wait3A_416 = arith.constant 0 : i32
      %dma_wait3A_417 = tpu.memref_slice %arg4[%dma_wait3A_415, %dma_wait3A_416] : memref<10240x16xf32, #tpu.memory_space<hbm>> -> memref<125x16xf32, #tpu.memory_space<hbm>>
      %dma_wait3A_418 = tpu.memref_slice %arg11[%dma_wait3A_410] : memref<8x!tpu.dma_semaphore, #tpu.memory_space<semaphore_mem>> -> memref<1x!tpu.dma_semaphore, #tpu.memory_space<semaphore_mem>>
      %dma_wait3A_419 = tpu.memref_squeeze %dma_wait3A_418 : memref<1x!tpu.dma_semaphore, #tpu.memory_space<semaphore_mem>> -> memref<!tpu.dma_semaphore, #tpu.memory_space<semaphore_mem>>
      %dma_wait3A_420 = arith.constant 0 : i32
      %dma_wait3A_421 = arith.constant 0 : i32
      %dma_wait3A_422 = tpu.memref_slice %arg9[%dma_wait3A_409, %dma_wait3A_420, %dma_wait3A_421] : memref<8x125x16xf32, #tpu.memory_space<vmem>> -> memref<1x125x16xf32, #tpu.memory_space<vmem>>
      %dma_wait3A_423 = tpu.memref_squeeze %dma_wait3A_422 : memref<1x125x16xf32, #tpu.memory_space<vmem>> -> memref<125x16xf32, #tpu.memory_space<vmem>>
      %dma_wait3A_424 = arith.constant 0 : i32
      %dma_wait3A_425 = arith.constant 0 : i32
      %dma_wait3A_426 = tpu.memref_slice %arg4[%dma_wait3A_424, %dma_wait3A_425] : memref<10240x16xf32, #tpu.memory_space<hbm>> -> memref<125x16xf32, #tpu.memory_space<hbm>>
      tpu.wait_dma2 semaphore(%dma_wait3A_419 : memref<!tpu.dma_semaphore, #tpu.memory_space<semaphore_mem>>) src(%dma_wait3A_426 : memref<125x16xf32, #tpu.memory_space<hbm>>) dst(%dma_wait3A_423 : memref<125x16xf32, #tpu.memory_space<vmem>>)
      %dma_start3A_427 = arith.constant 3 : i32
      %dma_start3A_428 = arith.constant 3 : i32
      %dma_start3A_429 = arith.constant 0 : i32
      %dma_start3A_430 = arith.constant 0 : i32
      %dma_start3A_431 = tpu.memref_slice %arg9[%dma_start3A_427, %dma_start3A_429, %dma_start3A_430] : memref<8x125x16xf32, #tpu.memory_space<vmem>> -> memref<1x125x16xf32, #tpu.memory_space<vmem>>
      %dma_start3A_432 = tpu.memref_squeeze %dma_start3A_431 : memref<1x125x16xf32, #tpu.memory_space<vmem>> -> memref<125x16xf32, #tpu.memory_space<vmem>>
      %dma_start3A_433 = arith.constant 0 : i32
      %dma_start3A_434 = tpu.memref_slice %arg8[%add3A_408, %dma_start3A_433] : memref<16x125xi32, #tpu.memory_space<vmem>> -> memref<1x125xi32, #tpu.memory_space<vmem>>
      %dma_start3A_435 = tpu.memref_squeeze %dma_start3A_434 : memref<1x125xi32, #tpu.memory_space<vmem>> -> memref<125xi32, #tpu.memory_space<vmem>>
      %dma_start3A_436 = arith.constant 0 : i32
      %dma_start3A_437 = arith.constant 0 : i32
      %dma_start3A_438 = tpu.memref_slice %arg10[%dma_start3A_436, %dma_start3A_437] : memref<10240x16xf32, #tpu.memory_space<vmem_shared>> -> memref<10240x16xf32, #tpu.memory_space<vmem_shared>>
      %dma_start3A_439 = tpu.memref_slice %arg12[%dma_start3A_428] : memref<8x!tpu.dma_semaphore, #tpu.memory_space<semaphore_mem>> -> memref<1x!tpu.dma_semaphore, #tpu.memory_space<semaphore_mem>>
      %dma_start3A_440 = tpu.memref_squeeze %dma_start3A_439 : memref<1x!tpu.dma_semaphore, #tpu.memory_space<semaphore_mem>> -> memref<!tpu.dma_semaphore, #tpu.memory_space<semaphore_mem>>
      tpu.enqueue_indirect_dma source(%dma_start3A_432 : memref<125x16xf32, #tpu.memory_space<vmem>>) target(%dma_start3A_438 : memref<10240x16xf32, #tpu.memory_space<vmem_shared>>) offsets(%dma_start3A_435 : memref<125xi32, #tpu.memory_space<vmem>>) semaphore(%dma_start3A_440 : memref<!tpu.dma_semaphore, #tpu.memory_space<semaphore_mem>>) {add = true}
      %add3A_441 = arith.constant 4 : i32
      %add3A_442 = arith.addi %add3A_408, %add3A_441 : i32
      %ge3A_443 = arith.constant 8 : i32
      %ge3A_444 = arith.cmpi sge, %add3A_442, %ge3A_443 : i32
      %lt3A_445 = arith.constant 16 : i32
      %lt3A_446 = arith.cmpi slt, %add3A_442, %lt3A_445 : i32
      %and3A_447 = arith.andi %ge3A_444, %lt3A_446 : i1
      %convert_element_type3A_448 = arith.extui %and3A_447 : i1 to i32
      %cond3A_449 = arith.constant 0 : i32
      %cond3A_450 = arith.cmpi ne, %convert_element_type3A_448, %cond3A_449 : i32
      scf.if %cond3A_450 {
        %dma_wait3A_627 = arith.constant 7 : i32
        %dma_wait3A_628 = arith.constant 7 : i32
        %dma_wait3A_629 = arith.constant 0 : i32
        %dma_wait3A_630 = arith.constant 0 : i32
        %dma_wait3A_631 = tpu.memref_slice %arg9[%dma_wait3A_627, %dma_wait3A_629, %dma_wait3A_630] : memref<8x125x16xf32, #tpu.memory_space<vmem>> -> memref<1x125x16xf32, #tpu.memory_space<vmem>>
        %dma_wait3A_632 = tpu.memref_squeeze %dma_wait3A_631 : memref<1x125x16xf32, #tpu.memory_space<vmem>> -> memref<125x16xf32, #tpu.memory_space<vmem>>
        %dma_wait3A_633 = arith.constant 0 : i32
        %dma_wait3A_634 = arith.constant 0 : i32
        %dma_wait3A_635 = tpu.memref_slice %arg4[%dma_wait3A_633, %dma_wait3A_634] : memref<10240x16xf32, #tpu.memory_space<hbm>> -> memref<125x16xf32, #tpu.memory_space<hbm>>
        %dma_wait3A_636 = tpu.memref_slice %arg12[%dma_wait3A_628] : memref<8x!tpu.dma_semaphore, #tpu.memory_space<semaphore_mem>> -> memref<1x!tpu.dma_semaphore, #tpu.memory_space<semaphore_mem>>
        %dma_wait3A_637 = tpu.memref_squeeze %dma_wait3A_636 : memref<1x!tpu.dma_semaphore, #tpu.memory_space<semaphore_mem>> -> memref<!tpu.dma_semaphore, #tpu.memory_space<semaphore_mem>>
        %dma_wait3A_638 = arith.constant 0 : i32
        %dma_wait3A_639 = arith.constant 0 : i32
        %dma_wait3A_640 = tpu.memref_slice %arg9[%dma_wait3A_627, %dma_wait3A_638, %dma_wait3A_639] : memref<8x125x16xf32, #tpu.memory_space<vmem>> -> memref<1x125x16xf32, #tpu.memory_space<vmem>>
        %dma_wait3A_641 = tpu.memref_squeeze %dma_wait3A_640 : memref<1x125x16xf32, #tpu.memory_space<vmem>> -> memref<125x16xf32, #tpu.memory_space<vmem>>
        %dma_wait3A_642 = arith.constant 0 : i32
        %dma_wait3A_643 = arith.constant 0 : i32
        %dma_wait3A_644 = tpu.memref_slice %arg4[%dma_wait3A_642, %dma_wait3A_643] : memref<10240x16xf32, #tpu.memory_space<hbm>> -> memref<125x16xf32, #tpu.memory_space<hbm>>
        tpu.wait_dma2 semaphore(%dma_wait3A_637 : memref<!tpu.dma_semaphore, #tpu.memory_space<semaphore_mem>>) src(%dma_wait3A_644 : memref<125x16xf32, #tpu.memory_space<hbm>>) dst(%dma_wait3A_641 : memref<125x16xf32, #tpu.memory_space<vmem>>)
        %dma_start3A_645 = arith.constant 7 : i32
        %dma_start3A_646 = arith.constant 7 : i32
        %dma_start3A_647 = arith.constant 0 : i32
        %dma_start3A_648 = arith.constant 0 : i32
        %dma_start3A_649 = tpu.memref_slice %arg9[%dma_start3A_645, %dma_start3A_647, %dma_start3A_648] : memref<8x125x16xf32, #tpu.memory_space<vmem>> -> memref<1x125x16xf32, #tpu.memory_space<vmem>>
        %dma_start3A_650 = tpu.memref_squeeze %dma_start3A_649 : memref<1x125x16xf32, #tpu.memory_space<vmem>> -> memref<125x16xf32, #tpu.memory_space<vmem>>
        %dma_start3A_651 = arith.constant 0 : i32
        %dma_start3A_652 = tpu.memref_slice %arg7[%add3A_442, %dma_start3A_651] : memref<16x125xi32, #tpu.memory_space<vmem>> -> memref<1x125xi32, #tpu.memory_space<vmem>>
        %dma_start3A_653 = tpu.memref_squeeze %dma_start3A_652 : memref<1x125xi32, #tpu.memory_space<vmem>> -> memref<125xi32, #tpu.memory_space<vmem>>
        %dma_start3A_654 = arith.constant 0 : i32
        %dma_start3A_655 = arith.constant 0 : i32
        %dma_start3A_656 = tpu.memref_slice %arg4[%dma_start3A_654, %dma_start3A_655] : memref<10240x16xf32, #tpu.memory_space<hbm>> -> memref<10240x16xf32, #tpu.memory_space<hbm>>
        %dma_start3A_657 = tpu.memref_slice %arg11[%dma_start3A_646] : memref<8x!tpu.dma_semaphore, #tpu.memory_space<semaphore_mem>> -> memref<1x!tpu.dma_semaphore, #tpu.memory_space<semaphore_mem>>
        %dma_start3A_658 = tpu.memref_squeeze %dma_start3A_657 : memref<1x!tpu.dma_semaphore, #tpu.memory_space<semaphore_mem>> -> memref<!tpu.dma_semaphore, #tpu.memory_space<semaphore_mem>>
        tpu.enqueue_indirect_dma source(%dma_start3A_656 : memref<10240x16xf32, #tpu.memory_space<hbm>>) target(%dma_start3A_650 : memref<125x16xf32, #tpu.memory_space<vmem>>) offsets(%dma_start3A_653 : memref<125xi32, #tpu.memory_space<vmem>>) semaphore(%dma_start3A_658 : memref<!tpu.dma_semaphore, #tpu.memory_space<semaphore_mem>>)
      } else {
      }
      %add3A_451 = arith.constant 4 : i32
      %add3A_452 = arith.addi %mul3A_279, %add3A_451 : i32
      %dma_wait3A_453 = arith.constant 4 : i32
      %dma_wait3A_454 = arith.constant 4 : i32
      %dma_wait3A_455 = arith.constant 0 : i32
      %dma_wait3A_456 = arith.constant 0 : i32
      %dma_wait3A_457 = tpu.memref_slice %arg9[%dma_wait3A_453, %dma_wait3A_455, %dma_wait3A_456] : memref<8x125x16xf32, #tpu.memory_space<vmem>> -> memref<1x125x16xf32, #tpu.memory_space<vmem>>
      %dma_wait3A_458 = tpu.memref_squeeze %dma_wait3A_457 : memref<1x125x16xf32, #tpu.memory_space<vmem>> -> memref<125x16xf32, #tpu.memory_space<vmem>>
      %dma_wait3A_459 = arith.constant 0 : i32
      %dma_wait3A_460 = arith.constant 0 : i32
      %dma_wait3A_461 = tpu.memref_slice %arg4[%dma_wait3A_459, %dma_wait3A_460] : memref<10240x16xf32, #tpu.memory_space<hbm>> -> memref<125x16xf32, #tpu.memory_space<hbm>>
      %dma_wait3A_462 = tpu.memref_slice %arg11[%dma_wait3A_454] : memref<8x!tpu.dma_semaphore, #tpu.memory_space<semaphore_mem>> -> memref<1x!tpu.dma_semaphore, #tpu.memory_space<semaphore_mem>>
      %dma_wait3A_463 = tpu.memref_squeeze %dma_wait3A_462 : memref<1x!tpu.dma_semaphore, #tpu.memory_space<semaphore_mem>> -> memref<!tpu.dma_semaphore, #tpu.memory_space<semaphore_mem>>
      %dma_wait3A_464 = arith.constant 0 : i32
      %dma_wait3A_465 = arith.constant 0 : i32
      %dma_wait3A_466 = tpu.memref_slice %arg9[%dma_wait3A_453, %dma_wait3A_464, %dma_wait3A_465] : memref<8x125x16xf32, #tpu.memory_space<vmem>> -> memref<1x125x16xf32, #tpu.memory_space<vmem>>
      %dma_wait3A_467 = tpu.memref_squeeze %dma_wait3A_466 : memref<1x125x16xf32, #tpu.memory_space<vmem>> -> memref<125x16xf32, #tpu.memory_space<vmem>>
      %dma_wait3A_468 = arith.constant 0 : i32
      %dma_wait3A_469 = arith.constant 0 : i32
      %dma_wait3A_470 = tpu.memref_slice %arg4[%dma_wait3A_468, %dma_wait3A_469] : memref<10240x16xf32, #tpu.memory_space<hbm>> -> memref<125x16xf32, #tpu.memory_space<hbm>>
      tpu.wait_dma2 semaphore(%dma_wait3A_463 : memref<!tpu.dma_semaphore, #tpu.memory_space<semaphore_mem>>) src(%dma_wait3A_470 : memref<125x16xf32, #tpu.memory_space<hbm>>) dst(%dma_wait3A_467 : memref<125x16xf32, #tpu.memory_space<vmem>>)
      %dma_start3A_471 = arith.constant 4 : i32
      %dma_start3A_472 = arith.constant 4 : i32
      %dma_start3A_473 = arith.constant 0 : i32
      %dma_start3A_474 = arith.constant 0 : i32
      %dma_start3A_475 = tpu.memref_slice %arg9[%dma_start3A_471, %dma_start3A_473, %dma_start3A_474] : memref<8x125x16xf32, #tpu.memory_space<vmem>> -> memref<1x125x16xf32, #tpu.memory_space<vmem>>
      %dma_start3A_476 = tpu.memref_squeeze %dma_start3A_475 : memref<1x125x16xf32, #tpu.memory_space<vmem>> -> memref<125x16xf32, #tpu.memory_space<vmem>>
      %dma_start3A_477 = arith.constant 0 : i32
      %dma_start3A_478 = tpu.memref_slice %arg8[%add3A_452, %dma_start3A_477] : memref<16x125xi32, #tpu.memory_space<vmem>> -> memref<1x125xi32, #tpu.memory_space<vmem>>
      %dma_start3A_479 = tpu.memref_squeeze %dma_start3A_478 : memref<1x125xi32, #tpu.memory_space<vmem>> -> memref<125xi32, #tpu.memory_space<vmem>>
      %dma_start3A_480 = arith.constant 0 : i32
      %dma_start3A_481 = arith.constant 0 : i32
      %dma_start3A_482 = tpu.memref_slice %arg10[%dma_start3A_480, %dma_start3A_481] : memref<10240x16xf32, #tpu.memory_space<vmem_shared>> -> memref<10240x16xf32, #tpu.memory_space<vmem_shared>>
      %dma_start3A_483 = tpu.memref_slice %arg12[%dma_start3A_472] : memref<8x!tpu.dma_semaphore, #tpu.memory_space<semaphore_mem>> -> memref<1x!tpu.dma_semaphore, #tpu.memory_space<semaphore_mem>>
      %dma_start3A_484 = tpu.memref_squeeze %dma_start3A_483 : memref<1x!tpu.dma_semaphore, #tpu.memory_space<semaphore_mem>> -> memref<!tpu.dma_semaphore, #tpu.memory_space<semaphore_mem>>
      tpu.enqueue_indirect_dma source(%dma_start3A_476 : memref<125x16xf32, #tpu.memory_space<vmem>>) target(%dma_start3A_482 : memref<10240x16xf32, #tpu.memory_space<vmem_shared>>) offsets(%dma_start3A_479 : memref<125xi32, #tpu.memory_space<vmem>>) semaphore(%dma_start3A_484 : memref<!tpu.dma_semaphore, #tpu.memory_space<semaphore_mem>>) {add = true}
      %add3A_485 = arith.constant 4 : i32
      %add3A_486 = arith.addi %add3A_452, %add3A_485 : i32
      %ge3A_487 = arith.constant 8 : i32
      %ge3A_488 = arith.cmpi sge, %add3A_486, %ge3A_487 : i32
      %lt3A_489 = arith.constant 16 : i32
      %lt3A_490 = arith.cmpi slt, %add3A_486, %lt3A_489 : i32
      %and3A_491 = arith.andi %ge3A_488, %lt3A_490 : i1
      %convert_element_type3A_492 = arith.extui %and3A_491 : i1 to i32
      %cond3A_493 = arith.constant 0 : i32
      %cond3A_494 = arith.cmpi ne, %convert_element_type3A_492, %cond3A_493 : i32
      scf.if %cond3A_494 {
        %dma_wait3A_627 = arith.constant 0 : i32
        %dma_wait3A_628 = arith.constant 0 : i32
        %dma_wait3A_629 = arith.constant 0 : i32
        %dma_wait3A_630 = arith.constant 0 : i32
        %dma_wait3A_631 = tpu.memref_slice %arg9[%dma_wait3A_627, %dma_wait3A_629, %dma_wait3A_630] : memref<8x125x16xf32, #tpu.memory_space<vmem>> -> memref<1x125x16xf32, #tpu.memory_space<vmem>>
        %dma_wait3A_632 = tpu.memref_squeeze %dma_wait3A_631 : memref<1x125x16xf32, #tpu.memory_space<vmem>> -> memref<125x16xf32, #tpu.memory_space<vmem>>
        %dma_wait3A_633 = arith.constant 0 : i32
        %dma_wait3A_634 = arith.constant 0 : i32
        %dma_wait3A_635 = tpu.memref_slice %arg4[%dma_wait3A_633, %dma_wait3A_634] : memref<10240x16xf32, #tpu.memory_space<hbm>> -> memref<125x16xf32, #tpu.memory_space<hbm>>
        %dma_wait3A_636 = tpu.memref_slice %arg12[%dma_wait3A_628] : memref<8x!tpu.dma_semaphore, #tpu.memory_space<semaphore_mem>> -> memref<1x!tpu.dma_semaphore, #tpu.memory_space<semaphore_mem>>
        %dma_wait3A_637 = tpu.memref_squeeze %dma_wait3A_636 : memref<1x!tpu.dma_semaphore, #tpu.memory_space<semaphore_mem>> -> memref<!tpu.dma_semaphore, #tpu.memory_space<semaphore_mem>>
        %dma_wait3A_638 = arith.constant 0 : i32
        %dma_wait3A_639 = arith.constant 0 : i32
        %dma_wait3A_640 = tpu.memref_slice %arg9[%dma_wait3A_627, %dma_wait3A_638, %dma_wait3A_639] : memref<8x125x16xf32, #tpu.memory_space<vmem>> -> memref<1x125x16xf32, #tpu.memory_space<vmem>>
        %dma_wait3A_641 = tpu.memref_squeeze %dma_wait3A_640 : memref<1x125x16xf32, #tpu.memory_space<vmem>> -> memref<125x16xf32, #tpu.memory_space<vmem>>
        %dma_wait3A_642 = arith.constant 0 : i32
        %dma_wait3A_643 = arith.constant 0 : i32
        %dma_wait3A_644 = tpu.memref_slice %arg4[%dma_wait3A_642, %dma_wait3A_643] : memref<10240x16xf32, #tpu.memory_space<hbm>> -> memref<125x16xf32, #tpu.memory_space<hbm>>
        tpu.wait_dma2 semaphore(%dma_wait3A_637 : memref<!tpu.dma_semaphore, #tpu.memory_space<semaphore_mem>>) src(%dma_wait3A_644 : memref<125x16xf32, #tpu.memory_space<hbm>>) dst(%dma_wait3A_641 : memref<125x16xf32, #tpu.memory_space<vmem>>)
        %dma_start3A_645 = arith.constant 0 : i32
        %dma_start3A_646 = arith.constant 0 : i32
        %dma_start3A_647 = arith.constant 0 : i32
        %dma_start3A_648 = arith.constant 0 : i32
        %dma_start3A_649 = tpu.memref_slice %arg9[%dma_start3A_645, %dma_start3A_647, %dma_start3A_648] : memref<8x125x16xf32, #tpu.memory_space<vmem>> -> memref<1x125x16xf32, #tpu.memory_space<vmem>>
        %dma_start3A_650 = tpu.memref_squeeze %dma_start3A_649 : memref<1x125x16xf32, #tpu.memory_space<vmem>> -> memref<125x16xf32, #tpu.memory_space<vmem>>
        %dma_start3A_651 = arith.constant 0 : i32
        %dma_start3A_652 = tpu.memref_slice %arg7[%add3A_486, %dma_start3A_651] : memref<16x125xi32, #tpu.memory_space<vmem>> -> memref<1x125xi32, #tpu.memory_space<vmem>>
        %dma_start3A_653 = tpu.memref_squeeze %dma_start3A_652 : memref<1x125xi32, #tpu.memory_space<vmem>> -> memref<125xi32, #tpu.memory_space<vmem>>
        %dma_start3A_654 = arith.constant 0 : i32
        %dma_start3A_655 = arith.constant 0 : i32
        %dma_start3A_656 = tpu.memref_slice %arg4[%dma_start3A_654, %dma_start3A_655] : memref<10240x16xf32, #tpu.memory_space<hbm>> -> memref<10240x16xf32, #tpu.memory_space<hbm>>
        %dma_start3A_657 = tpu.memref_slice %arg11[%dma_start3A_646] : memref<8x!tpu.dma_semaphore, #tpu.memory_space<semaphore_mem>> -> memref<1x!tpu.dma_semaphore, #tpu.memory_space<semaphore_mem>>
        %dma_start3A_658 = tpu.memref_squeeze %dma_start3A_657 : memref<1x!tpu.dma_semaphore, #tpu.memory_space<semaphore_mem>> -> memref<!tpu.dma_semaphore, #tpu.memory_space<semaphore_mem>>
        tpu.enqueue_indirect_dma source(%dma_start3A_656 : memref<10240x16xf32, #tpu.memory_space<hbm>>) target(%dma_start3A_650 : memref<125x16xf32, #tpu.memory_space<vmem>>) offsets(%dma_start3A_653 : memref<125xi32, #tpu.memory_space<vmem>>) semaphore(%dma_start3A_658 : memref<!tpu.dma_semaphore, #tpu.memory_space<semaphore_mem>>)
      } else {
      }
      %add3A_495 = arith.constant 5 : i32
      %add3A_496 = arith.addi %mul3A_279, %add3A_495 : i32
      %dma_wait3A_497 = arith.constant 5 : i32
      %dma_wait3A_498 = arith.constant 5 : i32
      %dma_wait3A_499 = arith.constant 0 : i32
      %dma_wait3A_500 = arith.constant 0 : i32
      %dma_wait3A_501 = tpu.memref_slice %arg9[%dma_wait3A_497, %dma_wait3A_499, %dma_wait3A_500] : memref<8x125x16xf32, #tpu.memory_space<vmem>> -> memref<1x125x16xf32, #tpu.memory_space<vmem>>
      %dma_wait3A_502 = tpu.memref_squeeze %dma_wait3A_501 : memref<1x125x16xf32, #tpu.memory_space<vmem>> -> memref<125x16xf32, #tpu.memory_space<vmem>>
      %dma_wait3A_503 = arith.constant 0 : i32
      %dma_wait3A_504 = arith.constant 0 : i32
      %dma_wait3A_505 = tpu.memref_slice %arg4[%dma_wait3A_503, %dma_wait3A_504] : memref<10240x16xf32, #tpu.memory_space<hbm>> -> memref<125x16xf32, #tpu.memory_space<hbm>>
      %dma_wait3A_506 = tpu.memref_slice %arg11[%dma_wait3A_498] : memref<8x!tpu.dma_semaphore, #tpu.memory_space<semaphore_mem>> -> memref<1x!tpu.dma_semaphore, #tpu.memory_space<semaphore_mem>>
      %dma_wait3A_507 = tpu.memref_squeeze %dma_wait3A_506 : memref<1x!tpu.dma_semaphore, #tpu.memory_space<semaphore_mem>> -> memref<!tpu.dma_semaphore, #tpu.memory_space<semaphore_mem>>
      %dma_wait3A_508 = arith.constant 0 : i32
      %dma_wait3A_509 = arith.constant 0 : i32
      %dma_wait3A_510 = tpu.memref_slice %arg9[%dma_wait3A_497, %dma_wait3A_508, %dma_wait3A_509] : memref<8x125x16xf32, #tpu.memory_space<vmem>> -> memref<1x125x16xf32, #tpu.memory_space<vmem>>
      %dma_wait3A_511 = tpu.memref_squeeze %dma_wait3A_510 : memref<1x125x16xf32, #tpu.memory_space<vmem>> -> memref<125x16xf32, #tpu.memory_space<vmem>>
      %dma_wait3A_512 = arith.constant 0 : i32
      %dma_wait3A_513 = arith.constant 0 : i32
      %dma_wait3A_514 = tpu.memref_slice %arg4[%dma_wait3A_512, %dma_wait3A_513] : memref<10240x16xf32, #tpu.memory_space<hbm>> -> memref<125x16xf32, #tpu.memory_space<hbm>>
      tpu.wait_dma2 semaphore(%dma_wait3A_507 : memref<!tpu.dma_semaphore, #tpu.memory_space<semaphore_mem>>) src(%dma_wait3A_514 : memref<125x16xf32, #tpu.memory_space<hbm>>) dst(%dma_wait3A_511 : memref<125x16xf32, #tpu.memory_space<vmem>>)
      %dma_start3A_515 = arith.constant 5 : i32
      %dma_start3A_516 = arith.constant 5 : i32
      %dma_start3A_517 = arith.constant 0 : i32
      %dma_start3A_518 = arith.constant 0 : i32
      %dma_start3A_519 = tpu.memref_slice %arg9[%dma_start3A_515, %dma_start3A_517, %dma_start3A_518] : memref<8x125x16xf32, #tpu.memory_space<vmem>> -> memref<1x125x16xf32, #tpu.memory_space<vmem>>
      %dma_start3A_520 = tpu.memref_squeeze %dma_start3A_519 : memref<1x125x16xf32, #tpu.memory_space<vmem>> -> memref<125x16xf32, #tpu.memory_space<vmem>>
      %dma_start3A_521 = arith.constant 0 : i32
      %dma_start3A_522 = tpu.memref_slice %arg8[%add3A_496, %dma_start3A_521] : memref<16x125xi32, #tpu.memory_space<vmem>> -> memref<1x125xi32, #tpu.memory_space<vmem>>
      %dma_start3A_523 = tpu.memref_squeeze %dma_start3A_522 : memref<1x125xi32, #tpu.memory_space<vmem>> -> memref<125xi32, #tpu.memory_space<vmem>>
      %dma_start3A_524 = arith.constant 0 : i32
      %dma_start3A_525 = arith.constant 0 : i32
      %dma_start3A_526 = tpu.memref_slice %arg10[%dma_start3A_524, %dma_start3A_525] : memref<10240x16xf32, #tpu.memory_space<vmem_shared>> -> memref<10240x16xf32, #tpu.memory_space<vmem_shared>>
      %dma_start3A_527 = tpu.memref_slice %arg12[%dma_start3A_516] : memref<8x!tpu.dma_semaphore, #tpu.memory_space<semaphore_mem>> -> memref<1x!tpu.dma_semaphore, #tpu.memory_space<semaphore_mem>>
      %dma_start3A_528 = tpu.memref_squeeze %dma_start3A_527 : memref<1x!tpu.dma_semaphore, #tpu.memory_space<semaphore_mem>> -> memref<!tpu.dma_semaphore, #tpu.memory_space<semaphore_mem>>
      tpu.enqueue_indirect_dma source(%dma_start3A_520 : memref<125x16xf32, #tpu.memory_space<vmem>>) target(%dma_start3A_526 : memref<10240x16xf32, #tpu.memory_space<vmem_shared>>) offsets(%dma_start3A_523 : memref<125xi32, #tpu.memory_space<vmem>>) semaphore(%dma_start3A_528 : memref<!tpu.dma_semaphore, #tpu.memory_space<semaphore_mem>>) {add = true}
      %add3A_529 = arith.constant 4 : i32
      %add3A_530 = arith.addi %add3A_496, %add3A_529 : i32
      %ge3A_531 = arith.constant 8 : i32
      %ge3A_532 = arith.cmpi sge, %add3A_530, %ge3A_531 : i32
      %lt3A_533 = arith.constant 16 : i32
      %lt3A_534 = arith.cmpi slt, %add3A_530, %lt3A_533 : i32
      %and3A_535 = arith.andi %ge3A_532, %lt3A_534 : i1
      %convert_element_type3A_536 = arith.extui %and3A_535 : i1 to i32
      %cond3A_537 = arith.constant 0 : i32
      %cond3A_538 = arith.cmpi ne, %convert_element_type3A_536, %cond3A_537 : i32
      scf.if %cond3A_538 {
        %dma_wait3A_627 = arith.constant 1 : i32
        %dma_wait3A_628 = arith.constant 1 : i32
        %dma_wait3A_629 = arith.constant 0 : i32
        %dma_wait3A_630 = arith.constant 0 : i32
        %dma_wait3A_631 = tpu.memref_slice %arg9[%dma_wait3A_627, %dma_wait3A_629, %dma_wait3A_630] : memref<8x125x16xf32, #tpu.memory_space<vmem>> -> memref<1x125x16xf32, #tpu.memory_space<vmem>>
        %dma_wait3A_632 = tpu.memref_squeeze %dma_wait3A_631 : memref<1x125x16xf32, #tpu.memory_space<vmem>> -> memref<125x16xf32, #tpu.memory_space<vmem>>
        %dma_wait3A_633 = arith.constant 0 : i32
        %dma_wait3A_634 = arith.constant 0 : i32
        %dma_wait3A_635 = tpu.memref_slice %arg4[%dma_wait3A_633, %dma_wait3A_634] : memref<10240x16xf32, #tpu.memory_space<hbm>> -> memref<125x16xf32, #tpu.memory_space<hbm>>
        %dma_wait3A_636 = tpu.memref_slice %arg12[%dma_wait3A_628] : memref<8x!tpu.dma_semaphore, #tpu.memory_space<semaphore_mem>> -> memref<1x!tpu.dma_semaphore, #tpu.memory_space<semaphore_mem>>
        %dma_wait3A_637 = tpu.memref_squeeze %dma_wait3A_636 : memref<1x!tpu.dma_semaphore, #tpu.memory_space<semaphore_mem>> -> memref<!tpu.dma_semaphore, #tpu.memory_space<semaphore_mem>>
        %dma_wait3A_638 = arith.constant 0 : i32
        %dma_wait3A_639 = arith.constant 0 : i32
        %dma_wait3A_640 = tpu.memref_slice %arg9[%dma_wait3A_627, %dma_wait3A_638, %dma_wait3A_639] : memref<8x125x16xf32, #tpu.memory_space<vmem>> -> memref<1x125x16xf32, #tpu.memory_space<vmem>>
        %dma_wait3A_641 = tpu.memref_squeeze %dma_wait3A_640 : memref<1x125x16xf32, #tpu.memory_space<vmem>> -> memref<125x16xf32, #tpu.memory_space<vmem>>
        %dma_wait3A_642 = arith.constant 0 : i32
        %dma_wait3A_643 = arith.constant 0 : i32
        %dma_wait3A_644 = tpu.memref_slice %arg4[%dma_wait3A_642, %dma_wait3A_643] : memref<10240x16xf32, #tpu.memory_space<hbm>> -> memref<125x16xf32, #tpu.memory_space<hbm>>
        tpu.wait_dma2 semaphore(%dma_wait3A_637 : memref<!tpu.dma_semaphore, #tpu.memory_space<semaphore_mem>>) src(%dma_wait3A_644 : memref<125x16xf32, #tpu.memory_space<hbm>>) dst(%dma_wait3A_641 : memref<125x16xf32, #tpu.memory_space<vmem>>)
        %dma_start3A_645 = arith.constant 1 : i32
        %dma_start3A_646 = arith.constant 1 : i32
        %dma_start3A_647 = arith.constant 0 : i32
        %dma_start3A_648 = arith.constant 0 : i32
        %dma_start3A_649 = tpu.memref_slice %arg9[%dma_start3A_645, %dma_start3A_647, %dma_start3A_648] : memref<8x125x16xf32, #tpu.memory_space<vmem>> -> memref<1x125x16xf32, #tpu.memory_space<vmem>>
        %dma_start3A_650 = tpu.memref_squeeze %dma_start3A_649 : memref<1x125x16xf32, #tpu.memory_space<vmem>> -> memref<125x16xf32, #tpu.memory_space<vmem>>
        %dma_start3A_651 = arith.constant 0 : i32
        %dma_start3A_652 = tpu.memref_slice %arg7[%add3A_530, %dma_start3A_651] : memref<16x125xi32, #tpu.memory_space<vmem>> -> memref<1x125xi32, #tpu.memory_space<vmem>>
        %dma_start3A_653 = tpu.memref_squeeze %dma_start3A_652 : memref<1x125xi32, #tpu.memory_space<vmem>> -> memref<125xi32, #tpu.memory_space<vmem>>
        %dma_start3A_654 = arith.constant 0 : i32
        %dma_start3A_655 = arith.constant 0 : i32
        %dma_start3A_656 = tpu.memref_slice %arg4[%dma_start3A_654, %dma_start3A_655] : memref<10240x16xf32, #tpu.memory_space<hbm>> -> memref<10240x16xf32, #tpu.memory_space<hbm>>
        %dma_start3A_657 = tpu.memref_slice %arg11[%dma_start3A_646] : memref<8x!tpu.dma_semaphore, #tpu.memory_space<semaphore_mem>> -> memref<1x!tpu.dma_semaphore, #tpu.memory_space<semaphore_mem>>
        %dma_start3A_658 = tpu.memref_squeeze %dma_start3A_657 : memref<1x!tpu.dma_semaphore, #tpu.memory_space<semaphore_mem>> -> memref<!tpu.dma_semaphore, #tpu.memory_space<semaphore_mem>>
        tpu.enqueue_indirect_dma source(%dma_start3A_656 : memref<10240x16xf32, #tpu.memory_space<hbm>>) target(%dma_start3A_650 : memref<125x16xf32, #tpu.memory_space<vmem>>) offsets(%dma_start3A_653 : memref<125xi32, #tpu.memory_space<vmem>>) semaphore(%dma_start3A_658 : memref<!tpu.dma_semaphore, #tpu.memory_space<semaphore_mem>>)
      } else {
      }
      %add3A_539 = arith.constant 6 : i32
      %add3A_540 = arith.addi %mul3A_279, %add3A_539 : i32
      %dma_wait3A_541 = arith.constant 6 : i32
      %dma_wait3A_542 = arith.constant 6 : i32
      %dma_wait3A_543 = arith.constant 0 : i32
      %dma_wait3A_544 = arith.constant 0 : i32
      %dma_wait3A_545 = tpu.memref_slice %arg9[%dma_wait3A_541, %dma_wait3A_543, %dma_wait3A_544] : memref<8x125x16xf32, #tpu.memory_space<vmem>> -> memref<1x125x16xf32, #tpu.memory_space<vmem>>
      %dma_wait3A_546 = tpu.memref_squeeze %dma_wait3A_545 : memref<1x125x16xf32, #tpu.memory_space<vmem>> -> memref<125x16xf32, #tpu.memory_space<vmem>>
      %dma_wait3A_547 = arith.constant 0 : i32
      %dma_wait3A_548 = arith.constant 0 : i32
      %dma_wait3A_549 = tpu.memref_slice %arg4[%dma_wait3A_547, %dma_wait3A_548] : memref<10240x16xf32, #tpu.memory_space<hbm>> -> memref<125x16xf32, #tpu.memory_space<hbm>>
      %dma_wait3A_550 = tpu.memref_slice %arg11[%dma_wait3A_542] : memref<8x!tpu.dma_semaphore, #tpu.memory_space<semaphore_mem>> -> memref<1x!tpu.dma_semaphore, #tpu.memory_space<semaphore_mem>>
      %dma_wait3A_551 = tpu.memref_squeeze %dma_wait3A_550 : memref<1x!tpu.dma_semaphore, #tpu.memory_space<semaphore_mem>> -> memref<!tpu.dma_semaphore, #tpu.memory_space<semaphore_mem>>
      %dma_wait3A_552 = arith.constant 0 : i32
      %dma_wait3A_553 = arith.constant 0 : i32
      %dma_wait3A_554 = tpu.memref_slice %arg9[%dma_wait3A_541, %dma_wait3A_552, %dma_wait3A_553] : memref<8x125x16xf32, #tpu.memory_space<vmem>> -> memref<1x125x16xf32, #tpu.memory_space<vmem>>
      %dma_wait3A_555 = tpu.memref_squeeze %dma_wait3A_554 : memref<1x125x16xf32, #tpu.memory_space<vmem>> -> memref<125x16xf32, #tpu.memory_space<vmem>>
      %dma_wait3A_556 = arith.constant 0 : i32
      %dma_wait3A_557 = arith.constant 0 : i32
      %dma_wait3A_558 = tpu.memref_slice %arg4[%dma_wait3A_556, %dma_wait3A_557] : memref<10240x16xf32, #tpu.memory_space<hbm>> -> memref<125x16xf32, #tpu.memory_space<hbm>>
      tpu.wait_dma2 semaphore(%dma_wait3A_551 : memref<!tpu.dma_semaphore, #tpu.memory_space<semaphore_mem>>) src(%dma_wait3A_558 : memref<125x16xf32, #tpu.memory_space<hbm>>) dst(%dma_wait3A_555 : memref<125x16xf32, #tpu.memory_space<vmem>>)
      %dma_start3A_559 = arith.constant 6 : i32
      %dma_start3A_560 = arith.constant 6 : i32
      %dma_start3A_561 = arith.constant 0 : i32
      %dma_start3A_562 = arith.constant 0 : i32
      %dma_start3A_563 = tpu.memref_slice %arg9[%dma_start3A_559, %dma_start3A_561, %dma_start3A_562] : memref<8x125x16xf32, #tpu.memory_space<vmem>> -> memref<1x125x16xf32, #tpu.memory_space<vmem>>
      %dma_start3A_564 = tpu.memref_squeeze %dma_start3A_563 : memref<1x125x16xf32, #tpu.memory_space<vmem>> -> memref<125x16xf32, #tpu.memory_space<vmem>>
      %dma_start3A_565 = arith.constant 0 : i32
      %dma_start3A_566 = tpu.memref_slice %arg8[%add3A_540, %dma_start3A_565] : memref<16x125xi32, #tpu.memory_space<vmem>> -> memref<1x125xi32, #tpu.memory_space<vmem>>
      %dma_start3A_567 = tpu.memref_squeeze %dma_start3A_566 : memref<1x125xi32, #tpu.memory_space<vmem>> -> memref<125xi32, #tpu.memory_space<vmem>>
      %dma_start3A_568 = arith.constant 0 : i32
      %dma_start3A_569 = arith.constant 0 : i32
      %dma_start3A_570 = tpu.memref_slice %arg10[%dma_start3A_568, %dma_start3A_569] : memref<10240x16xf32, #tpu.memory_space<vmem_shared>> -> memref<10240x16xf32, #tpu.memory_space<vmem_shared>>
      %dma_start3A_571 = tpu.memref_slice %arg12[%dma_start3A_560] : memref<8x!tpu.dma_semaphore, #tpu.memory_space<semaphore_mem>> -> memref<1x!tpu.dma_semaphore, #tpu.memory_space<semaphore_mem>>
      %dma_start3A_572 = tpu.memref_squeeze %dma_start3A_571 : memref<1x!tpu.dma_semaphore, #tpu.memory_space<semaphore_mem>> -> memref<!tpu.dma_semaphore, #tpu.memory_space<semaphore_mem>>
      tpu.enqueue_indirect_dma source(%dma_start3A_564 : memref<125x16xf32, #tpu.memory_space<vmem>>) target(%dma_start3A_570 : memref<10240x16xf32, #tpu.memory_space<vmem_shared>>) offsets(%dma_start3A_567 : memref<125xi32, #tpu.memory_space<vmem>>) semaphore(%dma_start3A_572 : memref<!tpu.dma_semaphore, #tpu.memory_space<semaphore_mem>>) {add = true}
      %add3A_573 = arith.constant 4 : i32
      %add3A_574 = arith.addi %add3A_540, %add3A_573 : i32
      %ge3A_575 = arith.constant 8 : i32
      %ge3A_576 = arith.cmpi sge, %add3A_574, %ge3A_575 : i32
      %lt3A_577 = arith.constant 16 : i32
      %lt3A_578 = arith.cmpi slt, %add3A_574, %lt3A_577 : i32
      %and3A_579 = arith.andi %ge3A_576, %lt3A_578 : i1
      %convert_element_type3A_580 = arith.extui %and3A_579 : i1 to i32
      %cond3A_581 = arith.constant 0 : i32
      %cond3A_582 = arith.cmpi ne, %convert_element_type3A_580, %cond3A_581 : i32
      scf.if %cond3A_582 {
        %dma_wait3A_627 = arith.constant 2 : i32
        %dma_wait3A_628 = arith.constant 2 : i32
        %dma_wait3A_629 = arith.constant 0 : i32
        %dma_wait3A_630 = arith.constant 0 : i32
        %dma_wait3A_631 = tpu.memref_slice %arg9[%dma_wait3A_627, %dma_wait3A_629, %dma_wait3A_630] : memref<8x125x16xf32, #tpu.memory_space<vmem>> -> memref<1x125x16xf32, #tpu.memory_space<vmem>>
        %dma_wait3A_632 = tpu.memref_squeeze %dma_wait3A_631 : memref<1x125x16xf32, #tpu.memory_space<vmem>> -> memref<125x16xf32, #tpu.memory_space<vmem>>
        %dma_wait3A_633 = arith.constant 0 : i32
        %dma_wait3A_634 = arith.constant 0 : i32
        %dma_wait3A_635 = tpu.memref_slice %arg4[%dma_wait3A_633, %dma_wait3A_634] : memref<10240x16xf32, #tpu.memory_space<hbm>> -> memref<125x16xf32, #tpu.memory_space<hbm>>
        %dma_wait3A_636 = tpu.memref_slice %arg12[%dma_wait3A_628] : memref<8x!tpu.dma_semaphore, #tpu.memory_space<semaphore_mem>> -> memref<1x!tpu.dma_semaphore, #tpu.memory_space<semaphore_mem>>
        %dma_wait3A_637 = tpu.memref_squeeze %dma_wait3A_636 : memref<1x!tpu.dma_semaphore, #tpu.memory_space<semaphore_mem>> -> memref<!tpu.dma_semaphore, #tpu.memory_space<semaphore_mem>>
        %dma_wait3A_638 = arith.constant 0 : i32
        %dma_wait3A_639 = arith.constant 0 : i32
        %dma_wait3A_640 = tpu.memref_slice %arg9[%dma_wait3A_627, %dma_wait3A_638, %dma_wait3A_639] : memref<8x125x16xf32, #tpu.memory_space<vmem>> -> memref<1x125x16xf32, #tpu.memory_space<vmem>>
        %dma_wait3A_641 = tpu.memref_squeeze %dma_wait3A_640 : memref<1x125x16xf32, #tpu.memory_space<vmem>> -> memref<125x16xf32, #tpu.memory_space<vmem>>
        %dma_wait3A_642 = arith.constant 0 : i32
        %dma_wait3A_643 = arith.constant 0 : i32
        %dma_wait3A_644 = tpu.memref_slice %arg4[%dma_wait3A_642, %dma_wait3A_643] : memref<10240x16xf32, #tpu.memory_space<hbm>> -> memref<125x16xf32, #tpu.memory_space<hbm>>
        tpu.wait_dma2 semaphore(%dma_wait3A_637 : memref<!tpu.dma_semaphore, #tpu.memory_space<semaphore_mem>>) src(%dma_wait3A_644 : memref<125x16xf32, #tpu.memory_space<hbm>>) dst(%dma_wait3A_641 : memref<125x16xf32, #tpu.memory_space<vmem>>)
        %dma_start3A_645 = arith.constant 2 : i32
        %dma_start3A_646 = arith.constant 2 : i32
        %dma_start3A_647 = arith.constant 0 : i32
        %dma_start3A_648 = arith.constant 0 : i32
        %dma_start3A_649 = tpu.memref_slice %arg9[%dma_start3A_645, %dma_start3A_647, %dma_start3A_648] : memref<8x125x16xf32, #tpu.memory_space<vmem>> -> memref<1x125x16xf32, #tpu.memory_space<vmem>>
        %dma_start3A_650 = tpu.memref_squeeze %dma_start3A_649 : memref<1x125x16xf32, #tpu.memory_space<vmem>> -> memref<125x16xf32, #tpu.memory_space<vmem>>
        %dma_start3A_651 = arith.constant 0 : i32
        %dma_start3A_652 = tpu.memref_slice %arg7[%add3A_574, %dma_start3A_651] : memref<16x125xi32, #tpu.memory_space<vmem>> -> memref<1x125xi32, #tpu.memory_space<vmem>>
        %dma_start3A_653 = tpu.memref_squeeze %dma_start3A_652 : memref<1x125xi32, #tpu.memory_space<vmem>> -> memref<125xi32, #tpu.memory_space<vmem>>
        %dma_start3A_654 = arith.constant 0 : i32
        %dma_start3A_655 = arith.constant 0 : i32
        %dma_start3A_656 = tpu.memref_slice %arg4[%dma_start3A_654, %dma_start3A_655] : memref<10240x16xf32, #tpu.memory_space<hbm>> -> memref<10240x16xf32, #tpu.memory_space<hbm>>
        %dma_start3A_657 = tpu.memref_slice %arg11[%dma_start3A_646] : memref<8x!tpu.dma_semaphore, #tpu.memory_space<semaphore_mem>> -> memref<1x!tpu.dma_semaphore, #tpu.memory_space<semaphore_mem>>
        %dma_start3A_658 = tpu.memref_squeeze %dma_start3A_657 : memref<1x!tpu.dma_semaphore, #tpu.memory_space<semaphore_mem>> -> memref<!tpu.dma_semaphore, #tpu.memory_space<semaphore_mem>>
        tpu.enqueue_indirect_dma source(%dma_start3A_656 : memref<10240x16xf32, #tpu.memory_space<hbm>>) target(%dma_start3A_650 : memref<125x16xf32, #tpu.memory_space<vmem>>) offsets(%dma_start3A_653 : memref<125xi32, #tpu.memory_space<vmem>>) semaphore(%dma_start3A_658 : memref<!tpu.dma_semaphore, #tpu.memory_space<semaphore_mem>>)
      } else {
      }
      %add3A_583 = arith.constant 7 : i32
      %add3A_584 = arith.addi %mul3A_279, %add3A_583 : i32
      %dma_wait3A_585 = arith.constant 7 : i32
      %dma_wait3A_586 = arith.constant 7 : i32
      %dma_wait3A_587 = arith.constant 0 : i32
      %dma_wait3A_588 = arith.constant 0 : i32
      %dma_wait3A_589 = tpu.memref_slice %arg9[%dma_wait3A_585, %dma_wait3A_587, %dma_wait3A_588] : memref<8x125x16xf32, #tpu.memory_space<vmem>> -> memref<1x125x16xf32, #tpu.memory_space<vmem>>
      %dma_wait3A_590 = tpu.memref_squeeze %dma_wait3A_589 : memref<1x125x16xf32, #tpu.memory_space<vmem>> -> memref<125x16xf32, #tpu.memory_space<vmem>>
      %dma_wait3A_591 = arith.constant 0 : i32
      %dma_wait3A_592 = arith.constant 0 : i32
      %dma_wait3A_593 = tpu.memref_slice %arg4[%dma_wait3A_591, %dma_wait3A_592] : memref<10240x16xf32, #tpu.memory_space<hbm>> -> memref<125x16xf32, #tpu.memory_space<hbm>>
      %dma_wait3A_594 = tpu.memref_slice %arg11[%dma_wait3A_586] : memref<8x!tpu.dma_semaphore, #tpu.memory_space<semaphore_mem>> -> memref<1x!tpu.dma_semaphore, #tpu.memory_space<semaphore_mem>>
      %dma_wait3A_595 = tpu.memref_squeeze %dma_wait3A_594 : memref<1x!tpu.dma_semaphore, #tpu.memory_space<semaphore_mem>> -> memref<!tpu.dma_semaphore, #tpu.memory_space<semaphore_mem>>
      %dma_wait3A_596 = arith.constant 0 : i32
      %dma_wait3A_597 = arith.constant 0 : i32
      %dma_wait3A_598 = tpu.memref_slice %arg9[%dma_wait3A_585, %dma_wait3A_596, %dma_wait3A_597] : memref<8x125x16xf32, #tpu.memory_space<vmem>> -> memref<1x125x16xf32, #tpu.memory_space<vmem>>
      %dma_wait3A_599 = tpu.memref_squeeze %dma_wait3A_598 : memref<1x125x16xf32, #tpu.memory_space<vmem>> -> memref<125x16xf32, #tpu.memory_space<vmem>>
      %dma_wait3A_600 = arith.constant 0 : i32
      %dma_wait3A_601 = arith.constant 0 : i32
      %dma_wait3A_602 = tpu.memref_slice %arg4[%dma_wait3A_600, %dma_wait3A_601] : memref<10240x16xf32, #tpu.memory_space<hbm>> -> memref<125x16xf32, #tpu.memory_space<hbm>>
      tpu.wait_dma2 semaphore(%dma_wait3A_595 : memref<!tpu.dma_semaphore, #tpu.memory_space<semaphore_mem>>) src(%dma_wait3A_602 : memref<125x16xf32, #tpu.memory_space<hbm>>) dst(%dma_wait3A_599 : memref<125x16xf32, #tpu.memory_space<vmem>>)
      %dma_start3A_603 = arith.constant 7 : i32
      %dma_start3A_604 = arith.constant 7 : i32
      %dma_start3A_605 = arith.constant 0 : i32
      %dma_start3A_606 = arith.constant 0 : i32
      %dma_start3A_607 = tpu.memref_slice %arg9[%dma_start3A_603, %dma_start3A_605, %dma_start3A_606] : memref<8x125x16xf32, #tpu.memory_space<vmem>> -> memref<1x125x16xf32, #tpu.memory_space<vmem>>
      %dma_start3A_608 = tpu.memref_squeeze %dma_start3A_607 : memref<1x125x16xf32, #tpu.memory_space<vmem>> -> memref<125x16xf32, #tpu.memory_space<vmem>>
      %dma_start3A_609 = arith.constant 0 : i32
      %dma_start3A_610 = tpu.memref_slice %arg8[%add3A_584, %dma_start3A_609] : memref<16x125xi32, #tpu.memory_space<vmem>> -> memref<1x125xi32, #tpu.memory_space<vmem>>
      %dma_start3A_611 = tpu.memref_squeeze %dma_start3A_610 : memref<1x125xi32, #tpu.memory_space<vmem>> -> memref<125xi32, #tpu.memory_space<vmem>>
      %dma_start3A_612 = arith.constant 0 : i32
      %dma_start3A_613 = arith.constant 0 : i32
      %dma_start3A_614 = tpu.memref_slice %arg10[%dma_start3A_612, %dma_start3A_613] : memref<10240x16xf32, #tpu.memory_space<vmem_shared>> -> memref<10240x16xf32, #tpu.memory_space<vmem_shared>>
      %dma_start3A_615 = tpu.memref_slice %arg12[%dma_start3A_604] : memref<8x!tpu.dma_semaphore, #tpu.memory_space<semaphore_mem>> -> memref<1x!tpu.dma_semaphore, #tpu.memory_space<semaphore_mem>>
      %dma_start3A_616 = tpu.memref_squeeze %dma_start3A_615 : memref<1x!tpu.dma_semaphore, #tpu.memory_space<semaphore_mem>> -> memref<!tpu.dma_semaphore, #tpu.memory_space<semaphore_mem>>
      tpu.enqueue_indirect_dma source(%dma_start3A_608 : memref<125x16xf32, #tpu.memory_space<vmem>>) target(%dma_start3A_614 : memref<10240x16xf32, #tpu.memory_space<vmem_shared>>) offsets(%dma_start3A_611 : memref<125xi32, #tpu.memory_space<vmem>>) semaphore(%dma_start3A_616 : memref<!tpu.dma_semaphore, #tpu.memory_space<semaphore_mem>>) {add = true}
      %add3A_617 = arith.constant 4 : i32
      %add3A_618 = arith.addi %add3A_584, %add3A_617 : i32
      %ge3A_619 = arith.constant 8 : i32
      %ge3A_620 = arith.cmpi sge, %add3A_618, %ge3A_619 : i32
      %lt3A_621 = arith.constant 16 : i32
      %lt3A_622 = arith.cmpi slt, %add3A_618, %lt3A_621 : i32
      %and3A_623 = arith.andi %ge3A_620, %lt3A_622 : i1
      %convert_element_type3A_624 = arith.extui %and3A_623 : i1 to i32
      %cond3A_625 = arith.constant 0 : i32
      %cond3A_626 = arith.cmpi ne, %convert_element_type3A_624, %cond3A_625 : i32
      scf.if %cond3A_626 {
        %dma_wait3A_627 = arith.constant 3 : i32
        %dma_wait3A_628 = arith.constant 3 : i32
        %dma_wait3A_629 = arith.constant 0 : i32
        %dma_wait3A_630 = arith.constant 0 : i32
        %dma_wait3A_631 = tpu.memref_slice %arg9[%dma_wait3A_627, %dma_wait3A_629, %dma_wait3A_630] : memref<8x125x16xf32, #tpu.memory_space<vmem>> -> memref<1x125x16xf32, #tpu.memory_space<vmem>>
        %dma_wait3A_632 = tpu.memref_squeeze %dma_wait3A_631 : memref<1x125x16xf32, #tpu.memory_space<vmem>> -> memref<125x16xf32, #tpu.memory_space<vmem>>
        %dma_wait3A_633 = arith.constant 0 : i32
        %dma_wait3A_634 = arith.constant 0 : i32
        %dma_wait3A_635 = tpu.memref_slice %arg4[%dma_wait3A_633, %dma_wait3A_634] : memref<10240x16xf32, #tpu.memory_space<hbm>> -> memref<125x16xf32, #tpu.memory_space<hbm>>
        %dma_wait3A_636 = tpu.memref_slice %arg12[%dma_wait3A_628] : memref<8x!tpu.dma_semaphore, #tpu.memory_space<semaphore_mem>> -> memref<1x!tpu.dma_semaphore, #tpu.memory_space<semaphore_mem>>
        %dma_wait3A_637 = tpu.memref_squeeze %dma_wait3A_636 : memref<1x!tpu.dma_semaphore, #tpu.memory_space<semaphore_mem>> -> memref<!tpu.dma_semaphore, #tpu.memory_space<semaphore_mem>>
        %dma_wait3A_638 = arith.constant 0 : i32
        %dma_wait3A_639 = arith.constant 0 : i32
        %dma_wait3A_640 = tpu.memref_slice %arg9[%dma_wait3A_627, %dma_wait3A_638, %dma_wait3A_639] : memref<8x125x16xf32, #tpu.memory_space<vmem>> -> memref<1x125x16xf32, #tpu.memory_space<vmem>>
        %dma_wait3A_641 = tpu.memref_squeeze %dma_wait3A_640 : memref<1x125x16xf32, #tpu.memory_space<vmem>> -> memref<125x16xf32, #tpu.memory_space<vmem>>
        %dma_wait3A_642 = arith.constant 0 : i32
        %dma_wait3A_643 = arith.constant 0 : i32
        %dma_wait3A_644 = tpu.memref_slice %arg4[%dma_wait3A_642, %dma_wait3A_643] : memref<10240x16xf32, #tpu.memory_space<hbm>> -> memref<125x16xf32, #tpu.memory_space<hbm>>
        tpu.wait_dma2 semaphore(%dma_wait3A_637 : memref<!tpu.dma_semaphore, #tpu.memory_space<semaphore_mem>>) src(%dma_wait3A_644 : memref<125x16xf32, #tpu.memory_space<hbm>>) dst(%dma_wait3A_641 : memref<125x16xf32, #tpu.memory_space<vmem>>)
        %dma_start3A_645 = arith.constant 3 : i32
        %dma_start3A_646 = arith.constant 3 : i32
        %dma_start3A_647 = arith.constant 0 : i32
        %dma_start3A_648 = arith.constant 0 : i32
        %dma_start3A_649 = tpu.memref_slice %arg9[%dma_start3A_645, %dma_start3A_647, %dma_start3A_648] : memref<8x125x16xf32, #tpu.memory_space<vmem>> -> memref<1x125x16xf32, #tpu.memory_space<vmem>>
        %dma_start3A_650 = tpu.memref_squeeze %dma_start3A_649 : memref<1x125x16xf32, #tpu.memory_space<vmem>> -> memref<125x16xf32, #tpu.memory_space<vmem>>
        %dma_start3A_651 = arith.constant 0 : i32
        %dma_start3A_652 = tpu.memref_slice %arg7[%add3A_618, %dma_start3A_651] : memref<16x125xi32, #tpu.memory_space<vmem>> -> memref<1x125xi32, #tpu.memory_space<vmem>>
        %dma_start3A_653 = tpu.memref_squeeze %dma_start3A_652 : memref<1x125xi32, #tpu.memory_space<vmem>> -> memref<125xi32, #tpu.memory_space<vmem>>
        %dma_start3A_654 = arith.constant 0 : i32
        %dma_start3A_655 = arith.constant 0 : i32
        %dma_start3A_656 = tpu.memref_slice %arg4[%dma_start3A_654, %dma_start3A_655] : memref<10240x16xf32, #tpu.memory_space<hbm>> -> memref<10240x16xf32, #tpu.memory_space<hbm>>
        %dma_start3A_657 = tpu.memref_slice %arg11[%dma_start3A_646] : memref<8x!tpu.dma_semaphore, #tpu.memory_space<semaphore_mem>> -> memref<1x!tpu.dma_semaphore, #tpu.memory_space<semaphore_mem>>
        %dma_start3A_658 = tpu.memref_squeeze %dma_start3A_657 : memref<1x!tpu.dma_semaphore, #tpu.memory_space<semaphore_mem>> -> memref<!tpu.dma_semaphore, #tpu.memory_space<semaphore_mem>>
        tpu.enqueue_indirect_dma source(%dma_start3A_656 : memref<10240x16xf32, #tpu.memory_space<hbm>>) target(%dma_start3A_650 : memref<125x16xf32, #tpu.memory_space<vmem>>) offsets(%dma_start3A_653 : memref<125xi32, #tpu.memory_space<vmem>>) semaphore(%dma_start3A_658 : memref<!tpu.dma_semaphore, #tpu.memory_space<semaphore_mem>>)
      } else {
      }
    }
    %scan3A_128 = arith.constant 2 : i32
    %dma_wait3A = arith.constant 0 : i32
    %dma_wait3A_129 = arith.constant 0 : i32
    %dma_wait3A_130 = arith.constant 0 : i32
    %dma_wait3A_131 = arith.constant 0 : i32
    %dma_wait3A_132 = tpu.memref_slice %arg9[%dma_wait3A, %dma_wait3A_130, %dma_wait3A_131] : memref<8x125x16xf32, #tpu.memory_space<vmem>> -> memref<1x125x16xf32, #tpu.memory_space<vmem>>
    %dma_wait3A_133 = tpu.memref_squeeze %dma_wait3A_132 : memref<1x125x16xf32, #tpu.memory_space<vmem>> -> memref<125x16xf32, #tpu.memory_space<vmem>>
    %dma_wait3A_134 = arith.constant 0 : i32
    %dma_wait3A_135 = arith.constant 0 : i32
    %dma_wait3A_136 = tpu.memref_slice %arg4[%dma_wait3A_134, %dma_wait3A_135] : memref<10240x16xf32, #tpu.memory_space<hbm>> -> memref<125x16xf32, #tpu.memory_space<hbm>>
    %dma_wait3A_137 = tpu.memref_slice %arg12[%dma_wait3A_129] : memref<8x!tpu.dma_semaphore, #tpu.memory_space<semaphore_mem>> -> memref<1x!tpu.dma_semaphore, #tpu.memory_space<semaphore_mem>>
    %dma_wait3A_138 = tpu.memref_squeeze %dma_wait3A_137 : memref<1x!tpu.dma_semaphore, #tpu.memory_space<semaphore_mem>> -> memref<!tpu.dma_semaphore, #tpu.memory_space<semaphore_mem>>
    %dma_wait3A_139 = arith.constant 0 : i32
    %dma_wait3A_140 = arith.constant 0 : i32
    %dma_wait3A_141 = tpu.memref_slice %arg9[%dma_wait3A, %dma_wait3A_139, %dma_wait3A_140] : memref<8x125x16xf32, #tpu.memory_space<vmem>> -> memref<1x125x16xf32, #tpu.memory_space<vmem>>
    %dma_wait3A_142 = tpu.memref_squeeze %dma_wait3A_141 : memref<1x125x16xf32, #tpu.memory_space<vmem>> -> memref<125x16xf32, #tpu.memory_space<vmem>>
    %dma_wait3A_143 = arith.constant 0 : i32
    %dma_wait3A_144 = arith.constant 0 : i32
    %dma_wait3A_145 = tpu.memref_slice %arg4[%dma_wait3A_143, %dma_wait3A_144] : memref<10240x16xf32, #tpu.memory_space<hbm>> -> memref<125x16xf32, #tpu.memory_space<hbm>>
    tpu.wait_dma2 semaphore(%dma_wait3A_138 : memref<!tpu.dma_semaphore, #tpu.memory_space<semaphore_mem>>) src(%dma_wait3A_145 : memref<125x16xf32, #tpu.memory_space<hbm>>) dst(%dma_wait3A_142 : memref<125x16xf32, #tpu.memory_space<vmem>>)
    %dma_wait3A_146 = arith.constant 1 : i32
    %dma_wait3A_147 = arith.constant 1 : i32
    %dma_wait3A_148 = arith.constant 0 : i32
    %dma_wait3A_149 = arith.constant 0 : i32
    %dma_wait3A_150 = tpu.memref_slice %arg9[%dma_wait3A_146, %dma_wait3A_148, %dma_wait3A_149] : memref<8x125x16xf32, #tpu.memory_space<vmem>> -> memref<1x125x16xf32, #tpu.memory_space<vmem>>
    %dma_wait3A_151 = tpu.memref_squeeze %dma_wait3A_150 : memref<1x125x16xf32, #tpu.memory_space<vmem>> -> memref<125x16xf32, #tpu.memory_space<vmem>>
    %dma_wait3A_152 = arith.constant 0 : i32
    %dma_wait3A_153 = arith.constant 0 : i32
    %dma_wait3A_154 = tpu.memref_slice %arg4[%dma_wait3A_152, %dma_wait3A_153] : memref<10240x16xf32, #tpu.memory_space<hbm>> -> memref<125x16xf32, #tpu.memory_space<hbm>>
    %dma_wait3A_155 = tpu.memref_slice %arg12[%dma_wait3A_147] : memref<8x!tpu.dma_semaphore, #tpu.memory_space<semaphore_mem>> -> memref<1x!tpu.dma_semaphore, #tpu.memory_space<semaphore_mem>>
    %dma_wait3A_156 = tpu.memref_squeeze %dma_wait3A_155 : memref<1x!tpu.dma_semaphore, #tpu.memory_space<semaphore_mem>> -> memref<!tpu.dma_semaphore, #tpu.memory_space<semaphore_mem>>
    %dma_wait3A_157 = arith.constant 0 : i32
    %dma_wait3A_158 = arith.constant 0 : i32
    %dma_wait3A_159 = tpu.memref_slice %arg9[%dma_wait3A_146, %dma_wait3A_157, %dma_wait3A_158] : memref<8x125x16xf32, #tpu.memory_space<vmem>> -> memref<1x125x16xf32, #tpu.memory_space<vmem>>
    %dma_wait3A_160 = tpu.memref_squeeze %dma_wait3A_159 : memref<1x125x16xf32, #tpu.memory_space<vmem>> -> memref<125x16xf32, #tpu.memory_space<vmem>>
    %dma_wait3A_161 = arith.constant 0 : i32
    %dma_wait3A_162 = arith.constant 0 : i32
    %dma_wait3A_163 = tpu.memref_slice %arg4[%dma_wait3A_161, %dma_wait3A_162] : memref<10240x16xf32, #tpu.memory_space<hbm>> -> memref<125x16xf32, #tpu.memory_space<hbm>>
    tpu.wait_dma2 semaphore(%dma_wait3A_156 : memref<!tpu.dma_semaphore, #tpu.memory_space<semaphore_mem>>) src(%dma_wait3A_163 : memref<125x16xf32, #tpu.memory_space<hbm>>) dst(%dma_wait3A_160 : memref<125x16xf32, #tpu.memory_space<vmem>>)
    %dma_wait3A_164 = arith.constant 2 : i32
    %dma_wait3A_165 = arith.constant 2 : i32
    %dma_wait3A_166 = arith.constant 0 : i32
    %dma_wait3A_167 = arith.constant 0 : i32
    %dma_wait3A_168 = tpu.memref_slice %arg9[%dma_wait3A_164, %dma_wait3A_166, %dma_wait3A_167] : memref<8x125x16xf32, #tpu.memory_space<vmem>> -> memref<1x125x16xf32, #tpu.memory_space<vmem>>
    %dma_wait3A_169 = tpu.memref_squeeze %dma_wait3A_168 : memref<1x125x16xf32, #tpu.memory_space<vmem>> -> memref<125x16xf32, #tpu.memory_space<vmem>>
    %dma_wait3A_170 = arith.constant 0 : i32
    %dma_wait3A_171 = arith.constant 0 : i32
    %dma_wait3A_172 = tpu.memref_slice %arg4[%dma_wait3A_170, %dma_wait3A_171] : memref<10240x16xf32, #tpu.memory_space<hbm>> -> memref<125x16xf32, #tpu.memory_space<hbm>>
    %dma_wait3A_173 = tpu.memref_slice %arg12[%dma_wait3A_165] : memref<8x!tpu.dma_semaphore, #tpu.memory_space<semaphore_mem>> -> memref<1x!tpu.dma_semaphore, #tpu.memory_space<semaphore_mem>>
    %dma_wait3A_174 = tpu.memref_squeeze %dma_wait3A_173 : memref<1x!tpu.dma_semaphore, #tpu.memory_space<semaphore_mem>> -> memref<!tpu.dma_semaphore, #tpu.memory_space<semaphore_mem>>
    %dma_wait3A_175 = arith.constant 0 : i32
    %dma_wait3A_176 = arith.constant 0 : i32
    %dma_wait3A_177 = tpu.memref_slice %arg9[%dma_wait3A_164, %dma_wait3A_175, %dma_wait3A_176] : memref<8x125x16xf32, #tpu.memory_space<vmem>> -> memref<1x125x16xf32, #tpu.memory_space<vmem>>
    %dma_wait3A_178 = tpu.memref_squeeze %dma_wait3A_177 : memref<1x125x16xf32, #tpu.memory_space<vmem>> -> memref<125x16xf32, #tpu.memory_space<vmem>>
    %dma_wait3A_179 = arith.constant 0 : i32
    %dma_wait3A_180 = arith.constant 0 : i32
    %dma_wait3A_181 = tpu.memref_slice %arg4[%dma_wait3A_179, %dma_wait3A_180] : memref<10240x16xf32, #tpu.memory_space<hbm>> -> memref<125x16xf32, #tpu.memory_space<hbm>>
    tpu.wait_dma2 semaphore(%dma_wait3A_174 : memref<!tpu.dma_semaphore, #tpu.memory_space<semaphore_mem>>) src(%dma_wait3A_181 : memref<125x16xf32, #tpu.memory_space<hbm>>) dst(%dma_wait3A_178 : memref<125x16xf32, #tpu.memory_space<vmem>>)
    %dma_wait3A_182 = arith.constant 3 : i32
    %dma_wait3A_183 = arith.constant 3 : i32
    %dma_wait3A_184 = arith.constant 0 : i32
    %dma_wait3A_185 = arith.constant 0 : i32
    %dma_wait3A_186 = tpu.memref_slice %arg9[%dma_wait3A_182, %dma_wait3A_184, %dma_wait3A_185] : memref<8x125x16xf32, #tpu.memory_space<vmem>> -> memref<1x125x16xf32, #tpu.memory_space<vmem>>
    %dma_wait3A_187 = tpu.memref_squeeze %dma_wait3A_186 : memref<1x125x16xf32, #tpu.memory_space<vmem>> -> memref<125x16xf32, #tpu.memory_space<vmem>>
    %dma_wait3A_188 = arith.constant 0 : i32
    %dma_wait3A_189 = arith.constant 0 : i32
    %dma_wait3A_190 = tpu.memref_slice %arg4[%dma_wait3A_188, %dma_wait3A_189] : memref<10240x16xf32, #tpu.memory_space<hbm>> -> memref<125x16xf32, #tpu.memory_space<hbm>>
    %dma_wait3A_191 = tpu.memref_slice %arg12[%dma_wait3A_183] : memref<8x!tpu.dma_semaphore, #tpu.memory_space<semaphore_mem>> -> memref<1x!tpu.dma_semaphore, #tpu.memory_space<semaphore_mem>>
    %dma_wait3A_192 = tpu.memref_squeeze %dma_wait3A_191 : memref<1x!tpu.dma_semaphore, #tpu.memory_space<semaphore_mem>> -> memref<!tpu.dma_semaphore, #tpu.memory_space<semaphore_mem>>
    %dma_wait3A_193 = arith.constant 0 : i32
    %dma_wait3A_194 = arith.constant 0 : i32
    %dma_wait3A_195 = tpu.memref_slice %arg9[%dma_wait3A_182, %dma_wait3A_193, %dma_wait3A_194] : memref<8x125x16xf32, #tpu.memory_space<vmem>> -> memref<1x125x16xf32, #tpu.memory_space<vmem>>
    %dma_wait3A_196 = tpu.memref_squeeze %dma_wait3A_195 : memref<1x125x16xf32, #tpu.memory_space<vmem>> -> memref<125x16xf32, #tpu.memory_space<vmem>>
    %dma_wait3A_197 = arith.constant 0 : i32
    %dma_wait3A_198 = arith.constant 0 : i32
    %dma_wait3A_199 = tpu.memref_slice %arg4[%dma_wait3A_197, %dma_wait3A_198] : memref<10240x16xf32, #tpu.memory_space<hbm>> -> memref<125x16xf32, #tpu.memory_space<hbm>>
    tpu.wait_dma2 semaphore(%dma_wait3A_192 : memref<!tpu.dma_semaphore, #tpu.memory_space<semaphore_mem>>) src(%dma_wait3A_199 : memref<125x16xf32, #tpu.memory_space<hbm>>) dst(%dma_wait3A_196 : memref<125x16xf32, #tpu.memory_space<vmem>>)
    %dma_wait3A_200 = arith.constant 4 : i32
    %dma_wait3A_201 = arith.constant 4 : i32
    %dma_wait3A_202 = arith.constant 0 : i32
    %dma_wait3A_203 = arith.constant 0 : i32
    %dma_wait3A_204 = tpu.memref_slice %arg9[%dma_wait3A_200, %dma_wait3A_202, %dma_wait3A_203] : memref<8x125x16xf32, #tpu.memory_space<vmem>> -> memref<1x125x16xf32, #tpu.memory_space<vmem>>
    %dma_wait3A_205 = tpu.memref_squeeze %dma_wait3A_204 : memref<1x125x16xf32, #tpu.memory_space<vmem>> -> memref<125x16xf32, #tpu.memory_space<vmem>>
    %dma_wait3A_206 = arith.constant 0 : i32
    %dma_wait3A_207 = arith.constant 0 : i32
    %dma_wait3A_208 = tpu.memref_slice %arg4[%dma_wait3A_206, %dma_wait3A_207] : memref<10240x16xf32, #tpu.memory_space<hbm>> -> memref<125x16xf32, #tpu.memory_space<hbm>>
    %dma_wait3A_209 = tpu.memref_slice %arg12[%dma_wait3A_201] : memref<8x!tpu.dma_semaphore, #tpu.memory_space<semaphore_mem>> -> memref<1x!tpu.dma_semaphore, #tpu.memory_space<semaphore_mem>>
    %dma_wait3A_210 = tpu.memref_squeeze %dma_wait3A_209 : memref<1x!tpu.dma_semaphore, #tpu.memory_space<semaphore_mem>> -> memref<!tpu.dma_semaphore, #tpu.memory_space<semaphore_mem>>
    %dma_wait3A_211 = arith.constant 0 : i32
    %dma_wait3A_212 = arith.constant 0 : i32
    %dma_wait3A_213 = tpu.memref_slice %arg9[%dma_wait3A_200, %dma_wait3A_211, %dma_wait3A_212] : memref<8x125x16xf32, #tpu.memory_space<vmem>> -> memref<1x125x16xf32, #tpu.memory_space<vmem>>
    %dma_wait3A_214 = tpu.memref_squeeze %dma_wait3A_213 : memref<1x125x16xf32, #tpu.memory_space<vmem>> -> memref<125x16xf32, #tpu.memory_space<vmem>>
    %dma_wait3A_215 = arith.constant 0 : i32
    %dma_wait3A_216 = arith.constant 0 : i32
    %dma_wait3A_217 = tpu.memref_slice %arg4[%dma_wait3A_215, %dma_wait3A_216] : memref<10240x16xf32, #tpu.memory_space<hbm>> -> memref<125x16xf32, #tpu.memory_space<hbm>>
    tpu.wait_dma2 semaphore(%dma_wait3A_210 : memref<!tpu.dma_semaphore, #tpu.memory_space<semaphore_mem>>) src(%dma_wait3A_217 : memref<125x16xf32, #tpu.memory_space<hbm>>) dst(%dma_wait3A_214 : memref<125x16xf32, #tpu.memory_space<vmem>>)
    %dma_wait3A_218 = arith.constant 5 : i32
    %dma_wait3A_219 = arith.constant 5 : i32
    %dma_wait3A_220 = arith.constant 0 : i32
    %dma_wait3A_221 = arith.constant 0 : i32
    %dma_wait3A_222 = tpu.memref_slice %arg9[%dma_wait3A_218, %dma_wait3A_220, %dma_wait3A_221] : memref<8x125x16xf32, #tpu.memory_space<vmem>> -> memref<1x125x16xf32, #tpu.memory_space<vmem>>
    %dma_wait3A_223 = tpu.memref_squeeze %dma_wait3A_222 : memref<1x125x16xf32, #tpu.memory_space<vmem>> -> memref<125x16xf32, #tpu.memory_space<vmem>>
    %dma_wait3A_224 = arith.constant 0 : i32
    %dma_wait3A_225 = arith.constant 0 : i32
    %dma_wait3A_226 = tpu.memref_slice %arg4[%dma_wait3A_224, %dma_wait3A_225] : memref<10240x16xf32, #tpu.memory_space<hbm>> -> memref<125x16xf32, #tpu.memory_space<hbm>>
    %dma_wait3A_227 = tpu.memref_slice %arg12[%dma_wait3A_219] : memref<8x!tpu.dma_semaphore, #tpu.memory_space<semaphore_mem>> -> memref<1x!tpu.dma_semaphore, #tpu.memory_space<semaphore_mem>>
    %dma_wait3A_228 = tpu.memref_squeeze %dma_wait3A_227 : memref<1x!tpu.dma_semaphore, #tpu.memory_space<semaphore_mem>> -> memref<!tpu.dma_semaphore, #tpu.memory_space<semaphore_mem>>
    %dma_wait3A_229 = arith.constant 0 : i32
    %dma_wait3A_230 = arith.constant 0 : i32
    %dma_wait3A_231 = tpu.memref_slice %arg9[%dma_wait3A_218, %dma_wait3A_229, %dma_wait3A_230] : memref<8x125x16xf32, #tpu.memory_space<vmem>> -> memref<1x125x16xf32, #tpu.memory_space<vmem>>
    %dma_wait3A_232 = tpu.memref_squeeze %dma_wait3A_231 : memref<1x125x16xf32, #tpu.memory_space<vmem>> -> memref<125x16xf32, #tpu.memory_space<vmem>>
    %dma_wait3A_233 = arith.constant 0 : i32
    %dma_wait3A_234 = arith.constant 0 : i32
    %dma_wait3A_235 = tpu.memref_slice %arg4[%dma_wait3A_233, %dma_wait3A_234] : memref<10240x16xf32, #tpu.memory_space<hbm>> -> memref<125x16xf32, #tpu.memory_space<hbm>>
    tpu.wait_dma2 semaphore(%dma_wait3A_228 : memref<!tpu.dma_semaphore, #tpu.memory_space<semaphore_mem>>) src(%dma_wait3A_235 : memref<125x16xf32, #tpu.memory_space<hbm>>) dst(%dma_wait3A_232 : memref<125x16xf32, #tpu.memory_space<vmem>>)
    %dma_wait3A_236 = arith.constant 6 : i32
    %dma_wait3A_237 = arith.constant 6 : i32
    %dma_wait3A_238 = arith.constant 0 : i32
    %dma_wait3A_239 = arith.constant 0 : i32
    %dma_wait3A_240 = tpu.memref_slice %arg9[%dma_wait3A_236, %dma_wait3A_238, %dma_wait3A_239] : memref<8x125x16xf32, #tpu.memory_space<vmem>> -> memref<1x125x16xf32, #tpu.memory_space<vmem>>
    %dma_wait3A_241 = tpu.memref_squeeze %dma_wait3A_240 : memref<1x125x16xf32, #tpu.memory_space<vmem>> -> memref<125x16xf32, #tpu.memory_space<vmem>>
    %dma_wait3A_242 = arith.constant 0 : i32
    %dma_wait3A_243 = arith.constant 0 : i32
    %dma_wait3A_244 = tpu.memref_slice %arg4[%dma_wait3A_242, %dma_wait3A_243] : memref<10240x16xf32, #tpu.memory_space<hbm>> -> memref<125x16xf32, #tpu.memory_space<hbm>>
    %dma_wait3A_245 = tpu.memref_slice %arg12[%dma_wait3A_237] : memref<8x!tpu.dma_semaphore, #tpu.memory_space<semaphore_mem>> -> memref<1x!tpu.dma_semaphore, #tpu.memory_space<semaphore_mem>>
    %dma_wait3A_246 = tpu.memref_squeeze %dma_wait3A_245 : memref<1x!tpu.dma_semaphore, #tpu.memory_space<semaphore_mem>> -> memref<!tpu.dma_semaphore, #tpu.memory_space<semaphore_mem>>
    %dma_wait3A_247 = arith.constant 0 : i32
    %dma_wait3A_248 = arith.constant 0 : i32
    %dma_wait3A_249 = tpu.memref_slice %arg9[%dma_wait3A_236, %dma_wait3A_247, %dma_wait3A_248] : memref<8x125x16xf32, #tpu.memory_space<vmem>> -> memref<1x125x16xf32, #tpu.memory_space<vmem>>
    %dma_wait3A_250 = tpu.memref_squeeze %dma_wait3A_249 : memref<1x125x16xf32, #tpu.memory_space<vmem>> -> memref<125x16xf32, #tpu.memory_space<vmem>>
    %dma_wait3A_251 = arith.constant 0 : i32
    %dma_wait3A_252 = arith.constant 0 : i32
    %dma_wait3A_253 = tpu.memref_slice %arg4[%dma_wait3A_251, %dma_wait3A_252] : memref<10240x16xf32, #tpu.memory_space<hbm>> -> memref<125x16xf32, #tpu.memory_space<hbm>>
    tpu.wait_dma2 semaphore(%dma_wait3A_246 : memref<!tpu.dma_semaphore, #tpu.memory_space<semaphore_mem>>) src(%dma_wait3A_253 : memref<125x16xf32, #tpu.memory_space<hbm>>) dst(%dma_wait3A_250 : memref<125x16xf32, #tpu.memory_space<vmem>>)
    %dma_wait3A_254 = arith.constant 7 : i32
    %dma_wait3A_255 = arith.constant 7 : i32
    %dma_wait3A_256 = arith.constant 0 : i32
    %dma_wait3A_257 = arith.constant 0 : i32
    %dma_wait3A_258 = tpu.memref_slice %arg9[%dma_wait3A_254, %dma_wait3A_256, %dma_wait3A_257] : memref<8x125x16xf32, #tpu.memory_space<vmem>> -> memref<1x125x16xf32, #tpu.memory_space<vmem>>
    %dma_wait3A_259 = tpu.memref_squeeze %dma_wait3A_258 : memref<1x125x16xf32, #tpu.memory_space<vmem>> -> memref<125x16xf32, #tpu.memory_space<vmem>>
    %dma_wait3A_260 = arith.constant 0 : i32
    %dma_wait3A_261 = arith.constant 0 : i32
    %dma_wait3A_262 = tpu.memref_slice %arg4[%dma_wait3A_260, %dma_wait3A_261] : memref<10240x16xf32, #tpu.memory_space<hbm>> -> memref<125x16xf32, #tpu.memory_space<hbm>>
    %dma_wait3A_263 = tpu.memref_slice %arg12[%dma_wait3A_255] : memref<8x!tpu.dma_semaphore, #tpu.memory_space<semaphore_mem>> -> memref<1x!tpu.dma_semaphore, #tpu.memory_space<semaphore_mem>>
    %dma_wait3A_264 = tpu.memref_squeeze %dma_wait3A_263 : memref<1x!tpu.dma_semaphore, #tpu.memory_space<semaphore_mem>> -> memref<!tpu.dma_semaphore, #tpu.memory_space<semaphore_mem>>
    %dma_wait3A_265 = arith.constant 0 : i32
    %dma_wait3A_266 = arith.constant 0 : i32
    %dma_wait3A_267 = tpu.memref_slice %arg9[%dma_wait3A_254, %dma_wait3A_265, %dma_wait3A_266] : memref<8x125x16xf32, #tpu.memory_space<vmem>> -> memref<1x125x16xf32, #tpu.memory_space<vmem>>
    %dma_wait3A_268 = tpu.memref_squeeze %dma_wait3A_267 : memref<1x125x16xf32, #tpu.memory_space<vmem>> -> memref<125x16xf32, #tpu.memory_space<vmem>>
    %dma_wait3A_269 = arith.constant 0 : i32
    %dma_wait3A_270 = arith.constant 0 : i32
    %dma_wait3A_271 = tpu.memref_slice %arg4[%dma_wait3A_269, %dma_wait3A_270] : memref<10240x16xf32, #tpu.memory_space<hbm>> -> memref<125x16xf32, #tpu.memory_space<hbm>>
    tpu.wait_dma2 semaphore(%dma_wait3A_264 : memref<!tpu.dma_semaphore, #tpu.memory_space<semaphore_mem>>) src(%dma_wait3A_271 : memref<125x16xf32, #tpu.memory_space<hbm>>) dst(%dma_wait3A_268 : memref<125x16xf32, #tpu.memory_space<vmem>>)
    %barrier3A_272 = arith.constant 0 : index
    tpu.barrier barrier_id(%barrier3A_272)
    %mul3A_273 = arith.constant 640 : i32
    %mul3A_274 = arith.muli %arg1, %mul3A_273 : i32
    %mul3A_275 = arith.constant 640 : i32
    %mul3A_276 = arith.muli %arg1, %mul3A_275 : i32
    "tpu.region"() ({
      %run_scoped3A = tpu.sem_alloc : memref<!tpu.dma_semaphore, #tpu.memory_space<semaphore_mem>>
      %dma_start3A_277 = arith.constant 0 : i32
      %dma_start3A_278 = tpu.memref_slice %arg6[%arg0, %mul3A_276, %dma_start3A_277] : memref<2x10240x16xf32, #tpu.memory_space<hbm>> -> memref<1x640x16xf32, #tpu.memory_space<hbm>>
      %dma_start3A_279 = tpu.memref_squeeze %dma_start3A_278 : memref<1x640x16xf32, #tpu.memory_space<hbm>> -> memref<640x16xf32, #tpu.memory_space<hbm>>
      %dma_start3A_280 = arith.constant 0 : i32
      %dma_start3A_281 = tpu.memref_slice %arg10[%mul3A_274, %dma_start3A_280] : memref<10240x16xf32, #tpu.memory_space<vmem_shared>> -> memref<640x16xf32, #tpu.memory_space<vmem_shared>>
      tpu.enqueue_dma source(%dma_start3A_281 : memref<640x16xf32, #tpu.memory_space<vmem_shared>>) target(%dma_start3A_279 : memref<640x16xf32, #tpu.memory_space<hbm>>) target_semaphore(%run_scoped3A : memref<!tpu.dma_semaphore, #tpu.memory_space<semaphore_mem>>)
      %dma_wait3A_282 = arith.constant 0 : i32
      %dma_wait3A_283 = tpu.memref_slice %arg6[%arg0, %mul3A_276, %dma_wait3A_282] : memref<2x10240x16xf32, #tpu.memory_space<hbm>> -> memref<1x640x16xf32, #tpu.memory_space<hbm>>
      %dma_wait3A_284 = tpu.memref_squeeze %dma_wait3A_283 : memref<1x640x16xf32, #tpu.memory_space<hbm>> -> memref<640x16xf32, #tpu.memory_space<hbm>>
      %dma_wait3A_285 = arith.constant 0 : i32
      %dma_wait3A_286 = tpu.memref_slice %arg10[%mul3A_274, %dma_wait3A_285] : memref<10240x16xf32, #tpu.memory_space<vmem_shared>> -> memref<640x16xf32, #tpu.memory_space<vmem_shared>>
      tpu.wait_dma2 semaphore(%run_scoped3A : memref<!tpu.dma_semaphore, #tpu.memory_space<semaphore_mem>>) src(%dma_wait3A_286 : memref<640x16xf32, #tpu.memory_space<vmem_shared>>) dst(%dma_wait3A_284 : memref<640x16xf32, #tpu.memory_space<hbm>>)
      tpu.yield
    }) : () -> ()
    return
  }
}

module attributes {stable_mosaic.version = 14 : i64} {
  func.func @_mm1_body(%arg0: i32, %arg1: memref<1000x128xf32, #tpu.memory_space<vmem>>, %arg2: memref<128x16xf32, #tpu.memory_space<vmem>>, %arg3: memref<1000x16xf32, #tpu.memory_space<vmem>>) attributes {dimension_semantics = [#tpu.dimension_semantics<arbitrary>], iteration_bounds = array<i64: 10>, scalar_prefetch = 0 : i64, scratch_operands = 0 : i64, tpu.core_type = #tpu.core_type<tc>, window_params = [{transform_indices = @transform_0, window_bounds = array<i64: 1000, 128>}, {pipeline_mode = #tpu.pipeline_mode<synchronous>, transform_indices = @transform_1, window_bounds = array<i64: 128, 16>}, {transform_indices = @transform_2, window_bounds = array<i64: 1000, 16>}]} {
    %get3A = arith.constant 0 : index
    %get3A_0 = arith.constant 0 : index
    %get3A_1 = vector.load %arg1[%get3A, %get3A_0] : memref<1000x128xf32, #tpu.memory_space<vmem>>, vector<1000x128xf32>
    %get3A_2 = arith.constant 0 : index
    %get3A_3 = arith.constant 0 : index
    %get3A_4 = vector.load %arg2[%get3A_2, %get3A_3] : memref<128x16xf32, #tpu.memory_space<vmem>>, vector<128x16xf32>
    %dot_general3A = arith.constant dense<0.000000e+00> : vector<1000x16xf32>
    %dot_general3A_5 = tpu.matmul %get3A_1, %get3A_4, %dot_general3A {dimension_numbers = #tpu.dot_dimension_numbers<[1], [0], [0], [1], [0, 0, 1, 1], [], []>, transpose_lhs_hint = false} : vector<1000x128xf32>, vector<128x16xf32>, vector<1000x16xf32> -> vector<1000x16xf32>
    %swap3A = arith.constant 0 : index
    %swap3A_6 = arith.constant 0 : index
    %swap3A_7 = vector.load %arg3[%swap3A, %swap3A_6] : memref<1000x16xf32, #tpu.memory_space<vmem>>, vector<1000x16xf32>
    tpu.vector_store %arg3[%swap3A, %swap3A_6], %dot_general3A_5 {strides = array<i32>} : memref<1000x16xf32, #tpu.memory_space<vmem>>, vector<1000x16xf32>,
    return
  }
  func.func @transform_0(%arg0: i32) -> (i32, i32) {
    %c0_i32 = arith.constant 0 : i32
    %c0_i32_0 = arith.constant 0 : i32
    return %arg0, %c0_i32 : i32, i32
  }
  func.func @transform_1(%arg0: i32) -> (i32, i32) {
    %c0_i32 = arith.constant 0 : i32
    %c0_i32_0 = arith.constant 0 : i32
    %c0_i32_1 = arith.constant 0 : i32
    return %c0_i32, %c0_i32_0 : i32, i32
  }
  func.func @transform_2(%arg0: i32) -> (i32, i32) {
    %c0_i32 = arith.constant 0 : i32
    %c0_i32_0 = arith.constant 0 : i32
    return %arg0, %c0_i32 : i32, i32
  }
}

module attributes {stable_mosaic.version = 14 : i64} {
  func.func @_mid_body(%arg0: i32, %arg1: memref<2x1024x16xf32, #tpu.memory_space<vmem>>, %arg2: memref<1x16xf32, #tpu.memory_space<vmem>>, %arg3: memref<16x16xf32, #tpu.memory_space<vmem>>, %arg4: memref<1024x16xf32, #tpu.memory_space<vmem>>) attributes {dimension_semantics = [#tpu.dimension_semantics<arbitrary>], iteration_bounds = array<i64: 10>, scalar_prefetch = 0 : i64, scratch_operands = 0 : i64, tpu.core_type = #tpu.core_type<tc>, window_params = [{transform_indices = @transform_0, window_bounds = array<i64: 2, 1024, 16>}, {pipeline_mode = #tpu.pipeline_mode<synchronous>, transform_indices = @transform_1, window_bounds = array<i64: 1, 16>}, {pipeline_mode = #tpu.pipeline_mode<synchronous>, transform_indices = @transform_2, window_bounds = array<i64: 16, 16>}, {transform_indices = @transform_3, window_bounds = array<i64: 1024, 16>}]} {
    %get3A = arith.constant 0 : index
    %get3A_0 = arith.constant 0 : index
    %get3A_1 = arith.constant 0 : index
    %get3A_2 = vector.load %arg1[%get3A, %get3A_0, %get3A_1] : memref<2x1024x16xf32, #tpu.memory_space<vmem>>, vector<1x1024x16xf32>
    %get3A_3 = vector.shape_cast %get3A_2 : vector<1x1024x16xf32> to vector<1024x16xf32>
    %get3A_4 = arith.constant 1 : index
    %get3A_5 = arith.constant 0 : index
    %get3A_6 = arith.constant 0 : index
    %get3A_7 = vector.load %arg1[%get3A_4, %get3A_5, %get3A_6] : memref<2x1024x16xf32, #tpu.memory_space<vmem>>, vector<1x1024x16xf32>
    %get3A_8 = vector.shape_cast %get3A_7 : vector<1x1024x16xf32> to vector<1024x16xf32>
    %add3A = arith.addf %get3A_3, %get3A_8 : vector<1024x16xf32>
    %get3A_9 = arith.constant 0 : index
    %get3A_10 = arith.constant 0 : index
    %get3A_11 = vector.load %arg2[%get3A_9, %get3A_10] : memref<1x16xf32, #tpu.memory_space<vmem>>, vector<1x16xf32>
    %add3A_12 = vector.broadcast %get3A_11 : vector<1x16xf32> to vector<1024x16xf32>
    %add3A_13 = arith.addf %add3A, %add3A_12 : vector<1024x16xf32>
    %max3A = arith.constant 0.000000e+00 : f32
    %max3A_14 = vector.broadcast %max3A : f32 to vector<1024x16xf32>
    %max3A_15 = arith.maximumf %add3A_13, %max3A_14 : vector<1024x16xf32>
    %get3A_16 = arith.constant 0 : index
    %get3A_17 = arith.constant 0 : index
    %get3A_18 = vector.load %arg3[%get3A_16, %get3A_17] : memref<16x16xf32, #tpu.memory_space<vmem>>, vector<16x16xf32>
    %dot_general3A = arith.constant dense<0.000000e+00> : vector<1024x16xf32>
    %dot_general3A_19 = tpu.matmul %max3A_15, %get3A_18, %dot_general3A {dimension_numbers = #tpu.dot_dimension_numbers<[1], [0], [0], [1], [0, 0, 1, 1], [], []>, transpose_lhs_hint = false} : vector<1024x16xf32>, vector<16x16xf32>, vector<1024x16xf32> -> vector<1024x16xf32>
    %swap3A = arith.constant 0 : index
    %swap3A_20 = arith.constant 0 : index
    %swap3A_21 = vector.load %arg4[%swap3A, %swap3A_20] : memref<1024x16xf32, #tpu.memory_space<vmem>>, vector<1024x16xf32>
    tpu.vector_store %arg4[%swap3A, %swap3A_20], %dot_general3A_19 {strides = array<i32>} : memref<1024x16xf32, #tpu.memory_space<vmem>>, vector<1024x16xf32>,
    return
  }
  func.func @transform_0(%arg0: i32) -> (i32, i32, i32) {
    %c0_i32 = arith.constant 0 : i32
    %c0_i32_0 = arith.constant 0 : i32
    %c0_i32_1 = arith.constant 0 : i32
    return %c0_i32, %arg0, %c0_i32_0 : i32, i32, i32
  }
  func.func @transform_1(%arg0: i32) -> (i32, i32) {
    %c0_i32 = arith.constant 0 : i32
    %c0_i32_0 = arith.constant 0 : i32
    %c0_i32_1 = arith.constant 0 : i32
    return %c0_i32, %c0_i32_0 : i32, i32
  }
  func.func @transform_2(%arg0: i32) -> (i32, i32) {
    %c0_i32 = arith.constant 0 : i32
    %c0_i32_0 = arith.constant 0 : i32
    %c0_i32_1 = arith.constant 0 : i32
    return %c0_i32, %c0_i32_0 : i32, i32
  }
  func.func @transform_3(%arg0: i32) -> (i32, i32) {
    %c0_i32 = arith.constant 0 : i32
    %c0_i32_0 = arith.constant 0 : i32
    return %arg0, %c0_i32 : i32, i32
  }
}

module attributes {stable_mosaic.version = 14 : i64} {
  func.func @_post_body(%arg0: i32, %arg1: memref<2x1000x16xf32, #tpu.memory_space<vmem>>, %arg2: memref<1x16xf32, #tpu.memory_space<vmem>>, %arg3: memref<1000x7xf32, #tpu.memory_space<vmem>>) attributes {dimension_semantics = [#tpu.dimension_semantics<arbitrary>], iteration_bounds = array<i64: 10>, scalar_prefetch = 0 : i64, scratch_operands = 0 : i64, tpu.core_type = #tpu.core_type<tc>, window_params = [{transform_indices = @transform_0, window_bounds = array<i64: 2, 1000, 16>}, {pipeline_mode = #tpu.pipeline_mode<synchronous>, transform_indices = @transform_1, window_bounds = array<i64: 1, 16>}, {transform_indices = @transform_2, window_bounds = array<i64: 1000, 7>}]} {
    %get3A = arith.constant 0 : index
    %get3A_0 = arith.constant 0 : index
    %get3A_1 = arith.constant 0 : index
    %get3A_2 = vector.load %arg1[%get3A, %get3A_0, %get3A_1] : memref<2x1000x16xf32, #tpu.memory_space<vmem>>, vector<1x1000x16xf32>
    %get3A_3 = vector.shape_cast %get3A_2 : vector<1x1000x16xf32> to vector<1000x16xf32>
    %get3A_4 = arith.constant 1 : index
    %get3A_5 = arith.constant 0 : index
    %get3A_6 = arith.constant 0 : index
    %get3A_7 = vector.load %arg1[%get3A_4, %get3A_5, %get3A_6] : memref<2x1000x16xf32, #tpu.memory_space<vmem>>, vector<1x1000x16xf32>
    %get3A_8 = vector.shape_cast %get3A_7 : vector<1x1000x16xf32> to vector<1000x16xf32>
    %add3A = arith.addf %get3A_3, %get3A_8 : vector<1000x16xf32>
    %get3A_9 = arith.constant 0 : index
    %get3A_10 = arith.constant 0 : index
    %get3A_11 = vector.load %arg2[%get3A_9, %get3A_10] : memref<1x16xf32, #tpu.memory_space<vmem>>, vector<1x16xf32>
    %add3A_12 = vector.broadcast %get3A_11 : vector<1x16xf32> to vector<1000x16xf32>
    %add3A_13 = arith.addf %add3A, %add3A_12 : vector<1000x16xf32>
    %slice3A = vector.extract_strided_slice %add3A_13 {offsets = [0, 0], sizes = [1000, 7], strides = [1, 1]} : vector<1000x16xf32> to vector<1000x7xf32>
    %swap3A = arith.constant 0 : index
    %swap3A_14 = arith.constant 0 : index
    %swap3A_15 = vector.load %arg3[%swap3A, %swap3A_14] : memref<1000x7xf32, #tpu.memory_space<vmem>>, vector<1000x7xf32>
    tpu.vector_store %arg3[%swap3A, %swap3A_14], %slice3A {strides = array<i32>} : memref<1000x7xf32, #tpu.memory_space<vmem>>, vector<1000x7xf32>,
    return
  }
  func.func @transform_0(%arg0: i32) -> (i32, i32, i32) {
    %c0_i32 = arith.constant 0 : i32
    %c0_i32_0 = arith.constant 0 : i32
    %c0_i32_1 = arith.constant 0 : i32
    return %c0_i32, %arg0, %c0_i32_0 : i32, i32, i32
  }
  func.func @transform_1(%arg0: i32) -> (i32, i32) {
    %c0_i32 = arith.constant 0 : i32
    %c0_i32_0 = arith.constant 0 : i32
    %c0_i32_1 = arith.constant 0 : i32
    return %c0_i32, %c0_i32_0 : i32, i32
  }
  func.func @transform_2(%arg0: i32) -> (i32, i32) {
    %c0_i32 = arith.constant 0 : i32
    %c0_i32_0 = arith.constant 0 : i32
    return %arg0, %c0_i32 : i32, i32
  }
}

</mosaic_0001>

<sc_bundles>
// kernel: kernel.10.cloned.1.call-start
scs
__scs_entry_jumppad:
0x0: {  	(pc) =	sbr.rel $0x88, $3  }
0x1: {  	(tag) =	ssettag $0x0;
	lr =	simm.s32 $0x1  }
0x2: {  	[smem:$0x3F9B] =	sst lr;
	_ =	strace $0xD0000000  }
0x3: {  	_ = 	snop  }
0x4: {  	_ = 	snop  }
0x5: {  	_ = 	snop  }
0x6: {  	_ = 	snop  }
0x7: {  	_ = 	snop  }
__scs_overlays_trampoline_lowered:
0x8: {  	[smem:$0x3FAA] =	sst s0  }
0x9: {  	[smem:$0x3FAB] =	sst s1  }
0xa: {  	[smem:$0x3FAC] =	sst s2  }
0xb: {  	[smem:$0x3FAD] =	sst s3  }
0xc: {  	[smem:$0x3FAE] =	sst s4  }
0xd: {  	[smem:$0x3FAF] =	sst s5  }
0xe: {  	[smem:$0x3FB0] =	sst s6  }
0xf: {  	[smem:$0x3FB1] =	sst s7  }
0x10: {  	[smem:$0x3FB2] =	sst s8  }
0x11: {  	[smem:$0x3FB3] =	sst s9;
	s0 =	simm.s32 @!p0 $0x0  }
0x12: {  	s1 =	sld [smem:$0x3F99];
	s0 =	simm.s32 @p0 $0x1  }
0x13: {  	[smem:$0x3FB4] =	sst s0;
	s0 =	simm.s32 @!p1 $0x0  }
0x14: {  	s2 =	sld [smem:$0x3F98];
	s0 =	simm.s32 @p1 $0x1  }
0x15: {  	[smem:$0x3FB5] =	sst s0;
	s0 =	simm.s32 @!p2 $0x0  }
0x16: {  	s3 =	sld [smem:$0x3FDB];
	s0 =	simm.s32 @p2 $0x1  }
0x17: {  	s4 =	simm.s32 $0x1BF5;
	[smem:$0x3FB7] =	sst s0  }
0x18: {  	s0 =	sld [smem:$0x3F9A];
	_ =	swait.ge [sflag:s4], $0x0  }
0x19: {  	s7 =	sld [smem:$0x3F9B]  }
0x1a: {  	s8 =	sadd.s32 $0xFFFFE003, lr  }
0x1b: {  	s9 =	sadd.s32 $0xFFFFFEF7, lr;
	s5 =	simm.s32 $0xFFFFFFFF;
	p2 =	slt.u32 s8, $0xFFFFF086  }
0x1c: {  	p1 =	slt.u32 s9, $0xF7A;
	s5 =	simm.s32 @!p2 $0x0  }
0x1d: {  	s5 =	simm.s32 @p1 $0x1;
	p0 =	seq.s32 s7, s2  }
0x1e: {  	s7 =	smul.u32 @!p0 $0xF7A, s2;
	p2 =	seq.s32 @!p0 s5, $0x0  }
0x1f: {  	s9 =	smul.u32 $0xF7A, s1;
	s8 =	simm.s32 @!p0 $0x1BF5;
	p2 =	por !p2, p0  }
0x20: {  	[sflag:s8] =	ssyncset.s32 @!p0 $0xFFFFF086;
	s6 =	sadd.s32 @!p0 s3, s7;
	s7 =	simm.s32 @!p0 $0x108  }
0x21: {  	s3 =	sadd.s32 s3, s9;
	s6 =	sadd.s32 @!p0 $0x88, s6;
	s7 =	simm.s32 @p2 $0x1082  }
0x22: {  	[simem:s7], [sflag:s8] =	dma.local @!p0 [hbm:s6], $0xF7A  }
0x23: {  	s9 =	sor.u32 $0xD0000000, s2;
	s6 =	simm.s32 $0x108;
	_ =	swait.ge @!p0 [sflag:s8], $0x0  }
0x24: {  	s3 =	sadd.s32 $0x88, s3;
	s6 =	simm.s32 @!p1 $0x1082;
	[sflag:s4] =	ssyncset.s32 $0xFFFFF086  }
0x25: {  	[simem:s6], [sflag:s4] =	dma.local [hbm:s3], $0xF7A  }
0x26: {  	[smem:$0x3F9B] =	sst s1;
	(tag) =	ssettag s2;
	_ =	strace s9  }
0x27: {  	s1 =	sld [smem:$0x3FAB]  }
0x28: {  	s2 =	sld [smem:$0x3FAC]  }
0x29: {  	s4 =	sld [smem:$0x3FAE]  }
0x2a: {  	p0 =	seq.s32 s5, $0x0;
	s5 =	sld [smem:$0x3FAF]  }
0x2b: {  	s6 =	sld [smem:$0x3FB0]  }
0x2c: {  	s7 =	sld [smem:$0x3FB1]  }
0x2d: {  	s3 =	simm.s32 $0x108;
	s8 =	sld [smem:$0x3FB2]  }
0x2e: {  	s3 =	simm.s32 @!p0 $0x1082;
	s9 =	sld [smem:$0x3FB3]  }
0x2f: {  	lr =	sadd.s32 s0, s3;
	s0 =	sld [smem:$0x3FAA]  }
0x30: {  	s3 =	sld [smem:$0x3FAD]  }
0x31: {  	[smem:$0x3FB6] =	sst s10  }
0x32: {  	s10 =	sld [smem:$0x3FB4];
	_ =	sdelay $0x3  }
0x33: {  	p0 =	seq.s32 s10, $0x1;
	s10 =	sld [smem:$0x3FB6];
	_ =	sdelay $0x3  }
0x34: {  	[smem:$0x3FB6] =	sst s10  }
0x35: {  	s10 =	sld [smem:$0x3FB5];
	_ =	sdelay $0x3  }
0x36: {  	p1 =	seq.s32 s10, $0x1;
	s10 =	sld [smem:$0x3FB6];
	_ =	sdelay $0x3  }
0x37: {  	[smem:$0x3FB6] =	sst s10  }
0x38: {  	s10 =	sld [smem:$0x3FB7]  }
0x39: {  	_ = 	snop;
	(pc) =	sbr.ind lr, $3  }
0x3a: {  	_ = 	snop  }
0x3b: {  	_ = 	snop  }
0x3c: {  	p2 =	seq.s32 s10, $0x1;
	s10 =	sld [smem:$0x3FB6]  }
0x3d: {  	_ =	shalt  }
0x3e: {  	_ =	shalt  }
0x3f: {  	_ =	shalt  }
0x40: {  	_ =	shalt  }
0x41: {  	_ =	shalt  }
0x42: {  	_ =	shalt  }
0x43: {  	_ =	shalt  }
0x44: {  	_ =	shalt  }
0x45: {  	_ =	shalt  }
0x46: {  	_ =	shalt  }
0x47: {  	_ =	shalt  }
0x48: {  	_ =	shalt  }
0x49: {  	_ =	shalt  }
0x4a: {  	_ =	shalt  }
0x4b: {  	_ =	shalt  }
0x4c: {  	_ =	shalt  }
0x4d: {  	_ =	shalt  }
0x4e: {  	_ =	shalt  }
0x4f: {  	_ =	shalt  }
0x50: {  	_ =	shalt  }
0x51: {  	_ =	shalt  }
0x52: {  	_ =	shalt  }
0x53: {  	_ =	shalt  }
0x54: {  	_ =	shalt  }
0x55: {  	_ =	shalt  }
0x56: {  	_ =	shalt  }
0x57: {  	_ =	shalt  }
0x58: {  	_ =	shalt  }
0x59: {  	_ =	shalt  }
0x5a: {  	_ =	shalt  }
0x5b: {  	_ =	shalt  }
0x5c: {  	_ =	shalt  }
0x5d: {  	_ =	shalt  }
0x5e: {  	_ =	shalt  }
0x5f: {  	_ =	shalt  }
0x60: {  	_ =	shalt  }
0x61: {  	_ =	shalt  }
0x62: {  	_ =	shalt  }
0x63: {  	_ =	shalt  }
0x64: {  	_ =	shalt  }
0x65: {  	_ =	shalt  }
0x66: {  	_ =	shalt  }
0x67: {  	_ =	shalt  }
0x68: {  	_ =	shalt  }
0x69: {  	_ =	shalt  }
0x6a: {  	_ =	shalt  }
0x6b: {  	_ =	shalt  }
0x6c: {  	_ =	shalt  }
0x6d: {  	_ =	shalt  }
0x6e: {  	_ =	shalt  }
0x6f: {  	_ =	shalt  }
0x70: {  	_ =	shalt  }
0x71: {  	_ =	shalt  }
0x72: {  	_ =	shalt  }
0x73: {  	_ =	shalt  }
0x74: {  	_ =	shalt  }
0x75: {  	_ =	shalt  }
0x76: {  	_ =	shalt  }
0x77: {  	_ =	shalt  }
0x78: {  	_ =	shalt  }
0x79: {  	_ =	shalt  }
0x7a: {  	_ =	shalt  }
0x7b: {  	_ =	shalt  }
0x7c: {  	_ =	shalt  }
0x7d: {  	_ =	shalt  }
0x7e: {  	_ =	shalt  }
0x7f: {  	_ =	shalt  }
0x80: {  	_ =	shalt  }
0x81: {  	_ =	shalt  }
0x82: {  	_ =	shalt  }
0x83: {  	_ =	shalt  }
0x84: {  	_ =	shalt  }
0x85: {  	_ =	shalt  }
0x86: {  	_ =	shalt  }
0x87: {  	_ =	shalt  }
.Lfunc_end0:
.L_simem_size_0:
called_computation.1_lowered:
.L_overlay_start_0:
0x88: {  	s2 =	sld [smem:$0x3FD9]  }
0x89: {  	s3 =	sld [smem:$0x3FFE];
	_ =	sdelay $0x1  }
0x8a: {  	s1 =	srdreg.scid  }
0x8b: {  	s0 =	sand.u32 $0x1, s1  }
0x8c: {  	s17 =	sshll.u32 s0, $0xA;
	s2 =	sadd.s32 s3, s2  }
0x8d: {  	s2 =	sadd.s32 s2, s17  }
0x8e: {  	[smem:$0x3FC2] =	sst s2  }
0x8f: {  	_ = 	snop  }
0x90: {  	s2 =	sld [smem:$0x3FD0];
	(tm) =	ssettm $0x1  }
0x91: {  	s18 =	sld [smem:$0x3FFB];
	_ =	sdelay $0x3  }
0x92: {  	_ =	strace s18  }
0x93: {  	s3 =	sld [smem:$0x3FFC];
	_ =	sdelay $0x3  }
0x94: {  	_ =	strace s3  }
0x95: {  	s3 =	sld [smem:$0x3FFD];
	_ =	sdelay $0x3  }
0x96: {  	_ =	strace s3  }
0x97: {  	_ =	strace $0x8FFFFFFF  }
0x98: {  	s19 =	sld [smem:$0x3FDB];
	_ =	sdelay $0x1  }
0x99: {  	s4 =	simm.s32 $_scs_section_size  }
0x9a: {  	s5 =	simm.s32 $_size__tile_overlayer_lowered;
	s6 =	simm.s32 $_tile_overlayer_lowered  }
0x9b: {  	s22 =	simm.s32 $0x1BFF;
	s21 =	sshll.u32 s6, $0x1;
	s3 =	sadd.s32 s4, s19  }
0x9c: {  	s7 =	simm.s32 $0x0;
	s20 =	sshll.u32 s5, $0x1;
	s5 =	sadd.s32 s21, s3  }
0x9d: {  	[timem:s7], [sflag:s22] =	dma.local [hbm:s5], s20  }
0x9e: {  	_ =	swait.ge [sflag:s22], s20  }
0x9f: {  	s4 =	ssub.s32 $0x0, s20;
	[sflag:s22] =	ssyncset.done $0x0  }
0xa0: {  	[sflag:s22] =	ssyncadd.s32 s4;
	_ =	sdelay $0x1  }
0xa1: {  	s23 =	simm.s32 $0x1B8B  }
0xa2: {  	_ =	swait.ge [sflag:s23], $0x1  }
0xa3: {  	[sflag:s23] =	ssyncset.done $0x0  }
0xa4: {  	s25 =	simm.s32 $0x1B8E;
	s24 =	sld [smem:$0x3FFE];
	[sflag:s23] =	ssyncadd.s32 $0xFFFFFFFF  }
0xa5: {  	s26 =	simm.s32 $execute0_lowered;
	[smem:$0x3FD2] =	sst s25  }
0xa6: {  	s5 =	sshll.u32 s26, $0x1;
	_ =	strace $0x80000049;
	[dreg:$0x1] =	wrdreg $0xFFFFFFFF  }
0xa7: {  	s28 =	simm.s32 $_size_execute0_lowered;
	s3 =	sadd.s32 s3, s5;
	[dreg:$0x0] =	wrdreg $0x0  }
0xa8: {  	s5 =	sshll.u32 s28, $0x1;
	[dreg:$0x2] =	wrdreg s3  }
0xa9: {  	[dreg:$0x3] =	wrdreg s5  }
0xaa: {  	[dreg:$0x4] =	wrdreg $0xC0  }
0xab: {  	_ =	task [dreg:s7], $0x5FFFF  }
0xac: {  	[dreg:$0x1] =	wrdreg $0xFFFFFFFF  }
0xad: {  	[dreg:$0x0] =	wrdreg $0x60  }
0xae: {  	[dreg:$0x2] =	wrdreg s24  }
0xaf: {  	[dreg:$0x3] =	wrdreg s2  }
0xb0: {  	[dreg:$0x4] =	wrdreg $0x4E800  }
0xb1: {  	[dreg:$0x5] =	wrdreg $0x9  }
0xb2: {  	_ =	task.clear_ibuf [dreg:s7], $0x6FFFF;
	_ =	strace $0x90000049  }
0xb3: {  	s29 =	simm.s32 $0x9;
	_ =	strace $0x8000004B  }
0xb4: {  	_ =	swait.ge [sflag:s29], $0x1  }
0xb5: {  	[sflag:s29] =	ssyncadd.s32 $0xFFFFFFFF  }
0xb6: {  	_ =	strace $0x9000004B  }
0xb7: {  	_ =	sfence  }
0xb8: {  	s30 =	sld [smem:$0x0];
	_ =	sdelay $0x2  }
0xb9: {  	s31 =	sshll.u32 s1, $0xD;
	s1 =	sshrl.u32 s1, $0x2  }
0xba: {  	s3 =	sand.u32 $0x4000, s31;
	s1 =	sadd.s32 s1, s30  }
0xbb: {  	s0 =	sor.u32 s3, s0;
	s1 =	sshll.u32 s1, $0x11  }
0xbc: {  	s0 =	sor.u32 s1, s0  }
0xbd: {  	s0 =	sadd.s32 $0x8F2B, s0  }
0xbe: {  	[sflag:s0] =	ssyncadd.remote.s32 $0x1  }
0xbf: {  	_ =	sfence.sel $0xFFFF  }
0xc0: {  	[dreg:$0x0] =	wrdreg $0xFFFFFFFF;
	(pc) =	sbr.abs _section_cstart, $3  }
0xc1: {  	[dreg:$0x1] =	wrdreg $0xFFFFFFFF  }
0xc2: {  	_ =	task.clear_ibuf [dreg:s7], $0x2FFFF;
	_ =	strace $0x9FFFFFFF  }
0xc3: {  	(tm) =	ssettm $0x7FFFFFFF  }
tec
execute0_lowered:
.L_overlay_start_1:
0x0: {  	(tag) =	ssettag $0x1  }
0x1: {  	s0 =	rddreg [dreg:$0x0]  }
0x2: {  	s1 =	rddreg [dreg:$0x1]  }
0x3: {  	s2 =	rddreg [dreg:$0x2]  }
0x4: {  	s8 =	simm.s32 $0x0;
	[dreg:$0x4] =	wrdreg s1  }
0x5: {  	s19 =	simm.s32 $0x80;
	[smem:$0x7FF] =	sst s8  }
0x6: {  	s20 =	simm.s32 $0x100;
	_ =	strace $0x8000004A;
	[dreg:$0x8] =	wrdreg s19  }
0x7: {  	s21 =	simm.s32 $0x180;
	[dreg:$0x9] =	wrdreg s20  }
0x8: {  	s22 =	simm.s32 $0x200;
	[dreg:$0xa] =	wrdreg s21  }
0x9: {  	s23 =	simm.s32 $0x280;
	[dreg:$0xb] =	wrdreg s22  }
0xa: {  	s24 =	simm.s32 $0x300;
	[dreg:$0xc] =	wrdreg s23  }
0xb: {  	s26 =	simm.s32 $0x380;
	[dreg:$0xd] =	wrdreg s24  }
0xc: {  	s15 =	srdreg.scid;
	s28 =	simm.s32 $0x880;
	[dreg:$0xe] =	wrdreg s26  }
0xd: {  	s7 =	stileid.u32;
	s8 =	simm.s32 $0xA00;
	[dreg:$0xf] =	wrdreg s28  }
0xe: {  	s9 =	simm.s32 $0x400;
	s10 =	simm.s32 $0xA80;
	[dreg:$0x12] =	wrdreg s8  }
0xf: {  	s11 =	simm.s32 $0x480;
	s12 =	simm.s32 $0xB00;
	[dreg:$0x13] =	wrdreg s9  }
0x10: {  	s13 =	simm.s32 $0x500;
	s14 =	simm.s32 $0xB80;
	[dreg:$0x14] =	wrdreg s10  }
0x11: {  	s31 =	simm.s32 $0x2;
	s30 =	simm.s32 $0x3;
	[dreg:$0x15] =	wrdreg s11  }
0x12: {  	s29 =	simm.s32 $0x4;
	p0 =	por $0x0, $0x0;
	[dreg:$0x16] =	wrdreg s12  }
0x13: {  	s1 =	sand.u32 $0x1, s15;
	s3 =	smul.u32 $0x2800, s7;
	[dreg:$0x17] =	wrdreg s13  }
0x14: {  	s4 =	sshll.u32 s7, $0x9;
	s15 =	simm.s32 $0x580;
	[dreg:$0x18] =	wrdreg s14  }
0x15: {  	s5 =	sshll.u32 s1, $0x8;
	[dreg:$0x19] =	wrdreg s15;
	s19 =	simm.s32 $0x680  }
0x16: {  	s6 =	smul.u32 $0x28000, s1;
	s20 =	simm.s32 $0xD00;
	[dreg:$0x1d] =	wrdreg s19  }
0x17: {  	s1 =	ssub.s32 $0x2, s1;
	s21 =	simm.s32 $0x700;
	[dreg:$0x1e] =	wrdreg s20  }
0x18: {  	s9 =	simm.s32 $0x46B0;
	s22 =	simm.s32 $0xD80;
	[dreg:$0x1f] =	wrdreg s21  }
0x19: {  	s23 =	simm.s32 $0x780;
	s24 =	simm.s32 $0xE00;
	[smem:$0x7F8] =	sst s22  }
0x1a: {  	s26 =	simm.s32 $0xF00;
	s28 =	simm.s32 $0xF80;
	[smem:$0x7F9] =	sst s23  }
0x1b: {  	s15 =	simm.s32 $0xE;
	s4 =	sor.u32 s5, s4;
	[smem:$0x7FA] =	sst s24  }
0x1c: {  	s25 =	sshrl.u32 s1, $0x1;
	s24 =	simm.s32 $0x5;
	[smem:$0x7FC] =	sst s26  }
0x1d: {  	[smem:$0x7FD] =	sst s28;
	s21 =	simm.s32 $0xA;
	s26 =	simm.s32 $0x7  }
0x1e: {  	s19 =	simm.s32 $0xB;
	s23 =	simm.s32 $0x8;
	s4 =	sadd.s32 s4, s0  }
0x1f: {  	s16 =	sadd.s32 s3, s6;
	s6 =	sadd.s32 $0x15000, s0;
	s1 =	ssub.s32 s1, s25  }
0x20: {  	s3 =	sadd.s32 s3, s2;
	s25 =	simm.s32 $0xE80;
	s5 =	sshrl.u32 s16, $0x3  }
0x21: {  	s17 =	sadd.s32 $0xB000, s4;
	s4 =	sadd.s32 $0x1000, s4;
	[smem:$0x7FB] =	sst s25  }
0x22: {  	s1 =	smax.u32 s1, $0x1;
	s8 =	sshrl.u32 s3, $0x3;
	s3 =	rddreg [dreg:$0x4]  }
0x23: {  	s16 =	simm.s32 $0xC00;
	s25 =	simm.s32 $0x6;
	[dreg:$0x5] =	wrdreg s17  }
0x24: {  	s5 =	sadd.s32 s5, s0;
	[dreg:$0x6] =	wrdreg s4;
	s4 =	simm.s32 $0x900  }
0x25: {  	[dreg:$0x1a] =	wrdreg s16;
	s17 =	simm.s32 $0x600;
	s0 =	simm.s32 $0x1  }
0x26: {  	s16 =	simm.s32 $0x9;
	p1 =	sne.s32 s1, $0x1;
	s1 =	sadd.s32 $0xFFFFFFFF, s1  }
.Ltmp0:
0x27: {  	s18 =	sadd.s32 $0x1A000, s5;
	[dreg:$0x10] =	wrdreg s4;
	(pc) =	sbr.rel @!p1 .LBB2_4-.Ltmp0, $4  }
0x28: {  	s5 =	sshll.u32 s7, $0x6;
	s7 =	simm.s32 $0x980;
	[dreg:$0x1b] =	wrdreg s17  }
0x29: {  	s17 =	simm.s32 $0xD;
	[dreg:$0x7] =	wrdreg s18;
	s4 =	sor.u32 $0x1C11, s5  }
0x2a: {  	[dreg:$0x11] =	wrdreg s7;
	s5 =	simm.s32 $0x11;
	s18 =	simm.s32 $0xC80  }
0x2b: {  	s7 =	simm.s32 $0x7D;
	[dreg:$0x1c] =	wrdreg s18;
	s18 =	simm.s32 $0xC  }
0x2c: {  	[spmem:s8], [sflag:s4] =	dma.local [hbm:s3], $0x500  }
0x2d: {  	_ =	swait.ge [sflag:s5], $0x500  }
0x2e: {  	s14 =	rddreg [dreg:$0x5];
	[sflag:s5] =	ssyncset.done $0x0  }
0x2f: {  	s20 =	simm.s32 $0x0;
	[smem:$0x7F7] =	sst s1;
	[sflag:s5] =	ssyncadd.s32 $0xFFFFFB00  }
0x30: {  	[tilespmem:s20], [sflag:$0x11] =	stream.linear.gather [hbm4b:s14+s20], $0x800, $0x38;
	[tilespmem:$0x7680] =	vst v63  }
0x31: {  	_ =	swait.ge [sflag:s5], $0x800  }
0x32: {  	[sflag:s5] =	ssyncset.done $0x0  }
0x33: {  	s10 =	simm.s32 $0x800;
	s28 =	rddreg [dreg:$0x6];
	[sflag:s5] =	ssyncadd.s32 $0xFFFFF800  }
0x34: {  	[tilespmem:s10], [sflag:$0x11] =	stream.linear.gather [hbm4b:s28+s20], $0x800, $0x38;
	[tilespmem:$0x7680] =	vst v63  }
0x35: {  	_ =	swait.ge [sflag:s5], $0x800  }
0x36: {  	[sflag:s5] =	ssyncset.done $0x0  }
0x37: {  	[sflag:s5] =	ssyncadd.s32 $0xFFFFF800  }
0x38: {  	s22 =	simm.s32 $0x1000;
	[bflag:$0x0] =	sbarrier.arrive $0xFFFF  }
0x39: {  	[tilespmem:s22], [sflag:$0x1] =	stream.indirect.gather [hbm4b:s6+s7], $0x10, s20, s7, $0xb8;
	[tilespmem:$0x7680] =	vst v63  }
0x3a: {  	s11 =	rddreg [dreg:$0x8];
	s20 =	simm.s32 $0x17D0  }
0x3b: {  	[tilespmem:s20], [sflag:$0x2] =	stream.indirect.gather [hbm4b:s6+s7], $0x10, s11, s7, $0xb8;
	[tilespmem:$0x7680] =	vst v63  }
0x3c: {  	s14 =	simm.s32 $0x1FA0;
	s13 =	rddreg [dreg:$0x9]  }
0x3d: {  	[tilespmem:s14], [sflag:$0x3] =	stream.indirect.gather [hbm4b:s6+s7], $0x10, s13, s7, $0xb8;
	[tilespmem:$0x7680] =	vst v63  }
0x3e: {  	s10 =	rddreg [dreg:$0xa];
	s11 =	simm.s32 $0x2770  }
0x3f: {  	[tilespmem:s11], [sflag:$0x4] =	stream.indirect.gather [hbm4b:s6+s7], $0x10, s10, s7, $0xb8;
	[tilespmem:$0x7680] =	vst v63  }
0x40: {  	s13 =	rddreg [dreg:$0xb];
	s10 =	simm.s32 $0x2F40  }
0x41: {  	[tilespmem:s10], [sflag:$0x5] =	stream.indirect.gather [hbm4b:s6+s7], $0x10, s13, s7, $0xb8;
	[tilespmem:$0x7680] =	vst v63  }
0x42: {  	s3 =	rddreg [dreg:$0xc];
	s13 =	simm.s32 $0x3710  }
0x43: {  	[tilespmem:s13], [sflag:$0x6] =	stream.indirect.gather [hbm4b:s6+s7], $0x10, s3, s7, $0xb8;
	[tilespmem:$0x7680] =	vst v63  }
0x44: {  	s1 =	rddreg [dreg:$0xd];
	s13 =	simm.s32 $0x3EE0  }
0x45: {  	[tilespmem:s13], [sflag:$0x7] =	stream.indirect.gather [hbm4b:s6+s7], $0x10, s1, s7, $0xb8;
	[tilespmem:$0x7680] =	vst v63  }
0x46: {  	s3 =	rddreg [dreg:$0xe]  }
0x47: {  	[tilespmem:s9], [sflag:$0x8] =	stream.indirect.gather [hbm4b:s6+s7], $0x10, s3, s7, $0xb8;
	[tilespmem:$0x7680] =	vst v63  }
0x48: {  	_ =	swait.ge [sflag:s0], $0x7D0  }
0x49: {  	[sflag:s0] =	ssyncset.done $0x0  }
0x4a: {  	s28 =	simm.s32 $0x800;
	[sflag:s0] =	ssyncadd.s32 $0xFFFFF830  }
0x4b: {  	[spmem:s2] =	stream.indirect.scatter.add.f32 [tilespmem:s22], [sflag:$0x9], $0x10, s28, s7, $0xb8;
	[tilespmem:$0x7680] =	vst v63  }
0x4c: {  	_ =	swait.ge [sflag:s31], $0x7D0  }
0x4d: {  	[sflag:s31] =	ssyncset.done $0x0  }
0x4e: {  	s3 =	rddreg [dreg:$0xf];
	[sflag:s31] =	ssyncadd.s32 $0xFFFFF830  }
0x4f: {  	[spmem:s2] =	stream.indirect.scatter.add.f32 [tilespmem:s20], [sflag:$0xA], $0x10, s3, s7, $0xb8;
	[tilespmem:$0x7680] =	vst v63  }
0x50: {  	_ =	swait.ge [sflag:s30], $0x7D0  }
0x51: {  	[sflag:s30] =	ssyncset.done $0x0  }
0x52: {  	s28 =	rddreg [dreg:$0x10];
	[sflag:s30] =	ssyncadd.s32 $0xFFFFF830  }
0x53: {  	[spmem:s2] =	stream.indirect.scatter.add.f32 [tilespmem:s14], [sflag:$0xB], $0x10, s28, s7, $0xb8;
	[tilespmem:$0x7680] =	vst v63  }
0x54: {  	_ =	swait.ge [sflag:s29], $0x7D0  }
0x55: {  	[sflag:s29] =	ssyncset.done $0x0  }
0x56: {  	s3 =	rddreg [dreg:$0x11];
	[sflag:s29] =	ssyncadd.s32 $0xFFFFF830  }
0x57: {  	[spmem:s2] =	stream.indirect.scatter.add.f32 [tilespmem:s11], [sflag:$0xC], $0x10, s3, s7, $0xb8;
	[tilespmem:$0x7680] =	vst v63  }
0x58: {  	_ =	swait.ge [sflag:s24], $0x7D0  }
0x59: {  	[sflag:s24] =	ssyncset.done $0x0  }
0x5a: {  	s28 =	rddreg [dreg:$0x12];
	[sflag:s24] =	ssyncadd.s32 $0xFFFFF830  }
0x5b: {  	[spmem:s2] =	stream.indirect.scatter.add.f32 [tilespmem:s10], [sflag:$0xD], $0x10, s28, s7, $0xb8;
	[tilespmem:$0x7680] =	vst v63  }
0x5c: {  	_ =	swait.ge [sflag:s16], $0x7D0  }
0x5d: {  	[sflag:s16] =	ssyncset.done $0x0  }
0x5e: {  	s3 =	rddreg [dreg:$0x13];
	[sflag:s16] =	ssyncadd.s32 $0xFFFFF830  }
0x5f: {  	[tilespmem:s22], [sflag:$0x1] =	stream.indirect.gather [hbm4b:s6+s7], $0x10, s3, s7, $0xb8;
	[tilespmem:$0x7680] =	vst v63  }
0x60: {  	_ =	swait.ge [sflag:s25], $0x7D0  }
0x61: {  	[sflag:s25] =	ssyncset.done $0x0  }
0x62: {  	s3 =	simm.s32 $0x3710;
	s28 =	rddreg [dreg:$0x14];
	[sflag:s25] =	ssyncadd.s32 $0xFFFFF830  }
0x63: {  	[spmem:s2] =	stream.indirect.scatter.add.f32 [tilespmem:s3], [sflag:$0xE], $0x10, s28, s7, $0xb8;
	[tilespmem:$0x7680] =	vst v63  }
0x64: {  	_ =	swait.ge [sflag:s21], $0x7D0  }
0x65: {  	[sflag:s21] =	ssyncset.done $0x0  }
0x66: {  	s28 =	rddreg [dreg:$0x15];
	[sflag:s21] =	ssyncadd.s32 $0xFFFFF830  }
0x67: {  	[tilespmem:s20], [sflag:$0x2] =	stream.indirect.gather [hbm4b:s6+s7], $0x10, s28, s7, $0xb8;
	[tilespmem:$0x7680] =	vst v63  }
0x68: {  	_ =	swait.ge [sflag:s26], $0x7D0  }
0x69: {  	[sflag:s26] =	ssyncset.done $0x0  }
0x6a: {  	s13 =	simm.s32 $0x3EE0;
	s28 =	rddreg [dreg:$0x16];
	[sflag:s26] =	ssyncadd.s32 $0xFFFFF830  }
0x6b: {  	[spmem:s2] =	stream.indirect.scatter.add.f32 [tilespmem:s13], [sflag:$0xF], $0x10, s28, s7, $0xb8;
	[tilespmem:$0x7680] =	vst v63  }
0x6c: {  	_ =	swait.ge [sflag:s19], $0x7D0  }
0x6d: {  	[sflag:s19] =	ssyncset.done $0x0  }
0x6e: {  	s28 =	rddreg [dreg:$0x17];
	[sflag:s19] =	ssyncadd.s32 $0xFFFFF830  }
0x6f: {  	[tilespmem:s14], [sflag:$0x3] =	stream.indirect.gather [hbm4b:s6+s7], $0x10, s28, s7, $0xb8;
	[tilespmem:$0x7680] =	vst v63  }
0x70: {  	_ =	swait.ge [sflag:s23], $0x7D0  }
0x71: {  	[sflag:s23] =	ssyncset.done $0x0  }
0x72: {  	s28 =	rddreg [dreg:$0x18];
	[sflag:s23] =	ssyncadd.s32 $0xFFFFF830  }
0x73: {  	[spmem:s2] =	stream.indirect.scatter.add.f32 [tilespmem:s9], [sflag:$0x10], $0x10, s28, s7, $0xb8;
	[tilespmem:$0x7680] =	vst v63  }
0x74: {  	_ =	swait.ge [sflag:s18], $0x7D0  }
0x75: {  	[sflag:s18] =	ssyncset.done $0x0  }
0x76: {  	s28 =	rddreg [dreg:$0x19];
	[sflag:s18] =	ssyncadd.s32 $0xFFFFF830  }
0x77: {  	[tilespmem:s11], [sflag:$0x4] =	stream.indirect.gather [hbm4b:s6+s7], $0x10, s28, s7, $0xb8;
	[tilespmem:$0x7680] =	vst v63  }
0x78: {  	_ =	swait.ge [sflag:s0], $0x7D0  }
0x79: {  	[sflag:s0] =	ssyncset.done $0x0  }
0x7a: {  	s28 =	rddreg [dreg:$0x1a];
	[sflag:s0] =	ssyncadd.s32 $0xFFFFF830  }
0x7b: {  	[spmem:s2] =	stream.indirect.scatter.add.f32 [tilespmem:s22], [sflag:$0x9], $0x10, s28, s7, $0xb8;
	[tilespmem:$0x7680] =	vst v63  }
0x7c: {  	_ =	swait.ge [sflag:s17], $0x7D0  }
0x7d: {  	[sflag:s17] =	ssyncset.done $0x0  }
0x7e: {  	s28 =	rddreg [dreg:$0x1b];
	[sflag:s17] =	ssyncadd.s32 $0xFFFFF830  }
0x7f: {  	[tilespmem:s10], [sflag:$0x5] =	stream.indirect.gather [hbm4b:s6+s7], $0x10, s28, s7, $0xb8;
	[tilespmem:$0x7680] =	vst v63  }
0x80: {  	_ =	swait.ge [sflag:s31], $0x7D0  }
0x81: {  	[sflag:s31] =	ssyncset.done $0x0  }
0x82: {  	s22 =	rddreg [dreg:$0x1c];
	[sflag:s31] =	ssyncadd.s32 $0xFFFFF830  }
0x83: {  	[spmem:s2] =	stream.indirect.scatter.add.f32 [tilespmem:s20], [sflag:$0xA], $0x10, s22, s7, $0xb8;
	[tilespmem:$0x7680] =	vst v63  }
0x84: {  	_ =	swait.ge [sflag:s15], $0x7D0  }
0x85: {  	[sflag:s15] =	ssyncset.done $0x0  }
0x86: {  	s28 =	rddreg [dreg:$0x1d];
	[sflag:s15] =	ssyncadd.s32 $0xFFFFF830  }
0x87: {  	[tilespmem:s3], [sflag:$0x6] =	stream.indirect.gather [hbm4b:s6+s7], $0x10, s28, s7, $0xb8;
	[tilespmem:$0x7680] =	vst v63  }
0x88: {  	_ =	swait.ge [sflag:s30], $0x7D0  }
0x89: {  	[sflag:s30] =	ssyncset.done $0x0  }
0x8a: {  	s3 =	rddreg [dreg:$0x1e];
	[sflag:s30] =	ssyncadd.s32 $0xFFFFF830  }
0x8b: {  	[spmem:s2] =	stream.indirect.scatter.add.f32 [tilespmem:s14], [sflag:$0xB], $0x10, s3, s7, $0xb8;
	[tilespmem:$0x7680] =	vst v63  }
0x8c: {  	s3 =	simm.s32 $0xF  }
0x8d: {  	_ =	swait.ge [sflag:s3], $0x7D0  }
0x8e: {  	[sflag:s3] =	ssyncset.done $0x0  }
0x8f: {  	s14 =	rddreg [dreg:$0x1f];
	[sflag:s3] =	ssyncadd.s32 $0xFFFFF830  }
0x90: {  	[tilespmem:s13], [sflag:$0x7] =	stream.indirect.gather [hbm4b:s6+s7], $0x10, s14, s7, $0xb8;
	[tilespmem:$0x7680] =	vst v63  }
0x91: {  	_ =	swait.ge [sflag:s29], $0x7D0  }
0x92: {  	s22 =	sld [smem:$0x7F8]  }
0x93: {  	[sflag:s29] =	ssyncset.done $0x0  }
0x94: {  	s12 =	simm.s32 $0x10;
	[sflag:s29] =	ssyncadd.s32 $0xFFFFF830  }
0x95: {  	[spmem:s2] =	stream.indirect.scatter.add.f32 [tilespmem:s11], [sflag:$0xC], $0x10, s22, s7, $0xb8;
	[tilespmem:$0x7680] =	vst v63  }
0x96: {  	_ =	swait.ge [sflag:s12], $0x7D0  }
0x97: {  	s28 =	sld [smem:$0x7F9]  }
0x98: {  	[sflag:s12] =	ssyncset.done $0x0  }
0x99: {  	[sflag:s12] =	ssyncadd.s32 $0xFFFFF830  }
0x9a: {  	[tilespmem:s9], [sflag:$0x8] =	stream.indirect.gather [hbm4b:s6+s7], $0x10, s28, s7, $0xb8;
	[tilespmem:$0x7680] =	vst v63  }
0x9b: {  	_ =	swait.ge [sflag:s24], $0x7D0  }
0x9c: {  	s11 =	sld [smem:$0x7FA]  }
0x9d: {  	[sflag:s24] =	ssyncset.done $0x0  }
0x9e: {  	[sflag:s24] =	ssyncadd.s32 $0xFFFFF830  }
0x9f: {  	[spmem:s2] =	stream.indirect.scatter.add.f32 [tilespmem:s10], [sflag:$0xD], $0x10, s11, s7, $0xb8;
	[tilespmem:$0x7680] =	vst v63  }
0xa0: {  	_ =	swait.ge [sflag:s25], $0x7D0  }
0xa1: {  	s14 =	sld [smem:$0x7FB]  }
0xa2: {  	[sflag:s25] =	ssyncset.done $0x0  }
0xa3: {  	s20 =	simm.s32 $0x3710;
	[sflag:s25] =	ssyncadd.s32 $0xFFFFF830  }
0xa4: {  	[spmem:s2] =	stream.indirect.scatter.add.f32 [tilespmem:s20], [sflag:$0xE], $0x10, s14, s7, $0xb8;
	[tilespmem:$0x7680] =	vst v63  }
0xa5: {  	_ =	swait.ge [sflag:s26], $0x7D0  }
0xa6: {  	s20 =	sld [smem:$0x7FC]  }
0xa7: {  	[sflag:s26] =	ssyncset.done $0x0  }
0xa8: {  	[sflag:s26] =	ssyncadd.s32 $0xFFFFF830  }
0xa9: {  	[spmem:s2] =	stream.indirect.scatter.add.f32 [tilespmem:s13], [sflag:$0xF], $0x10, s20, s7, $0xb8;
	[tilespmem:$0x7680] =	vst v63  }
0xaa: {  	_ =	swait.ge [sflag:s23], $0x7D0  }
0xab: {  	s22 =	sld [smem:$0x7FD]  }
0xac: {  	[sflag:s23] =	ssyncset.done $0x0  }
0xad: {  	[sflag:s23] =	ssyncadd.s32 $0xFFFFF830  }
0xae: {  	[spmem:s2] =	stream.indirect.scatter.add.f32 [tilespmem:s9], [sflag:$0x10], $0x10, s22, s7, $0xb8;
	[tilespmem:$0x7680] =	vst v63  }
0xaf: {  	_ =	swait.ge [sflag:s16], $0x7D0  }
0xb0: {  	[sflag:s16] =	ssyncset.done $0x0  }
0xb1: {  	[sflag:s16] =	ssyncadd.s32 $0xFFFFF830  }
0xb2: {  	_ =	swait.ge [sflag:s21], $0x7D0  }
0xb3: {  	[sflag:s21] =	ssyncset.done $0x0  }
0xb4: {  	[sflag:s21] =	ssyncadd.s32 $0xFFFFF830  }
0xb5: {  	_ =	swait.ge [sflag:s19], $0x7D0  }
0xb6: {  	[sflag:s19] =	ssyncset.done $0x0  }
0xb7: {  	[sflag:s19] =	ssyncadd.s32 $0xFFFFF830  }
0xb8: {  	_ =	swait.ge [sflag:s18], $0x7D0  }
0xb9: {  	[sflag:s18] =	ssyncset.done $0x0  }
0xba: {  	[sflag:s18] =	ssyncadd.s32 $0xFFFFF830  }
0xbb: {  	_ =	swait.ge [sflag:s17], $0x7D0  }
0xbc: {  	[sflag:s17] =	ssyncset.done $0x0  }
0xbd: {  	[sflag:s17] =	ssyncadd.s32 $0xFFFFF830  }
0xbe: {  	_ =	swait.ge [sflag:s15], $0x7D0  }
0xbf: {  	[sflag:s15] =	ssyncset.done $0x0  }
0xc0: {  	[sflag:s15] =	ssyncadd.s32 $0xFFFFF830  }
0xc1: {  	_ =	swait.ge [sflag:s3], $0x7D0  }
0xc2: {  	[sflag:s3] =	ssyncset.done $0x0  }
0xc3: {  	[sflag:s3] =	ssyncadd.s32 $0xFFFFF830  }
0xc4: {  	_ =	swait.ge [sflag:s12], $0x7D0  }
0xc5: {  	[sflag:s12] =	ssyncset.done $0x0  }
0xc6: {  	[sflag:s12] =	ssyncadd.s32 $0xFFFFF830  }
0xc7: {  	[bflag:$0x0] =	sbarrier.arrive $0xFFFF  }
0xc8: {  	s28 =	rddreg [dreg:$0x7]  }
0xc9: {  	[hbm:s28], [sflag:s4] =	dma.local [spmem:s8], $0x500  }
0xca: {  	s1 =	sld [smem:$0x7F7];
	_ =	sdelay $0x2  }
0xcb: {  	p1 =	sne.s32 s1, $0x1  }
.Ltmp1:
0xcc: {  	_ = 	snop;
	(pc) =	sbr.rel @!p1 .LBB2_4-.Ltmp1, $3  }
0xcd: {  	_ =	sdelay $0x1  }
0xce: {  	p0 =	por $0x1, $0x1;
	_ =	swait.ge [sflag:s5], $0x500  }
0xcf: {  	s3 =	rddreg [dreg:$0x4];
	[sflag:s5] =	ssyncset.done $0x0;
	s1 =	sadd.s32 $0xFFFFFFFF, s1  }
0xd0: {  	s22 =	simm.s32 $0x1000;
	s20 =	simm.s32 $0x17D0;
	s11 =	simm.s32 $0x2770  }
0xd1: {  	s10 =	simm.s32 $0x2F40;
	s12 =	simm.s32 $0x3710;
	s13 =	simm.s32 $0x3EE0  }
.LBB2_3:
0xd2: {  	[sflag:s5] =	ssyncadd.s32 $0xFFFFFB00  }
0xd3: {  	[spmem:s8], [sflag:s4] =	dma.local [hbm:s3], $0x500  }
0xd4: {  	_ =	swait.ge [sflag:s5], $0x500  }
0xd5: {  	[sflag:s5] =	ssyncset.done $0x0  }
0xd6: {  	s9 =	simm.s32 $0x0;
	s28 =	rddreg [dreg:$0x5];
	[sflag:s5] =	ssyncadd.s32 $0xFFFFFB00  }
0xd7: {  	[tilespmem:s9], [sflag:$0x11] =	stream.linear.gather [hbm4b:s28+s9], $0x800, $0x38;
	[tilespmem:$0x7680] =	vst v63  }
0xd8: {  	_ =	swait.ge [sflag:s5], $0x800  }
0xd9: {  	[sflag:s5] =	ssyncset.done $0x0  }
0xda: {  	s28 =	simm.s32 $0x800;
	s14 =	rddreg [dreg:$0x6];
	[sflag:s5] =	ssyncadd.s32 $0xFFFFF800  }
0xdb: {  	[tilespmem:s28], [sflag:$0x11] =	stream.linear.gather [hbm4b:s14+s9], $0x800, $0x38;
	[tilespmem:$0x7680] =	vst v63  }
0xdc: {  	_ =	swait.ge [sflag:s5], $0x800  }
0xdd: {  	[sflag:s5] =	ssyncset.done $0x0  }
0xde: {  	[sflag:s5] =	ssyncadd.s32 $0xFFFFF800  }
0xdf: {  	[bflag:$0x0] =	sbarrier.arrive $0xFFFF  }
0xe0: {  	s14 =	rddreg [dreg:$0x8]  }
0xe1: {  	[tilespmem:s22], [sflag:$0x1] =	stream.indirect.gather [hbm4b:s6+s7], $0x10, s9, s7, $0xb8;
	[tilespmem:$0x7680] =	vst v63  }
0xe2: {  	s9 =	smov.u32 s8;
	s8 =	smov.u32 s4;
	s4 =	rddreg [dreg:$0x9]  }
0xe3: {  	[tilespmem:s20], [sflag:$0x2] =	stream.indirect.gather [hbm4b:s6+s7], $0x10, s14, s7, $0xb8;
	[tilespmem:$0x7680] =	vst v63  }
0xe4: {  	s3 =	rddreg [dreg:$0xa];
	s14 =	simm.s32 $0x1FA0  }
0xe5: {  	[tilespmem:s14], [sflag:$0x3] =	stream.indirect.gather [hbm4b:s6+s7], $0x10, s4, s7, $0xb8;
	[tilespmem:$0x7680] =	vst v63  }
0xe6: {  	s4 =	rddreg [dreg:$0xb]  }
0xe7: {  	[tilespmem:s11], [sflag:$0x4] =	stream.indirect.gather [hbm4b:s6+s7], $0x10, s3, s7, $0xb8;
	[tilespmem:$0x7680] =	vst v63  }
0xe8: {  	s3 =	rddreg [dreg:$0xc]  }
0xe9: {  	[tilespmem:s10], [sflag:$0x5] =	stream.indirect.gather [hbm4b:s6+s7], $0x10, s4, s7, $0xb8;
	[tilespmem:$0x7680] =	vst v63  }
0xea: {  	s4 =	rddreg [dreg:$0xd]  }
0xeb: {  	[tilespmem:s12], [sflag:$0x6] =	stream.indirect.gather [hbm4b:s6+s7], $0x10, s3, s7, $0xb8;
	[tilespmem:$0x7680] =	vst v63  }
0xec: {  	s3 =	rddreg [dreg:$0xe]  }
0xed: {  	[tilespmem:s13], [sflag:$0x7] =	stream.indirect.gather [hbm4b:s6+s7], $0x10, s4, s7, $0xb8;
	[tilespmem:$0x7680] =	vst v63  }
0xee: {  	s4 =	smov.u32 s8;
	s8 =	smov.u32 s9;
	s9 =	simm.s32 $0x46B0  }
0xef: {  	[tilespmem:s9], [sflag:$0x8] =	stream.indirect.gather [hbm4b:s6+s7], $0x10, s3, s7, $0xb8;
	[tilespmem:$0x7680] =	vst v63  }
0xf0: {  	_ =	swait.ge [sflag:s0], $0x7D0  }
0xf1: {  	[sflag:s0] =	ssyncset.done $0x0  }
0xf2: {  	[sflag:s0] =	ssyncadd.s32 $0xFFFFF830  }
0xf3: {  	[spmem:s2] =	stream.indirect.scatter.add.f32 [tilespmem:s22], [sflag:$0x9], $0x10, s28, s7, $0xb8;
	[tilespmem:$0x7680] =	vst v63  }
0xf4: {  	_ =	swait.ge [sflag:s31], $0x7D0  }
0xf5: {  	[sflag:s31] =	ssyncset.done $0x0  }
0xf6: {  	s3 =	rddreg [dreg:$0xf];
	[sflag:s31] =	ssyncadd.s32 $0xFFFFF830  }
0xf7: {  	[spmem:s2] =	stream.indirect.scatter.add.f32 [tilespmem:s20], [sflag:$0xA], $0x10, s3, s7, $0xb8;
	[tilespmem:$0x7680] =	vst v63  }
0xf8: {  	_ =	swait.ge [sflag:s30], $0x7D0  }
0xf9: {  	[sflag:s30] =	ssyncset.done $0x0  }
0xfa: {  	s3 =	rddreg [dreg:$0x10];
	[sflag:s30] =	ssyncadd.s32 $0xFFFFF830  }
0xfb: {  	[spmem:s2] =	stream.indirect.scatter.add.f32 [tilespmem:s14], [sflag:$0xB], $0x10, s3, s7, $0xb8;
	[tilespmem:$0x7680] =	vst v63  }
0xfc: {  	_ =	swait.ge [sflag:s29], $0x7D0  }
0xfd: {  	[sflag:s29] =	ssyncset.done $0x0  }
0xfe: {  	s3 =	rddreg [dreg:$0x11];
	[sflag:s29] =	ssyncadd.s32 $0xFFFFF830  }
0xff: {  	[spmem:s2] =	stream.indirect.scatter.add.f32 [tilespmem:s11], [sflag:$0xC], $0x10, s3, s7, $0xb8;
	[tilespmem:$0x7680] =	vst v63  }
0x100: {  	_ =	swait.ge [sflag:s24], $0x7D0  }
0x101: {  	[sflag:s24] =	ssyncset.done $0x0  }
0x102: {  	s3 =	rddreg [dreg:$0x12];
	[sflag:s24] =	ssyncadd.s32 $0xFFFFF830  }
0x103: {  	[spmem:s2] =	stream.indirect.scatter.add.f32 [tilespmem:s10], [sflag:$0xD], $0x10, s3, s7, $0xb8;
	[tilespmem:$0x7680] =	vst v63  }
0x104: {  	_ =	swait.ge [sflag:s16], $0x7D0  }
0x105: {  	[sflag:s16] =	ssyncset.done $0x0  }
0x106: {  	s3 =	rddreg [dreg:$0x13];
	[sflag:s16] =	ssyncadd.s32 $0xFFFFF830  }
0x107: {  	[tilespmem:s22], [sflag:$0x1] =	stream.indirect.gather [hbm4b:s6+s7], $0x10, s3, s7, $0xb8;
	[tilespmem:$0x7680] =	vst v63  }
0x108: {  	_ =	swait.ge [sflag:s25], $0x7D0  }
0x109: {  	[sflag:s25] =	ssyncset.done $0x0  }
0x10a: {  	s3 =	rddreg [dreg:$0x14];
	[sflag:s25] =	ssyncadd.s32 $0xFFFFF830  }
0x10b: {  	[spmem:s2] =	stream.indirect.scatter.add.f32 [tilespmem:s12], [sflag:$0xE], $0x10, s3, s7, $0xb8;
	[tilespmem:$0x7680] =	vst v63  }
0x10c: {  	_ =	swait.ge [sflag:s21], $0x7D0  }
0x10d: {  	[sflag:s21] =	ssyncset.done $0x0  }
0x10e: {  	s3 =	rddreg [dreg:$0x15];
	[sflag:s21] =	ssyncadd.s32 $0xFFFFF830  }
0x10f: {  	[tilespmem:s20], [sflag:$0x2] =	stream.indirect.gather [hbm4b:s6+s7], $0x10, s3, s7, $0xb8;
	[tilespmem:$0x7680] =	vst v63  }
0x110: {  	_ =	swait.ge [sflag:s26], $0x7D0  }
0x111: {  	[sflag:s26] =	ssyncset.done $0x0  }
0x112: {  	s3 =	rddreg [dreg:$0x16];
	[sflag:s26] =	ssyncadd.s32 $0xFFFFF830  }
0x113: {  	[spmem:s2] =	stream.indirect.scatter.add.f32 [tilespmem:s13], [sflag:$0xF], $0x10, s3, s7, $0xb8;
	[tilespmem:$0x7680] =	vst v63  }
0x114: {  	_ =	swait.ge [sflag:s19], $0x7D0  }
0x115: {  	[sflag:s19] =	ssyncset.done $0x0  }
0x116: {  	s3 =	rddreg [dreg:$0x17];
	[sflag:s19] =	ssyncadd.s32 $0xFFFFF830  }
0x117: {  	[tilespmem:s14], [sflag:$0x3] =	stream.indirect.gather [hbm4b:s6+s7], $0x10, s3, s7, $0xb8;
	[tilespmem:$0x7680] =	vst v63  }
0x118: {  	_ =	swait.ge [sflag:s23], $0x7D0  }
0x119: {  	[sflag:s23] =	ssyncset.done $0x0  }
0x11a: {  	s3 =	rddreg [dreg:$0x18];
	[sflag:s23] =	ssyncadd.s32 $0xFFFFF830  }
0x11b: {  	[spmem:s2] =	stream.indirect.scatter.add.f32 [tilespmem:s9], [sflag:$0x10], $0x10, s3, s7, $0xb8;
	[tilespmem:$0x7680] =	vst v63  }
0x11c: {  	_ =	swait.ge [sflag:s18], $0x7D0  }
0x11d: {  	[sflag:s18] =	ssyncset.done $0x0  }
0x11e: {  	s3 =	rddreg [dreg:$0x19];
	[sflag:s18] =	ssyncadd.s32 $0xFFFFF830  }
0x11f: {  	[tilespmem:s11], [sflag:$0x4] =	stream.indirect.gather [hbm4b:s6+s7], $0x10, s3, s7, $0xb8;
	[tilespmem:$0x7680] =	vst v63  }
0x120: {  	_ =	swait.ge [sflag:s0], $0x7D0  }
0x121: {  	[sflag:s0] =	ssyncset.done $0x0  }
0x122: {  	s3 =	rddreg [dreg:$0x1a];
	[sflag:s0] =	ssyncadd.s32 $0xFFFFF830  }
0x123: {  	[spmem:s2] =	stream.indirect.scatter.add.f32 [tilespmem:s22], [sflag:$0x9], $0x10, s3, s7, $0xb8;
	[tilespmem:$0x7680] =	vst v63  }
0x124: {  	_ =	swait.ge [sflag:s17], $0x7D0  }
0x125: {  	[sflag:s17] =	ssyncset.done $0x0  }
0x126: {  	s3 =	rddreg [dreg:$0x1b];
	[sflag:s17] =	ssyncadd.s32 $0xFFFFF830  }
0x127: {  	[tilespmem:s10], [sflag:$0x5] =	stream.indirect.gather [hbm4b:s6+s7], $0x10, s3, s7, $0xb8;
	[tilespmem:$0x7680] =	vst v63  }
0x128: {  	_ =	swait.ge [sflag:s31], $0x7D0  }
0x129: {  	[sflag:s31] =	ssyncset.done $0x0  }
0x12a: {  	s3 =	rddreg [dreg:$0x1c];
	[sflag:s31] =	ssyncadd.s32 $0xFFFFF830  }
0x12b: {  	[spmem:s2] =	stream.indirect.scatter.add.f32 [tilespmem:s20], [sflag:$0xA], $0x10, s3, s7, $0xb8;
	[tilespmem:$0x7680] =	vst v63  }
0x12c: {  	_ =	swait.ge [sflag:s15], $0x7D0  }
0x12d: {  	[sflag:s15] =	ssyncset.done $0x0  }
0x12e: {  	s3 =	rddreg [dreg:$0x1d];
	[sflag:s15] =	ssyncadd.s32 $0xFFFFF830  }
0x12f: {  	[tilespmem:s12], [sflag:$0x6] =	stream.indirect.gather [hbm4b:s6+s7], $0x10, s3, s7, $0xb8;
	[tilespmem:$0x7680] =	vst v63  }
0x130: {  	_ =	swait.ge [sflag:s30], $0x7D0  }
0x131: {  	[sflag:s30] =	ssyncset.done $0x0  }
0x132: {  	s3 =	rddreg [dreg:$0x1e];
	[sflag:s30] =	ssyncadd.s32 $0xFFFFF830  }
0x133: {  	[spmem:s2] =	stream.indirect.scatter.add.f32 [tilespmem:s14], [sflag:$0xB], $0x10, s3, s7, $0xb8;
	[tilespmem:$0x7680] =	vst v63  }
0x134: {  	s14 =	simm.s32 $0xF  }
0x135: {  	_ =	swait.ge [sflag:s14], $0x7D0  }
0x136: {  	[sflag:s14] =	ssyncset.done $0x0  }
0x137: {  	s3 =	rddreg [dreg:$0x1f];
	[sflag:s14] =	ssyncadd.s32 $0xFFFFF830  }
0x138: {  	[tilespmem:s13], [sflag:$0x7] =	stream.indirect.gather [hbm4b:s6+s7], $0x10, s3, s7, $0xb8;
	[tilespmem:$0x7680] =	vst v63  }
0x139: {  	_ =	swait.ge [sflag:s29], $0x7D0  }
0x13a: {  	s3 =	sld [smem:$0x7F8]  }
0x13b: {  	[sflag:s29] =	ssyncset.done $0x0  }
0x13c: {  	s28 =	simm.s32 $0x10;
	[sflag:s29] =	ssyncadd.s32 $0xFFFFF830  }
0x13d: {  	[spmem:s2] =	stream.indirect.scatter.add.f32 [tilespmem:s11], [sflag:$0xC], $0x10, s3, s7, $0xb8;
	[tilespmem:$0x7680] =	vst v63  }
0x13e: {  	_ =	swait.ge [sflag:s28], $0x7D0  }
0x13f: {  	s3 =	sld [smem:$0x7F9]  }
0x140: {  	[sflag:s28] =	ssyncset.done $0x0  }
0x141: {  	[sflag:s28] =	ssyncadd.s32 $0xFFFFF830  }
0x142: {  	[tilespmem:s9], [sflag:$0x8] =	stream.indirect.gather [hbm4b:s6+s7], $0x10, s3, s7, $0xb8;
	[tilespmem:$0x7680] =	vst v63  }
0x143: {  	_ =	swait.ge [sflag:s24], $0x7D0  }
0x144: {  	s3 =	sld [smem:$0x7FA]  }
0x145: {  	[sflag:s24] =	ssyncset.done $0x0  }
0x146: {  	[sflag:s24] =	ssyncadd.s32 $0xFFFFF830  }
0x147: {  	[spmem:s2] =	stream.indirect.scatter.add.f32 [tilespmem:s10], [sflag:$0xD], $0x10, s3, s7, $0xb8;
	[tilespmem:$0x7680] =	vst v63  }
0x148: {  	_ =	swait.ge [sflag:s25], $0x7D0  }
0x149: {  	s3 =	sld [smem:$0x7FB]  }
0x14a: {  	[sflag:s25] =	ssyncset.done $0x0  }
0x14b: {  	[sflag:s25] =	ssyncadd.s32 $0xFFFFF830  }
0x14c: {  	[spmem:s2] =	stream.indirect.scatter.add.f32 [tilespmem:s12], [sflag:$0xE], $0x10, s3, s7, $0xb8;
	[tilespmem:$0x7680] =	vst v63  }
0x14d: {  	_ =	swait.ge [sflag:s26], $0x7D0  }
0x14e: {  	s3 =	sld [smem:$0x7FC]  }
0x14f: {  	[sflag:s26] =	ssyncset.done $0x0  }
0x150: {  	[sflag:s26] =	ssyncadd.s32 $0xFFFFF830  }
0x151: {  	[spmem:s2] =	stream.indirect.scatter.add.f32 [tilespmem:s13], [sflag:$0xF], $0x10, s3, s7, $0xb8;
	[tilespmem:$0x7680] =	vst v63  }
0x152: {  	_ =	swait.ge [sflag:s23], $0x7D0  }
0x153: {  	s3 =	sld [smem:$0x7FD]  }
0x154: {  	[sflag:s23] =	ssyncset.done $0x0  }
0x155: {  	[sflag:s23] =	ssyncadd.s32 $0xFFFFF830  }
0x156: {  	[spmem:s2] =	stream.indirect.scatter.add.f32 [tilespmem:s9], [sflag:$0x10], $0x10, s3, s7, $0xb8;
	[tilespmem:$0x7680] =	vst v63  }
0x157: {  	_ =	swait.ge [sflag:s16], $0x7D0  }
0x158: {  	[sflag:s16] =	ssyncset.done $0x0  }
0x159: {  	[sflag:s16] =	ssyncadd.s32 $0xFFFFF830  }
0x15a: {  	_ =	swait.ge [sflag:s21], $0x7D0  }
0x15b: {  	[sflag:s21] =	ssyncset.done $0x0  }
0x15c: {  	[sflag:s21] =	ssyncadd.s32 $0xFFFFF830  }
0x15d: {  	_ =	swait.ge [sflag:s19], $0x7D0  }
0x15e: {  	[sflag:s19] =	ssyncset.done $0x0  }
0x15f: {  	[sflag:s19] =	ssyncadd.s32 $0xFFFFF830  }
0x160: {  	_ =	swait.ge [sflag:s18], $0x7D0  }
0x161: {  	[sflag:s18] =	ssyncset.done $0x0  }
0x162: {  	[sflag:s18] =	ssyncadd.s32 $0xFFFFF830  }
0x163: {  	_ =	swait.ge [sflag:s17], $0x7D0  }
0x164: {  	[sflag:s17] =	ssyncset.done $0x0  }
0x165: {  	[sflag:s17] =	ssyncadd.s32 $0xFFFFF830  }
0x166: {  	_ =	swait.ge [sflag:s15], $0x7D0  }
0x167: {  	[sflag:s15] =	ssyncset.done $0x0  }
0x168: {  	[sflag:s15] =	ssyncadd.s32 $0xFFFFF830  }
0x169: {  	_ =	swait.ge [sflag:s14], $0x7D0  }
0x16a: {  	[sflag:s14] =	ssyncset.done $0x0  }
0x16b: {  	[sflag:s14] =	ssyncadd.s32 $0xFFFFF830  }
0x16c: {  	_ =	swait.ge [sflag:s28], $0x7D0  }
0x16d: {  	[sflag:s28] =	ssyncset.done $0x0  }
0x16e: {  	p1 =	sne.s32 s1, $0x1;
	[sflag:s28] =	ssyncadd.s32 $0xFFFFF830  }
.Ltmp2:
0x16f: {  	[bflag:$0x0] =	sbarrier.arrive $0xFFFF;
	(pc) =	sbr.rel @p1 .LBB2_3-.Ltmp2, $4  }
0x170: {  	s28 =	rddreg [dreg:$0x7]  }
0x171: {  	[hbm:s28], [sflag:s4] =	dma.local [spmem:s8], $0x500  }
0x172: {  	_ =	swait.ge [sflag:s5], $0x500  }
0x173: {  	s1 =	sadd.s32 $0xFFFFFFFF, s1;
	s3 =	rddreg [dreg:$0x4];
	[sflag:s5] =	ssyncset.done $0x0  }
.LBB2_4:
0x174: {  	[sflag:s5] =	ssyncadd.s32 @p0 $0xFFFFFB00  }
0x175: {  	[spmem:s8], [sflag:s4] =	dma.local [hbm:s3], $0x500  }
0x176: {  	_ =	swait.ge [sflag:s5], $0x500  }
0x177: {  	[sflag:s5] =	ssyncset.done $0x0  }
0x178: {  	s12 =	simm.s32 $0x0;
	s1 =	rddreg [dreg:$0x5];
	[sflag:s5] =	ssyncadd.s32 $0xFFFFFB00  }
0x179: {  	[tilespmem:s12], [sflag:$0x11] =	stream.linear.gather [hbm4b:s1+s12], $0x800, $0x38;
	[tilespmem:$0x7680] =	vst v63  }
0x17a: {  	_ =	swait.ge [sflag:s5], $0x800  }
0x17b: {  	[sflag:s5] =	ssyncset.done $0x0  }
0x17c: {  	s10 =	simm.s32 $0x800;
	s13 =	rddreg [dreg:$0x6];
	[sflag:s5] =	ssyncadd.s32 $0xFFFFF800  }
0x17d: {  	[tilespmem:s10], [sflag:$0x11] =	stream.linear.gather [hbm4b:s13+s12], $0x800, $0x38;
	[tilespmem:$0x7680] =	vst v63  }
0x17e: {  	_ =	swait.ge [sflag:s5], $0x800  }
0x17f: {  	[sflag:s5] =	ssyncset.done $0x0  }
0x180: {  	[sflag:s5] =	ssyncadd.s32 $0xFFFFF800  }
0x181: {  	s11 =	simm.s32 $0x1000;
	[bflag:$0x0] =	sbarrier.arrive $0xFFFF  }
0x182: {  	[tilespmem:s11], [sflag:$0x1] =	stream.indirect.gather [hbm4b:s6+s7], $0x10, s12, s7, $0xb8;
	[tilespmem:$0x7680] =	vst v63  }
0x183: {  	s28 =	simm.s32 $0x17D0;
	s14 =	rddreg [dreg:$0x8]  }
0x184: {  	[tilespmem:s28], [sflag:$0x2] =	stream.indirect.gather [hbm4b:s6+s7], $0x10, s14, s7, $0xb8;
	[tilespmem:$0x7680] =	vst v63  }
0x185: {  	s22 =	simm.s32 $0x1FA0;
	s20 =	rddreg [dreg:$0x9]  }
0x186: {  	[tilespmem:s22], [sflag:$0x3] =	stream.indirect.gather [hbm4b:s6+s7], $0x10, s20, s7, $0xb8;
	[tilespmem:$0x7680] =	vst v63  }
0x187: {  	s12 =	rddreg [dreg:$0xa];
	s20 =	simm.s32 $0x2770  }
0x188: {  	[tilespmem:s20], [sflag:$0x4] =	stream.indirect.gather [hbm4b:s6+s7], $0x10, s12, s7, $0xb8;
	[tilespmem:$0x7680] =	vst v63  }
0x189: {  	s13 =	rddreg [dreg:$0xb];
	s14 =	simm.s32 $0x2F40  }
0x18a: {  	[tilespmem:s14], [sflag:$0x5] =	stream.indirect.gather [hbm4b:s6+s7], $0x10, s13, s7, $0xb8;
	[tilespmem:$0x7680] =	vst v63  }
0x18b: {  	s12 =	rddreg [dreg:$0xc];
	s13 =	simm.s32 $0x3710  }
0x18c: {  	[tilespmem:s13], [sflag:$0x6] =	stream.indirect.gather [hbm4b:s6+s7], $0x10, s12, s7, $0xb8;
	[tilespmem:$0x7680] =	vst v63  }
0x18d: {  	s3 =	rddreg [dreg:$0xd];
	s12 =	simm.s32 $0x3EE0  }
0x18e: {  	[tilespmem:s12], [sflag:$0x7] =	stream.indirect.gather [hbm4b:s6+s7], $0x10, s3, s7, $0xb8;
	[tilespmem:$0x7680] =	vst v63  }
0x18f: {  	s1 =	rddreg [dreg:$0xe]  }
0x190: {  	[tilespmem:s9], [sflag:$0x8] =	stream.indirect.gather [hbm4b:s6+s7], $0x10, s1, s7, $0xb8;
	[tilespmem:$0x7680] =	vst v63  }
0x191: {  	_ =	swait.ge [sflag:s0], $0x7D0  }
0x192: {  	[sflag:s0] =	ssyncset.done $0x0  }
0x193: {  	[sflag:s0] =	ssyncadd.s32 $0xFFFFF830  }
0x194: {  	[spmem:s2] =	stream.indirect.scatter.add.f32 [tilespmem:s11], [sflag:$0x9], $0x10, s10, s7, $0xb8;
	[tilespmem:$0x7680] =	vst v63  }
0x195: {  	_ =	swait.ge [sflag:s31], $0x7D0  }
0x196: {  	[sflag:s31] =	ssyncset.done $0x0  }
0x197: {  	s3 =	rddreg [dreg:$0xf];
	[sflag:s31] =	ssyncadd.s32 $0xFFFFF830  }
0x198: {  	[spmem:s2] =	stream.indirect.scatter.add.f32 [tilespmem:s28], [sflag:$0xA], $0x10, s3, s7, $0xb8;
	[tilespmem:$0x7680] =	vst v63  }
0x199: {  	_ =	swait.ge [sflag:s30], $0x7D0  }
0x19a: {  	[sflag:s30] =	ssyncset.done $0x0  }
0x19b: {  	s10 =	rddreg [dreg:$0x10];
	[sflag:s30] =	ssyncadd.s32 $0xFFFFF830  }
0x19c: {  	[spmem:s2] =	stream.indirect.scatter.add.f32 [tilespmem:s22], [sflag:$0xB], $0x10, s10, s7, $0xb8;
	[tilespmem:$0x7680] =	vst v63  }
0x19d: {  	_ =	swait.ge [sflag:s29], $0x7D0  }
0x19e: {  	[sflag:s29] =	ssyncset.done $0x0  }
0x19f: {  	s3 =	rddreg [dreg:$0x11];
	[sflag:s29] =	ssyncadd.s32 $0xFFFFF830  }
0x1a0: {  	[spmem:s2] =	stream.indirect.scatter.add.f32 [tilespmem:s20], [sflag:$0xC], $0x10, s3, s7, $0xb8;
	[tilespmem:$0x7680] =	vst v63  }
0x1a1: {  	_ =	swait.ge [sflag:s24], $0x7D0  }
0x1a2: {  	[sflag:s24] =	ssyncset.done $0x0  }
0x1a3: {  	s10 =	rddreg [dreg:$0x12];
	[sflag:s24] =	ssyncadd.s32 $0xFFFFF830  }
0x1a4: {  	[spmem:s2] =	stream.indirect.scatter.add.f32 [tilespmem:s14], [sflag:$0xD], $0x10, s10, s7, $0xb8;
	[tilespmem:$0x7680] =	vst v63  }
0x1a5: {  	_ =	swait.ge [sflag:s16], $0x7D0  }
0x1a6: {  	[sflag:s16] =	ssyncset.done $0x0  }
0x1a7: {  	s3 =	rddreg [dreg:$0x13];
	[sflag:s16] =	ssyncadd.s32 $0xFFFFF830  }
0x1a8: {  	[tilespmem:s11], [sflag:$0x1] =	stream.indirect.gather [hbm4b:s6+s7], $0x10, s3, s7, $0xb8;
	[tilespmem:$0x7680] =	vst v63  }
0x1a9: {  	_ =	swait.ge [sflag:s25], $0x7D0  }
0x1aa: {  	[sflag:s25] =	ssyncset.done $0x0  }
0x1ab: {  	s10 =	rddreg [dreg:$0x14];
	[sflag:s25] =	ssyncadd.s32 $0xFFFFF830  }
0x1ac: {  	[spmem:s2] =	stream.indirect.scatter.add.f32 [tilespmem:s13], [sflag:$0xE], $0x10, s10, s7, $0xb8;
	[tilespmem:$0x7680] =	vst v63  }
0x1ad: {  	_ =	swait.ge [sflag:s21], $0x7D0  }
0x1ae: {  	[sflag:s21] =	ssyncset.done $0x0  }
0x1af: {  	s3 =	rddreg [dreg:$0x15];
	[sflag:s21] =	ssyncadd.s32 $0xFFFFF830  }
0x1b0: {  	[tilespmem:s28], [sflag:$0x2] =	stream.indirect.gather [hbm4b:s6+s7], $0x10, s3, s7, $0xb8;
	[tilespmem:$0x7680] =	vst v63  }
0x1b1: {  	_ =	swait.ge [sflag:s26], $0x7D0  }
0x1b2: {  	[sflag:s26] =	ssyncset.done $0x0  }
0x1b3: {  	s10 =	rddreg [dreg:$0x16];
	[sflag:s26] =	ssyncadd.s32 $0xFFFFF830  }
0x1b4: {  	[spmem:s2] =	stream.indirect.scatter.add.f32 [tilespmem:s12], [sflag:$0xF], $0x10, s10, s7, $0xb8;
	[tilespmem:$0x7680] =	vst v63  }
0x1b5: {  	_ =	swait.ge [sflag:s19], $0x7D0  }
0x1b6: {  	[sflag:s19] =	ssyncset.done $0x0  }
0x1b7: {  	s3 =	rddreg [dreg:$0x17];
	[sflag:s19] =	ssyncadd.s32 $0xFFFFF830  }
0x1b8: {  	[tilespmem:s22], [sflag:$0x3] =	stream.indirect.gather [hbm4b:s6+s7], $0x10, s3, s7, $0xb8;
	[tilespmem:$0x7680] =	vst v63  }
0x1b9: {  	_ =	swait.ge [sflag:s23], $0x7D0  }
0x1ba: {  	[sflag:s23] =	ssyncset.done $0x0  }
0x1bb: {  	s10 =	rddreg [dreg:$0x18];
	[sflag:s23] =	ssyncadd.s32 $0xFFFFF830  }
0x1bc: {  	[spmem:s2] =	stream.indirect.scatter.add.f32 [tilespmem:s9], [sflag:$0x10], $0x10, s10, s7, $0xb8;
	[tilespmem:$0x7680] =	vst v63  }
0x1bd: {  	_ =	swait.ge [sflag:s18], $0x7D0  }
0x1be: {  	[sflag:s18] =	ssyncset.done $0x0  }
0x1bf: {  	s3 =	rddreg [dreg:$0x19];
	[sflag:s18] =	ssyncadd.s32 $0xFFFFF830  }
0x1c0: {  	[tilespmem:s20], [sflag:$0x4] =	stream.indirect.gather [hbm4b:s6+s7], $0x10, s3, s7, $0xb8;
	[tilespmem:$0x7680] =	vst v63  }
0x1c1: {  	_ =	swait.ge [sflag:s0], $0x7D0  }
0x1c2: {  	[sflag:s0] =	ssyncset.done $0x0  }
0x1c3: {  	s10 =	rddreg [dreg:$0x1a];
	[sflag:s0] =	ssyncadd.s32 $0xFFFFF830  }
0x1c4: {  	[spmem:s2] =	stream.indirect.scatter.add.f32 [tilespmem:s11], [sflag:$0x9], $0x10, s10, s7, $0xb8;
	[tilespmem:$0x7680] =	vst v63  }
0x1c5: {  	_ =	swait.ge [sflag:s17], $0x7D0  }
0x1c6: {  	[sflag:s17] =	ssyncset.done $0x0  }
0x1c7: {  	s3 =	rddreg [dreg:$0x1b];
	[sflag:s17] =	ssyncadd.s32 $0xFFFFF830  }
0x1c8: {  	[tilespmem:s14], [sflag:$0x5] =	stream.indirect.gather [hbm4b:s6+s7], $0x10, s3, s7, $0xb8;
	[tilespmem:$0x7680] =	vst v63  }
0x1c9: {  	_ =	swait.ge [sflag:s31], $0x7D0  }
0x1ca: {  	[sflag:s31] =	ssyncset.done $0x0  }
0x1cb: {  	s10 =	rddreg [dreg:$0x1c];
	[sflag:s31] =	ssyncadd.s32 $0xFFFFF830  }
0x1cc: {  	[spmem:s2] =	stream.indirect.scatter.add.f32 [tilespmem:s28], [sflag:$0xA], $0x10, s10, s7, $0xb8;
	[tilespmem:$0x7680] =	vst v63  }
0x1cd: {  	_ =	swait.ge [sflag:s15], $0x7D0  }
0x1ce: {  	[sflag:s15] =	ssyncset.done $0x0  }
0x1cf: {  	s11 =	rddreg [dreg:$0x1d];
	[sflag:s15] =	ssyncadd.s32 $0xFFFFF830  }
0x1d0: {  	[tilespmem:s13], [sflag:$0x6] =	stream.indirect.gather [hbm4b:s6+s7], $0x10, s11, s7, $0xb8;
	[tilespmem:$0x7680] =	vst v63  }
0x1d1: {  	_ =	swait.ge [sflag:s30], $0x7D0  }
0x1d2: {  	[sflag:s30] =	ssyncset.done $0x0  }
0x1d3: {  	s31 =	simm.s32 $0xF;
	s28 =	rddreg [dreg:$0x1e];
	[sflag:s30] =	ssyncadd.s32 $0xFFFFF830  }
0x1d4: {  	[spmem:s2] =	stream.indirect.scatter.add.f32 [tilespmem:s22], [sflag:$0xB], $0x10, s28, s7, $0xb8;
	[tilespmem:$0x7680] =	vst v63  }
0x1d5: {  	_ =	swait.ge [sflag:s31], $0x7D0  }
0x1d6: {  	[sflag:s31] =	ssyncset.done $0x0  }
0x1d7: {  	s1 =	rddreg [dreg:$0x1f];
	[sflag:s31] =	ssyncadd.s32 $0xFFFFF830  }
0x1d8: {  	[tilespmem:s12], [sflag:$0x7] =	stream.indirect.gather [hbm4b:s6+s7], $0x10, s1, s7, $0xb8;
	[tilespmem:$0x7680] =	vst v63  }
0x1d9: {  	_ =	swait.ge [sflag:s29], $0x7D0  }
0x1da: {  	s10 =	sld [smem:$0x7F8]  }
0x1db: {  	[sflag:s29] =	ssyncset.done $0x0  }
0x1dc: {  	s11 =	simm.s32 $0x10;
	[sflag:s29] =	ssyncadd.s32 $0xFFFFF830  }
0x1dd: {  	[spmem:s2] =	stream.indirect.scatter.add.f32 [tilespmem:s20], [sflag:$0xC], $0x10, s10, s7, $0xb8;
	[tilespmem:$0x7680] =	vst v63  }
0x1de: {  	_ =	swait.ge [sflag:s11], $0x7D0  }
0x1df: {  	s20 =	sld [smem:$0x7F9]  }
0x1e0: {  	[sflag:s11] =	ssyncset.done $0x0  }
0x1e1: {  	[sflag:s11] =	ssyncadd.s32 $0xFFFFF830  }
0x1e2: {  	[tilespmem:s9], [sflag:$0x8] =	stream.indirect.gather [hbm4b:s6+s7], $0x10, s20, s7, $0xb8;
	[tilespmem:$0x7680] =	vst v63  }
0x1e3: {  	_ =	swait.ge [sflag:s24], $0x7D0  }
0x1e4: {  	s22 =	sld [smem:$0x7FA]  }
0x1e5: {  	[sflag:s24] =	ssyncset.done $0x0  }
0x1e6: {  	[sflag:s24] =	ssyncadd.s32 $0xFFFFF830  }
0x1e7: {  	[spmem:s2] =	stream.indirect.scatter.add.f32 [tilespmem:s14], [sflag:$0xD], $0x10, s22, s7, $0xb8;
	[tilespmem:$0x7680] =	vst v63  }
0x1e8: {  	_ =	swait.ge [sflag:s25], $0x7D0  }
0x1e9: {  	s24 =	sld [smem:$0x7FB]  }
0x1ea: {  	[sflag:s25] =	ssyncset.done $0x0  }
0x1eb: {  	[sflag:s25] =	ssyncadd.s32 $0xFFFFF830  }
0x1ec: {  	[spmem:s2] =	stream.indirect.scatter.add.f32 [tilespmem:s13], [sflag:$0xE], $0x10, s24, s7, $0xb8;
	[tilespmem:$0x7680] =	vst v63  }
0x1ed: {  	_ =	swait.ge [sflag:s26], $0x7D0  }
0x1ee: {  	s28 =	sld [smem:$0x7FC]  }
0x1ef: {  	[sflag:s26] =	ssyncset.done $0x0  }
0x1f0: {  	[sflag:s26] =	ssyncadd.s32 $0xFFFFF830  }
0x1f1: {  	[spmem:s2] =	stream.indirect.scatter.add.f32 [tilespmem:s12], [sflag:$0xF], $0x10, s28, s7, $0xb8;
	[tilespmem:$0x7680] =	vst v63  }
0x1f2: {  	_ =	swait.ge [sflag:s23], $0x7D0  }
0x1f3: {  	s29 =	sld [smem:$0x7FD]  }
0x1f4: {  	[sflag:s23] =	ssyncset.done $0x0  }
0x1f5: {  	[sflag:s23] =	ssyncadd.s32 $0xFFFFF830  }
0x1f6: {  	[spmem:s2] =	stream.indirect.scatter.add.f32 [tilespmem:s9], [sflag:$0x10], $0x10, s29, s7, $0xb8;
	[tilespmem:$0x7680] =	vst v63  }
0x1f7: {  	_ =	swait.ge [sflag:s16], $0x7D0  }
0x1f8: {  	[sflag:s16] =	ssyncset.done $0x0  }
0x1f9: {  	[sflag:s16] =	ssyncadd.s32 $0xFFFFF830  }
0x1fa: {  	_ =	swait.ge [sflag:s21], $0x7D0  }
0x1fb: {  	[sflag:s21] =	ssyncset.done $0x0  }
0x1fc: {  	[sflag:s21] =	ssyncadd.s32 $0xFFFFF830  }
0x1fd: {  	_ =	swait.ge [sflag:s19], $0x7D0  }
0x1fe: {  	[sflag:s19] =	ssyncset.done $0x0  }
0x1ff: {  	[sflag:s19] =	ssyncadd.s32 $0xFFFFF830  }
0x200: {  	_ =	swait.ge [sflag:s18], $0x7D0  }
0x201: {  	[sflag:s18] =	ssyncset.done $0x0  }
0x202: {  	[sflag:s18] =	ssyncadd.s32 $0xFFFFF830  }
0x203: {  	_ =	swait.ge [sflag:s17], $0x7D0  }
0x204: {  	[sflag:s17] =	ssyncset.done $0x0  }
0x205: {  	[sflag:s17] =	ssyncadd.s32 $0xFFFFF830  }
0x206: {  	_ =	swait.ge [sflag:s15], $0x7D0  }
0x207: {  	[sflag:s15] =	ssyncset.done $0x0  }
0x208: {  	[sflag:s15] =	ssyncadd.s32 $0xFFFFF830  }
0x209: {  	_ =	swait.ge [sflag:s31], $0x7D0  }
0x20a: {  	[sflag:s31] =	ssyncset.done $0x0  }
0x20b: {  	[sflag:s31] =	ssyncadd.s32 $0xFFFFF830  }
0x20c: {  	_ =	swait.ge [sflag:s11], $0x7D0  }
0x20d: {  	[sflag:s11] =	ssyncset.done $0x0  }
0x20e: {  	[sflag:s11] =	ssyncadd.s32 $0xFFFFF830  }
0x20f: {  	[bflag:$0x0] =	sbarrier.arrive $0xFFFF  }
0x210: {  	s30 =	rddreg [dreg:$0x7]  }
0x211: {  	[hbm:s30], [sflag:s4] =	dma.local [spmem:s8], $0x500  }
0x212: {  	_ =	swait.ge [sflag:s5], $0x500  }
0x213: {  	[sflag:s5] =	ssyncset.done $0x0  }
0x214: {  	[sflag:s5] =	ssyncadd.s32 $0xFFFFFB00  }
0x215: {  	_ =	sfence.sel $0x180000  }
0x216: {  	[bflag:$0x0] =	sbarrier.arrive $0xFFFF  }
0x217: {  	_ =	strace $0x9000004A  }
0x218: {  	s31 =	stileid.u32;
	[bflag:$0x2] =	sbarrier.arrive $0xFFFF  }
0x219: {  	p0 =	sne.s32 s31, $0x0;
	s0 =	rddreg [dreg:$0x3]  }
0x21a: {  	s0 =	sadd.s32 @!p0 $0x100000, s0  }
0x21b: {  	[sflag:s0] =	ssyncadd.tile.s32 @!p0 $0x1;
	_ =	shalt  }
.Lfunc_end2:
_tile_overlayer_lowered:
.L_overlay_start_2:
0x21c: {  	(tag) =	ssettag $0x2  }
0x21d: {  	s0 =	rddreg [dreg:$0x0];
	s2 =	stileid.u32  }
0x21e: {  	s1 =	rddreg [dreg:$0x1];
	p0 =	sne.s32 s2, $0x0  }
0x21f: {  	s3 =	rddreg [dreg:$0x2];
	[bflag:$0x3] =	sbarrier.arrive $0xFFFF;
	s2 =	simm.s32 @!p0 $0x1C11  }
0x220: {  	[timem:s3], [sflag:s2] =	dma.local @!p0 [hbm:s0], s1  }
0x221: {  	s0 =	simm.s32 @!p0 $0x11  }
0x222: {  	_ =	swait.ge @!p0 [sflag:s0], s1  }
0x223: {  	s1 =	ssub.s32 @!p0 $0x0, s1;
	[sflag:s0] =	ssyncset.done @!p0 $0x0  }
0x224: {  	[sflag:s0] =	ssyncadd.s32 @!p0 s1  }
0x225: {  	[bflag:$0x3] =	sbarrier.arrive $0xFFFF  }
0x226: {  	_ =	shalt  }

// kernel: kernel.7.cloned.1.call-start
scs
__scs_entry_jumppad:
0x0: {  	(pc) =	sbr.rel $0x88, $3  }
0x1: {  	(tag) =	ssettag $0x0;
	lr =	simm.s32 $0x1  }
0x2: {  	[smem:$0x3F9B] =	sst lr;
	_ =	strace $0xD0000000  }
0x3: {  	_ = 	snop  }
0x4: {  	_ = 	snop  }
0x5: {  	_ = 	snop  }
0x6: {  	_ = 	snop  }
0x7: {  	_ = 	snop  }
__scs_overlays_trampoline_lowered:
0x8: {  	[smem:$0x3FAA] =	sst s0  }
0x9: {  	[smem:$0x3FAB] =	sst s1  }
0xa: {  	[smem:$0x3FAC] =	sst s2  }
0xb: {  	[smem:$0x3FAD] =	sst s3  }
0xc: {  	[smem:$0x3FAE] =	sst s4  }
0xd: {  	[smem:$0x3FAF] =	sst s5  }
0xe: {  	[smem:$0x3FB0] =	sst s6  }
0xf: {  	[smem:$0x3FB1] =	sst s7  }
0x10: {  	[smem:$0x3FB2] =	sst s8  }
0x11: {  	[smem:$0x3FB3] =	sst s9;
	s0 =	simm.s32 @!p0 $0x0  }
0x12: {  	s1 =	sld [smem:$0x3F99];
	s0 =	simm.s32 @p0 $0x1  }
0x13: {  	[smem:$0x3FB4] =	sst s0;
	s0 =	simm.s32 @!p1 $0x0  }
0x14: {  	s2 =	sld [smem:$0x3F98];
	s0 =	simm.s32 @p1 $0x1  }
0x15: {  	[smem:$0x3FB5] =	sst s0;
	s0 =	simm.s32 @!p2 $0x0  }
0x16: {  	s3 =	sld [smem:$0x3FDB];
	s0 =	simm.s32 @p2 $0x1  }
0x17: {  	s4 =	simm.s32 $0x1BF5;
	[smem:$0x3FB7] =	sst s0  }
0x18: {  	s0 =	sld [smem:$0x3F9A];
	_ =	swait.ge [sflag:s4], $0x0  }
0x19: {  	s7 =	sld [smem:$0x3F9B]  }
0x1a: {  	s8 =	sadd.s32 $0xFFFFE003, lr  }
0x1b: {  	s9 =	sadd.s32 $0xFFFFFEF7, lr;
	s5 =	simm.s32 $0xFFFFFFFF;
	p2 =	slt.u32 s8, $0xFFFFF086  }
0x1c: {  	p1 =	slt.u32 s9, $0xF7A;
	s5 =	simm.s32 @!p2 $0x0  }
0x1d: {  	s5 =	simm.s32 @p1 $0x1;
	p0 =	seq.s32 s7, s2  }
0x1e: {  	s7 =	smul.u32 @!p0 $0xF7A, s2;
	p2 =	seq.s32 @!p0 s5, $0x0  }
0x1f: {  	s9 =	smul.u32 $0xF7A, s1;
	s8 =	simm.s32 @!p0 $0x1BF5;
	p2 =	por !p2, p0  }
0x20: {  	[sflag:s8] =	ssyncset.s32 @!p0 $0xFFFFF086;
	s6 =	sadd.s32 @!p0 s3, s7;
	s7 =	simm.s32 @!p0 $0x108  }
0x21: {  	s3 =	sadd.s32 s3, s9;
	s6 =	sadd.s32 @!p0 $0x88, s6;
	s7 =	simm.s32 @p2 $0x1082  }
0x22: {  	[simem:s7], [sflag:s8] =	dma.local @!p0 [hbm:s6], $0xF7A  }
0x23: {  	s9 =	sor.u32 $0xD0000000, s2;
	s6 =	simm.s32 $0x108;
	_ =	swait.ge @!p0 [sflag:s8], $0x0  }
0x24: {  	s3 =	sadd.s32 $0x88, s3;
	s6 =	simm.s32 @!p1 $0x1082;
	[sflag:s4] =	ssyncset.s32 $0xFFFFF086  }
0x25: {  	[simem:s6], [sflag:s4] =	dma.local [hbm:s3], $0xF7A  }
0x26: {  	[smem:$0x3F9B] =	sst s1;
	(tag) =	ssettag s2;
	_ =	strace s9  }
0x27: {  	s1 =	sld [smem:$0x3FAB]  }
0x28: {  	s2 =	sld [smem:$0x3FAC]  }
0x29: {  	s4 =	sld [smem:$0x3FAE]  }
0x2a: {  	p0 =	seq.s32 s5, $0x0;
	s5 =	sld [smem:$0x3FAF]  }
0x2b: {  	s6 =	sld [smem:$0x3FB0]  }
0x2c: {  	s7 =	sld [smem:$0x3FB1]  }
0x2d: {  	s3 =	simm.s32 $0x108;
	s8 =	sld [smem:$0x3FB2]  }
0x2e: {  	s3 =	simm.s32 @!p0 $0x1082;
	s9 =	sld [smem:$0x3FB3]  }
0x2f: {  	lr =	sadd.s32 s0, s3;
	s0 =	sld [smem:$0x3FAA]  }
0x30: {  	s3 =	sld [smem:$0x3FAD]  }
0x31: {  	[smem:$0x3FB6] =	sst s10  }
0x32: {  	s10 =	sld [smem:$0x3FB4];
	_ =	sdelay $0x3  }
0x33: {  	p0 =	seq.s32 s10, $0x1;
	s10 =	sld [smem:$0x3FB6];
	_ =	sdelay $0x3  }
0x34: {  	[smem:$0x3FB6] =	sst s10  }
0x35: {  	s10 =	sld [smem:$0x3FB5];
	_ =	sdelay $0x3  }
0x36: {  	p1 =	seq.s32 s10, $0x1;
	s10 =	sld [smem:$0x3FB6];
	_ =	sdelay $0x3  }
0x37: {  	[smem:$0x3FB6] =	sst s10  }
0x38: {  	s10 =	sld [smem:$0x3FB7]  }
0x39: {  	_ = 	snop;
	(pc) =	sbr.ind lr, $3  }
0x3a: {  	_ = 	snop  }
0x3b: {  	_ = 	snop  }
0x3c: {  	p2 =	seq.s32 s10, $0x1;
	s10 =	sld [smem:$0x3FB6]  }
0x3d: {  	_ =	shalt  }
0x3e: {  	_ =	shalt  }
0x3f: {  	_ =	shalt  }
0x40: {  	_ =	shalt  }
0x41: {  	_ =	shalt  }
0x42: {  	_ =	shalt  }
0x43: {  	_ =	shalt  }
0x44: {  	_ =	shalt  }
0x45: {  	_ =	shalt  }
0x46: {  	_ =	shalt  }
0x47: {  	_ =	shalt  }
0x48: {  	_ =	shalt  }
0x49: {  	_ =	shalt  }
0x4a: {  	_ =	shalt  }
0x4b: {  	_ =	shalt  }
0x4c: {  	_ =	shalt  }
0x4d: {  	_ =	shalt  }
0x4e: {  	_ =	shalt  }
0x4f: {  	_ =	shalt  }
0x50: {  	_ =	shalt  }
0x51: {  	_ =	shalt  }
0x52: {  	_ =	shalt  }
0x53: {  	_ =	shalt  }
0x54: {  	_ =	shalt  }
0x55: {  	_ =	shalt  }
0x56: {  	_ =	shalt  }
0x57: {  	_ =	shalt  }
0x58: {  	_ =	shalt  }
0x59: {  	_ =	shalt  }
0x5a: {  	_ =	shalt  }
0x5b: {  	_ =	shalt  }
0x5c: {  	_ =	shalt  }
0x5d: {  	_ =	shalt  }
0x5e: {  	_ =	shalt  }
0x5f: {  	_ =	shalt  }
0x60: {  	_ =	shalt  }
0x61: {  	_ =	shalt  }
0x62: {  	_ =	shalt  }
0x63: {  	_ =	shalt  }
0x64: {  	_ =	shalt  }
0x65: {  	_ =	shalt  }
0x66: {  	_ =	shalt  }
0x67: {  	_ =	shalt  }
0x68: {  	_ =	shalt  }
0x69: {  	_ =	shalt  }
0x6a: {  	_ =	shalt  }
0x6b: {  	_ =	shalt  }
0x6c: {  	_ =	shalt  }
0x6d: {  	_ =	shalt  }
0x6e: {  	_ =	shalt  }
0x6f: {  	_ =	shalt  }
0x70: {  	_ =	shalt  }
0x71: {  	_ =	shalt  }
0x72: {  	_ =	shalt  }
0x73: {  	_ =	shalt  }
0x74: {  	_ =	shalt  }
0x75: {  	_ =	shalt  }
0x76: {  	_ =	shalt  }
0x77: {  	_ =	shalt  }
0x78: {  	_ =	shalt  }
0x79: {  	_ =	shalt  }
0x7a: {  	_ =	shalt  }
0x7b: {  	_ =	shalt  }
0x7c: {  	_ =	shalt  }
0x7d: {  	_ =	shalt  }
0x7e: {  	_ =	shalt  }
0x7f: {  	_ =	shalt  }
0x80: {  	_ =	shalt  }
0x81: {  	_ =	shalt  }
0x82: {  	_ =	shalt  }
0x83: {  	_ =	shalt  }
0x84: {  	_ =	shalt  }
0x85: {  	_ =	shalt  }
0x86: {  	_ =	shalt  }
0x87: {  	_ =	shalt  }
.Lfunc_end0:
.L_simem_size_0:
called_computation_lowered:
.L_overlay_start_0:
0x88: {  	s2 =	sld [smem:$0x3FD9]  }
0x89: {  	s3 =	sld [smem:$0x3FFE];
	_ =	sdelay $0x1  }
0x8a: {  	s1 =	srdreg.scid  }
0x8b: {  	s0 =	sand.u32 $0x1, s1  }
0x8c: {  	s17 =	sshll.u32 s0, $0xA;
	s2 =	sadd.s32 s3, s2  }
0x8d: {  	s2 =	sadd.s32 s2, s17  }
0x8e: {  	[smem:$0x3FC2] =	sst s2  }
0x8f: {  	_ = 	snop  }
0x90: {  	s2 =	sld [smem:$0x3FD0];
	(tm) =	ssettm $0x1  }
0x91: {  	s18 =	sld [smem:$0x3FFB];
	_ =	sdelay $0x3  }
0x92: {  	_ =	strace s18  }
0x93: {  	s3 =	sld [smem:$0x3FFC];
	_ =	sdelay $0x3  }
0x94: {  	_ =	strace s3  }
0x95: {  	s3 =	sld [smem:$0x3FFD];
	_ =	sdelay $0x3  }
0x96: {  	_ =	strace s3  }
0x97: {  	_ =	strace $0x8FFFFFFF  }
0x98: {  	s19 =	sld [smem:$0x3FDB];
	_ =	sdelay $0x1  }
0x99: {  	s4 =	simm.s32 $_scs_section_size  }
0x9a: {  	s5 =	simm.s32 $_size__tile_overlayer_lowered;
	s6 =	simm.s32 $_tile_overlayer_lowered  }
0x9b: {  	s22 =	simm.s32 $0x1BFF;
	s21 =	sshll.u32 s6, $0x1;
	s3 =	sadd.s32 s4, s19  }
0x9c: {  	s7 =	simm.s32 $0x0;
	s20 =	sshll.u32 s5, $0x1;
	s5 =	sadd.s32 s21, s3  }
0x9d: {  	[timem:s7], [sflag:s22] =	dma.local [hbm:s5], s20  }
0x9e: {  	_ =	swait.ge [sflag:s22], s20  }
0x9f: {  	s4 =	ssub.s32 $0x0, s20;
	[sflag:s22] =	ssyncset.done $0x0  }
0xa0: {  	[sflag:s22] =	ssyncadd.s32 s4;
	_ =	sdelay $0x1  }
0xa1: {  	s23 =	simm.s32 $0x1B8B  }
0xa2: {  	_ =	swait.ge [sflag:s23], $0x1  }
0xa3: {  	[sflag:s23] =	ssyncset.done $0x0  }
0xa4: {  	s25 =	simm.s32 $0x1B8E;
	s24 =	sld [smem:$0x3FFE];
	[sflag:s23] =	ssyncadd.s32 $0xFFFFFFFF  }
0xa5: {  	s26 =	simm.s32 $execute0_lowered;
	[smem:$0x3FD2] =	sst s25  }
0xa6: {  	s5 =	sshll.u32 s26, $0x1;
	_ =	strace $0x80000046;
	[dreg:$0x1] =	wrdreg $0xFFFFFFFF  }
0xa7: {  	s28 =	simm.s32 $_size_execute0_lowered;
	s3 =	sadd.s32 s3, s5;
	[dreg:$0x0] =	wrdreg $0x0  }
0xa8: {  	s5 =	sshll.u32 s28, $0x1;
	[dreg:$0x2] =	wrdreg s3  }
0xa9: {  	[dreg:$0x3] =	wrdreg s5  }
0xaa: {  	[dreg:$0x4] =	wrdreg $0xC0  }
0xab: {  	_ =	task [dreg:s7], $0x5FFFF  }
0xac: {  	[dreg:$0x1] =	wrdreg $0xFFFFFFFF  }
0xad: {  	[dreg:$0x0] =	wrdreg $0x60  }
0xae: {  	[dreg:$0x2] =	wrdreg s24  }
0xaf: {  	[dreg:$0x3] =	wrdreg s2  }
0xb0: {  	[dreg:$0x4] =	wrdreg $0x4E800  }
0xb1: {  	[dreg:$0x5] =	wrdreg $0x9  }
0xb2: {  	_ =	task.clear_ibuf [dreg:s7], $0x6FFFF;
	_ =	strace $0x90000046  }
0xb3: {  	s29 =	simm.s32 $0x9;
	_ =	strace $0x80000048  }
0xb4: {  	_ =	swait.ge [sflag:s29], $0x1  }
0xb5: {  	[sflag:s29] =	ssyncadd.s32 $0xFFFFFFFF  }
0xb6: {  	_ =	strace $0x90000048  }
0xb7: {  	_ =	sfence  }
0xb8: {  	s30 =	sld [smem:$0x0];
	_ =	sdelay $0x2  }
0xb9: {  	s31 =	sshll.u32 s1, $0xD;
	s1 =	sshrl.u32 s1, $0x2  }
0xba: {  	s3 =	sand.u32 $0x4000, s31;
	s1 =	sadd.s32 s1, s30  }
0xbb: {  	s0 =	sor.u32 s3, s0;
	s1 =	sshll.u32 s1, $0x11  }
0xbc: {  	s0 =	sor.u32 s1, s0  }
0xbd: {  	s0 =	sadd.s32 $0x8F2B, s0  }
0xbe: {  	[sflag:s0] =	ssyncadd.remote.s32 $0x1  }
0xbf: {  	_ =	sfence.sel $0xFFFF  }
0xc0: {  	[dreg:$0x0] =	wrdreg $0xFFFFFFFF;
	(pc) =	sbr.abs _section_cstart, $3  }
0xc1: {  	[dreg:$0x1] =	wrdreg $0xFFFFFFFF  }
0xc2: {  	_ =	task.clear_ibuf [dreg:s7], $0x2FFFF;
	_ =	strace $0x9FFFFFFF  }
0xc3: {  	(tm) =	ssettm $0x7FFFFFFF  }
tec
execute0_lowered:
.L_overlay_start_1:
0x0: {  	(tag) =	ssettag $0x1  }
0x1: {  	s0 =	rddreg [dreg:$0x0]  }
0x2: {  	s1 =	rddreg [dreg:$0x1]  }
0x3: {  	s2 =	rddreg [dreg:$0x2]  }
0x4: {  	s8 =	simm.s32 $0x0;
	[dreg:$0x4] =	wrdreg s1  }
0x5: {  	s19 =	simm.s32 $0x80;
	[smem:$0x7FF] =	sst s8  }
0x6: {  	s20 =	simm.s32 $0x100;
	_ =	strace $0x80000047;
	[dreg:$0x8] =	wrdreg s19  }
0x7: {  	s21 =	simm.s32 $0x180;
	[dreg:$0x9] =	wrdreg s20  }
0x8: {  	s22 =	simm.s32 $0x200;
	[dreg:$0xa] =	wrdreg s21  }
0x9: {  	s23 =	simm.s32 $0x280;
	[dreg:$0xb] =	wrdreg s22  }
0xa: {  	s24 =	simm.s32 $0x300;
	[dreg:$0xc] =	wrdreg s23  }
0xb: {  	s26 =	simm.s32 $0x380;
	[dreg:$0xd] =	wrdreg s24  }
0xc: {  	s15 =	srdreg.scid;
	s28 =	simm.s32 $0x880;
	[dreg:$0xe] =	wrdreg s26  }
0xd: {  	s7 =	stileid.u32;
	s8 =	simm.s32 $0xA00;
	[dreg:$0xf] =	wrdreg s28  }
0xe: {  	s9 =	simm.s32 $0x400;
	s10 =	simm.s32 $0xA80;
	[dreg:$0x12] =	wrdreg s8  }
0xf: {  	s11 =	simm.s32 $0x480;
	s12 =	simm.s32 $0xB00;
	[dreg:$0x13] =	wrdreg s9  }
0x10: {  	s13 =	simm.s32 $0x500;
	s14 =	simm.s32 $0xB80;
	[dreg:$0x14] =	wrdreg s10  }
0x11: {  	s31 =	simm.s32 $0x2;
	s30 =	simm.s32 $0x3;
	[dreg:$0x15] =	wrdreg s11  }
0x12: {  	s29 =	simm.s32 $0x4;
	p0 =	por $0x0, $0x0;
	[dreg:$0x16] =	wrdreg s12  }
0x13: {  	s1 =	sand.u32 $0x1, s15;
	s3 =	smul.u32 $0x2800, s7;
	[dreg:$0x17] =	wrdreg s13  }
0x14: {  	s4 =	sshll.u32 s7, $0x9;
	s15 =	simm.s32 $0x580;
	[dreg:$0x18] =	wrdreg s14  }
0x15: {  	s5 =	sshll.u32 s1, $0x8;
	[dreg:$0x19] =	wrdreg s15;
	s19 =	simm.s32 $0x680  }
0x16: {  	s6 =	smul.u32 $0x28000, s1;
	s20 =	simm.s32 $0xD00;
	[dreg:$0x1d] =	wrdreg s19  }
0x17: {  	s1 =	ssub.s32 $0x2, s1;
	s21 =	simm.s32 $0x700;
	[dreg:$0x1e] =	wrdreg s20  }
0x18: {  	s9 =	simm.s32 $0x46B0;
	s22 =	simm.s32 $0xD80;
	[dreg:$0x1f] =	wrdreg s21  }
0x19: {  	s23 =	simm.s32 $0x780;
	s24 =	simm.s32 $0xE00;
	[smem:$0x7F8] =	sst s22  }
0x1a: {  	s26 =	simm.s32 $0xF00;
	s28 =	simm.s32 $0xF80;
	[smem:$0x7F9] =	sst s23  }
0x1b: {  	s15 =	simm.s32 $0xE;
	s4 =	sor.u32 s5, s4;
	[smem:$0x7FA] =	sst s24  }
0x1c: {  	s25 =	sshrl.u32 s1, $0x1;
	s24 =	simm.s32 $0x5;
	[smem:$0x7FC] =	sst s26  }
0x1d: {  	[smem:$0x7FD] =	sst s28;
	s21 =	simm.s32 $0xA;
	s26 =	simm.s32 $0x7  }
0x1e: {  	s19 =	simm.s32 $0xB;
	s23 =	simm.s32 $0x8;
	s4 =	sadd.s32 s4, s0  }
0x1f: {  	s16 =	sadd.s32 s3, s6;
	s6 =	sadd.s32 $0x15000, s0;
	s1 =	ssub.s32 s1, s25  }
0x20: {  	s3 =	sadd.s32 s3, s2;
	s25 =	simm.s32 $0xE80;
	s5 =	sshrl.u32 s16, $0x3  }
0x21: {  	s17 =	sadd.s32 $0xB000, s4;
	s4 =	sadd.s32 $0x1000, s4;
	[smem:$0x7FB] =	sst s25  }
0x22: {  	s1 =	smax.u32 s1, $0x1;
	s8 =	sshrl.u32 s3, $0x3;
	s3 =	rddreg [dreg:$0x4]  }
0x23: {  	s16 =	simm.s32 $0xC00;
	s25 =	simm.s32 $0x6;
	[dreg:$0x5] =	wrdreg s17  }
0x24: {  	s5 =	sadd.s32 s5, s0;
	[dreg:$0x6] =	wrdreg s4;
	s4 =	simm.s32 $0x900  }
0x25: {  	[dreg:$0x1a] =	wrdreg s16;
	s17 =	simm.s32 $0x600;
	s0 =	simm.s32 $0x1  }
0x26: {  	s16 =	simm.s32 $0x9;
	p1 =	sne.s32 s1, $0x1;
	s1 =	sadd.s32 $0xFFFFFFFF, s1  }
.Ltmp0:
0x27: {  	s18 =	sadd.s32 $0x1A000, s5;
	[dreg:$0x10] =	wrdreg s4;
	(pc) =	sbr.rel @!p1 .LBB2_4-.Ltmp0, $4  }
0x28: {  	s5 =	sshll.u32 s7, $0x6;
	s7 =	simm.s32 $0x980;
	[dreg:$0x1b] =	wrdreg s17  }
0x29: {  	s17 =	simm.s32 $0xD;
	[dreg:$0x7] =	wrdreg s18;
	s4 =	sor.u32 $0x1C11, s5  }
0x2a: {  	[dreg:$0x11] =	wrdreg s7;
	s5 =	simm.s32 $0x11;
	s18 =	simm.s32 $0xC80  }
0x2b: {  	s7 =	simm.s32 $0x7D;
	[dreg:$0x1c] =	wrdreg s18;
	s18 =	simm.s32 $0xC  }
0x2c: {  	[spmem:s8], [sflag:s4] =	dma.local [hbm:s3], $0x500  }
0x2d: {  	_ =	swait.ge [sflag:s5], $0x500  }
0x2e: {  	s14 =	rddreg [dreg:$0x5];
	[sflag:s5] =	ssyncset.done $0x0  }
0x2f: {  	s20 =	simm.s32 $0x0;
	[smem:$0x7F7] =	sst s1;
	[sflag:s5] =	ssyncadd.s32 $0xFFFFFB00  }
0x30: {  	[tilespmem:s20], [sflag:$0x11] =	stream.linear.gather [hbm4b:s14+s20], $0x800, $0x38;
	[tilespmem:$0x7680] =	vst v63  }
0x31: {  	_ =	swait.ge [sflag:s5], $0x800  }
0x32: {  	[sflag:s5] =	ssyncset.done $0x0  }
0x33: {  	s10 =	simm.s32 $0x800;
	s28 =	rddreg [dreg:$0x6];
	[sflag:s5] =	ssyncadd.s32 $0xFFFFF800  }
0x34: {  	[tilespmem:s10], [sflag:$0x11] =	stream.linear.gather [hbm4b:s28+s20], $0x800, $0x38;
	[tilespmem:$0x7680] =	vst v63  }
0x35: {  	_ =	swait.ge [sflag:s5], $0x800  }
0x36: {  	[sflag:s5] =	ssyncset.done $0x0  }
0x37: {  	[sflag:s5] =	ssyncadd.s32 $0xFFFFF800  }
0x38: {  	s22 =	simm.s32 $0x1000;
	[bflag:$0x0] =	sbarrier.arrive $0xFFFF  }
0x39: {  	[tilespmem:s22], [sflag:$0x1] =	stream.indirect.gather [hbm4b:s6+s7], $0x10, s20, s7, $0xb8;
	[tilespmem:$0x7680] =	vst v63  }
0x3a: {  	s11 =	rddreg [dreg:$0x8];
	s20 =	simm.s32 $0x17D0  }
0x3b: {  	[tilespmem:s20], [sflag:$0x2] =	stream.indirect.gather [hbm4b:s6+s7], $0x10, s11, s7, $0xb8;
	[tilespmem:$0x7680] =	vst v63  }
0x3c: {  	s14 =	simm.s32 $0x1FA0;
	s13 =	rddreg [dreg:$0x9]  }
0x3d: {  	[tilespmem:s14], [sflag:$0x3] =	stream.indirect.gather [hbm4b:s6+s7], $0x10, s13, s7, $0xb8;
	[tilespmem:$0x7680] =	vst v63  }
0x3e: {  	s10 =	rddreg [dreg:$0xa];
	s11 =	simm.s32 $0x2770  }
0x3f: {  	[tilespmem:s11], [sflag:$0x4] =	stream.indirect.gather [hbm4b:s6+s7], $0x10, s10, s7, $0xb8;
	[tilespmem:$0x7680] =	vst v63  }
0x40: {  	s13 =	rddreg [dreg:$0xb];
	s10 =	simm.s32 $0x2F40  }
0x41: {  	[tilespmem:s10], [sflag:$0x5] =	stream.indirect.gather [hbm4b:s6+s7], $0x10, s13, s7, $0xb8;
	[tilespmem:$0x7680] =	vst v63  }
0x42: {  	s3 =	rddreg [dreg:$0xc];
	s13 =	simm.s32 $0x3710  }
0x43: {  	[tilespmem:s13], [sflag:$0x6] =	stream.indirect.gather [hbm4b:s6+s7], $0x10, s3, s7, $0xb8;
	[tilespmem:$0x7680] =	vst v63  }
0x44: {  	s1 =	rddreg [dreg:$0xd];
	s13 =	simm.s32 $0x3EE0  }
0x45: {  	[tilespmem:s13], [sflag:$0x7] =	stream.indirect.gather [hbm4b:s6+s7], $0x10, s1, s7, $0xb8;
	[tilespmem:$0x7680] =	vst v63  }
0x46: {  	s3 =	rddreg [dreg:$0xe]  }
0x47: {  	[tilespmem:s9], [sflag:$0x8] =	stream.indirect.gather [hbm4b:s6+s7], $0x10, s3, s7, $0xb8;
	[tilespmem:$0x7680] =	vst v63  }
0x48: {  	_ =	swait.ge [sflag:s0], $0x7D0  }
0x49: {  	[sflag:s0] =	ssyncset.done $0x0  }
0x4a: {  	s28 =	simm.s32 $0x800;
	[sflag:s0] =	ssyncadd.s32 $0xFFFFF830  }
0x4b: {  	[spmem:s2] =	stream.indirect.scatter.add.f32 [tilespmem:s22], [sflag:$0x9], $0x10, s28, s7, $0xb8;
	[tilespmem:$0x7680] =	vst v63  }
0x4c: {  	_ =	swait.ge [sflag:s31], $0x7D0  }
0x4d: {  	[sflag:s31] =	ssyncset.done $0x0  }
0x4e: {  	s3 =	rddreg [dreg:$0xf];
	[sflag:s31] =	ssyncadd.s32 $0xFFFFF830  }
0x4f: {  	[spmem:s2] =	stream.indirect.scatter.add.f32 [tilespmem:s20], [sflag:$0xA], $0x10, s3, s7, $0xb8;
	[tilespmem:$0x7680] =	vst v63  }
0x50: {  	_ =	swait.ge [sflag:s30], $0x7D0  }
0x51: {  	[sflag:s30] =	ssyncset.done $0x0  }
0x52: {  	s28 =	rddreg [dreg:$0x10];
	[sflag:s30] =	ssyncadd.s32 $0xFFFFF830  }
0x53: {  	[spmem:s2] =	stream.indirect.scatter.add.f32 [tilespmem:s14], [sflag:$0xB], $0x10, s28, s7, $0xb8;
	[tilespmem:$0x7680] =	vst v63  }
0x54: {  	_ =	swait.ge [sflag:s29], $0x7D0  }
0x55: {  	[sflag:s29] =	ssyncset.done $0x0  }
0x56: {  	s3 =	rddreg [dreg:$0x11];
	[sflag:s29] =	ssyncadd.s32 $0xFFFFF830  }
0x57: {  	[spmem:s2] =	stream.indirect.scatter.add.f32 [tilespmem:s11], [sflag:$0xC], $0x10, s3, s7, $0xb8;
	[tilespmem:$0x7680] =	vst v63  }
0x58: {  	_ =	swait.ge [sflag:s24], $0x7D0  }
0x59: {  	[sflag:s24] =	ssyncset.done $0x0  }
0x5a: {  	s28 =	rddreg [dreg:$0x12];
	[sflag:s24] =	ssyncadd.s32 $0xFFFFF830  }
0x5b: {  	[spmem:s2] =	stream.indirect.scatter.add.f32 [tilespmem:s10], [sflag:$0xD], $0x10, s28, s7, $0xb8;
	[tilespmem:$0x7680] =	vst v63  }
0x5c: {  	_ =	swait.ge [sflag:s16], $0x7D0  }
0x5d: {  	[sflag:s16] =	ssyncset.done $0x0  }
0x5e: {  	s3 =	rddreg [dreg:$0x13];
	[sflag:s16] =	ssyncadd.s32 $0xFFFFF830  }
0x5f: {  	[tilespmem:s22], [sflag:$0x1] =	stream.indirect.gather [hbm4b:s6+s7], $0x10, s3, s7, $0xb8;
	[tilespmem:$0x7680] =	vst v63  }
0x60: {  	_ =	swait.ge [sflag:s25], $0x7D0  }
0x61: {  	[sflag:s25] =	ssyncset.done $0x0  }
0x62: {  	s3 =	simm.s32 $0x3710;
	s28 =	rddreg [dreg:$0x14];
	[sflag:s25] =	ssyncadd.s32 $0xFFFFF830  }
0x63: {  	[spmem:s2] =	stream.indirect.scatter.add.f32 [tilespmem:s3], [sflag:$0xE], $0x10, s28, s7, $0xb8;
	[tilespmem:$0x7680] =	vst v63  }
0x64: {  	_ =	swait.ge [sflag:s21], $0x7D0  }
0x65: {  	[sflag:s21] =	ssyncset.done $0x0  }
0x66: {  	s28 =	rddreg [dreg:$0x15];
	[sflag:s21] =	ssyncadd.s32 $0xFFFFF830  }
0x67: {  	[tilespmem:s20], [sflag:$0x2] =	stream.indirect.gather [hbm4b:s6+s7], $0x10, s28, s7, $0xb8;
	[tilespmem:$0x7680] =	vst v63  }
0x68: {  	_ =	swait.ge [sflag:s26], $0x7D0  }
0x69: {  	[sflag:s26] =	ssyncset.done $0x0  }
0x6a: {  	s13 =	simm.s32 $0x3EE0;
	s28 =	rddreg [dreg:$0x16];
	[sflag:s26] =	ssyncadd.s32 $0xFFFFF830  }
0x6b: {  	[spmem:s2] =	stream.indirect.scatter.add.f32 [tilespmem:s13], [sflag:$0xF], $0x10, s28, s7, $0xb8;
	[tilespmem:$0x7680] =	vst v63  }
0x6c: {  	_ =	swait.ge [sflag:s19], $0x7D0  }
0x6d: {  	[sflag:s19] =	ssyncset.done $0x0  }
0x6e: {  	s28 =	rddreg [dreg:$0x17];
	[sflag:s19] =	ssyncadd.s32 $0xFFFFF830  }
0x6f: {  	[tilespmem:s14], [sflag:$0x3] =	stream.indirect.gather [hbm4b:s6+s7], $0x10, s28, s7, $0xb8;
	[tilespmem:$0x7680] =	vst v63  }
0x70: {  	_ =	swait.ge [sflag:s23], $0x7D0  }
0x71: {  	[sflag:s23] =	ssyncset.done $0x0  }
0x72: {  	s28 =	rddreg [dreg:$0x18];
	[sflag:s23] =	ssyncadd.s32 $0xFFFFF830  }
0x73: {  	[spmem:s2] =	stream.indirect.scatter.add.f32 [tilespmem:s9], [sflag:$0x10], $0x10, s28, s7, $0xb8;
	[tilespmem:$0x7680] =	vst v63  }
0x74: {  	_ =	swait.ge [sflag:s18], $0x7D0  }
0x75: {  	[sflag:s18] =	ssyncset.done $0x0  }
0x76: {  	s28 =	rddreg [dreg:$0x19];
	[sflag:s18] =	ssyncadd.s32 $0xFFFFF830  }
0x77: {  	[tilespmem:s11], [sflag:$0x4] =	stream.indirect.gather [hbm4b:s6+s7], $0x10, s28, s7, $0xb8;
	[tilespmem:$0x7680] =	vst v63  }
0x78: {  	_ =	swait.ge [sflag:s0], $0x7D0  }
0x79: {  	[sflag:s0] =	ssyncset.done $0x0  }
0x7a: {  	s28 =	rddreg [dreg:$0x1a];
	[sflag:s0] =	ssyncadd.s32 $0xFFFFF830  }
0x7b: {  	[spmem:s2] =	stream.indirect.scatter.add.f32 [tilespmem:s22], [sflag:$0x9], $0x10, s28, s7, $0xb8;
	[tilespmem:$0x7680] =	vst v63  }
0x7c: {  	_ =	swait.ge [sflag:s17], $0x7D0  }
0x7d: {  	[sflag:s17] =	ssyncset.done $0x0  }
0x7e: {  	s28 =	rddreg [dreg:$0x1b];
	[sflag:s17] =	ssyncadd.s32 $0xFFFFF830  }
0x7f: {  	[tilespmem:s10], [sflag:$0x5] =	stream.indirect.gather [hbm4b:s6+s7], $0x10, s28, s7, $0xb8;
	[tilespmem:$0x7680] =	vst v63  }
0x80: {  	_ =	swait.ge [sflag:s31], $0x7D0  }
0x81: {  	[sflag:s31] =	ssyncset.done $0x0  }
0x82: {  	s22 =	rddreg [dreg:$0x1c];
	[sflag:s31] =	ssyncadd.s32 $0xFFFFF830  }
0x83: {  	[spmem:s2] =	stream.indirect.scatter.add.f32 [tilespmem:s20], [sflag:$0xA], $0x10, s22, s7, $0xb8;
	[tilespmem:$0x7680] =	vst v63  }
0x84: {  	_ =	swait.ge [sflag:s15], $0x7D0  }
0x85: {  	[sflag:s15] =	ssyncset.done $0x0  }
0x86: {  	s28 =	rddreg [dreg:$0x1d];
	[sflag:s15] =	ssyncadd.s32 $0xFFFFF830  }
0x87: {  	[tilespmem:s3], [sflag:$0x6] =	stream.indirect.gather [hbm4b:s6+s7], $0x10, s28, s7, $0xb8;
	[tilespmem:$0x7680] =	vst v63  }
0x88: {  	_ =	swait.ge [sflag:s30], $0x7D0  }
0x89: {  	[sflag:s30] =	ssyncset.done $0x0  }
0x8a: {  	s3 =	rddreg [dreg:$0x1e];
	[sflag:s30] =	ssyncadd.s32 $0xFFFFF830  }
0x8b: {  	[spmem:s2] =	stream.indirect.scatter.add.f32 [tilespmem:s14], [sflag:$0xB], $0x10, s3, s7, $0xb8;
	[tilespmem:$0x7680] =	vst v63  }
0x8c: {  	s3 =	simm.s32 $0xF  }
0x8d: {  	_ =	swait.ge [sflag:s3], $0x7D0  }
0x8e: {  	[sflag:s3] =	ssyncset.done $0x0  }
0x8f: {  	s14 =	rddreg [dreg:$0x1f];
	[sflag:s3] =	ssyncadd.s32 $0xFFFFF830  }
0x90: {  	[tilespmem:s13], [sflag:$0x7] =	stream.indirect.gather [hbm4b:s6+s7], $0x10, s14, s7, $0xb8;
	[tilespmem:$0x7680] =	vst v63  }
0x91: {  	_ =	swait.ge [sflag:s29], $0x7D0  }
0x92: {  	s22 =	sld [smem:$0x7F8]  }
0x93: {  	[sflag:s29] =	ssyncset.done $0x0  }
0x94: {  	s12 =	simm.s32 $0x10;
	[sflag:s29] =	ssyncadd.s32 $0xFFFFF830  }
0x95: {  	[spmem:s2] =	stream.indirect.scatter.add.f32 [tilespmem:s11], [sflag:$0xC], $0x10, s22, s7, $0xb8;
	[tilespmem:$0x7680] =	vst v63  }
0x96: {  	_ =	swait.ge [sflag:s12], $0x7D0  }
0x97: {  	s28 =	sld [smem:$0x7F9]  }
0x98: {  	[sflag:s12] =	ssyncset.done $0x0  }
0x99: {  	[sflag:s12] =	ssyncadd.s32 $0xFFFFF830  }
0x9a: {  	[tilespmem:s9], [sflag:$0x8] =	stream.indirect.gather [hbm4b:s6+s7], $0x10, s28, s7, $0xb8;
	[tilespmem:$0x7680] =	vst v63  }
0x9b: {  	_ =	swait.ge [sflag:s24], $0x7D0  }
0x9c: {  	s11 =	sld [smem:$0x7FA]  }
0x9d: {  	[sflag:s24] =	ssyncset.done $0x0  }
0x9e: {  	[sflag:s24] =	ssyncadd.s32 $0xFFFFF830  }
0x9f: {  	[spmem:s2] =	stream.indirect.scatter.add.f32 [tilespmem:s10], [sflag:$0xD], $0x10, s11, s7, $0xb8;
	[tilespmem:$0x7680] =	vst v63  }
0xa0: {  	_ =	swait.ge [sflag:s25], $0x7D0  }
0xa1: {  	s14 =	sld [smem:$0x7FB]  }
0xa2: {  	[sflag:s25] =	ssyncset.done $0x0  }
0xa3: {  	s20 =	simm.s32 $0x3710;
	[sflag:s25] =	ssyncadd.s32 $0xFFFFF830  }
0xa4: {  	[spmem:s2] =	stream.indirect.scatter.add.f32 [tilespmem:s20], [sflag:$0xE], $0x10, s14, s7, $0xb8;
	[tilespmem:$0x7680] =	vst v63  }
0xa5: {  	_ =	swait.ge [sflag:s26], $0x7D0  }
0xa6: {  	s20 =	sld [smem:$0x7FC]  }
0xa7: {  	[sflag:s26] =	ssyncset.done $0x0  }
0xa8: {  	[sflag:s26] =	ssyncadd.s32 $0xFFFFF830  }
0xa9: {  	[spmem:s2] =	stream.indirect.scatter.add.f32 [tilespmem:s13], [sflag:$0xF], $0x10, s20, s7, $0xb8;
	[tilespmem:$0x7680] =	vst v63  }
0xaa: {  	_ =	swait.ge [sflag:s23], $0x7D0  }
0xab: {  	s22 =	sld [smem:$0x7FD]  }
0xac: {  	[sflag:s23] =	ssyncset.done $0x0  }
0xad: {  	[sflag:s23] =	ssyncadd.s32 $0xFFFFF830  }
0xae: {  	[spmem:s2] =	stream.indirect.scatter.add.f32 [tilespmem:s9], [sflag:$0x10], $0x10, s22, s7, $0xb8;
	[tilespmem:$0x7680] =	vst v63  }
0xaf: {  	_ =	swait.ge [sflag:s16], $0x7D0  }
0xb0: {  	[sflag:s16] =	ssyncset.done $0x0  }
0xb1: {  	[sflag:s16] =	ssyncadd.s32 $0xFFFFF830  }
0xb2: {  	_ =	swait.ge [sflag:s21], $0x7D0  }
0xb3: {  	[sflag:s21] =	ssyncset.done $0x0  }
0xb4: {  	[sflag:s21] =	ssyncadd.s32 $0xFFFFF830  }
0xb5: {  	_ =	swait.ge [sflag:s19], $0x7D0  }
0xb6: {  	[sflag:s19] =	ssyncset.done $0x0  }
0xb7: {  	[sflag:s19] =	ssyncadd.s32 $0xFFFFF830  }
0xb8: {  	_ =	swait.ge [sflag:s18], $0x7D0  }
0xb9: {  	[sflag:s18] =	ssyncset.done $0x0  }
0xba: {  	[sflag:s18] =	ssyncadd.s32 $0xFFFFF830  }
0xbb: {  	_ =	swait.ge [sflag:s17], $0x7D0  }
0xbc: {  	[sflag:s17] =	ssyncset.done $0x0  }
0xbd: {  	[sflag:s17] =	ssyncadd.s32 $0xFFFFF830  }
0xbe: {  	_ =	swait.ge [sflag:s15], $0x7D0  }
0xbf: {  	[sflag:s15] =	ssyncset.done $0x0  }
0xc0: {  	[sflag:s15] =	ssyncadd.s32 $0xFFFFF830  }
0xc1: {  	_ =	swait.ge [sflag:s3], $0x7D0  }
0xc2: {  	[sflag:s3] =	ssyncset.done $0x0  }
0xc3: {  	[sflag:s3] =	ssyncadd.s32 $0xFFFFF830  }
0xc4: {  	_ =	swait.ge [sflag:s12], $0x7D0  }
0xc5: {  	[sflag:s12] =	ssyncset.done $0x0  }
0xc6: {  	[sflag:s12] =	ssyncadd.s32 $0xFFFFF830  }
0xc7: {  	[bflag:$0x0] =	sbarrier.arrive $0xFFFF  }
0xc8: {  	s28 =	rddreg [dreg:$0x7]  }
0xc9: {  	[hbm:s28], [sflag:s4] =	dma.local [spmem:s8], $0x500  }
0xca: {  	s1 =	sld [smem:$0x7F7];
	_ =	sdelay $0x2  }
0xcb: {  	p1 =	sne.s32 s1, $0x1  }
.Ltmp1:
0xcc: {  	_ = 	snop;
	(pc) =	sbr.rel @!p1 .LBB2_4-.Ltmp1, $3  }
0xcd: {  	_ =	sdelay $0x1  }
0xce: {  	p0 =	por $0x1, $0x1;
	_ =	swait.ge [sflag:s5], $0x500  }
0xcf: {  	s3 =	rddreg [dreg:$0x4];
	[sflag:s5] =	ssyncset.done $0x0;
	s1 =	sadd.s32 $0xFFFFFFFF, s1  }
0xd0: {  	s22 =	simm.s32 $0x1000;
	s20 =	simm.s32 $0x17D0;
	s11 =	simm.s32 $0x2770  }
0xd1: {  	s10 =	simm.s32 $0x2F40;
	s12 =	simm.s32 $0x3710;
	s13 =	simm.s32 $0x3EE0  }
.LBB2_3:
0xd2: {  	[sflag:s5] =	ssyncadd.s32 $0xFFFFFB00  }
0xd3: {  	[spmem:s8], [sflag:s4] =	dma.local [hbm:s3], $0x500  }
0xd4: {  	_ =	swait.ge [sflag:s5], $0x500  }
0xd5: {  	[sflag:s5] =	ssyncset.done $0x0  }
0xd6: {  	s9 =	simm.s32 $0x0;
	s28 =	rddreg [dreg:$0x5];
	[sflag:s5] =	ssyncadd.s32 $0xFFFFFB00  }
0xd7: {  	[tilespmem:s9], [sflag:$0x11] =	stream.linear.gather [hbm4b:s28+s9], $0x800, $0x38;
	[tilespmem:$0x7680] =	vst v63  }
0xd8: {  	_ =	swait.ge [sflag:s5], $0x800  }
0xd9: {  	[sflag:s5] =	ssyncset.done $0x0  }
0xda: {  	s28 =	simm.s32 $0x800;
	s14 =	rddreg [dreg:$0x6];
	[sflag:s5] =	ssyncadd.s32 $0xFFFFF800  }
0xdb: {  	[tilespmem:s28], [sflag:$0x11] =	stream.linear.gather [hbm4b:s14+s9], $0x800, $0x38;
	[tilespmem:$0x7680] =	vst v63  }
0xdc: {  	_ =	swait.ge [sflag:s5], $0x800  }
0xdd: {  	[sflag:s5] =	ssyncset.done $0x0  }
0xde: {  	[sflag:s5] =	ssyncadd.s32 $0xFFFFF800  }
0xdf: {  	[bflag:$0x0] =	sbarrier.arrive $0xFFFF  }
0xe0: {  	s14 =	rddreg [dreg:$0x8]  }
0xe1: {  	[tilespmem:s22], [sflag:$0x1] =	stream.indirect.gather [hbm4b:s6+s7], $0x10, s9, s7, $0xb8;
	[tilespmem:$0x7680] =	vst v63  }
0xe2: {  	s9 =	smov.u32 s8;
	s8 =	smov.u32 s4;
	s4 =	rddreg [dreg:$0x9]  }
0xe3: {  	[tilespmem:s20], [sflag:$0x2] =	stream.indirect.gather [hbm4b:s6+s7], $0x10, s14, s7, $0xb8;
	[tilespmem:$0x7680] =	vst v63  }
0xe4: {  	s3 =	rddreg [dreg:$0xa];
	s14 =	simm.s32 $0x1FA0  }
0xe5: {  	[tilespmem:s14], [sflag:$0x3] =	stream.indirect.gather [hbm4b:s6+s7], $0x10, s4, s7, $0xb8;
	[tilespmem:$0x7680] =	vst v63  }
0xe6: {  	s4 =	rddreg [dreg:$0xb]  }
0xe7: {  	[tilespmem:s11], [sflag:$0x4] =	stream.indirect.gather [hbm4b:s6+s7], $0x10, s3, s7, $0xb8;
	[tilespmem:$0x7680] =	vst v63  }
0xe8: {  	s3 =	rddreg [dreg:$0xc]  }
0xe9: {  	[tilespmem:s10], [sflag:$0x5] =	stream.indirect.gather [hbm4b:s6+s7], $0x10, s4, s7, $0xb8;
	[tilespmem:$0x7680] =	vst v63  }
0xea: {  	s4 =	rddreg [dreg:$0xd]  }
0xeb: {  	[tilespmem:s12], [sflag:$0x6] =	stream.indirect.gather [hbm4b:s6+s7], $0x10, s3, s7, $0xb8;
	[tilespmem:$0x7680] =	vst v63  }
0xec: {  	s3 =	rddreg [dreg:$0xe]  }
0xed: {  	[tilespmem:s13], [sflag:$0x7] =	stream.indirect.gather [hbm4b:s6+s7], $0x10, s4, s7, $0xb8;
	[tilespmem:$0x7680] =	vst v63  }
0xee: {  	s4 =	smov.u32 s8;
	s8 =	smov.u32 s9;
	s9 =	simm.s32 $0x46B0  }
0xef: {  	[tilespmem:s9], [sflag:$0x8] =	stream.indirect.gather [hbm4b:s6+s7], $0x10, s3, s7, $0xb8;
	[tilespmem:$0x7680] =	vst v63  }
0xf0: {  	_ =	swait.ge [sflag:s0], $0x7D0  }
0xf1: {  	[sflag:s0] =	ssyncset.done $0x0  }
0xf2: {  	[sflag:s0] =	ssyncadd.s32 $0xFFFFF830  }
0xf3: {  	[spmem:s2] =	stream.indirect.scatter.add.f32 [tilespmem:s22], [sflag:$0x9], $0x10, s28, s7, $0xb8;
	[tilespmem:$0x7680] =	vst v63  }
0xf4: {  	_ =	swait.ge [sflag:s31], $0x7D0  }
0xf5: {  	[sflag:s31] =	ssyncset.done $0x0  }
0xf6: {  	s3 =	rddreg [dreg:$0xf];
	[sflag:s31] =	ssyncadd.s32 $0xFFFFF830  }
0xf7: {  	[spmem:s2] =	stream.indirect.scatter.add.f32 [tilespmem:s20], [sflag:$0xA], $0x10, s3, s7, $0xb8;
	[tilespmem:$0x7680] =	vst v63  }
0xf8: {  	_ =	swait.ge [sflag:s30], $0x7D0  }
0xf9: {  	[sflag:s30] =	ssyncset.done $0x0  }
0xfa: {  	s3 =	rddreg [dreg:$0x10];
	[sflag:s30] =	ssyncadd.s32 $0xFFFFF830  }
0xfb: {  	[spmem:s2] =	stream.indirect.scatter.add.f32 [tilespmem:s14], [sflag:$0xB], $0x10, s3, s7, $0xb8;
	[tilespmem:$0x7680] =	vst v63  }
0xfc: {  	_ =	swait.ge [sflag:s29], $0x7D0  }
0xfd: {  	[sflag:s29] =	ssyncset.done $0x0  }
0xfe: {  	s3 =	rddreg [dreg:$0x11];
	[sflag:s29] =	ssyncadd.s32 $0xFFFFF830  }
0xff: {  	[spmem:s2] =	stream.indirect.scatter.add.f32 [tilespmem:s11], [sflag:$0xC], $0x10, s3, s7, $0xb8;
	[tilespmem:$0x7680] =	vst v63  }
0x100: {  	_ =	swait.ge [sflag:s24], $0x7D0  }
0x101: {  	[sflag:s24] =	ssyncset.done $0x0  }
0x102: {  	s3 =	rddreg [dreg:$0x12];
	[sflag:s24] =	ssyncadd.s32 $0xFFFFF830  }
0x103: {  	[spmem:s2] =	stream.indirect.scatter.add.f32 [tilespmem:s10], [sflag:$0xD], $0x10, s3, s7, $0xb8;
	[tilespmem:$0x7680] =	vst v63  }
0x104: {  	_ =	swait.ge [sflag:s16], $0x7D0  }
0x105: {  	[sflag:s16] =	ssyncset.done $0x0  }
0x106: {  	s3 =	rddreg [dreg:$0x13];
	[sflag:s16] =	ssyncadd.s32 $0xFFFFF830  }
0x107: {  	[tilespmem:s22], [sflag:$0x1] =	stream.indirect.gather [hbm4b:s6+s7], $0x10, s3, s7, $0xb8;
	[tilespmem:$0x7680] =	vst v63  }
0x108: {  	_ =	swait.ge [sflag:s25], $0x7D0  }
0x109: {  	[sflag:s25] =	ssyncset.done $0x0  }
0x10a: {  	s3 =	rddreg [dreg:$0x14];
	[sflag:s25] =	ssyncadd.s32 $0xFFFFF830  }
0x10b: {  	[spmem:s2] =	stream.indirect.scatter.add.f32 [tilespmem:s12], [sflag:$0xE], $0x10, s3, s7, $0xb8;
	[tilespmem:$0x7680] =	vst v63  }
0x10c: {  	_ =	swait.ge [sflag:s21], $0x7D0  }
0x10d: {  	[sflag:s21] =	ssyncset.done $0x0  }
0x10e: {  	s3 =	rddreg [dreg:$0x15];
	[sflag:s21] =	ssyncadd.s32 $0xFFFFF830  }
0x10f: {  	[tilespmem:s20], [sflag:$0x2] =	stream.indirect.gather [hbm4b:s6+s7], $0x10, s3, s7, $0xb8;
	[tilespmem:$0x7680] =	vst v63  }
0x110: {  	_ =	swait.ge [sflag:s26], $0x7D0  }
0x111: {  	[sflag:s26] =	ssyncset.done $0x0  }
0x112: {  	s3 =	rddreg [dreg:$0x16];
	[sflag:s26] =	ssyncadd.s32 $0xFFFFF830  }
0x113: {  	[spmem:s2] =	stream.indirect.scatter.add.f32 [tilespmem:s13], [sflag:$0xF], $0x10, s3, s7, $0xb8;
	[tilespmem:$0x7680] =	vst v63  }
0x114: {  	_ =	swait.ge [sflag:s19], $0x7D0  }
0x115: {  	[sflag:s19] =	ssyncset.done $0x0  }
0x116: {  	s3 =	rddreg [dreg:$0x17];
	[sflag:s19] =	ssyncadd.s32 $0xFFFFF830  }
0x117: {  	[tilespmem:s14], [sflag:$0x3] =	stream.indirect.gather [hbm4b:s6+s7], $0x10, s3, s7, $0xb8;
	[tilespmem:$0x7680] =	vst v63  }
0x118: {  	_ =	swait.ge [sflag:s23], $0x7D0  }
0x119: {  	[sflag:s23] =	ssyncset.done $0x0  }
0x11a: {  	s3 =	rddreg [dreg:$0x18];
	[sflag:s23] =	ssyncadd.s32 $0xFFFFF830  }
0x11b: {  	[spmem:s2] =	stream.indirect.scatter.add.f32 [tilespmem:s9], [sflag:$0x10], $0x10, s3, s7, $0xb8;
	[tilespmem:$0x7680] =	vst v63  }
0x11c: {  	_ =	swait.ge [sflag:s18], $0x7D0  }
0x11d: {  	[sflag:s18] =	ssyncset.done $0x0  }
0x11e: {  	s3 =	rddreg [dreg:$0x19];
	[sflag:s18] =	ssyncadd.s32 $0xFFFFF830  }
0x11f: {  	[tilespmem:s11], [sflag:$0x4] =	stream.indirect.gather [hbm4b:s6+s7], $0x10, s3, s7, $0xb8;
	[tilespmem:$0x7680] =	vst v63  }
0x120: {  	_ =	swait.ge [sflag:s0], $0x7D0  }
0x121: {  	[sflag:s0] =	ssyncset.done $0x0  }
0x122: {  	s3 =	rddreg [dreg:$0x1a];
	[sflag:s0] =	ssyncadd.s32 $0xFFFFF830  }
0x123: {  	[spmem:s2] =	stream.indirect.scatter.add.f32 [tilespmem:s22], [sflag:$0x9], $0x10, s3, s7, $0xb8;
	[tilespmem:$0x7680] =	vst v63  }
0x124: {  	_ =	swait.ge [sflag:s17], $0x7D0  }
0x125: {  	[sflag:s17] =	ssyncset.done $0x0  }
0x126: {  	s3 =	rddreg [dreg:$0x1b];
	[sflag:s17] =	ssyncadd.s32 $0xFFFFF830  }
0x127: {  	[tilespmem:s10], [sflag:$0x5] =	stream.indirect.gather [hbm4b:s6+s7], $0x10, s3, s7, $0xb8;
	[tilespmem:$0x7680] =	vst v63  }
0x128: {  	_ =	swait.ge [sflag:s31], $0x7D0  }
0x129: {  	[sflag:s31] =	ssyncset.done $0x0  }
0x12a: {  	s3 =	rddreg [dreg:$0x1c];
	[sflag:s31] =	ssyncadd.s32 $0xFFFFF830  }
0x12b: {  	[spmem:s2] =	stream.indirect.scatter.add.f32 [tilespmem:s20], [sflag:$0xA], $0x10, s3, s7, $0xb8;
	[tilespmem:$0x7680] =	vst v63  }
0x12c: {  	_ =	swait.ge [sflag:s15], $0x7D0  }
0x12d: {  	[sflag:s15] =	ssyncset.done $0x0  }
0x12e: {  	s3 =	rddreg [dreg:$0x1d];
	[sflag:s15] =	ssyncadd.s32 $0xFFFFF830  }
0x12f: {  	[tilespmem:s12], [sflag:$0x6] =	stream.indirect.gather [hbm4b:s6+s7], $0x10, s3, s7, $0xb8;
	[tilespmem:$0x7680] =	vst v63  }
0x130: {  	_ =	swait.ge [sflag:s30], $0x7D0  }
0x131: {  	[sflag:s30] =	ssyncset.done $0x0  }
0x132: {  	s3 =	rddreg [dreg:$0x1e];
	[sflag:s30] =	ssyncadd.s32 $0xFFFFF830  }
0x133: {  	[spmem:s2] =	stream.indirect.scatter.add.f32 [tilespmem:s14], [sflag:$0xB], $0x10, s3, s7, $0xb8;
	[tilespmem:$0x7680] =	vst v63  }
0x134: {  	s14 =	simm.s32 $0xF  }
0x135: {  	_ =	swait.ge [sflag:s14], $0x7D0  }
0x136: {  	[sflag:s14] =	ssyncset.done $0x0  }
0x137: {  	s3 =	rddreg [dreg:$0x1f];
	[sflag:s14] =	ssyncadd.s32 $0xFFFFF830  }
0x138: {  	[tilespmem:s13], [sflag:$0x7] =	stream.indirect.gather [hbm4b:s6+s7], $0x10, s3, s7, $0xb8;
	[tilespmem:$0x7680] =	vst v63  }
0x139: {  	_ =	swait.ge [sflag:s29], $0x7D0  }
0x13a: {  	s3 =	sld [smem:$0x7F8]  }
0x13b: {  	[sflag:s29] =	ssyncset.done $0x0  }
0x13c: {  	s28 =	simm.s32 $0x10;
	[sflag:s29] =	ssyncadd.s32 $0xFFFFF830  }
0x13d: {  	[spmem:s2] =	stream.indirect.scatter.add.f32 [tilespmem:s11], [sflag:$0xC], $0x10, s3, s7, $0xb8;
	[tilespmem:$0x7680] =	vst v63  }
0x13e: {  	_ =	swait.ge [sflag:s28], $0x7D0  }
0x13f: {  	s3 =	sld [smem:$0x7F9]  }
0x140: {  	[sflag:s28] =	ssyncset.done $0x0  }
0x141: {  	[sflag:s28] =	ssyncadd.s32 $0xFFFFF830  }
0x142: {  	[tilespmem:s9], [sflag:$0x8] =	stream.indirect.gather [hbm4b:s6+s7], $0x10, s3, s7, $0xb8;
	[tilespmem:$0x7680] =	vst v63  }
0x143: {  	_ =	swait.ge [sflag:s24], $0x7D0  }
0x144: {  	s3 =	sld [smem:$0x7FA]  }
0x145: {  	[sflag:s24] =	ssyncset.done $0x0  }
0x146: {  	[sflag:s24] =	ssyncadd.s32 $0xFFFFF830  }
0x147: {  	[spmem:s2] =	stream.indirect.scatter.add.f32 [tilespmem:s10], [sflag:$0xD], $0x10, s3, s7, $0xb8;
	[tilespmem:$0x7680] =	vst v63  }
0x148: {  	_ =	swait.ge [sflag:s25], $0x7D0  }
0x149: {  	s3 =	sld [smem:$0x7FB]  }
0x14a: {  	[sflag:s25] =	ssyncset.done $0x0  }
0x14b: {  	[sflag:s25] =	ssyncadd.s32 $0xFFFFF830  }
0x14c: {  	[spmem:s2] =	stream.indirect.scatter.add.f32 [tilespmem:s12], [sflag:$0xE], $0x10, s3, s7, $0xb8;
	[tilespmem:$0x7680] =	vst v63  }
0x14d: {  	_ =	swait.ge [sflag:s26], $0x7D0  }
0x14e: {  	s3 =	sld [smem:$0x7FC]  }
0x14f: {  	[sflag:s26] =	ssyncset.done $0x0  }
0x150: {  	[sflag:s26] =	ssyncadd.s32 $0xFFFFF830  }
0x151: {  	[spmem:s2] =	stream.indirect.scatter.add.f32 [tilespmem:s13], [sflag:$0xF], $0x10, s3, s7, $0xb8;
	[tilespmem:$0x7680] =	vst v63  }
0x152: {  	_ =	swait.ge [sflag:s23], $0x7D0  }
0x153: {  	s3 =	sld [smem:$0x7FD]  }
0x154: {  	[sflag:s23] =	ssyncset.done $0x0  }
0x155: {  	[sflag:s23] =	ssyncadd.s32 $0xFFFFF830  }
0x156: {  	[spmem:s2] =	stream.indirect.scatter.add.f32 [tilespmem:s9], [sflag:$0x10], $0x10, s3, s7, $0xb8;
	[tilespmem:$0x7680] =	vst v63  }
0x157: {  	_ =	swait.ge [sflag:s16], $0x7D0  }
0x158: {  	[sflag:s16] =	ssyncset.done $0x0  }
0x159: {  	[sflag:s16] =	ssyncadd.s32 $0xFFFFF830  }
0x15a: {  	_ =	swait.ge [sflag:s21], $0x7D0  }
0x15b: {  	[sflag:s21] =	ssyncset.done $0x0  }
0x15c: {  	[sflag:s21] =	ssyncadd.s32 $0xFFFFF830  }
0x15d: {  	_ =	swait.ge [sflag:s19], $0x7D0  }
0x15e: {  	[sflag:s19] =	ssyncset.done $0x0  }
0x15f: {  	[sflag:s19] =	ssyncadd.s32 $0xFFFFF830  }
0x160: {  	_ =	swait.ge [sflag:s18], $0x7D0  }
0x161: {  	[sflag:s18] =	ssyncset.done $0x0  }
0x162: {  	[sflag:s18] =	ssyncadd.s32 $0xFFFFF830  }
0x163: {  	_ =	swait.ge [sflag:s17], $0x7D0  }
0x164: {  	[sflag:s17] =	ssyncset.done $0x0  }
0x165: {  	[sflag:s17] =	ssyncadd.s32 $0xFFFFF830  }
0x166: {  	_ =	swait.ge [sflag:s15], $0x7D0  }
0x167: {  	[sflag:s15] =	ssyncset.done $0x0  }
0x168: {  	[sflag:s15] =	ssyncadd.s32 $0xFFFFF830  }
0x169: {  	_ =	swait.ge [sflag:s14], $0x7D0  }
0x16a: {  	[sflag:s14] =	ssyncset.done $0x0  }
0x16b: {  	[sflag:s14] =	ssyncadd.s32 $0xFFFFF830  }
0x16c: {  	_ =	swait.ge [sflag:s28], $0x7D0  }
0x16d: {  	[sflag:s28] =	ssyncset.done $0x0  }
0x16e: {  	p1 =	sne.s32 s1, $0x1;
	[sflag:s28] =	ssyncadd.s32 $0xFFFFF830  }
.Ltmp2:
0x16f: {  	[bflag:$0x0] =	sbarrier.arrive $0xFFFF;
	(pc) =	sbr.rel @p1 .LBB2_3-.Ltmp2, $4  }
0x170: {  	s28 =	rddreg [dreg:$0x7]  }
0x171: {  	[hbm:s28], [sflag:s4] =	dma.local [spmem:s8], $0x500  }
0x172: {  	_ =	swait.ge [sflag:s5], $0x500  }
0x173: {  	s1 =	sadd.s32 $0xFFFFFFFF, s1;
	s3 =	rddreg [dreg:$0x4];
	[sflag:s5] =	ssyncset.done $0x0  }
.LBB2_4:
0x174: {  	[sflag:s5] =	ssyncadd.s32 @p0 $0xFFFFFB00  }
0x175: {  	[spmem:s8], [sflag:s4] =	dma.local [hbm:s3], $0x500  }
0x176: {  	_ =	swait.ge [sflag:s5], $0x500  }
0x177: {  	[sflag:s5] =	ssyncset.done $0x0  }
0x178: {  	s12 =	simm.s32 $0x0;
	s1 =	rddreg [dreg:$0x5];
	[sflag:s5] =	ssyncadd.s32 $0xFFFFFB00  }
0x179: {  	[tilespmem:s12], [sflag:$0x11] =	stream.linear.gather [hbm4b:s1+s12], $0x800, $0x38;
	[tilespmem:$0x7680] =	vst v63  }
0x17a: {  	_ =	swait.ge [sflag:s5], $0x800  }
0x17b: {  	[sflag:s5] =	ssyncset.done $0x0  }
0x17c: {  	s10 =	simm.s32 $0x800;
	s13 =	rddreg [dreg:$0x6];
	[sflag:s5] =	ssyncadd.s32 $0xFFFFF800  }
0x17d: {  	[tilespmem:s10], [sflag:$0x11] =	stream.linear.gather [hbm4b:s13+s12], $0x800, $0x38;
	[tilespmem:$0x7680] =	vst v63  }
0x17e: {  	_ =	swait.ge [sflag:s5], $0x800  }
0x17f: {  	[sflag:s5] =	ssyncset.done $0x0  }
0x180: {  	[sflag:s5] =	ssyncadd.s32 $0xFFFFF800  }
0x181: {  	s11 =	simm.s32 $0x1000;
	[bflag:$0x0] =	sbarrier.arrive $0xFFFF  }
0x182: {  	[tilespmem:s11], [sflag:$0x1] =	stream.indirect.gather [hbm4b:s6+s7], $0x10, s12, s7, $0xb8;
	[tilespmem:$0x7680] =	vst v63  }
0x183: {  	s28 =	simm.s32 $0x17D0;
	s14 =	rddreg [dreg:$0x8]  }
0x184: {  	[tilespmem:s28], [sflag:$0x2] =	stream.indirect.gather [hbm4b:s6+s7], $0x10, s14, s7, $0xb8;
	[tilespmem:$0x7680] =	vst v63  }
0x185: {  	s22 =	simm.s32 $0x1FA0;
	s20 =	rddreg [dreg:$0x9]  }
0x186: {  	[tilespmem:s22], [sflag:$0x3] =	stream.indirect.gather [hbm4b:s6+s7], $0x10, s20, s7, $0xb8;
	[tilespmem:$0x7680] =	vst v63  }
0x187: {  	s12 =	rddreg [dreg:$0xa];
	s20 =	simm.s32 $0x2770  }
0x188: {  	[tilespmem:s20], [sflag:$0x4] =	stream.indirect.gather [hbm4b:s6+s7], $0x10, s12, s7, $0xb8;
	[tilespmem:$0x7680] =	vst v63  }
0x189: {  	s13 =	rddreg [dreg:$0xb];
	s14 =	simm.s32 $0x2F40  }
0x18a: {  	[tilespmem:s14], [sflag:$0x5] =	stream.indirect.gather [hbm4b:s6+s7], $0x10, s13, s7, $0xb8;
	[tilespmem:$0x7680] =	vst v63  }
0x18b: {  	s12 =	rddreg [dreg:$0xc];
	s13 =	simm.s32 $0x3710  }
0x18c: {  	[tilespmem:s13], [sflag:$0x6] =	stream.indirect.gather [hbm4b:s6+s7], $0x10, s12, s7, $0xb8;
	[tilespmem:$0x7680] =	vst v63  }
0x18d: {  	s3 =	rddreg [dreg:$0xd];
	s12 =	simm.s32 $0x3EE0  }
0x18e: {  	[tilespmem:s12], [sflag:$0x7] =	stream.indirect.gather [hbm4b:s6+s7], $0x10, s3, s7, $0xb8;
	[tilespmem:$0x7680] =	vst v63  }
0x18f: {  	s1 =	rddreg [dreg:$0xe]  }
0x190: {  	[tilespmem:s9], [sflag:$0x8] =	stream.indirect.gather [hbm4b:s6+s7], $0x10, s1, s7, $0xb8;
	[tilespmem:$0x7680] =	vst v63  }
0x191: {  	_ =	swait.ge [sflag:s0], $0x7D0  }
0x192: {  	[sflag:s0] =	ssyncset.done $0x0  }
0x193: {  	[sflag:s0] =	ssyncadd.s32 $0xFFFFF830  }
0x194: {  	[spmem:s2] =	stream.indirect.scatter.add.f32 [tilespmem:s11], [sflag:$0x9], $0x10, s10, s7, $0xb8;
	[tilespmem:$0x7680] =	vst v63  }
0x195: {  	_ =	swait.ge [sflag:s31], $0x7D0  }
0x196: {  	[sflag:s31] =	ssyncset.done $0x0  }
0x197: {  	s3 =	rddreg [dreg:$0xf];
	[sflag:s31] =	ssyncadd.s32 $0xFFFFF830  }
0x198: {  	[spmem:s2] =	stream.indirect.scatter.add.f32 [tilespmem:s28], [sflag:$0xA], $0x10, s3, s7, $0xb8;
	[tilespmem:$0x7680] =	vst v63  }
0x199: {  	_ =	swait.ge [sflag:s30], $0x7D0  }
0x19a: {  	[sflag:s30] =	ssyncset.done $0x0  }
0x19b: {  	s10 =	rddreg [dreg:$0x10];
	[sflag:s30] =	ssyncadd.s32 $0xFFFFF830  }
0x19c: {  	[spmem:s2] =	stream.indirect.scatter.add.f32 [tilespmem:s22], [sflag:$0xB], $0x10, s10, s7, $0xb8;
	[tilespmem:$0x7680] =	vst v63  }
0x19d: {  	_ =	swait.ge [sflag:s29], $0x7D0  }
0x19e: {  	[sflag:s29] =	ssyncset.done $0x0  }
0x19f: {  	s3 =	rddreg [dreg:$0x11];
	[sflag:s29] =	ssyncadd.s32 $0xFFFFF830  }
0x1a0: {  	[spmem:s2] =	stream.indirect.scatter.add.f32 [tilespmem:s20], [sflag:$0xC], $0x10, s3, s7, $0xb8;
	[tilespmem:$0x7680] =	vst v63  }
0x1a1: {  	_ =	swait.ge [sflag:s24], $0x7D0  }
0x1a2: {  	[sflag:s24] =	ssyncset.done $0x0  }
0x1a3: {  	s10 =	rddreg [dreg:$0x12];
	[sflag:s24] =	ssyncadd.s32 $0xFFFFF830  }
0x1a4: {  	[spmem:s2] =	stream.indirect.scatter.add.f32 [tilespmem:s14], [sflag:$0xD], $0x10, s10, s7, $0xb8;
	[tilespmem:$0x7680] =	vst v63  }
0x1a5: {  	_ =	swait.ge [sflag:s16], $0x7D0  }
0x1a6: {  	[sflag:s16] =	ssyncset.done $0x0  }
0x1a7: {  	s3 =	rddreg [dreg:$0x13];
	[sflag:s16] =	ssyncadd.s32 $0xFFFFF830  }
0x1a8: {  	[tilespmem:s11], [sflag:$0x1] =	stream.indirect.gather [hbm4b:s6+s7], $0x10, s3, s7, $0xb8;
	[tilespmem:$0x7680] =	vst v63  }
0x1a9: {  	_ =	swait.ge [sflag:s25], $0x7D0  }
0x1aa: {  	[sflag:s25] =	ssyncset.done $0x0  }
0x1ab: {  	s10 =	rddreg [dreg:$0x14];
	[sflag:s25] =	ssyncadd.s32 $0xFFFFF830  }
0x1ac: {  	[spmem:s2] =	stream.indirect.scatter.add.f32 [tilespmem:s13], [sflag:$0xE], $0x10, s10, s7, $0xb8;
	[tilespmem:$0x7680] =	vst v63  }
0x1ad: {  	_ =	swait.ge [sflag:s21], $0x7D0  }
0x1ae: {  	[sflag:s21] =	ssyncset.done $0x0  }
0x1af: {  	s3 =	rddreg [dreg:$0x15];
	[sflag:s21] =	ssyncadd.s32 $0xFFFFF830  }
0x1b0: {  	[tilespmem:s28], [sflag:$0x2] =	stream.indirect.gather [hbm4b:s6+s7], $0x10, s3, s7, $0xb8;
	[tilespmem:$0x7680] =	vst v63  }
0x1b1: {  	_ =	swait.ge [sflag:s26], $0x7D0  }
0x1b2: {  	[sflag:s26] =	ssyncset.done $0x0  }
0x1b3: {  	s10 =	rddreg [dreg:$0x16];
	[sflag:s26] =	ssyncadd.s32 $0xFFFFF830  }
0x1b4: {  	[spmem:s2] =	stream.indirect.scatter.add.f32 [tilespmem:s12], [sflag:$0xF], $0x10, s10, s7, $0xb8;
	[tilespmem:$0x7680] =	vst v63  }
0x1b5: {  	_ =	swait.ge [sflag:s19], $0x7D0  }
0x1b6: {  	[sflag:s19] =	ssyncset.done $0x0  }
0x1b7: {  	s3 =	rddreg [dreg:$0x17];
	[sflag:s19] =	ssyncadd.s32 $0xFFFFF830  }
0x1b8: {  	[tilespmem:s22], [sflag:$0x3] =	stream.indirect.gather [hbm4b:s6+s7], $0x10, s3, s7, $0xb8;
	[tilespmem:$0x7680] =	vst v63  }
0x1b9: {  	_ =	swait.ge [sflag:s23], $0x7D0  }
0x1ba: {  	[sflag:s23] =	ssyncset.done $0x0  }
0x1bb: {  	s10 =	rddreg [dreg:$0x18];
	[sflag:s23] =	ssyncadd.s32 $0xFFFFF830  }
0x1bc: {  	[spmem:s2] =	stream.indirect.scatter.add.f32 [tilespmem:s9], [sflag:$0x10], $0x10, s10, s7, $0xb8;
	[tilespmem:$0x7680] =	vst v63  }
0x1bd: {  	_ =	swait.ge [sflag:s18], $0x7D0  }
0x1be: {  	[sflag:s18] =	ssyncset.done $0x0  }
0x1bf: {  	s3 =	rddreg [dreg:$0x19];
	[sflag:s18] =	ssyncadd.s32 $0xFFFFF830  }
0x1c0: {  	[tilespmem:s20], [sflag:$0x4] =	stream.indirect.gather [hbm4b:s6+s7], $0x10, s3, s7, $0xb8;
	[tilespmem:$0x7680] =	vst v63  }
0x1c1: {  	_ =	swait.ge [sflag:s0], $0x7D0  }
0x1c2: {  	[sflag:s0] =	ssyncset.done $0x0  }
0x1c3: {  	s10 =	rddreg [dreg:$0x1a];
	[sflag:s0] =	ssyncadd.s32 $0xFFFFF830  }
0x1c4: {  	[spmem:s2] =	stream.indirect.scatter.add.f32 [tilespmem:s11], [sflag:$0x9], $0x10, s10, s7, $0xb8;
	[tilespmem:$0x7680] =	vst v63  }
0x1c5: {  	_ =	swait.ge [sflag:s17], $0x7D0  }
0x1c6: {  	[sflag:s17] =	ssyncset.done $0x0  }
0x1c7: {  	s3 =	rddreg [dreg:$0x1b];
	[sflag:s17] =	ssyncadd.s32 $0xFFFFF830  }
0x1c8: {  	[tilespmem:s14], [sflag:$0x5] =	stream.indirect.gather [hbm4b:s6+s7], $0x10, s3, s7, $0xb8;
	[tilespmem:$0x7680] =	vst v63  }
0x1c9: {  	_ =	swait.ge [sflag:s31], $0x7D0  }
0x1ca: {  	[sflag:s31] =	ssyncset.done $0x0  }
0x1cb: {  	s10 =	rddreg [dreg:$0x1c];
	[sflag:s31] =	ssyncadd.s32 $0xFFFFF830  }
0x1cc: {  	[spmem:s2] =	stream.indirect.scatter.add.f32 [tilespmem:s28], [sflag:$0xA], $0x10, s10, s7, $0xb8;
	[tilespmem:$0x7680] =	vst v63  }
0x1cd: {  	_ =	swait.ge [sflag:s15], $0x7D0  }
0x1ce: {  	[sflag:s15] =	ssyncset.done $0x0  }
0x1cf: {  	s11 =	rddreg [dreg:$0x1d];
	[sflag:s15] =	ssyncadd.s32 $0xFFFFF830  }
0x1d0: {  	[tilespmem:s13], [sflag:$0x6] =	stream.indirect.gather [hbm4b:s6+s7], $0x10, s11, s7, $0xb8;
	[tilespmem:$0x7680] =	vst v63  }
0x1d1: {  	_ =	swait.ge [sflag:s30], $0x7D0  }
0x1d2: {  	[sflag:s30] =	ssyncset.done $0x0  }
0x1d3: {  	s31 =	simm.s32 $0xF;
	s28 =	rddreg [dreg:$0x1e];
	[sflag:s30] =	ssyncadd.s32 $0xFFFFF830  }
0x1d4: {  	[spmem:s2] =	stream.indirect.scatter.add.f32 [tilespmem:s22], [sflag:$0xB], $0x10, s28, s7, $0xb8;
	[tilespmem:$0x7680] =	vst v63  }
0x1d5: {  	_ =	swait.ge [sflag:s31], $0x7D0  }
0x1d6: {  	[sflag:s31] =	ssyncset.done $0x0  }
0x1d7: {  	s1 =	rddreg [dreg:$0x1f];
	[sflag:s31] =	ssyncadd.s32 $0xFFFFF830  }
0x1d8: {  	[tilespmem:s12], [sflag:$0x7] =	stream.indirect.gather [hbm4b:s6+s7], $0x10, s1, s7, $0xb8;
	[tilespmem:$0x7680] =	vst v63  }
0x1d9: {  	_ =	swait.ge [sflag:s29], $0x7D0  }
0x1da: {  	s10 =	sld [smem:$0x7F8]  }
0x1db: {  	[sflag:s29] =	ssyncset.done $0x0  }
0x1dc: {  	s11 =	simm.s32 $0x10;
	[sflag:s29] =	ssyncadd.s32 $0xFFFFF830  }
0x1dd: {  	[spmem:s2] =	stream.indirect.scatter.add.f32 [tilespmem:s20], [sflag:$0xC], $0x10, s10, s7, $0xb8;
	[tilespmem:$0x7680] =	vst v63  }
0x1de: {  	_ =	swait.ge [sflag:s11], $0x7D0  }
0x1df: {  	s20 =	sld [smem:$0x7F9]  }
0x1e0: {  	[sflag:s11] =	ssyncset.done $0x0  }
0x1e1: {  	[sflag:s11] =	ssyncadd.s32 $0xFFFFF830  }
0x1e2: {  	[tilespmem:s9], [sflag:$0x8] =	stream.indirect.gather [hbm4b:s6+s7], $0x10, s20, s7, $0xb8;
	[tilespmem:$0x7680] =	vst v63  }
0x1e3: {  	_ =	swait.ge [sflag:s24], $0x7D0  }
0x1e4: {  	s22 =	sld [smem:$0x7FA]  }
0x1e5: {  	[sflag:s24] =	ssyncset.done $0x0  }
0x1e6: {  	[sflag:s24] =	ssyncadd.s32 $0xFFFFF830  }
0x1e7: {  	[spmem:s2] =	stream.indirect.scatter.add.f32 [tilespmem:s14], [sflag:$0xD], $0x10, s22, s7, $0xb8;
	[tilespmem:$0x7680] =	vst v63  }
0x1e8: {  	_ =	swait.ge [sflag:s25], $0x7D0  }
0x1e9: {  	s24 =	sld [smem:$0x7FB]  }
0x1ea: {  	[sflag:s25] =	ssyncset.done $0x0  }
0x1eb: {  	[sflag:s25] =	ssyncadd.s32 $0xFFFFF830  }
0x1ec: {  	[spmem:s2] =	stream.indirect.scatter.add.f32 [tilespmem:s13], [sflag:$0xE], $0x10, s24, s7, $0xb8;
	[tilespmem:$0x7680] =	vst v63  }
0x1ed: {  	_ =	swait.ge [sflag:s26], $0x7D0  }
0x1ee: {  	s28 =	sld [smem:$0x7FC]  }
0x1ef: {  	[sflag:s26] =	ssyncset.done $0x0  }
0x1f0: {  	[sflag:s26] =	ssyncadd.s32 $0xFFFFF830  }
0x1f1: {  	[spmem:s2] =	stream.indirect.scatter.add.f32 [tilespmem:s12], [sflag:$0xF], $0x10, s28, s7, $0xb8;
	[tilespmem:$0x7680] =	vst v63  }
0x1f2: {  	_ =	swait.ge [sflag:s23], $0x7D0  }
0x1f3: {  	s29 =	sld [smem:$0x7FD]  }
0x1f4: {  	[sflag:s23] =	ssyncset.done $0x0  }
0x1f5: {  	[sflag:s23] =	ssyncadd.s32 $0xFFFFF830  }
0x1f6: {  	[spmem:s2] =	stream.indirect.scatter.add.f32 [tilespmem:s9], [sflag:$0x10], $0x10, s29, s7, $0xb8;
	[tilespmem:$0x7680] =	vst v63  }
0x1f7: {  	_ =	swait.ge [sflag:s16], $0x7D0  }
0x1f8: {  	[sflag:s16] =	ssyncset.done $0x0  }
0x1f9: {  	[sflag:s16] =	ssyncadd.s32 $0xFFFFF830  }
0x1fa: {  	_ =	swait.ge [sflag:s21], $0x7D0  }
0x1fb: {  	[sflag:s21] =	ssyncset.done $0x0  }
0x1fc: {  	[sflag:s21] =	ssyncadd.s32 $0xFFFFF830  }
0x1fd: {  	_ =	swait.ge [sflag:s19], $0x7D0  }
0x1fe: {  	[sflag:s19] =	ssyncset.done $0x0  }
0x1ff: {  	[sflag:s19] =	ssyncadd.s32 $0xFFFFF830  }
0x200: {  	_ =	swait.ge [sflag:s18], $0x7D0  }
0x201: {  	[sflag:s18] =	ssyncset.done $0x0  }
0x202: {  	[sflag:s18] =	ssyncadd.s32 $0xFFFFF830  }
0x203: {  	_ =	swait.ge [sflag:s17], $0x7D0  }
0x204: {  	[sflag:s17] =	ssyncset.done $0x0  }
0x205: {  	[sflag:s17] =	ssyncadd.s32 $0xFFFFF830  }
0x206: {  	_ =	swait.ge [sflag:s15], $0x7D0  }
0x207: {  	[sflag:s15] =	ssyncset.done $0x0  }
0x208: {  	[sflag:s15] =	ssyncadd.s32 $0xFFFFF830  }
0x209: {  	_ =	swait.ge [sflag:s31], $0x7D0  }
0x20a: {  	[sflag:s31] =	ssyncset.done $0x0  }
0x20b: {  	[sflag:s31] =	ssyncadd.s32 $0xFFFFF830  }
0x20c: {  	_ =	swait.ge [sflag:s11], $0x7D0  }
0x20d: {  	[sflag:s11] =	ssyncset.done $0x0  }
0x20e: {  	[sflag:s11] =	ssyncadd.s32 $0xFFFFF830  }
0x20f: {  	[bflag:$0x0] =	sbarrier.arrive $0xFFFF  }
0x210: {  	s30 =	rddreg [dreg:$0x7]  }
0x211: {  	[hbm:s30], [sflag:s4] =	dma.local [spmem:s8], $0x500  }
0x212: {  	_ =	swait.ge [sflag:s5], $0x500  }
0x213: {  	[sflag:s5] =	ssyncset.done $0x0  }
0x214: {  	[sflag:s5] =	ssyncadd.s32 $0xFFFFFB00  }
0x215: {  	_ =	sfence.sel $0x180000  }
0x216: {  	[bflag:$0x0] =	sbarrier.arrive $0xFFFF  }
0x217: {  	_ =	strace $0x90000047  }
0x218: {  	s31 =	stileid.u32;
	[bflag:$0x2] =	sbarrier.arrive $0xFFFF  }
0x219: {  	p0 =	sne.s32 s31, $0x0;
	s0 =	rddreg [dreg:$0x3]  }
0x21a: {  	s0 =	sadd.s32 @!p0 $0x100000, s0  }
0x21b: {  	[sflag:s0] =	ssyncadd.tile.s32 @!p0 $0x1;
	_ =	shalt  }
.Lfunc_end2:
_tile_overlayer_lowered:
.L_overlay_start_2:
0x21c: {  	(tag) =	ssettag $0x2  }
0x21d: {  	s0 =	rddreg [dreg:$0x0];
	s2 =	stileid.u32  }
0x21e: {  	s1 =	rddreg [dreg:$0x1];
	p0 =	sne.s32 s2, $0x0  }
0x21f: {  	s3 =	rddreg [dreg:$0x2];
	[bflag:$0x3] =	sbarrier.arrive $0xFFFF;
	s2 =	simm.s32 @!p0 $0x1C11  }
0x220: {  	[timem:s3], [sflag:s2] =	dma.local @!p0 [hbm:s0], s1  }
0x221: {  	s0 =	simm.s32 @!p0 $0x11  }
0x222: {  	_ =	swait.ge @!p0 [sflag:s0], s1  }
0x223: {  	s1 =	ssub.s32 @!p0 $0x0, s1;
	[sflag:s0] =	ssyncset.done @!p0 $0x0  }
0x224: {  	[sflag:s0] =	ssyncadd.s32 @!p0 s1  }
0x225: {  	[bflag:$0x3] =	sbarrier.arrive $0xFFFF  }
0x226: {  	_ =	shalt  }

</sc_bundles>
